<compile_context>
chip_gen: v7x
topology: tpu7x:2x2x1
jax: 0.10.2.dev20260603
libtpu: 0.0.44.dev20260713+nightly
codegen_flags: <defaults>
</compile_context>

<pallas_src>
import functools

import jax
import jax.numpy as jnp
from jax import lax
from jax.experimental import pallas as pl
from jax.experimental.pallas import tpu as pltpu
from jax.experimental.pallas import tpu_sc as plsc

NC, NS, L = 2, 16, 16
NW = NC * NS
UNROLL = 8


@jax.jit
def _sc_embed(xt, tt):
    F, B = xt.shape
    E, V = tt.shape
    e_per_w = E // NW
    mesh = plsc.VectorSubcoreMesh(core_axis_name="c", subcore_axis_name="s")

    @functools.partial(
        pl.kernel,
        out_type=jax.ShapeDtypeStruct((F, E, B), jnp.float32),
        mesh=mesh,
        scratch_types=[
            pltpu.VMEM((V,), jnp.float32),
            pltpu.VMEM((B,), jnp.int32),
            pltpu.VMEM((B,), jnp.int32),
            pltpu.VMEM((B,), jnp.int32),
            pltpu.VMEM((2, 1, B), jnp.float32),
            pltpu.VMEM((2, 1, B), jnp.float32),
            pltpu.SemaphoreType.DMA,
            pltpu.SemaphoreType.DMA,
            pltpu.SemaphoreType.DMA,
        ],
        compiler_params=pltpu.CompilerParams(needs_layout_passes=False),
    )
    def k(xt_hbm, tt_hbm, out_hbm, row_v, idx0, idx1, idx2, ob0, ob1,
          rsem, isem, osem):
        wid = lax.axis_index("s") * NC + lax.axis_index("c")
        idx_bufs = (idx0, idx1, idx2)
        out_bufs = (ob0, ob1)

        def row_copy(j):
            c = pltpu.make_async_copy(
                tt_hbm.at[wid + NW * j], row_v, rsem)
            c.start()
            return c

        def idx_copy(f):
            c = pltpu.make_async_copy(xt_hbm.at[f], idx_bufs[f % 3], isem)
            c.start()
            return c

        def out_copy(p, e):
            c = pltpu.make_async_copy(
                out_bufs[p % 2],
                out_hbm.at[pl.ds(2 * p, 2), pl.ds(e, 1)], osem)
            c.start()
            return c

        P = F // 2
        rc = row_copy(0)
        ics = [idx_copy(0), idx_copy(1)]
        for j in range(e_per_w):
            e = wid + NW * j
            rc.wait()
            if j > 0:
                ics = [idx_copy(0), idx_copy(1)]
            ocs = [None] * P
            for f in range(F):
                p, u = f // 2, f % 2
                ics[f].wait()
                if f + 2 < F:
                    ics.append(idx_copy(f + 2))
                if u == 0 and p >= 2:
                    ocs[p - 2].wait()
                src = idx_bufs[f % 3]
                dst = out_bufs[p % 2].at[u, 0]

                @plsc.parallel_loop(0, B, step=L, unroll=UNROLL)
                def gbody(i, src=src, dst=dst):
                    idx = src[pl.ds(i, L)]
                    dst[pl.ds(i, L)] = plsc.load_gather(row_v, [idx])
                if f == F - 1 and j + 1 < e_per_w:
                    rc = row_copy(j + 1)
                if u == 1:
                    ocs[p] = out_copy(p, e)
            ocs[P - 2].wait()
            ocs[P - 1].wait()

    return k(xt, tt)


def kernel(x, table):
    out_t = _sc_embed(x.astype(jnp.int32).T, table.T)
    return out_t.transpose(2, 0, 1)

# --- scband reference (transcript-rebuilt; emitter-appended) ---
"""Pipeline reference for scband-entity-embedding-layer-75256416961012 (READ-ONLY COPY).

The authoritative reference and input builder live on the scoring server;
editing this copy changes nothing except your own understanding.
"""

import jax, jax.numpy as jnp
import numpy as np

NUM_LEVEL = 100000
EMBED_DIM = 64
BATCH = 4096
FIELDS = 26

def setup_inputs(seed: int = 0) -> dict:
    key = jax.random.key(seed)
    k1, k2 = jax.random.split(key)
    x = jax.random.randint(k1, (BATCH, FIELDS), 0, NUM_LEVEL, dtype=jnp.int64) if jax.config.jax_enable_x64 else jax.random.randint(k1, (BATCH, FIELDS), 0, NUM_LEVEL, dtype=jnp.int32)
    table = jax.random.normal(k2, (NUM_LEVEL, EMBED_DIM), dtype=jnp.float32) * 0.02
    return {"x": x, "table": table}

def reference(x, table):
    # nn.Embedding forward: row gather from the embedding table
    return jnp.take(table, x, axis=0)

if __name__ == "__main__":
    import jax
    _d = setup_inputs()
    print(jax.jit(kernel)(*tuple(_d.values())))

</pallas_src>

<mosaic_0001>
#map = affine_map<(d0, d1) -> (0, 0)>
#map1 = affine_map<(d0, d1) -> (0, 0, 0)>
module attributes {stable_mosaic.version = 14 : i64} {
  func.func @k(%arg0: i32, %arg1: i32, %arg2: memref<26x4096xi32, #tpu.memory_space<hbm>>, %arg3: memref<64x100000xf32, #tpu.memory_space<hbm>>, %arg4: memref<26x64x4096xf32, #tpu.memory_space<hbm>>, %arg5: memref<100000xf32, #tpu.memory_space<vmem>>, %arg6: memref<4096xi32, #tpu.memory_space<vmem>>, %arg7: memref<4096xi32, #tpu.memory_space<vmem>>, %arg8: memref<4096xi32, #tpu.memory_space<vmem>>, %arg9: memref<2x1x4096xf32, #tpu.memory_space<vmem>>, %arg10: memref<2x1x4096xf32, #tpu.memory_space<vmem>>, %arg11: memref<!tpu.dma_semaphore, #tpu.memory_space<semaphore_mem>>, %arg12: memref<!tpu.dma_semaphore, #tpu.memory_space<semaphore_mem>>, %arg13: memref<!tpu.dma_semaphore, #tpu.memory_space<semaphore_mem>>) attributes {dimension_semantics = [#tpu.dimension_semantics<core_parallel>, #tpu.dimension_semantics<subcore_parallel>], iteration_bounds = array<i64: 2, 16>, scalar_prefetch = 0 : i64, scratch_operands = 9 : i64, tpu.core_type = #tpu.core_type<sc_vector_subcore>, window_params = [{transform_indices = #map}, {transform_indices = #map}, {transform_indices = #map1}]} {
    %mul3A = arith.constant 2 : i32
    %mul3A_0 = arith.muli %arg1, %mul3A : i32
    %add3A = arith.addi %mul3A_0, %arg0 : i32
    %add3A_1 = arith.constant 0 : i32
    %add3A_2 = arith.addi %add3A, %add3A_1 : i32
    %dma_start3A = arith.constant 0 : i32
    %dma_start3A_3 = tpu.memref_slice %arg3[%add3A_2, %dma_start3A] : memref<64x100000xf32, #tpu.memory_space<hbm>> -> memref<1x100000xf32, #tpu.memory_space<hbm>>
    %dma_start3A_4 = tpu.memref_squeeze %dma_start3A_3 : memref<1x100000xf32, #tpu.memory_space<hbm>> -> memref<100000xf32, #tpu.memory_space<hbm>>
    %dma_start3A_5 = arith.constant 0 : i32
    %dma_start3A_6 = tpu.memref_slice %arg3[%add3A_2, %dma_start3A_5] : memref<64x100000xf32, #tpu.memory_space<hbm>> -> memref<1x100000xf32, #tpu.memory_space<hbm>>
    %dma_start3A_7 = tpu.memref_squeeze %dma_start3A_6 : memref<1x100000xf32, #tpu.memory_space<hbm>> -> memref<100000xf32, #tpu.memory_space<hbm>>
    tpu.enqueue_dma source(%dma_start3A_7 : memref<100000xf32, #tpu.memory_space<hbm>>) target(%arg5 : memref<100000xf32, #tpu.memory_space<vmem>>) target_semaphore(%arg11 : memref<!tpu.dma_semaphore, #tpu.memory_space<semaphore_mem>>)
    %dma_start3A_8 = arith.constant 0 : i32
    %dma_start3A_9 = arith.constant 0 : i32
    %dma_start3A_10 = tpu.memref_slice %arg2[%dma_start3A_8, %dma_start3A_9] : memref<26x4096xi32, #tpu.memory_space<hbm>> -> memref<1x4096xi32, #tpu.memory_space<hbm>>
    %dma_start3A_11 = tpu.memref_squeeze %dma_start3A_10 : memref<1x4096xi32, #tpu.memory_space<hbm>> -> memref<4096xi32, #tpu.memory_space<hbm>>
    %dma_start3A_12 = arith.constant 0 : i32
    %dma_start3A_13 = tpu.memref_slice %arg2[%dma_start3A_8, %dma_start3A_12] : memref<26x4096xi32, #tpu.memory_space<hbm>> -> memref<1x4096xi32, #tpu.memory_space<hbm>>
    %dma_start3A_14 = tpu.memref_squeeze %dma_start3A_13 : memref<1x4096xi32, #tpu.memory_space<hbm>> -> memref<4096xi32, #tpu.memory_space<hbm>>
    tpu.enqueue_dma source(%dma_start3A_14 : memref<4096xi32, #tpu.memory_space<hbm>>) target(%arg6 : memref<4096xi32, #tpu.memory_space<vmem>>) target_semaphore(%arg12 : memref<!tpu.dma_semaphore, #tpu.memory_space<semaphore_mem>>)
    %dma_start3A_15 = arith.constant 1 : i32
    %dma_start3A_16 = arith.constant 0 : i32
    %dma_start3A_17 = tpu.memref_slice %arg2[%dma_start3A_15, %dma_start3A_16] : memref<26x4096xi32, #tpu.memory_space<hbm>> -> memref<1x4096xi32, #tpu.memory_space<hbm>>
    %dma_start3A_18 = tpu.memref_squeeze %dma_start3A_17 : memref<1x4096xi32, #tpu.memory_space<hbm>> -> memref<4096xi32, #tpu.memory_space<hbm>>
    %dma_start3A_19 = arith.constant 0 : i32
    %dma_start3A_20 = tpu.memref_slice %arg2[%dma_start3A_15, %dma_start3A_19] : memref<26x4096xi32, #tpu.memory_space<hbm>> -> memref<1x4096xi32, #tpu.memory_space<hbm>>
    %dma_start3A_21 = tpu.memref_squeeze %dma_start3A_20 : memref<1x4096xi32, #tpu.memory_space<hbm>> -> memref<4096xi32, #tpu.memory_space<hbm>>
    tpu.enqueue_dma source(%dma_start3A_21 : memref<4096xi32, #tpu.memory_space<hbm>>) target(%arg7 : memref<4096xi32, #tpu.memory_space<vmem>>) target_semaphore(%arg12 : memref<!tpu.dma_semaphore, #tpu.memory_space<semaphore_mem>>)
    %add3A_22 = arith.constant 0 : i32
    %add3A_23 = arith.addi %add3A, %add3A_22 : i32
    %dma_wait3A = arith.constant 0 : i32
    %dma_wait3A_24 = tpu.memref_slice %arg3[%add3A_2, %dma_wait3A] : memref<64x100000xf32, #tpu.memory_space<hbm>> -> memref<1x100000xf32, #tpu.memory_space<hbm>>
    %dma_wait3A_25 = tpu.memref_squeeze %dma_wait3A_24 : memref<1x100000xf32, #tpu.memory_space<hbm>> -> memref<100000xf32, #tpu.memory_space<hbm>>
    %dma_wait3A_26 = arith.constant 0 : i32
    %dma_wait3A_27 = tpu.memref_slice %arg3[%add3A_2, %dma_wait3A_26] : memref<64x100000xf32, #tpu.memory_space<hbm>> -> memref<1x100000xf32, #tpu.memory_space<hbm>>
    %dma_wait3A_28 = tpu.memref_squeeze %dma_wait3A_27 : memref<1x100000xf32, #tpu.memory_space<hbm>> -> memref<100000xf32, #tpu.memory_space<hbm>>
    tpu.wait_dma2 semaphore(%arg11 : memref<!tpu.dma_semaphore, #tpu.memory_space<semaphore_mem>>) src(%dma_wait3A_28 : memref<100000xf32, #tpu.memory_space<hbm>>) dst(%arg5 : memref<100000xf32, #tpu.memory_space<vmem>>)
    %dma_wait3A_29 = arith.constant 0 : i32
    %dma_wait3A_30 = arith.constant 0 : i32
    %dma_wait3A_31 = tpu.memref_slice %arg2[%dma_wait3A_29, %dma_wait3A_30] : memref<26x4096xi32, #tpu.memory_space<hbm>> -> memref<1x4096xi32, #tpu.memory_space<hbm>>
    %dma_wait3A_32 = tpu.memref_squeeze %dma_wait3A_31 : memref<1x4096xi32, #tpu.memory_space<hbm>> -> memref<4096xi32, #tpu.memory_space<hbm>>
    %dma_wait3A_33 = arith.constant 0 : i32
    %dma_wait3A_34 = tpu.memref_slice %arg2[%dma_wait3A_29, %dma_wait3A_33] : memref<26x4096xi32, #tpu.memory_space<hbm>> -> memref<1x4096xi32, #tpu.memory_space<hbm>>
    %dma_wait3A_35 = tpu.memref_squeeze %dma_wait3A_34 : memref<1x4096xi32, #tpu.memory_space<hbm>> -> memref<4096xi32, #tpu.memory_space<hbm>>
    tpu.wait_dma2 semaphore(%arg12 : memref<!tpu.dma_semaphore, #tpu.memory_space<semaphore_mem>>) src(%dma_wait3A_35 : memref<4096xi32, #tpu.memory_space<hbm>>) dst(%arg6 : memref<4096xi32, #tpu.memory_space<vmem>>)
    %dma_start3A_36 = arith.constant 2 : i32
    %dma_start3A_37 = arith.constant 0 : i32
    %dma_start3A_38 = tpu.memref_slice %arg2[%dma_start3A_36, %dma_start3A_37] : memref<26x4096xi32, #tpu.memory_space<hbm>> -> memref<1x4096xi32, #tpu.memory_space<hbm>>
    %dma_start3A_39 = tpu.memref_squeeze %dma_start3A_38 : memref<1x4096xi32, #tpu.memory_space<hbm>> -> memref<4096xi32, #tpu.memory_space<hbm>>
    %dma_start3A_40 = arith.constant 0 : i32
    %dma_start3A_41 = tpu.memref_slice %arg2[%dma_start3A_36, %dma_start3A_40] : memref<26x4096xi32, #tpu.memory_space<hbm>> -> memref<1x4096xi32, #tpu.memory_space<hbm>>
    %dma_start3A_42 = tpu.memref_squeeze %dma_start3A_41 : memref<1x4096xi32, #tpu.memory_space<hbm>> -> memref<4096xi32, #tpu.memory_space<hbm>>
    tpu.enqueue_dma source(%dma_start3A_42 : memref<4096xi32, #tpu.memory_space<hbm>>) target(%arg8 : memref<4096xi32, #tpu.memory_space<vmem>>) target_semaphore(%arg12 : memref<!tpu.dma_semaphore, #tpu.memory_space<semaphore_mem>>)
    %parallel_loop3A = arith.constant 0 : i32
    %parallel_loop3A_43 = arith.constant 4096 : i32
    %parallel_loop3A_44 = arith.constant 16 : i32
    %parallel_loop3A_45 = arith.constant 0 : i32
    %parallel_loop3A_46 = arith.constant 0 : i32
    scf.for %parallel_loop3A_1330 = %parallel_loop3A to %parallel_loop3A_43 step %parallel_loop3A_44  : i32 {
      %parallel_loop3A_1331 = arith.index_cast %parallel_loop3A_1330 : i32 to index
      %parallel_loop3A_1332 = tpu.vector_load %arg6[%parallel_loop3A_1331] {strides = array<i32>} : memref<4096xi32, #tpu.memory_space<vmem>>, vector<16xi32>,
      %parallel_loop3A_1333 = tpu.vector_load_idx %arg5[%parallel_loop3A_1332] : memref<100000xf32, #tpu.memory_space<vmem>>[vector<16xi32>], vector<16xf32>,
      %parallel_loop3A_1334 = arith.constant 0 : i32
      %parallel_loop3A_1335 = tpu.memref_slice %arg9[%parallel_loop3A_45, %parallel_loop3A_46, %parallel_loop3A_1334] : memref<2x1x4096xf32, #tpu.memory_space<vmem>> -> memref<1x1x4096xf32, #tpu.memory_space<vmem>>
      %parallel_loop3A_1336 = tpu.memref_squeeze %parallel_loop3A_1335 : memref<1x1x4096xf32, #tpu.memory_space<vmem>> -> memref<4096xf32, #tpu.memory_space<vmem>>
      %parallel_loop3A_1337 = arith.index_cast %parallel_loop3A_1330 : i32 to index
      %parallel_loop3A_1338 = tpu.vector_load %parallel_loop3A_1336[%parallel_loop3A_1337] {strides = array<i32>} : memref<4096xf32, #tpu.memory_space<vmem>>, vector<16xf32>,
      tpu.vector_store %parallel_loop3A_1336[%parallel_loop3A_1337], %parallel_loop3A_1333 {strides = array<i32>} : memref<4096xf32, #tpu.memory_space<vmem>>, vector<16xf32>,
    } {sc.loop_unroll_factor = 8 : i64, sc.parallel_access}
    %dma_wait3A_47 = arith.constant 1 : i32
    %dma_wait3A_48 = arith.constant 0 : i32
    %dma_wait3A_49 = tpu.memref_slice %arg2[%dma_wait3A_47, %dma_wait3A_48] : memref<26x4096xi32, #tpu.memory_space<hbm>> -> memref<1x4096xi32, #tpu.memory_space<hbm>>
    %dma_wait3A_50 = tpu.memref_squeeze %dma_wait3A_49 : memref<1x4096xi32, #tpu.memory_space<hbm>> -> memref<4096xi32, #tpu.memory_space<hbm>>
    %dma_wait3A_51 = arith.constant 0 : i32
    %dma_wait3A_52 = tpu.memref_slice %arg2[%dma_wait3A_47, %dma_wait3A_51] : memref<26x4096xi32, #tpu.memory_space<hbm>> -> memref<1x4096xi32, #tpu.memory_space<hbm>>
    %dma_wait3A_53 = tpu.memref_squeeze %dma_wait3A_52 : memref<1x4096xi32, #tpu.memory_space<hbm>> -> memref<4096xi32, #tpu.memory_space<hbm>>
    tpu.wait_dma2 semaphore(%arg12 : memref<!tpu.dma_semaphore, #tpu.memory_space<semaphore_mem>>) src(%dma_wait3A_53 : memref<4096xi32, #tpu.memory_space<hbm>>) dst(%arg7 : memref<4096xi32, #tpu.memory_space<vmem>>)
    %dma_start3A_54 = arith.constant 3 : i32
    %dma_start3A_55 = arith.constant 0 : i32
    %dma_start3A_56 = tpu.memref_slice %arg2[%dma_start3A_54, %dma_start3A_55] : memref<26x4096xi32, #tpu.memory_space<hbm>> -> memref<1x4096xi32, #tpu.memory_space<hbm>>
    %dma_start3A_57 = tpu.memref_squeeze %dma_start3A_56 : memref<1x4096xi32, #tpu.memory_space<hbm>> -> memref<4096xi32, #tpu.memory_space<hbm>>
    %dma_start3A_58 = arith.constant 0 : i32
    %dma_start3A_59 = tpu.memref_slice %arg2[%dma_start3A_54, %dma_start3A_58] : memref<26x4096xi32, #tpu.memory_space<hbm>> -> memref<1x4096xi32, #tpu.memory_space<hbm>>
    %dma_start3A_60 = tpu.memref_squeeze %dma_start3A_59 : memref<1x4096xi32, #tpu.memory_space<hbm>> -> memref<4096xi32, #tpu.memory_space<hbm>>
    tpu.enqueue_dma source(%dma_start3A_60 : memref<4096xi32, #tpu.memory_space<hbm>>) target(%arg6 : memref<4096xi32, #tpu.memory_space<vmem>>) target_semaphore(%arg12 : memref<!tpu.dma_semaphore, #tpu.memory_space<semaphore_mem>>)
    %parallel_loop3A_61 = arith.constant 0 : i32
    %parallel_loop3A_62 = arith.constant 4096 : i32
    %parallel_loop3A_63 = arith.constant 16 : i32
    %parallel_loop3A_64 = arith.constant 1 : i32
    %parallel_loop3A_65 = arith.constant 0 : i32
    scf.for %parallel_loop3A_1330 = %parallel_loop3A_61 to %parallel_loop3A_62 step %parallel_loop3A_63  : i32 {
      %parallel_loop3A_1331 = arith.index_cast %parallel_loop3A_1330 : i32 to index
      %parallel_loop3A_1332 = tpu.vector_load %arg7[%parallel_loop3A_1331] {strides = array<i32>} : memref<4096xi32, #tpu.memory_space<vmem>>, vector<16xi32>,
      %parallel_loop3A_1333 = tpu.vector_load_idx %arg5[%parallel_loop3A_1332] : memref<100000xf32, #tpu.memory_space<vmem>>[vector<16xi32>], vector<16xf32>,
      %parallel_loop3A_1334 = arith.constant 0 : i32
      %parallel_loop3A_1335 = tpu.memref_slice %arg9[%parallel_loop3A_64, %parallel_loop3A_65, %parallel_loop3A_1334] : memref<2x1x4096xf32, #tpu.memory_space<vmem>> -> memref<1x1x4096xf32, #tpu.memory_space<vmem>>
      %parallel_loop3A_1336 = tpu.memref_squeeze %parallel_loop3A_1335 : memref<1x1x4096xf32, #tpu.memory_space<vmem>> -> memref<4096xf32, #tpu.memory_space<vmem>>
      %parallel_loop3A_1337 = arith.index_cast %parallel_loop3A_1330 : i32 to index
      %parallel_loop3A_1338 = tpu.vector_load %parallel_loop3A_1336[%parallel_loop3A_1337] {strides = array<i32>} : memref<4096xf32, #tpu.memory_space<vmem>>, vector<16xf32>,
      tpu.vector_store %parallel_loop3A_1336[%parallel_loop3A_1337], %parallel_loop3A_1333 {strides = array<i32>} : memref<4096xf32, #tpu.memory_space<vmem>>, vector<16xf32>,
    } {sc.loop_unroll_factor = 8 : i64, sc.parallel_access}
    %dma_start3A_66 = arith.constant 0 : i32
    %dma_start3A_67 = arith.constant 0 : i32
    %dma_start3A_68 = tpu.memref_slice %arg4[%dma_start3A_66, %add3A_23, %dma_start3A_67] : memref<26x64x4096xf32, #tpu.memory_space<hbm>> -> memref<2x1x4096xf32, #tpu.memory_space<hbm>>
    %dma_start3A_69 = arith.constant 0 : i32
    %dma_start3A_70 = arith.constant 0 : i32
    %dma_start3A_71 = tpu.memref_slice %arg4[%dma_start3A_69, %add3A_23, %dma_start3A_70] : memref<26x64x4096xf32, #tpu.memory_space<hbm>> -> memref<2x1x4096xf32, #tpu.memory_space<hbm>>
    tpu.enqueue_dma source(%arg9 : memref<2x1x4096xf32, #tpu.memory_space<vmem>>) target(%dma_start3A_71 : memref<2x1x4096xf32, #tpu.memory_space<hbm>>) target_semaphore(%arg13 : memref<!tpu.dma_semaphore, #tpu.memory_space<semaphore_mem>>)
    %dma_wait3A_72 = arith.constant 2 : i32
    %dma_wait3A_73 = arith.constant 0 : i32
    %dma_wait3A_74 = tpu.memref_slice %arg2[%dma_wait3A_72, %dma_wait3A_73] : memref<26x4096xi32, #tpu.memory_space<hbm>> -> memref<1x4096xi32, #tpu.memory_space<hbm>>
    %dma_wait3A_75 = tpu.memref_squeeze %dma_wait3A_74 : memref<1x4096xi32, #tpu.memory_space<hbm>> -> memref<4096xi32, #tpu.memory_space<hbm>>
    %dma_wait3A_76 = arith.constant 0 : i32
    %dma_wait3A_77 = tpu.memref_slice %arg2[%dma_wait3A_72, %dma_wait3A_76] : memref<26x4096xi32, #tpu.memory_space<hbm>> -> memref<1x4096xi32, #tpu.memory_space<hbm>>
    %dma_wait3A_78 = tpu.memref_squeeze %dma_wait3A_77 : memref<1x4096xi32, #tpu.memory_space<hbm>> -> memref<4096xi32, #tpu.memory_space<hbm>>
    tpu.wait_dma2 semaphore(%arg12 : memref<!tpu.dma_semaphore, #tpu.memory_space<semaphore_mem>>) src(%dma_wait3A_78 : memref<4096xi32, #tpu.memory_space<hbm>>) dst(%arg8 : memref<4096xi32, #tpu.memory_space<vmem>>)
    %dma_start3A_79 = arith.constant 4 : i32
    %dma_start3A_80 = arith.constant 0 : i32
    %dma_start3A_81 = tpu.memref_slice %arg2[%dma_start3A_79, %dma_start3A_80] : memref<26x4096xi32, #tpu.memory_space<hbm>> -> memref<1x4096xi32, #tpu.memory_space<hbm>>
    %dma_start3A_82 = tpu.memref_squeeze %dma_start3A_81 : memref<1x4096xi32, #tpu.memory_space<hbm>> -> memref<4096xi32, #tpu.memory_space<hbm>>
    %dma_start3A_83 = arith.constant 0 : i32
    %dma_start3A_84 = tpu.memref_slice %arg2[%dma_start3A_79, %dma_start3A_83] : memref<26x4096xi32, #tpu.memory_space<hbm>> -> memref<1x4096xi32, #tpu.memory_space<hbm>>
    %dma_start3A_85 = tpu.memref_squeeze %dma_start3A_84 : memref<1x4096xi32, #tpu.memory_space<hbm>> -> memref<4096xi32, #tpu.memory_space<hbm>>
    tpu.enqueue_dma source(%dma_start3A_85 : memref<4096xi32, #tpu.memory_space<hbm>>) target(%arg7 : memref<4096xi32, #tpu.memory_space<vmem>>) target_semaphore(%arg12 : memref<!tpu.dma_semaphore, #tpu.memory_space<semaphore_mem>>)
    %parallel_loop3A_86 = arith.constant 0 : i32
    %parallel_loop3A_87 = arith.constant 4096 : i32
    %parallel_loop3A_88 = arith.constant 16 : i32
    %parallel_loop3A_89 = arith.constant 0 : i32
    %parallel_loop3A_90 = arith.constant 0 : i32
    scf.for %parallel_loop3A_1330 = %parallel_loop3A_86 to %parallel_loop3A_87 step %parallel_loop3A_88  : i32 {
      %parallel_loop3A_1331 = arith.index_cast %parallel_loop3A_1330 : i32 to index
      %parallel_loop3A_1332 = tpu.vector_load %arg8[%parallel_loop3A_1331] {strides = array<i32>} : memref<4096xi32, #tpu.memory_space<vmem>>, vector<16xi32>,
      %parallel_loop3A_1333 = tpu.vector_load_idx %arg5[%parallel_loop3A_1332] : memref<100000xf32, #tpu.memory_space<vmem>>[vector<16xi32>], vector<16xf32>,
      %parallel_loop3A_1334 = arith.constant 0 : i32
      %parallel_loop3A_1335 = tpu.memref_slice %arg10[%parallel_loop3A_89, %parallel_loop3A_90, %parallel_loop3A_1334] : memref<2x1x4096xf32, #tpu.memory_space<vmem>> -> memref<1x1x4096xf32, #tpu.memory_space<vmem>>
      %parallel_loop3A_1336 = tpu.memref_squeeze %parallel_loop3A_1335 : memref<1x1x4096xf32, #tpu.memory_space<vmem>> -> memref<4096xf32, #tpu.memory_space<vmem>>
      %parallel_loop3A_1337 = arith.index_cast %parallel_loop3A_1330 : i32 to index
      %parallel_loop3A_1338 = tpu.vector_load %parallel_loop3A_1336[%parallel_loop3A_1337] {strides = array<i32>} : memref<4096xf32, #tpu.memory_space<vmem>>, vector<16xf32>,
      tpu.vector_store %parallel_loop3A_1336[%parallel_loop3A_1337], %parallel_loop3A_1333 {strides = array<i32>} : memref<4096xf32, #tpu.memory_space<vmem>>, vector<16xf32>,
    } {sc.loop_unroll_factor = 8 : i64, sc.parallel_access}
    %dma_wait3A_91 = arith.constant 3 : i32
    %dma_wait3A_92 = arith.constant 0 : i32
    %dma_wait3A_93 = tpu.memref_slice %arg2[%dma_wait3A_91, %dma_wait3A_92] : memref<26x4096xi32, #tpu.memory_space<hbm>> -> memref<1x4096xi32, #tpu.memory_space<hbm>>
    %dma_wait3A_94 = tpu.memref_squeeze %dma_wait3A_93 : memref<1x4096xi32, #tpu.memory_space<hbm>> -> memref<4096xi32, #tpu.memory_space<hbm>>
    %dma_wait3A_95 = arith.constant 0 : i32
    %dma_wait3A_96 = tpu.memref_slice %arg2[%dma_wait3A_91, %dma_wait3A_95] : memref<26x4096xi32, #tpu.memory_space<hbm>> -> memref<1x4096xi32, #tpu.memory_space<hbm>>
    %dma_wait3A_97 = tpu.memref_squeeze %dma_wait3A_96 : memref<1x4096xi32, #tpu.memory_space<hbm>> -> memref<4096xi32, #tpu.memory_space<hbm>>
    tpu.wait_dma2 semaphore(%arg12 : memref<!tpu.dma_semaphore, #tpu.memory_space<semaphore_mem>>) src(%dma_wait3A_97 : memref<4096xi32, #tpu.memory_space<hbm>>) dst(%arg6 : memref<4096xi32, #tpu.memory_space<vmem>>)
    %dma_start3A_98 = arith.constant 5 : i32
    %dma_start3A_99 = arith.constant 0 : i32
    %dma_start3A_100 = tpu.memref_slice %arg2[%dma_start3A_98, %dma_start3A_99] : memref<26x4096xi32, #tpu.memory_space<hbm>> -> memref<1x4096xi32, #tpu.memory_space<hbm>>
    %dma_start3A_101 = tpu.memref_squeeze %dma_start3A_100 : memref<1x4096xi32, #tpu.memory_space<hbm>> -> memref<4096xi32, #tpu.memory_space<hbm>>
    %dma_start3A_102 = arith.constant 0 : i32
    %dma_start3A_103 = tpu.memref_slice %arg2[%dma_start3A_98, %dma_start3A_102] : memref<26x4096xi32, #tpu.memory_space<hbm>> -> memref<1x4096xi32, #tpu.memory_space<hbm>>
    %dma_start3A_104 = tpu.memref_squeeze %dma_start3A_103 : memref<1x4096xi32, #tpu.memory_space<hbm>> -> memref<4096xi32, #tpu.memory_space<hbm>>
    tpu.enqueue_dma source(%dma_start3A_104 : memref<4096xi32, #tpu.memory_space<hbm>>) target(%arg8 : memref<4096xi32, #tpu.memory_space<vmem>>) target_semaphore(%arg12 : memref<!tpu.dma_semaphore, #tpu.memory_space<semaphore_mem>>)
    %parallel_loop3A_105 = arith.constant 0 : i32
    %parallel_loop3A_106 = arith.constant 4096 : i32
    %parallel_loop3A_107 = arith.constant 16 : i32
    %parallel_loop3A_108 = arith.constant 1 : i32
    %parallel_loop3A_109 = arith.constant 0 : i32
    scf.for %parallel_loop3A_1330 = %parallel_loop3A_105 to %parallel_loop3A_106 step %parallel_loop3A_107  : i32 {
      %parallel_loop3A_1331 = arith.index_cast %parallel_loop3A_1330 : i32 to index
      %parallel_loop3A_1332 = tpu.vector_load %arg6[%parallel_loop3A_1331] {strides = array<i32>} : memref<4096xi32, #tpu.memory_space<vmem>>, vector<16xi32>,
      %parallel_loop3A_1333 = tpu.vector_load_idx %arg5[%parallel_loop3A_1332] : memref<100000xf32, #tpu.memory_space<vmem>>[vector<16xi32>], vector<16xf32>,
      %parallel_loop3A_1334 = arith.constant 0 : i32
      %parallel_loop3A_1335 = tpu.memref_slice %arg10[%parallel_loop3A_108, %parallel_loop3A_109, %parallel_loop3A_1334] : memref<2x1x4096xf32, #tpu.memory_space<vmem>> -> memref<1x1x4096xf32, #tpu.memory_space<vmem>>
      %parallel_loop3A_1336 = tpu.memref_squeeze %parallel_loop3A_1335 : memref<1x1x4096xf32, #tpu.memory_space<vmem>> -> memref<4096xf32, #tpu.memory_space<vmem>>
      %parallel_loop3A_1337 = arith.index_cast %parallel_loop3A_1330 : i32 to index
      %parallel_loop3A_1338 = tpu.vector_load %parallel_loop3A_1336[%parallel_loop3A_1337] {strides = array<i32>} : memref<4096xf32, #tpu.memory_space<vmem>>, vector<16xf32>,
      tpu.vector_store %parallel_loop3A_1336[%parallel_loop3A_1337], %parallel_loop3A_1333 {strides = array<i32>} : memref<4096xf32, #tpu.memory_space<vmem>>, vector<16xf32>,
    } {sc.loop_unroll_factor = 8 : i64, sc.parallel_access}
    %dma_start3A_110 = arith.constant 2 : i32
    %dma_start3A_111 = arith.constant 0 : i32
    %dma_start3A_112 = tpu.memref_slice %arg4[%dma_start3A_110, %add3A_23, %dma_start3A_111] : memref<26x64x4096xf32, #tpu.memory_space<hbm>> -> memref<2x1x4096xf32, #tpu.memory_space<hbm>>
    %dma_start3A_113 = arith.constant 2 : i32
    %dma_start3A_114 = arith.constant 0 : i32
    %dma_start3A_115 = tpu.memref_slice %arg4[%dma_start3A_113, %add3A_23, %dma_start3A_114] : memref<26x64x4096xf32, #tpu.memory_space<hbm>> -> memref<2x1x4096xf32, #tpu.memory_space<hbm>>
    tpu.enqueue_dma source(%arg10 : memref<2x1x4096xf32, #tpu.memory_space<vmem>>) target(%dma_start3A_115 : memref<2x1x4096xf32, #tpu.memory_space<hbm>>) target_semaphore(%arg13 : memref<!tpu.dma_semaphore, #tpu.memory_space<semaphore_mem>>)
    %dma_wait3A_116 = arith.constant 4 : i32
    %dma_wait3A_117 = arith.constant 0 : i32
    %dma_wait3A_118 = tpu.memref_slice %arg2[%dma_wait3A_116, %dma_wait3A_117] : memref<26x4096xi32, #tpu.memory_space<hbm>> -> memref<1x4096xi32, #tpu.memory_space<hbm>>
    %dma_wait3A_119 = tpu.memref_squeeze %dma_wait3A_118 : memref<1x4096xi32, #tpu.memory_space<hbm>> -> memref<4096xi32, #tpu.memory_space<hbm>>
    %dma_wait3A_120 = arith.constant 0 : i32
    %dma_wait3A_121 = tpu.memref_slice %arg2[%dma_wait3A_116, %dma_wait3A_120] : memref<26x4096xi32, #tpu.memory_space<hbm>> -> memref<1x4096xi32, #tpu.memory_space<hbm>>
    %dma_wait3A_122 = tpu.memref_squeeze %dma_wait3A_121 : memref<1x4096xi32, #tpu.memory_space<hbm>> -> memref<4096xi32, #tpu.memory_space<hbm>>
    tpu.wait_dma2 semaphore(%arg12 : memref<!tpu.dma_semaphore, #tpu.memory_space<semaphore_mem>>) src(%dma_wait3A_122 : memref<4096xi32, #tpu.memory_space<hbm>>) dst(%arg7 : memref<4096xi32, #tpu.memory_space<vmem>>)
    %dma_start3A_123 = arith.constant 6 : i32
    %dma_start3A_124 = arith.constant 0 : i32
    %dma_start3A_125 = tpu.memref_slice %arg2[%dma_start3A_123, %dma_start3A_124] : memref<26x4096xi32, #tpu.memory_space<hbm>> -> memref<1x4096xi32, #tpu.memory_space<hbm>>
    %dma_start3A_126 = tpu.memref_squeeze %dma_start3A_125 : memref<1x4096xi32, #tpu.memory_space<hbm>> -> memref<4096xi32, #tpu.memory_space<hbm>>
    %dma_start3A_127 = arith.constant 0 : i32
    %dma_start3A_128 = tpu.memref_slice %arg2[%dma_start3A_123, %dma_start3A_127] : memref<26x4096xi32, #tpu.memory_space<hbm>> -> memref<1x4096xi32, #tpu.memory_space<hbm>>
    %dma_start3A_129 = tpu.memref_squeeze %dma_start3A_128 : memref<1x4096xi32, #tpu.memory_space<hbm>> -> memref<4096xi32, #tpu.memory_space<hbm>>
    tpu.enqueue_dma source(%dma_start3A_129 : memref<4096xi32, #tpu.memory_space<hbm>>) target(%arg6 : memref<4096xi32, #tpu.memory_space<vmem>>) target_semaphore(%arg12 : memref<!tpu.dma_semaphore, #tpu.memory_space<semaphore_mem>>)
    %dma_wait3A_130 = arith.constant 0 : i32
    %dma_wait3A_131 = arith.constant 0 : i32
    %dma_wait3A_132 = tpu.memref_slice %arg4[%dma_wait3A_130, %add3A_23, %dma_wait3A_131] : memref<26x64x4096xf32, #tpu.memory_space<hbm>> -> memref<2x1x4096xf32, #tpu.memory_space<hbm>>
    %dma_wait3A_133 = arith.constant 0 : i32
    %dma_wait3A_134 = arith.constant 0 : i32
    %dma_wait3A_135 = tpu.memref_slice %arg4[%dma_wait3A_133, %add3A_23, %dma_wait3A_134] : memref<26x64x4096xf32, #tpu.memory_space<hbm>> -> memref<2x1x4096xf32, #tpu.memory_space<hbm>>
    tpu.wait_dma2 semaphore(%arg13 : memref<!tpu.dma_semaphore, #tpu.memory_space<semaphore_mem>>) src(%arg9 : memref<2x1x4096xf32, #tpu.memory_space<vmem>>) dst(%dma_wait3A_135 : memref<2x1x4096xf32, #tpu.memory_space<hbm>>)
    %parallel_loop3A_136 = arith.constant 0 : i32
    %parallel_loop3A_137 = arith.constant 4096 : i32
    %parallel_loop3A_138 = arith.constant 16 : i32
    %parallel_loop3A_139 = arith.constant 0 : i32
    %parallel_loop3A_140 = arith.constant 0 : i32
    scf.for %parallel_loop3A_1330 = %parallel_loop3A_136 to %parallel_loop3A_137 step %parallel_loop3A_138  : i32 {
      %parallel_loop3A_1331 = arith.index_cast %parallel_loop3A_1330 : i32 to index
      %parallel_loop3A_1332 = tpu.vector_load %arg7[%parallel_loop3A_1331] {strides = array<i32>} : memref<4096xi32, #tpu.memory_space<vmem>>, vector<16xi32>,
      %parallel_loop3A_1333 = tpu.vector_load_idx %arg5[%parallel_loop3A_1332] : memref<100000xf32, #tpu.memory_space<vmem>>[vector<16xi32>], vector<16xf32>,
      %parallel_loop3A_1334 = arith.constant 0 : i32
      %parallel_loop3A_1335 = tpu.memref_slice %arg9[%parallel_loop3A_139, %parallel_loop3A_140, %parallel_loop3A_1334] : memref<2x1x4096xf32, #tpu.memory_space<vmem>> -> memref<1x1x4096xf32, #tpu.memory_space<vmem>>
      %parallel_loop3A_1336 = tpu.memref_squeeze %parallel_loop3A_1335 : memref<1x1x4096xf32, #tpu.memory_space<vmem>> -> memref<4096xf32, #tpu.memory_space<vmem>>
      %parallel_loop3A_1337 = arith.index_cast %parallel_loop3A_1330 : i32 to index
      %parallel_loop3A_1338 = tpu.vector_load %parallel_loop3A_1336[%parallel_loop3A_1337] {strides = array<i32>} : memref<4096xf32, #tpu.memory_space<vmem>>, vector<16xf32>,
      tpu.vector_store %parallel_loop3A_1336[%parallel_loop3A_1337], %parallel_loop3A_1333 {strides = array<i32>} : memref<4096xf32, #tpu.memory_space<vmem>>, vector<16xf32>,
    } {sc.loop_unroll_factor = 8 : i64, sc.parallel_access}
    %dma_wait3A_141 = arith.constant 5 : i32
    %dma_wait3A_142 = arith.constant 0 : i32
    %dma_wait3A_143 = tpu.memref_slice %arg2[%dma_wait3A_141, %dma_wait3A_142] : memref<26x4096xi32, #tpu.memory_space<hbm>> -> memref<1x4096xi32, #tpu.memory_space<hbm>>
    %dma_wait3A_144 = tpu.memref_squeeze %dma_wait3A_143 : memref<1x4096xi32, #tpu.memory_space<hbm>> -> memref<4096xi32, #tpu.memory_space<hbm>>
    %dma_wait3A_145 = arith.constant 0 : i32
    %dma_wait3A_146 = tpu.memref_slice %arg2[%dma_wait3A_141, %dma_wait3A_145] : memref<26x4096xi32, #tpu.memory_space<hbm>> -> memref<1x4096xi32, #tpu.memory_space<hbm>>
    %dma_wait3A_147 = tpu.memref_squeeze %dma_wait3A_146 : memref<1x4096xi32, #tpu.memory_space<hbm>> -> memref<4096xi32, #tpu.memory_space<hbm>>
    tpu.wait_dma2 semaphore(%arg12 : memref<!tpu.dma_semaphore, #tpu.memory_space<semaphore_mem>>) src(%dma_wait3A_147 : memref<4096xi32, #tpu.memory_space<hbm>>) dst(%arg8 : memref<4096xi32, #tpu.memory_space<vmem>>)
    %dma_start3A_148 = arith.constant 7 : i32
    %dma_start3A_149 = arith.constant 0 : i32
    %dma_start3A_150 = tpu.memref_slice %arg2[%dma_start3A_148, %dma_start3A_149] : memref<26x4096xi32, #tpu.memory_space<hbm>> -> memref<1x4096xi32, #tpu.memory_space<hbm>>
    %dma_start3A_151 = tpu.memref_squeeze %dma_start3A_150 : memref<1x4096xi32, #tpu.memory_space<hbm>> -> memref<4096xi32, #tpu.memory_space<hbm>>
    %dma_start3A_152 = arith.constant 0 : i32
    %dma_start3A_153 = tpu.memref_slice %arg2[%dma_start3A_148, %dma_start3A_152] : memref<26x4096xi32, #tpu.memory_space<hbm>> -> memref<1x4096xi32, #tpu.memory_space<hbm>>
    %dma_start3A_154 = tpu.memref_squeeze %dma_start3A_153 : memref<1x4096xi32, #tpu.memory_space<hbm>> -> memref<4096xi32, #tpu.memory_space<hbm>>
    tpu.enqueue_dma source(%dma_start3A_154 : memref<4096xi32, #tpu.memory_space<hbm>>) target(%arg7 : memref<4096xi32, #tpu.memory_space<vmem>>) target_semaphore(%arg12 : memref<!tpu.dma_semaphore, #tpu.memory_space<semaphore_mem>>)
    %parallel_loop3A_155 = arith.constant 0 : i32
    %parallel_loop3A_156 = arith.constant 4096 : i32
    %parallel_loop3A_157 = arith.constant 16 : i32
    %parallel_loop3A_158 = arith.constant 1 : i32
    %parallel_loop3A_159 = arith.constant 0 : i32
    scf.for %parallel_loop3A_1330 = %parallel_loop3A_155 to %parallel_loop3A_156 step %parallel_loop3A_157  : i32 {
      %parallel_loop3A_1331 = arith.index_cast %parallel_loop3A_1330 : i32 to index
      %parallel_loop3A_1332 = tpu.vector_load %arg8[%parallel_loop3A_1331] {strides = array<i32>} : memref<4096xi32, #tpu.memory_space<vmem>>, vector<16xi32>,
      %parallel_loop3A_1333 = tpu.vector_load_idx %arg5[%parallel_loop3A_1332] : memref<100000xf32, #tpu.memory_space<vmem>>[vector<16xi32>], vector<16xf32>,
      %parallel_loop3A_1334 = arith.constant 0 : i32
      %parallel_loop3A_1335 = tpu.memref_slice %arg9[%parallel_loop3A_158, %parallel_loop3A_159, %parallel_loop3A_1334] : memref<2x1x4096xf32, #tpu.memory_space<vmem>> -> memref<1x1x4096xf32, #tpu.memory_space<vmem>>
      %parallel_loop3A_1336 = tpu.memref_squeeze %parallel_loop3A_1335 : memref<1x1x4096xf32, #tpu.memory_space<vmem>> -> memref<4096xf32, #tpu.memory_space<vmem>>
      %parallel_loop3A_1337 = arith.index_cast %parallel_loop3A_1330 : i32 to index
      %parallel_loop3A_1338 = tpu.vector_load %parallel_loop3A_1336[%parallel_loop3A_1337] {strides = array<i32>} : memref<4096xf32, #tpu.memory_space<vmem>>, vector<16xf32>,
      tpu.vector_store %parallel_loop3A_1336[%parallel_loop3A_1337], %parallel_loop3A_1333 {strides = array<i32>} : memref<4096xf32, #tpu.memory_space<vmem>>, vector<16xf32>,
    } {sc.loop_unroll_factor = 8 : i64, sc.parallel_access}
    %dma_start3A_160 = arith.constant 4 : i32
    %dma_start3A_161 = arith.constant 0 : i32
    %dma_start3A_162 = tpu.memref_slice %arg4[%dma_start3A_160, %add3A_23, %dma_start3A_161] : memref<26x64x4096xf32, #tpu.memory_space<hbm>> -> memref<2x1x4096xf32, #tpu.memory_space<hbm>>
    %dma_start3A_163 = arith.constant 4 : i32
    %dma_start3A_164 = arith.constant 0 : i32
    %dma_start3A_165 = tpu.memref_slice %arg4[%dma_start3A_163, %add3A_23, %dma_start3A_164] : memref<26x64x4096xf32, #tpu.memory_space<hbm>> -> memref<2x1x4096xf32, #tpu.memory_space<hbm>>
    tpu.enqueue_dma source(%arg9 : memref<2x1x4096xf32, #tpu.memory_space<vmem>>) target(%dma_start3A_165 : memref<2x1x4096xf32, #tpu.memory_space<hbm>>) target_semaphore(%arg13 : memref<!tpu.dma_semaphore, #tpu.memory_space<semaphore_mem>>)
    %dma_wait3A_166 = arith.constant 6 : i32
    %dma_wait3A_167 = arith.constant 0 : i32
    %dma_wait3A_168 = tpu.memref_slice %arg2[%dma_wait3A_166, %dma_wait3A_167] : memref<26x4096xi32, #tpu.memory_space<hbm>> -> memref<1x4096xi32, #tpu.memory_space<hbm>>
    %dma_wait3A_169 = tpu.memref_squeeze %dma_wait3A_168 : memref<1x4096xi32, #tpu.memory_space<hbm>> -> memref<4096xi32, #tpu.memory_space<hbm>>
    %dma_wait3A_170 = arith.constant 0 : i32
    %dma_wait3A_171 = tpu.memref_slice %arg2[%dma_wait3A_166, %dma_wait3A_170] : memref<26x4096xi32, #tpu.memory_space<hbm>> -> memref<1x4096xi32, #tpu.memory_space<hbm>>
    %dma_wait3A_172 = tpu.memref_squeeze %dma_wait3A_171 : memref<1x4096xi32, #tpu.memory_space<hbm>> -> memref<4096xi32, #tpu.memory_space<hbm>>
    tpu.wait_dma2 semaphore(%arg12 : memref<!tpu.dma_semaphore, #tpu.memory_space<semaphore_mem>>) src(%dma_wait3A_172 : memref<4096xi32, #tpu.memory_space<hbm>>) dst(%arg6 : memref<4096xi32, #tpu.memory_space<vmem>>)
    %dma_start3A_173 = arith.constant 8 : i32
    %dma_start3A_174 = arith.constant 0 : i32
    %dma_start3A_175 = tpu.memref_slice %arg2[%dma_start3A_173, %dma_start3A_174] : memref<26x4096xi32, #tpu.memory_space<hbm>> -> memref<1x4096xi32, #tpu.memory_space<hbm>>
    %dma_start3A_176 = tpu.memref_squeeze %dma_start3A_175 : memref<1x4096xi32, #tpu.memory_space<hbm>> -> memref<4096xi32, #tpu.memory_space<hbm>>
    %dma_start3A_177 = arith.constant 0 : i32
    %dma_start3A_178 = tpu.memref_slice %arg2[%dma_start3A_173, %dma_start3A_177] : memref<26x4096xi32, #tpu.memory_space<hbm>> -> memref<1x4096xi32, #tpu.memory_space<hbm>>
    %dma_start3A_179 = tpu.memref_squeeze %dma_start3A_178 : memref<1x4096xi32, #tpu.memory_space<hbm>> -> memref<4096xi32, #tpu.memory_space<hbm>>
    tpu.enqueue_dma source(%dma_start3A_179 : memref<4096xi32, #tpu.memory_space<hbm>>) target(%arg8 : memref<4096xi32, #tpu.memory_space<vmem>>) target_semaphore(%arg12 : memref<!tpu.dma_semaphore, #tpu.memory_space<semaphore_mem>>)
    %dma_wait3A_180 = arith.constant 2 : i32
    %dma_wait3A_181 = arith.constant 0 : i32
    %dma_wait3A_182 = tpu.memref_slice %arg4[%dma_wait3A_180, %add3A_23, %dma_wait3A_181] : memref<26x64x4096xf32, #tpu.memory_space<hbm>> -> memref<2x1x4096xf32, #tpu.memory_space<hbm>>
    %dma_wait3A_183 = arith.constant 2 : i32
    %dma_wait3A_184 = arith.constant 0 : i32
    %dma_wait3A_185 = tpu.memref_slice %arg4[%dma_wait3A_183, %add3A_23, %dma_wait3A_184] : memref<26x64x4096xf32, #tpu.memory_space<hbm>> -> memref<2x1x4096xf32, #tpu.memory_space<hbm>>
    tpu.wait_dma2 semaphore(%arg13 : memref<!tpu.dma_semaphore, #tpu.memory_space<semaphore_mem>>) src(%arg10 : memref<2x1x4096xf32, #tpu.memory_space<vmem>>) dst(%dma_wait3A_185 : memref<2x1x4096xf32, #tpu.memory_space<hbm>>)
    %parallel_loop3A_186 = arith.constant 0 : i32
    %parallel_loop3A_187 = arith.constant 4096 : i32
    %parallel_loop3A_188 = arith.constant 16 : i32
    %parallel_loop3A_189 = arith.constant 0 : i32
    %parallel_loop3A_190 = arith.constant 0 : i32
    scf.for %parallel_loop3A_1330 = %parallel_loop3A_186 to %parallel_loop3A_187 step %parallel_loop3A_188  : i32 {
      %parallel_loop3A_1331 = arith.index_cast %parallel_loop3A_1330 : i32 to index
      %parallel_loop3A_1332 = tpu.vector_load %arg6[%parallel_loop3A_1331] {strides = array<i32>} : memref<4096xi32, #tpu.memory_space<vmem>>, vector<16xi32>,
      %parallel_loop3A_1333 = tpu.vector_load_idx %arg5[%parallel_loop3A_1332] : memref<100000xf32, #tpu.memory_space<vmem>>[vector<16xi32>], vector<16xf32>,
      %parallel_loop3A_1334 = arith.constant 0 : i32
      %parallel_loop3A_1335 = tpu.memref_slice %arg10[%parallel_loop3A_189, %parallel_loop3A_190, %parallel_loop3A_1334] : memref<2x1x4096xf32, #tpu.memory_space<vmem>> -> memref<1x1x4096xf32, #tpu.memory_space<vmem>>
      %parallel_loop3A_1336 = tpu.memref_squeeze %parallel_loop3A_1335 : memref<1x1x4096xf32, #tpu.memory_space<vmem>> -> memref<4096xf32, #tpu.memory_space<vmem>>
      %parallel_loop3A_1337 = arith.index_cast %parallel_loop3A_1330 : i32 to index
      %parallel_loop3A_1338 = tpu.vector_load %parallel_loop3A_1336[%parallel_loop3A_1337] {strides = array<i32>} : memref<4096xf32, #tpu.memory_space<vmem>>, vector<16xf32>,
      tpu.vector_store %parallel_loop3A_1336[%parallel_loop3A_1337], %parallel_loop3A_1333 {strides = array<i32>} : memref<4096xf32, #tpu.memory_space<vmem>>, vector<16xf32>,
    } {sc.loop_unroll_factor = 8 : i64, sc.parallel_access}
    %dma_wait3A_191 = arith.constant 7 : i32
    %dma_wait3A_192 = arith.constant 0 : i32
    %dma_wait3A_193 = tpu.memref_slice %arg2[%dma_wait3A_191, %dma_wait3A_192] : memref<26x4096xi32, #tpu.memory_space<hbm>> -> memref<1x4096xi32, #tpu.memory_space<hbm>>
    %dma_wait3A_194 = tpu.memref_squeeze %dma_wait3A_193 : memref<1x4096xi32, #tpu.memory_space<hbm>> -> memref<4096xi32, #tpu.memory_space<hbm>>
    %dma_wait3A_195 = arith.constant 0 : i32
    %dma_wait3A_196 = tpu.memref_slice %arg2[%dma_wait3A_191, %dma_wait3A_195] : memref<26x4096xi32, #tpu.memory_space<hbm>> -> memref<1x4096xi32, #tpu.memory_space<hbm>>
    %dma_wait3A_197 = tpu.memref_squeeze %dma_wait3A_196 : memref<1x4096xi32, #tpu.memory_space<hbm>> -> memref<4096xi32, #tpu.memory_space<hbm>>
    tpu.wait_dma2 semaphore(%arg12 : memref<!tpu.dma_semaphore, #tpu.memory_space<semaphore_mem>>) src(%dma_wait3A_197 : memref<4096xi32, #tpu.memory_space<hbm>>) dst(%arg7 : memref<4096xi32, #tpu.memory_space<vmem>>)
    %dma_start3A_198 = arith.constant 9 : i32
    %dma_start3A_199 = arith.constant 0 : i32
    %dma_start3A_200 = tpu.memref_slice %arg2[%dma_start3A_198, %dma_start3A_199] : memref<26x4096xi32, #tpu.memory_space<hbm>> -> memref<1x4096xi32, #tpu.memory_space<hbm>>
    %dma_start3A_201 = tpu.memref_squeeze %dma_start3A_200 : memref<1x4096xi32, #tpu.memory_space<hbm>> -> memref<4096xi32, #tpu.memory_space<hbm>>
    %dma_start3A_202 = arith.constant 0 : i32
    %dma_start3A_203 = tpu.memref_slice %arg2[%dma_start3A_198, %dma_start3A_202] : memref<26x4096xi32, #tpu.memory_space<hbm>> -> memref<1x4096xi32, #tpu.memory_space<hbm>>
    %dma_start3A_204 = tpu.memref_squeeze %dma_start3A_203 : memref<1x4096xi32, #tpu.memory_space<hbm>> -> memref<4096xi32, #tpu.memory_space<hbm>>
    tpu.enqueue_dma source(%dma_start3A_204 : memref<4096xi32, #tpu.memory_space<hbm>>) target(%arg6 : memref<4096xi32, #tpu.memory_space<vmem>>) target_semaphore(%arg12 : memref<!tpu.dma_semaphore, #tpu.memory_space<semaphore_mem>>)
    %parallel_loop3A_205 = arith.constant 0 : i32
    %parallel_loop3A_206 = arith.constant 4096 : i32
    %parallel_loop3A_207 = arith.constant 16 : i32
    %parallel_loop3A_208 = arith.constant 1 : i32
    %parallel_loop3A_209 = arith.constant 0 : i32
    scf.for %parallel_loop3A_1330 = %parallel_loop3A_205 to %parallel_loop3A_206 step %parallel_loop3A_207  : i32 {
      %parallel_loop3A_1331 = arith.index_cast %parallel_loop3A_1330 : i32 to index
      %parallel_loop3A_1332 = tpu.vector_load %arg7[%parallel_loop3A_1331] {strides = array<i32>} : memref<4096xi32, #tpu.memory_space<vmem>>, vector<16xi32>,
      %parallel_loop3A_1333 = tpu.vector_load_idx %arg5[%parallel_loop3A_1332] : memref<100000xf32, #tpu.memory_space<vmem>>[vector<16xi32>], vector<16xf32>,
      %parallel_loop3A_1334 = arith.constant 0 : i32
      %parallel_loop3A_1335 = tpu.memref_slice %arg10[%parallel_loop3A_208, %parallel_loop3A_209, %parallel_loop3A_1334] : memref<2x1x4096xf32, #tpu.memory_space<vmem>> -> memref<1x1x4096xf32, #tpu.memory_space<vmem>>
      %parallel_loop3A_1336 = tpu.memref_squeeze %parallel_loop3A_1335 : memref<1x1x4096xf32, #tpu.memory_space<vmem>> -> memref<4096xf32, #tpu.memory_space<vmem>>
      %parallel_loop3A_1337 = arith.index_cast %parallel_loop3A_1330 : i32 to index
      %parallel_loop3A_1338 = tpu.vector_load %parallel_loop3A_1336[%parallel_loop3A_1337] {strides = array<i32>} : memref<4096xf32, #tpu.memory_space<vmem>>, vector<16xf32>,
      tpu.vector_store %parallel_loop3A_1336[%parallel_loop3A_1337], %parallel_loop3A_1333 {strides = array<i32>} : memref<4096xf32, #tpu.memory_space<vmem>>, vector<16xf32>,
    } {sc.loop_unroll_factor = 8 : i64, sc.parallel_access}
    %dma_start3A_210 = arith.constant 6 : i32
    %dma_start3A_211 = arith.constant 0 : i32
    %dma_start3A_212 = tpu.memref_slice %arg4[%dma_start3A_210, %add3A_23, %dma_start3A_211] : memref<26x64x4096xf32, #tpu.memory_space<hbm>> -> memref<2x1x4096xf32, #tpu.memory_space<hbm>>
    %dma_start3A_213 = arith.constant 6 : i32
    %dma_start3A_214 = arith.constant 0 : i32
    %dma_start3A_215 = tpu.memref_slice %arg4[%dma_start3A_213, %add3A_23, %dma_start3A_214] : memref<26x64x4096xf32, #tpu.memory_space<hbm>> -> memref<2x1x4096xf32, #tpu.memory_space<hbm>>
    tpu.enqueue_dma source(%arg10 : memref<2x1x4096xf32, #tpu.memory_space<vmem>>) target(%dma_start3A_215 : memref<2x1x4096xf32, #tpu.memory_space<hbm>>) target_semaphore(%arg13 : memref<!tpu.dma_semaphore, #tpu.memory_space<semaphore_mem>>)
    %dma_wait3A_216 = arith.constant 8 : i32
    %dma_wait3A_217 = arith.constant 0 : i32
    %dma_wait3A_218 = tpu.memref_slice %arg2[%dma_wait3A_216, %dma_wait3A_217] : memref<26x4096xi32, #tpu.memory_space<hbm>> -> memref<1x4096xi32, #tpu.memory_space<hbm>>
    %dma_wait3A_219 = tpu.memref_squeeze %dma_wait3A_218 : memref<1x4096xi32, #tpu.memory_space<hbm>> -> memref<4096xi32, #tpu.memory_space<hbm>>
    %dma_wait3A_220 = arith.constant 0 : i32
    %dma_wait3A_221 = tpu.memref_slice %arg2[%dma_wait3A_216, %dma_wait3A_220] : memref<26x4096xi32, #tpu.memory_space<hbm>> -> memref<1x4096xi32, #tpu.memory_space<hbm>>
    %dma_wait3A_222 = tpu.memref_squeeze %dma_wait3A_221 : memref<1x4096xi32, #tpu.memory_space<hbm>> -> memref<4096xi32, #tpu.memory_space<hbm>>
    tpu.wait_dma2 semaphore(%arg12 : memref<!tpu.dma_semaphore, #tpu.memory_space<semaphore_mem>>) src(%dma_wait3A_222 : memref<4096xi32, #tpu.memory_space<hbm>>) dst(%arg8 : memref<4096xi32, #tpu.memory_space<vmem>>)
    %dma_start3A_223 = arith.constant 10 : i32
    %dma_start3A_224 = arith.constant 0 : i32
    %dma_start3A_225 = tpu.memref_slice %arg2[%dma_start3A_223, %dma_start3A_224] : memref<26x4096xi32, #tpu.memory_space<hbm>> -> memref<1x4096xi32, #tpu.memory_space<hbm>>
    %dma_start3A_226 = tpu.memref_squeeze %dma_start3A_225 : memref<1x4096xi32, #tpu.memory_space<hbm>> -> memref<4096xi32, #tpu.memory_space<hbm>>
    %dma_start3A_227 = arith.constant 0 : i32
    %dma_start3A_228 = tpu.memref_slice %arg2[%dma_start3A_223, %dma_start3A_227] : memref<26x4096xi32, #tpu.memory_space<hbm>> -> memref<1x4096xi32, #tpu.memory_space<hbm>>
    %dma_start3A_229 = tpu.memref_squeeze %dma_start3A_228 : memref<1x4096xi32, #tpu.memory_space<hbm>> -> memref<4096xi32, #tpu.memory_space<hbm>>
    tpu.enqueue_dma source(%dma_start3A_229 : memref<4096xi32, #tpu.memory_space<hbm>>) target(%arg7 : memref<4096xi32, #tpu.memory_space<vmem>>) target_semaphore(%arg12 : memref<!tpu.dma_semaphore, #tpu.memory_space<semaphore_mem>>)
    %dma_wait3A_230 = arith.constant 4 : i32
    %dma_wait3A_231 = arith.constant 0 : i32
    %dma_wait3A_232 = tpu.memref_slice %arg4[%dma_wait3A_230, %add3A_23, %dma_wait3A_231] : memref<26x64x4096xf32, #tpu.memory_space<hbm>> -> memref<2x1x4096xf32, #tpu.memory_space<hbm>>
    %dma_wait3A_233 = arith.constant 4 : i32
    %dma_wait3A_234 = arith.constant 0 : i32
    %dma_wait3A_235 = tpu.memref_slice %arg4[%dma_wait3A_233, %add3A_23, %dma_wait3A_234] : memref<26x64x4096xf32, #tpu.memory_space<hbm>> -> memref<2x1x4096xf32, #tpu.memory_space<hbm>>
    tpu.wait_dma2 semaphore(%arg13 : memref<!tpu.dma_semaphore, #tpu.memory_space<semaphore_mem>>) src(%arg9 : memref<2x1x4096xf32, #tpu.memory_space<vmem>>) dst(%dma_wait3A_235 : memref<2x1x4096xf32, #tpu.memory_space<hbm>>)
    %parallel_loop3A_236 = arith.constant 0 : i32
    %parallel_loop3A_237 = arith.constant 4096 : i32
    %parallel_loop3A_238 = arith.constant 16 : i32
    %parallel_loop3A_239 = arith.constant 0 : i32
    %parallel_loop3A_240 = arith.constant 0 : i32
    scf.for %parallel_loop3A_1330 = %parallel_loop3A_236 to %parallel_loop3A_237 step %parallel_loop3A_238  : i32 {
      %parallel_loop3A_1331 = arith.index_cast %parallel_loop3A_1330 : i32 to index
      %parallel_loop3A_1332 = tpu.vector_load %arg8[%parallel_loop3A_1331] {strides = array<i32>} : memref<4096xi32, #tpu.memory_space<vmem>>, vector<16xi32>,
      %parallel_loop3A_1333 = tpu.vector_load_idx %arg5[%parallel_loop3A_1332] : memref<100000xf32, #tpu.memory_space<vmem>>[vector<16xi32>], vector<16xf32>,
      %parallel_loop3A_1334 = arith.constant 0 : i32
      %parallel_loop3A_1335 = tpu.memref_slice %arg9[%parallel_loop3A_239, %parallel_loop3A_240, %parallel_loop3A_1334] : memref<2x1x4096xf32, #tpu.memory_space<vmem>> -> memref<1x1x4096xf32, #tpu.memory_space<vmem>>
      %parallel_loop3A_1336 = tpu.memref_squeeze %parallel_loop3A_1335 : memref<1x1x4096xf32, #tpu.memory_space<vmem>> -> memref<4096xf32, #tpu.memory_space<vmem>>
      %parallel_loop3A_1337 = arith.index_cast %parallel_loop3A_1330 : i32 to index
      %parallel_loop3A_1338 = tpu.vector_load %parallel_loop3A_1336[%parallel_loop3A_1337] {strides = array<i32>} : memref<4096xf32, #tpu.memory_space<vmem>>, vector<16xf32>,
      tpu.vector_store %parallel_loop3A_1336[%parallel_loop3A_1337], %parallel_loop3A_1333 {strides = array<i32>} : memref<4096xf32, #tpu.memory_space<vmem>>, vector<16xf32>,
    } {sc.loop_unroll_factor = 8 : i64, sc.parallel_access}
    %dma_wait3A_241 = arith.constant 9 : i32
    %dma_wait3A_242 = arith.constant 0 : i32
    %dma_wait3A_243 = tpu.memref_slice %arg2[%dma_wait3A_241, %dma_wait3A_242] : memref<26x4096xi32, #tpu.memory_space<hbm>> -> memref<1x4096xi32, #tpu.memory_space<hbm>>
    %dma_wait3A_244 = tpu.memref_squeeze %dma_wait3A_243 : memref<1x4096xi32, #tpu.memory_space<hbm>> -> memref<4096xi32, #tpu.memory_space<hbm>>
    %dma_wait3A_245 = arith.constant 0 : i32
    %dma_wait3A_246 = tpu.memref_slice %arg2[%dma_wait3A_241, %dma_wait3A_245] : memref<26x4096xi32, #tpu.memory_space<hbm>> -> memref<1x4096xi32, #tpu.memory_space<hbm>>
    %dma_wait3A_247 = tpu.memref_squeeze %dma_wait3A_246 : memref<1x4096xi32, #tpu.memory_space<hbm>> -> memref<4096xi32, #tpu.memory_space<hbm>>
    tpu.wait_dma2 semaphore(%arg12 : memref<!tpu.dma_semaphore, #tpu.memory_space<semaphore_mem>>) src(%dma_wait3A_247 : memref<4096xi32, #tpu.memory_space<hbm>>) dst(%arg6 : memref<4096xi32, #tpu.memory_space<vmem>>)
    %dma_start3A_248 = arith.constant 11 : i32
    %dma_start3A_249 = arith.constant 0 : i32
    %dma_start3A_250 = tpu.memref_slice %arg2[%dma_start3A_248, %dma_start3A_249] : memref<26x4096xi32, #tpu.memory_space<hbm>> -> memref<1x4096xi32, #tpu.memory_space<hbm>>
    %dma_start3A_251 = tpu.memref_squeeze %dma_start3A_250 : memref<1x4096xi32, #tpu.memory_space<hbm>> -> memref<4096xi32, #tpu.memory_space<hbm>>
    %dma_start3A_252 = arith.constant 0 : i32
    %dma_start3A_253 = tpu.memref_slice %arg2[%dma_start3A_248, %dma_start3A_252] : memref<26x4096xi32, #tpu.memory_space<hbm>> -> memref<1x4096xi32, #tpu.memory_space<hbm>>
    %dma_start3A_254 = tpu.memref_squeeze %dma_start3A_253 : memref<1x4096xi32, #tpu.memory_space<hbm>> -> memref<4096xi32, #tpu.memory_space<hbm>>
    tpu.enqueue_dma source(%dma_start3A_254 : memref<4096xi32, #tpu.memory_space<hbm>>) target(%arg8 : memref<4096xi32, #tpu.memory_space<vmem>>) target_semaphore(%arg12 : memref<!tpu.dma_semaphore, #tpu.memory_space<semaphore_mem>>)
    %parallel_loop3A_255 = arith.constant 0 : i32
    %parallel_loop3A_256 = arith.constant 4096 : i32
    %parallel_loop3A_257 = arith.constant 16 : i32
    %parallel_loop3A_258 = arith.constant 1 : i32
    %parallel_loop3A_259 = arith.constant 0 : i32
    scf.for %parallel_loop3A_1330 = %parallel_loop3A_255 to %parallel_loop3A_256 step %parallel_loop3A_257  : i32 {
      %parallel_loop3A_1331 = arith.index_cast %parallel_loop3A_1330 : i32 to index
      %parallel_loop3A_1332 = tpu.vector_load %arg6[%parallel_loop3A_1331] {strides = array<i32>} : memref<4096xi32, #tpu.memory_space<vmem>>, vector<16xi32>,
      %parallel_loop3A_1333 = tpu.vector_load_idx %arg5[%parallel_loop3A_1332] : memref<100000xf32, #tpu.memory_space<vmem>>[vector<16xi32>], vector<16xf32>,
      %parallel_loop3A_1334 = arith.constant 0 : i32
      %parallel_loop3A_1335 = tpu.memref_slice %arg9[%parallel_loop3A_258, %parallel_loop3A_259, %parallel_loop3A_1334] : memref<2x1x4096xf32, #tpu.memory_space<vmem>> -> memref<1x1x4096xf32, #tpu.memory_space<vmem>>
      %parallel_loop3A_1336 = tpu.memref_squeeze %parallel_loop3A_1335 : memref<1x1x4096xf32, #tpu.memory_space<vmem>> -> memref<4096xf32, #tpu.memory_space<vmem>>
      %parallel_loop3A_1337 = arith.index_cast %parallel_loop3A_1330 : i32 to index
      %parallel_loop3A_1338 = tpu.vector_load %parallel_loop3A_1336[%parallel_loop3A_1337] {strides = array<i32>} : memref<4096xf32, #tpu.memory_space<vmem>>, vector<16xf32>,
      tpu.vector_store %parallel_loop3A_1336[%parallel_loop3A_1337], %parallel_loop3A_1333 {strides = array<i32>} : memref<4096xf32, #tpu.memory_space<vmem>>, vector<16xf32>,
    } {sc.loop_unroll_factor = 8 : i64, sc.parallel_access}
    %dma_start3A_260 = arith.constant 8 : i32
    %dma_start3A_261 = arith.constant 0 : i32
    %dma_start3A_262 = tpu.memref_slice %arg4[%dma_start3A_260, %add3A_23, %dma_start3A_261] : memref<26x64x4096xf32, #tpu.memory_space<hbm>> -> memref<2x1x4096xf32, #tpu.memory_space<hbm>>
    %dma_start3A_263 = arith.constant 8 : i32
    %dma_start3A_264 = arith.constant 0 : i32
    %dma_start3A_265 = tpu.memref_slice %arg4[%dma_start3A_263, %add3A_23, %dma_start3A_264] : memref<26x64x4096xf32, #tpu.memory_space<hbm>> -> memref<2x1x4096xf32, #tpu.memory_space<hbm>>
    tpu.enqueue_dma source(%arg9 : memref<2x1x4096xf32, #tpu.memory_space<vmem>>) target(%dma_start3A_265 : memref<2x1x4096xf32, #tpu.memory_space<hbm>>) target_semaphore(%arg13 : memref<!tpu.dma_semaphore, #tpu.memory_space<semaphore_mem>>)
    %dma_wait3A_266 = arith.constant 10 : i32
    %dma_wait3A_267 = arith.constant 0 : i32
    %dma_wait3A_268 = tpu.memref_slice %arg2[%dma_wait3A_266, %dma_wait3A_267] : memref<26x4096xi32, #tpu.memory_space<hbm>> -> memref<1x4096xi32, #tpu.memory_space<hbm>>
    %dma_wait3A_269 = tpu.memref_squeeze %dma_wait3A_268 : memref<1x4096xi32, #tpu.memory_space<hbm>> -> memref<4096xi32, #tpu.memory_space<hbm>>
    %dma_wait3A_270 = arith.constant 0 : i32
    %dma_wait3A_271 = tpu.memref_slice %arg2[%dma_wait3A_266, %dma_wait3A_270] : memref<26x4096xi32, #tpu.memory_space<hbm>> -> memref<1x4096xi32, #tpu.memory_space<hbm>>
    %dma_wait3A_272 = tpu.memref_squeeze %dma_wait3A_271 : memref<1x4096xi32, #tpu.memory_space<hbm>> -> memref<4096xi32, #tpu.memory_space<hbm>>
    tpu.wait_dma2 semaphore(%arg12 : memref<!tpu.dma_semaphore, #tpu.memory_space<semaphore_mem>>) src(%dma_wait3A_272 : memref<4096xi32, #tpu.memory_space<hbm>>) dst(%arg7 : memref<4096xi32, #tpu.memory_space<vmem>>)
    %dma_start3A_273 = arith.constant 12 : i32
    %dma_start3A_274 = arith.constant 0 : i32
    %dma_start3A_275 = tpu.memref_slice %arg2[%dma_start3A_273, %dma_start3A_274] : memref<26x4096xi32, #tpu.memory_space<hbm>> -> memref<1x4096xi32, #tpu.memory_space<hbm>>
    %dma_start3A_276 = tpu.memref_squeeze %dma_start3A_275 : memref<1x4096xi32, #tpu.memory_space<hbm>> -> memref<4096xi32, #tpu.memory_space<hbm>>
    %dma_start3A_277 = arith.constant 0 : i32
    %dma_start3A_278 = tpu.memref_slice %arg2[%dma_start3A_273, %dma_start3A_277] : memref<26x4096xi32, #tpu.memory_space<hbm>> -> memref<1x4096xi32, #tpu.memory_space<hbm>>
    %dma_start3A_279 = tpu.memref_squeeze %dma_start3A_278 : memref<1x4096xi32, #tpu.memory_space<hbm>> -> memref<4096xi32, #tpu.memory_space<hbm>>
    tpu.enqueue_dma source(%dma_start3A_279 : memref<4096xi32, #tpu.memory_space<hbm>>) target(%arg6 : memref<4096xi32, #tpu.memory_space<vmem>>) target_semaphore(%arg12 : memref<!tpu.dma_semaphore, #tpu.memory_space<semaphore_mem>>)
    %dma_wait3A_280 = arith.constant 6 : i32
    %dma_wait3A_281 = arith.constant 0 : i32
    %dma_wait3A_282 = tpu.memref_slice %arg4[%dma_wait3A_280, %add3A_23, %dma_wait3A_281] : memref<26x64x4096xf32, #tpu.memory_space<hbm>> -> memref<2x1x4096xf32, #tpu.memory_space<hbm>>
    %dma_wait3A_283 = arith.constant 6 : i32
    %dma_wait3A_284 = arith.constant 0 : i32
    %dma_wait3A_285 = tpu.memref_slice %arg4[%dma_wait3A_283, %add3A_23, %dma_wait3A_284] : memref<26x64x4096xf32, #tpu.memory_space<hbm>> -> memref<2x1x4096xf32, #tpu.memory_space<hbm>>
    tpu.wait_dma2 semaphore(%arg13 : memref<!tpu.dma_semaphore, #tpu.memory_space<semaphore_mem>>) src(%arg10 : memref<2x1x4096xf32, #tpu.memory_space<vmem>>) dst(%dma_wait3A_285 : memref<2x1x4096xf32, #tpu.memory_space<hbm>>)
    %parallel_loop3A_286 = arith.constant 0 : i32
    %parallel_loop3A_287 = arith.constant 4096 : i32
    %parallel_loop3A_288 = arith.constant 16 : i32
    %parallel_loop3A_289 = arith.constant 0 : i32
    %parallel_loop3A_290 = arith.constant 0 : i32
    scf.for %parallel_loop3A_1330 = %parallel_loop3A_286 to %parallel_loop3A_287 step %parallel_loop3A_288  : i32 {
      %parallel_loop3A_1331 = arith.index_cast %parallel_loop3A_1330 : i32 to index
      %parallel_loop3A_1332 = tpu.vector_load %arg7[%parallel_loop3A_1331] {strides = array<i32>} : memref<4096xi32, #tpu.memory_space<vmem>>, vector<16xi32>,
      %parallel_loop3A_1333 = tpu.vector_load_idx %arg5[%parallel_loop3A_1332] : memref<100000xf32, #tpu.memory_space<vmem>>[vector<16xi32>], vector<16xf32>,
      %parallel_loop3A_1334 = arith.constant 0 : i32
      %parallel_loop3A_1335 = tpu.memref_slice %arg10[%parallel_loop3A_289, %parallel_loop3A_290, %parallel_loop3A_1334] : memref<2x1x4096xf32, #tpu.memory_space<vmem>> -> memref<1x1x4096xf32, #tpu.memory_space<vmem>>
      %parallel_loop3A_1336 = tpu.memref_squeeze %parallel_loop3A_1335 : memref<1x1x4096xf32, #tpu.memory_space<vmem>> -> memref<4096xf32, #tpu.memory_space<vmem>>
      %parallel_loop3A_1337 = arith.index_cast %parallel_loop3A_1330 : i32 to index
      %parallel_loop3A_1338 = tpu.vector_load %parallel_loop3A_1336[%parallel_loop3A_1337] {strides = array<i32>} : memref<4096xf32, #tpu.memory_space<vmem>>, vector<16xf32>,
      tpu.vector_store %parallel_loop3A_1336[%parallel_loop3A_1337], %parallel_loop3A_1333 {strides = array<i32>} : memref<4096xf32, #tpu.memory_space<vmem>>, vector<16xf32>,
    } {sc.loop_unroll_factor = 8 : i64, sc.parallel_access}
    %dma_wait3A_291 = arith.constant 11 : i32
    %dma_wait3A_292 = arith.constant 0 : i32
    %dma_wait3A_293 = tpu.memref_slice %arg2[%dma_wait3A_291, %dma_wait3A_292] : memref<26x4096xi32, #tpu.memory_space<hbm>> -> memref<1x4096xi32, #tpu.memory_space<hbm>>
    %dma_wait3A_294 = tpu.memref_squeeze %dma_wait3A_293 : memref<1x4096xi32, #tpu.memory_space<hbm>> -> memref<4096xi32, #tpu.memory_space<hbm>>
    %dma_wait3A_295 = arith.constant 0 : i32
    %dma_wait3A_296 = tpu.memref_slice %arg2[%dma_wait3A_291, %dma_wait3A_295] : memref<26x4096xi32, #tpu.memory_space<hbm>> -> memref<1x4096xi32, #tpu.memory_space<hbm>>
    %dma_wait3A_297 = tpu.memref_squeeze %dma_wait3A_296 : memref<1x4096xi32, #tpu.memory_space<hbm>> -> memref<4096xi32, #tpu.memory_space<hbm>>
    tpu.wait_dma2 semaphore(%arg12 : memref<!tpu.dma_semaphore, #tpu.memory_space<semaphore_mem>>) src(%dma_wait3A_297 : memref<4096xi32, #tpu.memory_space<hbm>>) dst(%arg8 : memref<4096xi32, #tpu.memory_space<vmem>>)
    %dma_start3A_298 = arith.constant 13 : i32
    %dma_start3A_299 = arith.constant 0 : i32
    %dma_start3A_300 = tpu.memref_slice %arg2[%dma_start3A_298, %dma_start3A_299] : memref<26x4096xi32, #tpu.memory_space<hbm>> -> memref<1x4096xi32, #tpu.memory_space<hbm>>
    %dma_start3A_301 = tpu.memref_squeeze %dma_start3A_300 : memref<1x4096xi32, #tpu.memory_space<hbm>> -> memref<4096xi32, #tpu.memory_space<hbm>>
    %dma_start3A_302 = arith.constant 0 : i32
    %dma_start3A_303 = tpu.memref_slice %arg2[%dma_start3A_298, %dma_start3A_302] : memref<26x4096xi32, #tpu.memory_space<hbm>> -> memref<1x4096xi32, #tpu.memory_space<hbm>>
    %dma_start3A_304 = tpu.memref_squeeze %dma_start3A_303 : memref<1x4096xi32, #tpu.memory_space<hbm>> -> memref<4096xi32, #tpu.memory_space<hbm>>
    tpu.enqueue_dma source(%dma_start3A_304 : memref<4096xi32, #tpu.memory_space<hbm>>) target(%arg7 : memref<4096xi32, #tpu.memory_space<vmem>>) target_semaphore(%arg12 : memref<!tpu.dma_semaphore, #tpu.memory_space<semaphore_mem>>)
    %parallel_loop3A_305 = arith.constant 0 : i32
    %parallel_loop3A_306 = arith.constant 4096 : i32
    %parallel_loop3A_307 = arith.constant 16 : i32
    %parallel_loop3A_308 = arith.constant 1 : i32
    %parallel_loop3A_309 = arith.constant 0 : i32
    scf.for %parallel_loop3A_1330 = %parallel_loop3A_305 to %parallel_loop3A_306 step %parallel_loop3A_307  : i32 {
      %parallel_loop3A_1331 = arith.index_cast %parallel_loop3A_1330 : i32 to index
      %parallel_loop3A_1332 = tpu.vector_load %arg8[%parallel_loop3A_1331] {strides = array<i32>} : memref<4096xi32, #tpu.memory_space<vmem>>, vector<16xi32>,
      %parallel_loop3A_1333 = tpu.vector_load_idx %arg5[%parallel_loop3A_1332] : memref<100000xf32, #tpu.memory_space<vmem>>[vector<16xi32>], vector<16xf32>,
      %parallel_loop3A_1334 = arith.constant 0 : i32
      %parallel_loop3A_1335 = tpu.memref_slice %arg10[%parallel_loop3A_308, %parallel_loop3A_309, %parallel_loop3A_1334] : memref<2x1x4096xf32, #tpu.memory_space<vmem>> -> memref<1x1x4096xf32, #tpu.memory_space<vmem>>
      %parallel_loop3A_1336 = tpu.memref_squeeze %parallel_loop3A_1335 : memref<1x1x4096xf32, #tpu.memory_space<vmem>> -> memref<4096xf32, #tpu.memory_space<vmem>>
      %parallel_loop3A_1337 = arith.index_cast %parallel_loop3A_1330 : i32 to index
      %parallel_loop3A_1338 = tpu.vector_load %parallel_loop3A_1336[%parallel_loop3A_1337] {strides = array<i32>} : memref<4096xf32, #tpu.memory_space<vmem>>, vector<16xf32>,
      tpu.vector_store %parallel_loop3A_1336[%parallel_loop3A_1337], %parallel_loop3A_1333 {strides = array<i32>} : memref<4096xf32, #tpu.memory_space<vmem>>, vector<16xf32>,
    } {sc.loop_unroll_factor = 8 : i64, sc.parallel_access}
    %dma_start3A_310 = arith.constant 10 : i32
    %dma_start3A_311 = arith.constant 0 : i32
    %dma_start3A_312 = tpu.memref_slice %arg4[%dma_start3A_310, %add3A_23, %dma_start3A_311] : memref<26x64x4096xf32, #tpu.memory_space<hbm>> -> memref<2x1x4096xf32, #tpu.memory_space<hbm>>
    %dma_start3A_313 = arith.constant 10 : i32
    %dma_start3A_314 = arith.constant 0 : i32
    %dma_start3A_315 = tpu.memref_slice %arg4[%dma_start3A_313, %add3A_23, %dma_start3A_314] : memref<26x64x4096xf32, #tpu.memory_space<hbm>> -> memref<2x1x4096xf32, #tpu.memory_space<hbm>>
    tpu.enqueue_dma source(%arg10 : memref<2x1x4096xf32, #tpu.memory_space<vmem>>) target(%dma_start3A_315 : memref<2x1x4096xf32, #tpu.memory_space<hbm>>) target_semaphore(%arg13 : memref<!tpu.dma_semaphore, #tpu.memory_space<semaphore_mem>>)
    %dma_wait3A_316 = arith.constant 12 : i32
    %dma_wait3A_317 = arith.constant 0 : i32
    %dma_wait3A_318 = tpu.memref_slice %arg2[%dma_wait3A_316, %dma_wait3A_317] : memref<26x4096xi32, #tpu.memory_space<hbm>> -> memref<1x4096xi32, #tpu.memory_space<hbm>>
    %dma_wait3A_319 = tpu.memref_squeeze %dma_wait3A_318 : memref<1x4096xi32, #tpu.memory_space<hbm>> -> memref<4096xi32, #tpu.memory_space<hbm>>
    %dma_wait3A_320 = arith.constant 0 : i32
    %dma_wait3A_321 = tpu.memref_slice %arg2[%dma_wait3A_316, %dma_wait3A_320] : memref<26x4096xi32, #tpu.memory_space<hbm>> -> memref<1x4096xi32, #tpu.memory_space<hbm>>
    %dma_wait3A_322 = tpu.memref_squeeze %dma_wait3A_321 : memref<1x4096xi32, #tpu.memory_space<hbm>> -> memref<4096xi32, #tpu.memory_space<hbm>>
    tpu.wait_dma2 semaphore(%arg12 : memref<!tpu.dma_semaphore, #tpu.memory_space<semaphore_mem>>) src(%dma_wait3A_322 : memref<4096xi32, #tpu.memory_space<hbm>>) dst(%arg6 : memref<4096xi32, #tpu.memory_space<vmem>>)
    %dma_start3A_323 = arith.constant 14 : i32
    %dma_start3A_324 = arith.constant 0 : i32
    %dma_start3A_325 = tpu.memref_slice %arg2[%dma_start3A_323, %dma_start3A_324] : memref<26x4096xi32, #tpu.memory_space<hbm>> -> memref<1x4096xi32, #tpu.memory_space<hbm>>
    %dma_start3A_326 = tpu.memref_squeeze %dma_start3A_325 : memref<1x4096xi32, #tpu.memory_space<hbm>> -> memref<4096xi32, #tpu.memory_space<hbm>>
    %dma_start3A_327 = arith.constant 0 : i32
    %dma_start3A_328 = tpu.memref_slice %arg2[%dma_start3A_323, %dma_start3A_327] : memref<26x4096xi32, #tpu.memory_space<hbm>> -> memref<1x4096xi32, #tpu.memory_space<hbm>>
    %dma_start3A_329 = tpu.memref_squeeze %dma_start3A_328 : memref<1x4096xi32, #tpu.memory_space<hbm>> -> memref<4096xi32, #tpu.memory_space<hbm>>
    tpu.enqueue_dma source(%dma_start3A_329 : memref<4096xi32, #tpu.memory_space<hbm>>) target(%arg8 : memref<4096xi32, #tpu.memory_space<vmem>>) target_semaphore(%arg12 : memref<!tpu.dma_semaphore, #tpu.memory_space<semaphore_mem>>)
    %dma_wait3A_330 = arith.constant 8 : i32
    %dma_wait3A_331 = arith.constant 0 : i32
    %dma_wait3A_332 = tpu.memref_slice %arg4[%dma_wait3A_330, %add3A_23, %dma_wait3A_331] : memref<26x64x4096xf32, #tpu.memory_space<hbm>> -> memref<2x1x4096xf32, #tpu.memory_space<hbm>>
    %dma_wait3A_333 = arith.constant 8 : i32
    %dma_wait3A_334 = arith.constant 0 : i32
    %dma_wait3A_335 = tpu.memref_slice %arg4[%dma_wait3A_333, %add3A_23, %dma_wait3A_334] : memref<26x64x4096xf32, #tpu.memory_space<hbm>> -> memref<2x1x4096xf32, #tpu.memory_space<hbm>>
    tpu.wait_dma2 semaphore(%arg13 : memref<!tpu.dma_semaphore, #tpu.memory_space<semaphore_mem>>) src(%arg9 : memref<2x1x4096xf32, #tpu.memory_space<vmem>>) dst(%dma_wait3A_335 : memref<2x1x4096xf32, #tpu.memory_space<hbm>>)
    %parallel_loop3A_336 = arith.constant 0 : i32
    %parallel_loop3A_337 = arith.constant 4096 : i32
    %parallel_loop3A_338 = arith.constant 16 : i32
    %parallel_loop3A_339 = arith.constant 0 : i32
    %parallel_loop3A_340 = arith.constant 0 : i32
    scf.for %parallel_loop3A_1330 = %parallel_loop3A_336 to %parallel_loop3A_337 step %parallel_loop3A_338  : i32 {
      %parallel_loop3A_1331 = arith.index_cast %parallel_loop3A_1330 : i32 to index
      %parallel_loop3A_1332 = tpu.vector_load %arg6[%parallel_loop3A_1331] {strides = array<i32>} : memref<4096xi32, #tpu.memory_space<vmem>>, vector<16xi32>,
      %parallel_loop3A_1333 = tpu.vector_load_idx %arg5[%parallel_loop3A_1332] : memref<100000xf32, #tpu.memory_space<vmem>>[vector<16xi32>], vector<16xf32>,
      %parallel_loop3A_1334 = arith.constant 0 : i32
      %parallel_loop3A_1335 = tpu.memref_slice %arg9[%parallel_loop3A_339, %parallel_loop3A_340, %parallel_loop3A_1334] : memref<2x1x4096xf32, #tpu.memory_space<vmem>> -> memref<1x1x4096xf32, #tpu.memory_space<vmem>>
      %parallel_loop3A_1336 = tpu.memref_squeeze %parallel_loop3A_1335 : memref<1x1x4096xf32, #tpu.memory_space<vmem>> -> memref<4096xf32, #tpu.memory_space<vmem>>
      %parallel_loop3A_1337 = arith.index_cast %parallel_loop3A_1330 : i32 to index
      %parallel_loop3A_1338 = tpu.vector_load %parallel_loop3A_1336[%parallel_loop3A_1337] {strides = array<i32>} : memref<4096xf32, #tpu.memory_space<vmem>>, vector<16xf32>,
      tpu.vector_store %parallel_loop3A_1336[%parallel_loop3A_1337], %parallel_loop3A_1333 {strides = array<i32>} : memref<4096xf32, #tpu.memory_space<vmem>>, vector<16xf32>,
    } {sc.loop_unroll_factor = 8 : i64, sc.parallel_access}
    %dma_wait3A_341 = arith.constant 13 : i32
    %dma_wait3A_342 = arith.constant 0 : i32
    %dma_wait3A_343 = tpu.memref_slice %arg2[%dma_wait3A_341, %dma_wait3A_342] : memref<26x4096xi32, #tpu.memory_space<hbm>> -> memref<1x4096xi32, #tpu.memory_space<hbm>>
    %dma_wait3A_344 = tpu.memref_squeeze %dma_wait3A_343 : memref<1x4096xi32, #tpu.memory_space<hbm>> -> memref<4096xi32, #tpu.memory_space<hbm>>
    %dma_wait3A_345 = arith.constant 0 : i32
    %dma_wait3A_346 = tpu.memref_slice %arg2[%dma_wait3A_341, %dma_wait3A_345] : memref<26x4096xi32, #tpu.memory_space<hbm>> -> memref<1x4096xi32, #tpu.memory_space<hbm>>
    %dma_wait3A_347 = tpu.memref_squeeze %dma_wait3A_346 : memref<1x4096xi32, #tpu.memory_space<hbm>> -> memref<4096xi32, #tpu.memory_space<hbm>>
    tpu.wait_dma2 semaphore(%arg12 : memref<!tpu.dma_semaphore, #tpu.memory_space<semaphore_mem>>) src(%dma_wait3A_347 : memref<4096xi32, #tpu.memory_space<hbm>>) dst(%arg7 : memref<4096xi32, #tpu.memory_space<vmem>>)
    %dma_start3A_348 = arith.constant 15 : i32
    %dma_start3A_349 = arith.constant 0 : i32
    %dma_start3A_350 = tpu.memref_slice %arg2[%dma_start3A_348, %dma_start3A_349] : memref<26x4096xi32, #tpu.memory_space<hbm>> -> memref<1x4096xi32, #tpu.memory_space<hbm>>
    %dma_start3A_351 = tpu.memref_squeeze %dma_start3A_350 : memref<1x4096xi32, #tpu.memory_space<hbm>> -> memref<4096xi32, #tpu.memory_space<hbm>>
    %dma_start3A_352 = arith.constant 0 : i32
    %dma_start3A_353 = tpu.memref_slice %arg2[%dma_start3A_348, %dma_start3A_352] : memref<26x4096xi32, #tpu.memory_space<hbm>> -> memref<1x4096xi32, #tpu.memory_space<hbm>>
    %dma_start3A_354 = tpu.memref_squeeze %dma_start3A_353 : memref<1x4096xi32, #tpu.memory_space<hbm>> -> memref<4096xi32, #tpu.memory_space<hbm>>
    tpu.enqueue_dma source(%dma_start3A_354 : memref<4096xi32, #tpu.memory_space<hbm>>) target(%arg6 : memref<4096xi32, #tpu.memory_space<vmem>>) target_semaphore(%arg12 : memref<!tpu.dma_semaphore, #tpu.memory_space<semaphore_mem>>)
    %parallel_loop3A_355 = arith.constant 0 : i32
    %parallel_loop3A_356 = arith.constant 4096 : i32
    %parallel_loop3A_357 = arith.constant 16 : i32
    %parallel_loop3A_358 = arith.constant 1 : i32
    %parallel_loop3A_359 = arith.constant 0 : i32
    scf.for %parallel_loop3A_1330 = %parallel_loop3A_355 to %parallel_loop3A_356 step %parallel_loop3A_357  : i32 {
      %parallel_loop3A_1331 = arith.index_cast %parallel_loop3A_1330 : i32 to index
      %parallel_loop3A_1332 = tpu.vector_load %arg7[%parallel_loop3A_1331] {strides = array<i32>} : memref<4096xi32, #tpu.memory_space<vmem>>, vector<16xi32>,
      %parallel_loop3A_1333 = tpu.vector_load_idx %arg5[%parallel_loop3A_1332] : memref<100000xf32, #tpu.memory_space<vmem>>[vector<16xi32>], vector<16xf32>,
      %parallel_loop3A_1334 = arith.constant 0 : i32
      %parallel_loop3A_1335 = tpu.memref_slice %arg9[%parallel_loop3A_358, %parallel_loop3A_359, %parallel_loop3A_1334] : memref<2x1x4096xf32, #tpu.memory_space<vmem>> -> memref<1x1x4096xf32, #tpu.memory_space<vmem>>
      %parallel_loop3A_1336 = tpu.memref_squeeze %parallel_loop3A_1335 : memref<1x1x4096xf32, #tpu.memory_space<vmem>> -> memref<4096xf32, #tpu.memory_space<vmem>>
      %parallel_loop3A_1337 = arith.index_cast %parallel_loop3A_1330 : i32 to index
      %parallel_loop3A_1338 = tpu.vector_load %parallel_loop3A_1336[%parallel_loop3A_1337] {strides = array<i32>} : memref<4096xf32, #tpu.memory_space<vmem>>, vector<16xf32>,
      tpu.vector_store %parallel_loop3A_1336[%parallel_loop3A_1337], %parallel_loop3A_1333 {strides = array<i32>} : memref<4096xf32, #tpu.memory_space<vmem>>, vector<16xf32>,
    } {sc.loop_unroll_factor = 8 : i64, sc.parallel_access}
    %dma_start3A_360 = arith.constant 12 : i32
    %dma_start3A_361 = arith.constant 0 : i32
    %dma_start3A_362 = tpu.memref_slice %arg4[%dma_start3A_360, %add3A_23, %dma_start3A_361] : memref<26x64x4096xf32, #tpu.memory_space<hbm>> -> memref<2x1x4096xf32, #tpu.memory_space<hbm>>
    %dma_start3A_363 = arith.constant 12 : i32
    %dma_start3A_364 = arith.constant 0 : i32
    %dma_start3A_365 = tpu.memref_slice %arg4[%dma_start3A_363, %add3A_23, %dma_start3A_364] : memref<26x64x4096xf32, #tpu.memory_space<hbm>> -> memref<2x1x4096xf32, #tpu.memory_space<hbm>>
    tpu.enqueue_dma source(%arg9 : memref<2x1x4096xf32, #tpu.memory_space<vmem>>) target(%dma_start3A_365 : memref<2x1x4096xf32, #tpu.memory_space<hbm>>) target_semaphore(%arg13 : memref<!tpu.dma_semaphore, #tpu.memory_space<semaphore_mem>>)
    %dma_wait3A_366 = arith.constant 14 : i32
    %dma_wait3A_367 = arith.constant 0 : i32
    %dma_wait3A_368 = tpu.memref_slice %arg2[%dma_wait3A_366, %dma_wait3A_367] : memref<26x4096xi32, #tpu.memory_space<hbm>> -> memref<1x4096xi32, #tpu.memory_space<hbm>>
    %dma_wait3A_369 = tpu.memref_squeeze %dma_wait3A_368 : memref<1x4096xi32, #tpu.memory_space<hbm>> -> memref<4096xi32, #tpu.memory_space<hbm>>
    %dma_wait3A_370 = arith.constant 0 : i32
    %dma_wait3A_371 = tpu.memref_slice %arg2[%dma_wait3A_366, %dma_wait3A_370] : memref<26x4096xi32, #tpu.memory_space<hbm>> -> memref<1x4096xi32, #tpu.memory_space<hbm>>
    %dma_wait3A_372 = tpu.memref_squeeze %dma_wait3A_371 : memref<1x4096xi32, #tpu.memory_space<hbm>> -> memref<4096xi32, #tpu.memory_space<hbm>>
    tpu.wait_dma2 semaphore(%arg12 : memref<!tpu.dma_semaphore, #tpu.memory_space<semaphore_mem>>) src(%dma_wait3A_372 : memref<4096xi32, #tpu.memory_space<hbm>>) dst(%arg8 : memref<4096xi32, #tpu.memory_space<vmem>>)
    %dma_start3A_373 = arith.constant 16 : i32
    %dma_start3A_374 = arith.constant 0 : i32
    %dma_start3A_375 = tpu.memref_slice %arg2[%dma_start3A_373, %dma_start3A_374] : memref<26x4096xi32, #tpu.memory_space<hbm>> -> memref<1x4096xi32, #tpu.memory_space<hbm>>
    %dma_start3A_376 = tpu.memref_squeeze %dma_start3A_375 : memref<1x4096xi32, #tpu.memory_space<hbm>> -> memref<4096xi32, #tpu.memory_space<hbm>>
    %dma_start3A_377 = arith.constant 0 : i32
    %dma_start3A_378 = tpu.memref_slice %arg2[%dma_start3A_373, %dma_start3A_377] : memref<26x4096xi32, #tpu.memory_space<hbm>> -> memref<1x4096xi32, #tpu.memory_space<hbm>>
    %dma_start3A_379 = tpu.memref_squeeze %dma_start3A_378 : memref<1x4096xi32, #tpu.memory_space<hbm>> -> memref<4096xi32, #tpu.memory_space<hbm>>
    tpu.enqueue_dma source(%dma_start3A_379 : memref<4096xi32, #tpu.memory_space<hbm>>) target(%arg7 : memref<4096xi32, #tpu.memory_space<vmem>>) target_semaphore(%arg12 : memref<!tpu.dma_semaphore, #tpu.memory_space<semaphore_mem>>)
    %dma_wait3A_380 = arith.constant 10 : i32
    %dma_wait3A_381 = arith.constant 0 : i32
    %dma_wait3A_382 = tpu.memref_slice %arg4[%dma_wait3A_380, %add3A_23, %dma_wait3A_381] : memref<26x64x4096xf32, #tpu.memory_space<hbm>> -> memref<2x1x4096xf32, #tpu.memory_space<hbm>>
    %dma_wait3A_383 = arith.constant 10 : i32
    %dma_wait3A_384 = arith.constant 0 : i32
    %dma_wait3A_385 = tpu.memref_slice %arg4[%dma_wait3A_383, %add3A_23, %dma_wait3A_384] : memref<26x64x4096xf32, #tpu.memory_space<hbm>> -> memref<2x1x4096xf32, #tpu.memory_space<hbm>>
    tpu.wait_dma2 semaphore(%arg13 : memref<!tpu.dma_semaphore, #tpu.memory_space<semaphore_mem>>) src(%arg10 : memref<2x1x4096xf32, #tpu.memory_space<vmem>>) dst(%dma_wait3A_385 : memref<2x1x4096xf32, #tpu.memory_space<hbm>>)
    %parallel_loop3A_386 = arith.constant 0 : i32
    %parallel_loop3A_387 = arith.constant 4096 : i32
    %parallel_loop3A_388 = arith.constant 16 : i32
    %parallel_loop3A_389 = arith.constant 0 : i32
    %parallel_loop3A_390 = arith.constant 0 : i32
    scf.for %parallel_loop3A_1330 = %parallel_loop3A_386 to %parallel_loop3A_387 step %parallel_loop3A_388  : i32 {
      %parallel_loop3A_1331 = arith.index_cast %parallel_loop3A_1330 : i32 to index
      %parallel_loop3A_1332 = tpu.vector_load %arg8[%parallel_loop3A_1331] {strides = array<i32>} : memref<4096xi32, #tpu.memory_space<vmem>>, vector<16xi32>,
      %parallel_loop3A_1333 = tpu.vector_load_idx %arg5[%parallel_loop3A_1332] : memref<100000xf32, #tpu.memory_space<vmem>>[vector<16xi32>], vector<16xf32>,
      %parallel_loop3A_1334 = arith.constant 0 : i32
      %parallel_loop3A_1335 = tpu.memref_slice %arg10[%parallel_loop3A_389, %parallel_loop3A_390, %parallel_loop3A_1334] : memref<2x1x4096xf32, #tpu.memory_space<vmem>> -> memref<1x1x4096xf32, #tpu.memory_space<vmem>>
      %parallel_loop3A_1336 = tpu.memref_squeeze %parallel_loop3A_1335 : memref<1x1x4096xf32, #tpu.memory_space<vmem>> -> memref<4096xf32, #tpu.memory_space<vmem>>
      %parallel_loop3A_1337 = arith.index_cast %parallel_loop3A_1330 : i32 to index
      %parallel_loop3A_1338 = tpu.vector_load %parallel_loop3A_1336[%parallel_loop3A_1337] {strides = array<i32>} : memref<4096xf32, #tpu.memory_space<vmem>>, vector<16xf32>,
      tpu.vector_store %parallel_loop3A_1336[%parallel_loop3A_1337], %parallel_loop3A_1333 {strides = array<i32>} : memref<4096xf32, #tpu.memory_space<vmem>>, vector<16xf32>,
    } {sc.loop_unroll_factor = 8 : i64, sc.parallel_access}
    %dma_wait3A_391 = arith.constant 15 : i32
    %dma_wait3A_392 = arith.constant 0 : i32
    %dma_wait3A_393 = tpu.memref_slice %arg2[%dma_wait3A_391, %dma_wait3A_392] : memref<26x4096xi32, #tpu.memory_space<hbm>> -> memref<1x4096xi32, #tpu.memory_space<hbm>>
    %dma_wait3A_394 = tpu.memref_squeeze %dma_wait3A_393 : memref<1x4096xi32, #tpu.memory_space<hbm>> -> memref<4096xi32, #tpu.memory_space<hbm>>
    %dma_wait3A_395 = arith.constant 0 : i32
    %dma_wait3A_396 = tpu.memref_slice %arg2[%dma_wait3A_391, %dma_wait3A_395] : memref<26x4096xi32, #tpu.memory_space<hbm>> -> memref<1x4096xi32, #tpu.memory_space<hbm>>
    %dma_wait3A_397 = tpu.memref_squeeze %dma_wait3A_396 : memref<1x4096xi32, #tpu.memory_space<hbm>> -> memref<4096xi32, #tpu.memory_space<hbm>>
    tpu.wait_dma2 semaphore(%arg12 : memref<!tpu.dma_semaphore, #tpu.memory_space<semaphore_mem>>) src(%dma_wait3A_397 : memref<4096xi32, #tpu.memory_space<hbm>>) dst(%arg6 : memref<4096xi32, #tpu.memory_space<vmem>>)
    %dma_start3A_398 = arith.constant 17 : i32
    %dma_start3A_399 = arith.constant 0 : i32
    %dma_start3A_400 = tpu.memref_slice %arg2[%dma_start3A_398, %dma_start3A_399] : memref<26x4096xi32, #tpu.memory_space<hbm>> -> memref<1x4096xi32, #tpu.memory_space<hbm>>
    %dma_start3A_401 = tpu.memref_squeeze %dma_start3A_400 : memref<1x4096xi32, #tpu.memory_space<hbm>> -> memref<4096xi32, #tpu.memory_space<hbm>>
    %dma_start3A_402 = arith.constant 0 : i32
    %dma_start3A_403 = tpu.memref_slice %arg2[%dma_start3A_398, %dma_start3A_402] : memref<26x4096xi32, #tpu.memory_space<hbm>> -> memref<1x4096xi32, #tpu.memory_space<hbm>>
    %dma_start3A_404 = tpu.memref_squeeze %dma_start3A_403 : memref<1x4096xi32, #tpu.memory_space<hbm>> -> memref<4096xi32, #tpu.memory_space<hbm>>
    tpu.enqueue_dma source(%dma_start3A_404 : memref<4096xi32, #tpu.memory_space<hbm>>) target(%arg8 : memref<4096xi32, #tpu.memory_space<vmem>>) target_semaphore(%arg12 : memref<!tpu.dma_semaphore, #tpu.memory_space<semaphore_mem>>)
    %parallel_loop3A_405 = arith.constant 0 : i32
    %parallel_loop3A_406 = arith.constant 4096 : i32
    %parallel_loop3A_407 = arith.constant 16 : i32
    %parallel_loop3A_408 = arith.constant 1 : i32
    %parallel_loop3A_409 = arith.constant 0 : i32
    scf.for %parallel_loop3A_1330 = %parallel_loop3A_405 to %parallel_loop3A_406 step %parallel_loop3A_407  : i32 {
      %parallel_loop3A_1331 = arith.index_cast %parallel_loop3A_1330 : i32 to index
      %parallel_loop3A_1332 = tpu.vector_load %arg6[%parallel_loop3A_1331] {strides = array<i32>} : memref<4096xi32, #tpu.memory_space<vmem>>, vector<16xi32>,
      %parallel_loop3A_1333 = tpu.vector_load_idx %arg5[%parallel_loop3A_1332] : memref<100000xf32, #tpu.memory_space<vmem>>[vector<16xi32>], vector<16xf32>,
      %parallel_loop3A_1334 = arith.constant 0 : i32
      %parallel_loop3A_1335 = tpu.memref_slice %arg10[%parallel_loop3A_408, %parallel_loop3A_409, %parallel_loop3A_1334] : memref<2x1x4096xf32, #tpu.memory_space<vmem>> -> memref<1x1x4096xf32, #tpu.memory_space<vmem>>
      %parallel_loop3A_1336 = tpu.memref_squeeze %parallel_loop3A_1335 : memref<1x1x4096xf32, #tpu.memory_space<vmem>> -> memref<4096xf32, #tpu.memory_space<vmem>>
      %parallel_loop3A_1337 = arith.index_cast %parallel_loop3A_1330 : i32 to index
      %parallel_loop3A_1338 = tpu.vector_load %parallel_loop3A_1336[%parallel_loop3A_1337] {strides = array<i32>} : memref<4096xf32, #tpu.memory_space<vmem>>, vector<16xf32>,
      tpu.vector_store %parallel_loop3A_1336[%parallel_loop3A_1337], %parallel_loop3A_1333 {strides = array<i32>} : memref<4096xf32, #tpu.memory_space<vmem>>, vector<16xf32>,
    } {sc.loop_unroll_factor = 8 : i64, sc.parallel_access}
    %dma_start3A_410 = arith.constant 14 : i32
    %dma_start3A_411 = arith.constant 0 : i32
    %dma_start3A_412 = tpu.memref_slice %arg4[%dma_start3A_410, %add3A_23, %dma_start3A_411] : memref<26x64x4096xf32, #tpu.memory_space<hbm>> -> memref<2x1x4096xf32, #tpu.memory_space<hbm>>
    %dma_start3A_413 = arith.constant 14 : i32
    %dma_start3A_414 = arith.constant 0 : i32
    %dma_start3A_415 = tpu.memref_slice %arg4[%dma_start3A_413, %add3A_23, %dma_start3A_414] : memref<26x64x4096xf32, #tpu.memory_space<hbm>> -> memref<2x1x4096xf32, #tpu.memory_space<hbm>>
    tpu.enqueue_dma source(%arg10 : memref<2x1x4096xf32, #tpu.memory_space<vmem>>) target(%dma_start3A_415 : memref<2x1x4096xf32, #tpu.memory_space<hbm>>) target_semaphore(%arg13 : memref<!tpu.dma_semaphore, #tpu.memory_space<semaphore_mem>>)
    %dma_wait3A_416 = arith.constant 16 : i32
    %dma_wait3A_417 = arith.constant 0 : i32
    %dma_wait3A_418 = tpu.memref_slice %arg2[%dma_wait3A_416, %dma_wait3A_417] : memref<26x4096xi32, #tpu.memory_space<hbm>> -> memref<1x4096xi32, #tpu.memory_space<hbm>>
    %dma_wait3A_419 = tpu.memref_squeeze %dma_wait3A_418 : memref<1x4096xi32, #tpu.memory_space<hbm>> -> memref<4096xi32, #tpu.memory_space<hbm>>
    %dma_wait3A_420 = arith.constant 0 : i32
    %dma_wait3A_421 = tpu.memref_slice %arg2[%dma_wait3A_416, %dma_wait3A_420] : memref<26x4096xi32, #tpu.memory_space<hbm>> -> memref<1x4096xi32, #tpu.memory_space<hbm>>
    %dma_wait3A_422 = tpu.memref_squeeze %dma_wait3A_421 : memref<1x4096xi32, #tpu.memory_space<hbm>> -> memref<4096xi32, #tpu.memory_space<hbm>>
    tpu.wait_dma2 semaphore(%arg12 : memref<!tpu.dma_semaphore, #tpu.memory_space<semaphore_mem>>) src(%dma_wait3A_422 : memref<4096xi32, #tpu.memory_space<hbm>>) dst(%arg7 : memref<4096xi32, #tpu.memory_space<vmem>>)
    %dma_start3A_423 = arith.constant 18 : i32
    %dma_start3A_424 = arith.constant 0 : i32
    %dma_start3A_425 = tpu.memref_slice %arg2[%dma_start3A_423, %dma_start3A_424] : memref<26x4096xi32, #tpu.memory_space<hbm>> -> memref<1x4096xi32, #tpu.memory_space<hbm>>
    %dma_start3A_426 = tpu.memref_squeeze %dma_start3A_425 : memref<1x4096xi32, #tpu.memory_space<hbm>> -> memref<4096xi32, #tpu.memory_space<hbm>>
    %dma_start3A_427 = arith.constant 0 : i32
    %dma_start3A_428 = tpu.memref_slice %arg2[%dma_start3A_423, %dma_start3A_427] : memref<26x4096xi32, #tpu.memory_space<hbm>> -> memref<1x4096xi32, #tpu.memory_space<hbm>>
    %dma_start3A_429 = tpu.memref_squeeze %dma_start3A_428 : memref<1x4096xi32, #tpu.memory_space<hbm>> -> memref<4096xi32, #tpu.memory_space<hbm>>
    tpu.enqueue_dma source(%dma_start3A_429 : memref<4096xi32, #tpu.memory_space<hbm>>) target(%arg6 : memref<4096xi32, #tpu.memory_space<vmem>>) target_semaphore(%arg12 : memref<!tpu.dma_semaphore, #tpu.memory_space<semaphore_mem>>)
    %dma_wait3A_430 = arith.constant 12 : i32
    %dma_wait3A_431 = arith.constant 0 : i32
    %dma_wait3A_432 = tpu.memref_slice %arg4[%dma_wait3A_430, %add3A_23, %dma_wait3A_431] : memref<26x64x4096xf32, #tpu.memory_space<hbm>> -> memref<2x1x4096xf32, #tpu.memory_space<hbm>>
    %dma_wait3A_433 = arith.constant 12 : i32
    %dma_wait3A_434 = arith.constant 0 : i32
    %dma_wait3A_435 = tpu.memref_slice %arg4[%dma_wait3A_433, %add3A_23, %dma_wait3A_434] : memref<26x64x4096xf32, #tpu.memory_space<hbm>> -> memref<2x1x4096xf32, #tpu.memory_space<hbm>>
    tpu.wait_dma2 semaphore(%arg13 : memref<!tpu.dma_semaphore, #tpu.memory_space<semaphore_mem>>) src(%arg9 : memref<2x1x4096xf32, #tpu.memory_space<vmem>>) dst(%dma_wait3A_435 : memref<2x1x4096xf32, #tpu.memory_space<hbm>>)
    %parallel_loop3A_436 = arith.constant 0 : i32
    %parallel_loop3A_437 = arith.constant 4096 : i32
    %parallel_loop3A_438 = arith.constant 16 : i32
    %parallel_loop3A_439 = arith.constant 0 : i32
    %parallel_loop3A_440 = arith.constant 0 : i32
    scf.for %parallel_loop3A_1330 = %parallel_loop3A_436 to %parallel_loop3A_437 step %parallel_loop3A_438  : i32 {
      %parallel_loop3A_1331 = arith.index_cast %parallel_loop3A_1330 : i32 to index
      %parallel_loop3A_1332 = tpu.vector_load %arg7[%parallel_loop3A_1331] {strides = array<i32>} : memref<4096xi32, #tpu.memory_space<vmem>>, vector<16xi32>,
      %parallel_loop3A_1333 = tpu.vector_load_idx %arg5[%parallel_loop3A_1332] : memref<100000xf32, #tpu.memory_space<vmem>>[vector<16xi32>], vector<16xf32>,
      %parallel_loop3A_1334 = arith.constant 0 : i32
      %parallel_loop3A_1335 = tpu.memref_slice %arg9[%parallel_loop3A_439, %parallel_loop3A_440, %parallel_loop3A_1334] : memref<2x1x4096xf32, #tpu.memory_space<vmem>> -> memref<1x1x4096xf32, #tpu.memory_space<vmem>>
      %parallel_loop3A_1336 = tpu.memref_squeeze %parallel_loop3A_1335 : memref<1x1x4096xf32, #tpu.memory_space<vmem>> -> memref<4096xf32, #tpu.memory_space<vmem>>
      %parallel_loop3A_1337 = arith.index_cast %parallel_loop3A_1330 : i32 to index
      %parallel_loop3A_1338 = tpu.vector_load %parallel_loop3A_1336[%parallel_loop3A_1337] {strides = array<i32>} : memref<4096xf32, #tpu.memory_space<vmem>>, vector<16xf32>,
      tpu.vector_store %parallel_loop3A_1336[%parallel_loop3A_1337], %parallel_loop3A_1333 {strides = array<i32>} : memref<4096xf32, #tpu.memory_space<vmem>>, vector<16xf32>,
    } {sc.loop_unroll_factor = 8 : i64, sc.parallel_access}
    %dma_wait3A_441 = arith.constant 17 : i32
    %dma_wait3A_442 = arith.constant 0 : i32
    %dma_wait3A_443 = tpu.memref_slice %arg2[%dma_wait3A_441, %dma_wait3A_442] : memref<26x4096xi32, #tpu.memory_space<hbm>> -> memref<1x4096xi32, #tpu.memory_space<hbm>>
    %dma_wait3A_444 = tpu.memref_squeeze %dma_wait3A_443 : memref<1x4096xi32, #tpu.memory_space<hbm>> -> memref<4096xi32, #tpu.memory_space<hbm>>
    %dma_wait3A_445 = arith.constant 0 : i32
    %dma_wait3A_446 = tpu.memref_slice %arg2[%dma_wait3A_441, %dma_wait3A_445] : memref<26x4096xi32, #tpu.memory_space<hbm>> -> memref<1x4096xi32, #tpu.memory_space<hbm>>
    %dma_wait3A_447 = tpu.memref_squeeze %dma_wait3A_446 : memref<1x4096xi32, #tpu.memory_space<hbm>> -> memref<4096xi32, #tpu.memory_space<hbm>>
    tpu.wait_dma2 semaphore(%arg12 : memref<!tpu.dma_semaphore, #tpu.memory_space<semaphore_mem>>) src(%dma_wait3A_447 : memref<4096xi32, #tpu.memory_space<hbm>>) dst(%arg8 : memref<4096xi32, #tpu.memory_space<vmem>>)
    %dma_start3A_448 = arith.constant 19 : i32
    %dma_start3A_449 = arith.constant 0 : i32
    %dma_start3A_450 = tpu.memref_slice %arg2[%dma_start3A_448, %dma_start3A_449] : memref<26x4096xi32, #tpu.memory_space<hbm>> -> memref<1x4096xi32, #tpu.memory_space<hbm>>
    %dma_start3A_451 = tpu.memref_squeeze %dma_start3A_450 : memref<1x4096xi32, #tpu.memory_space<hbm>> -> memref<4096xi32, #tpu.memory_space<hbm>>
    %dma_start3A_452 = arith.constant 0 : i32
    %dma_start3A_453 = tpu.memref_slice %arg2[%dma_start3A_448, %dma_start3A_452] : memref<26x4096xi32, #tpu.memory_space<hbm>> -> memref<1x4096xi32, #tpu.memory_space<hbm>>
    %dma_start3A_454 = tpu.memref_squeeze %dma_start3A_453 : memref<1x4096xi32, #tpu.memory_space<hbm>> -> memref<4096xi32, #tpu.memory_space<hbm>>
    tpu.enqueue_dma source(%dma_start3A_454 : memref<4096xi32, #tpu.memory_space<hbm>>) target(%arg7 : memref<4096xi32, #tpu.memory_space<vmem>>) target_semaphore(%arg12 : memref<!tpu.dma_semaphore, #tpu.memory_space<semaphore_mem>>)
    %parallel_loop3A_455 = arith.constant 0 : i32
    %parallel_loop3A_456 = arith.constant 4096 : i32
    %parallel_loop3A_457 = arith.constant 16 : i32
    %parallel_loop3A_458 = arith.constant 1 : i32
    %parallel_loop3A_459 = arith.constant 0 : i32
    scf.for %parallel_loop3A_1330 = %parallel_loop3A_455 to %parallel_loop3A_456 step %parallel_loop3A_457  : i32 {
      %parallel_loop3A_1331 = arith.index_cast %parallel_loop3A_1330 : i32 to index
      %parallel_loop3A_1332 = tpu.vector_load %arg8[%parallel_loop3A_1331] {strides = array<i32>} : memref<4096xi32, #tpu.memory_space<vmem>>, vector<16xi32>,
      %parallel_loop3A_1333 = tpu.vector_load_idx %arg5[%parallel_loop3A_1332] : memref<100000xf32, #tpu.memory_space<vmem>>[vector<16xi32>], vector<16xf32>,
      %parallel_loop3A_1334 = arith.constant 0 : i32
      %parallel_loop3A_1335 = tpu.memref_slice %arg9[%parallel_loop3A_458, %parallel_loop3A_459, %parallel_loop3A_1334] : memref<2x1x4096xf32, #tpu.memory_space<vmem>> -> memref<1x1x4096xf32, #tpu.memory_space<vmem>>
      %parallel_loop3A_1336 = tpu.memref_squeeze %parallel_loop3A_1335 : memref<1x1x4096xf32, #tpu.memory_space<vmem>> -> memref<4096xf32, #tpu.memory_space<vmem>>
      %parallel_loop3A_1337 = arith.index_cast %parallel_loop3A_1330 : i32 to index
      %parallel_loop3A_1338 = tpu.vector_load %parallel_loop3A_1336[%parallel_loop3A_1337] {strides = array<i32>} : memref<4096xf32, #tpu.memory_space<vmem>>, vector<16xf32>,
      tpu.vector_store %parallel_loop3A_1336[%parallel_loop3A_1337], %parallel_loop3A_1333 {strides = array<i32>} : memref<4096xf32, #tpu.memory_space<vmem>>, vector<16xf32>,
    } {sc.loop_unroll_factor = 8 : i64, sc.parallel_access}
    %dma_start3A_460 = arith.constant 16 : i32
    %dma_start3A_461 = arith.constant 0 : i32
    %dma_start3A_462 = tpu.memref_slice %arg4[%dma_start3A_460, %add3A_23, %dma_start3A_461] : memref<26x64x4096xf32, #tpu.memory_space<hbm>> -> memref<2x1x4096xf32, #tpu.memory_space<hbm>>
    %dma_start3A_463 = arith.constant 16 : i32
    %dma_start3A_464 = arith.constant 0 : i32
    %dma_start3A_465 = tpu.memref_slice %arg4[%dma_start3A_463, %add3A_23, %dma_start3A_464] : memref<26x64x4096xf32, #tpu.memory_space<hbm>> -> memref<2x1x4096xf32, #tpu.memory_space<hbm>>
    tpu.enqueue_dma source(%arg9 : memref<2x1x4096xf32, #tpu.memory_space<vmem>>) target(%dma_start3A_465 : memref<2x1x4096xf32, #tpu.memory_space<hbm>>) target_semaphore(%arg13 : memref<!tpu.dma_semaphore, #tpu.memory_space<semaphore_mem>>)
    %dma_wait3A_466 = arith.constant 18 : i32
    %dma_wait3A_467 = arith.constant 0 : i32
    %dma_wait3A_468 = tpu.memref_slice %arg2[%dma_wait3A_466, %dma_wait3A_467] : memref<26x4096xi32, #tpu.memory_space<hbm>> -> memref<1x4096xi32, #tpu.memory_space<hbm>>
    %dma_wait3A_469 = tpu.memref_squeeze %dma_wait3A_468 : memref<1x4096xi32, #tpu.memory_space<hbm>> -> memref<4096xi32, #tpu.memory_space<hbm>>
    %dma_wait3A_470 = arith.constant 0 : i32
    %dma_wait3A_471 = tpu.memref_slice %arg2[%dma_wait3A_466, %dma_wait3A_470] : memref<26x4096xi32, #tpu.memory_space<hbm>> -> memref<1x4096xi32, #tpu.memory_space<hbm>>
    %dma_wait3A_472 = tpu.memref_squeeze %dma_wait3A_471 : memref<1x4096xi32, #tpu.memory_space<hbm>> -> memref<4096xi32, #tpu.memory_space<hbm>>
    tpu.wait_dma2 semaphore(%arg12 : memref<!tpu.dma_semaphore, #tpu.memory_space<semaphore_mem>>) src(%dma_wait3A_472 : memref<4096xi32, #tpu.memory_space<hbm>>) dst(%arg6 : memref<4096xi32, #tpu.memory_space<vmem>>)
    %dma_start3A_473 = arith.constant 20 : i32
    %dma_start3A_474 = arith.constant 0 : i32
    %dma_start3A_475 = tpu.memref_slice %arg2[%dma_start3A_473, %dma_start3A_474] : memref<26x4096xi32, #tpu.memory_space<hbm>> -> memref<1x4096xi32, #tpu.memory_space<hbm>>
    %dma_start3A_476 = tpu.memref_squeeze %dma_start3A_475 : memref<1x4096xi32, #tpu.memory_space<hbm>> -> memref<4096xi32, #tpu.memory_space<hbm>>
    %dma_start3A_477 = arith.constant 0 : i32
    %dma_start3A_478 = tpu.memref_slice %arg2[%dma_start3A_473, %dma_start3A_477] : memref<26x4096xi32, #tpu.memory_space<hbm>> -> memref<1x4096xi32, #tpu.memory_space<hbm>>
    %dma_start3A_479 = tpu.memref_squeeze %dma_start3A_478 : memref<1x4096xi32, #tpu.memory_space<hbm>> -> memref<4096xi32, #tpu.memory_space<hbm>>
    tpu.enqueue_dma source(%dma_start3A_479 : memref<4096xi32, #tpu.memory_space<hbm>>) target(%arg8 : memref<4096xi32, #tpu.memory_space<vmem>>) target_semaphore(%arg12 : memref<!tpu.dma_semaphore, #tpu.memory_space<semaphore_mem>>)
    %dma_wait3A_480 = arith.constant 14 : i32
    %dma_wait3A_481 = arith.constant 0 : i32
    %dma_wait3A_482 = tpu.memref_slice %arg4[%dma_wait3A_480, %add3A_23, %dma_wait3A_481] : memref<26x64x4096xf32, #tpu.memory_space<hbm>> -> memref<2x1x4096xf32, #tpu.memory_space<hbm>>
    %dma_wait3A_483 = arith.constant 14 : i32
    %dma_wait3A_484 = arith.constant 0 : i32
    %dma_wait3A_485 = tpu.memref_slice %arg4[%dma_wait3A_483, %add3A_23, %dma_wait3A_484] : memref<26x64x4096xf32, #tpu.memory_space<hbm>> -> memref<2x1x4096xf32, #tpu.memory_space<hbm>>
    tpu.wait_dma2 semaphore(%arg13 : memref<!tpu.dma_semaphore, #tpu.memory_space<semaphore_mem>>) src(%arg10 : memref<2x1x4096xf32, #tpu.memory_space<vmem>>) dst(%dma_wait3A_485 : memref<2x1x4096xf32, #tpu.memory_space<hbm>>)
    %parallel_loop3A_486 = arith.constant 0 : i32
    %parallel_loop3A_487 = arith.constant 4096 : i32
    %parallel_loop3A_488 = arith.constant 16 : i32
    %parallel_loop3A_489 = arith.constant 0 : i32
    %parallel_loop3A_490 = arith.constant 0 : i32
    scf.for %parallel_loop3A_1330 = %parallel_loop3A_486 to %parallel_loop3A_487 step %parallel_loop3A_488  : i32 {
      %parallel_loop3A_1331 = arith.index_cast %parallel_loop3A_1330 : i32 to index
      %parallel_loop3A_1332 = tpu.vector_load %arg6[%parallel_loop3A_1331] {strides = array<i32>} : memref<4096xi32, #tpu.memory_space<vmem>>, vector<16xi32>,
      %parallel_loop3A_1333 = tpu.vector_load_idx %arg5[%parallel_loop3A_1332] : memref<100000xf32, #tpu.memory_space<vmem>>[vector<16xi32>], vector<16xf32>,
      %parallel_loop3A_1334 = arith.constant 0 : i32
      %parallel_loop3A_1335 = tpu.memref_slice %arg10[%parallel_loop3A_489, %parallel_loop3A_490, %parallel_loop3A_1334] : memref<2x1x4096xf32, #tpu.memory_space<vmem>> -> memref<1x1x4096xf32, #tpu.memory_space<vmem>>
      %parallel_loop3A_1336 = tpu.memref_squeeze %parallel_loop3A_1335 : memref<1x1x4096xf32, #tpu.memory_space<vmem>> -> memref<4096xf32, #tpu.memory_space<vmem>>
      %parallel_loop3A_1337 = arith.index_cast %parallel_loop3A_1330 : i32 to index
      %parallel_loop3A_1338 = tpu.vector_load %parallel_loop3A_1336[%parallel_loop3A_1337] {strides = array<i32>} : memref<4096xf32, #tpu.memory_space<vmem>>, vector<16xf32>,
      tpu.vector_store %parallel_loop3A_1336[%parallel_loop3A_1337], %parallel_loop3A_1333 {strides = array<i32>} : memref<4096xf32, #tpu.memory_space<vmem>>, vector<16xf32>,
    } {sc.loop_unroll_factor = 8 : i64, sc.parallel_access}
    %dma_wait3A_491 = arith.constant 19 : i32
    %dma_wait3A_492 = arith.constant 0 : i32
    %dma_wait3A_493 = tpu.memref_slice %arg2[%dma_wait3A_491, %dma_wait3A_492] : memref<26x4096xi32, #tpu.memory_space<hbm>> -> memref<1x4096xi32, #tpu.memory_space<hbm>>
    %dma_wait3A_494 = tpu.memref_squeeze %dma_wait3A_493 : memref<1x4096xi32, #tpu.memory_space<hbm>> -> memref<4096xi32, #tpu.memory_space<hbm>>
    %dma_wait3A_495 = arith.constant 0 : i32
    %dma_wait3A_496 = tpu.memref_slice %arg2[%dma_wait3A_491, %dma_wait3A_495] : memref<26x4096xi32, #tpu.memory_space<hbm>> -> memref<1x4096xi32, #tpu.memory_space<hbm>>
    %dma_wait3A_497 = tpu.memref_squeeze %dma_wait3A_496 : memref<1x4096xi32, #tpu.memory_space<hbm>> -> memref<4096xi32, #tpu.memory_space<hbm>>
    tpu.wait_dma2 semaphore(%arg12 : memref<!tpu.dma_semaphore, #tpu.memory_space<semaphore_mem>>) src(%dma_wait3A_497 : memref<4096xi32, #tpu.memory_space<hbm>>) dst(%arg7 : memref<4096xi32, #tpu.memory_space<vmem>>)
    %dma_start3A_498 = arith.constant 21 : i32
    %dma_start3A_499 = arith.constant 0 : i32
    %dma_start3A_500 = tpu.memref_slice %arg2[%dma_start3A_498, %dma_start3A_499] : memref<26x4096xi32, #tpu.memory_space<hbm>> -> memref<1x4096xi32, #tpu.memory_space<hbm>>
    %dma_start3A_501 = tpu.memref_squeeze %dma_start3A_500 : memref<1x4096xi32, #tpu.memory_space<hbm>> -> memref<4096xi32, #tpu.memory_space<hbm>>
    %dma_start3A_502 = arith.constant 0 : i32
    %dma_start3A_503 = tpu.memref_slice %arg2[%dma_start3A_498, %dma_start3A_502] : memref<26x4096xi32, #tpu.memory_space<hbm>> -> memref<1x4096xi32, #tpu.memory_space<hbm>>
    %dma_start3A_504 = tpu.memref_squeeze %dma_start3A_503 : memref<1x4096xi32, #tpu.memory_space<hbm>> -> memref<4096xi32, #tpu.memory_space<hbm>>
    tpu.enqueue_dma source(%dma_start3A_504 : memref<4096xi32, #tpu.memory_space<hbm>>) target(%arg6 : memref<4096xi32, #tpu.memory_space<vmem>>) target_semaphore(%arg12 : memref<!tpu.dma_semaphore, #tpu.memory_space<semaphore_mem>>)
    %parallel_loop3A_505 = arith.constant 0 : i32
    %parallel_loop3A_506 = arith.constant 4096 : i32
    %parallel_loop3A_507 = arith.constant 16 : i32
    %parallel_loop3A_508 = arith.constant 1 : i32
    %parallel_loop3A_509 = arith.constant 0 : i32
    scf.for %parallel_loop3A_1330 = %parallel_loop3A_505 to %parallel_loop3A_506 step %parallel_loop3A_507  : i32 {
      %parallel_loop3A_1331 = arith.index_cast %parallel_loop3A_1330 : i32 to index
      %parallel_loop3A_1332 = tpu.vector_load %arg7[%parallel_loop3A_1331] {strides = array<i32>} : memref<4096xi32, #tpu.memory_space<vmem>>, vector<16xi32>,
      %parallel_loop3A_1333 = tpu.vector_load_idx %arg5[%parallel_loop3A_1332] : memref<100000xf32, #tpu.memory_space<vmem>>[vector<16xi32>], vector<16xf32>,
      %parallel_loop3A_1334 = arith.constant 0 : i32
      %parallel_loop3A_1335 = tpu.memref_slice %arg10[%parallel_loop3A_508, %parallel_loop3A_509, %parallel_loop3A_1334] : memref<2x1x4096xf32, #tpu.memory_space<vmem>> -> memref<1x1x4096xf32, #tpu.memory_space<vmem>>
      %parallel_loop3A_1336 = tpu.memref_squeeze %parallel_loop3A_1335 : memref<1x1x4096xf32, #tpu.memory_space<vmem>> -> memref<4096xf32, #tpu.memory_space<vmem>>
      %parallel_loop3A_1337 = arith.index_cast %parallel_loop3A_1330 : i32 to index
      %parallel_loop3A_1338 = tpu.vector_load %parallel_loop3A_1336[%parallel_loop3A_1337] {strides = array<i32>} : memref<4096xf32, #tpu.memory_space<vmem>>, vector<16xf32>,
      tpu.vector_store %parallel_loop3A_1336[%parallel_loop3A_1337], %parallel_loop3A_1333 {strides = array<i32>} : memref<4096xf32, #tpu.memory_space<vmem>>, vector<16xf32>,
    } {sc.loop_unroll_factor = 8 : i64, sc.parallel_access}
    %dma_start3A_510 = arith.constant 18 : i32
    %dma_start3A_511 = arith.constant 0 : i32
    %dma_start3A_512 = tpu.memref_slice %arg4[%dma_start3A_510, %add3A_23, %dma_start3A_511] : memref<26x64x4096xf32, #tpu.memory_space<hbm>> -> memref<2x1x4096xf32, #tpu.memory_space<hbm>>
    %dma_start3A_513 = arith.constant 18 : i32
    %dma_start3A_514 = arith.constant 0 : i32
    %dma_start3A_515 = tpu.memref_slice %arg4[%dma_start3A_513, %add3A_23, %dma_start3A_514] : memref<26x64x4096xf32, #tpu.memory_space<hbm>> -> memref<2x1x4096xf32, #tpu.memory_space<hbm>>
    tpu.enqueue_dma source(%arg10 : memref<2x1x4096xf32, #tpu.memory_space<vmem>>) target(%dma_start3A_515 : memref<2x1x4096xf32, #tpu.memory_space<hbm>>) target_semaphore(%arg13 : memref<!tpu.dma_semaphore, #tpu.memory_space<semaphore_mem>>)
    %dma_wait3A_516 = arith.constant 20 : i32
    %dma_wait3A_517 = arith.constant 0 : i32
    %dma_wait3A_518 = tpu.memref_slice %arg2[%dma_wait3A_516, %dma_wait3A_517] : memref<26x4096xi32, #tpu.memory_space<hbm>> -> memref<1x4096xi32, #tpu.memory_space<hbm>>
    %dma_wait3A_519 = tpu.memref_squeeze %dma_wait3A_518 : memref<1x4096xi32, #tpu.memory_space<hbm>> -> memref<4096xi32, #tpu.memory_space<hbm>>
    %dma_wait3A_520 = arith.constant 0 : i32
    %dma_wait3A_521 = tpu.memref_slice %arg2[%dma_wait3A_516, %dma_wait3A_520] : memref<26x4096xi32, #tpu.memory_space<hbm>> -> memref<1x4096xi32, #tpu.memory_space<hbm>>
    %dma_wait3A_522 = tpu.memref_squeeze %dma_wait3A_521 : memref<1x4096xi32, #tpu.memory_space<hbm>> -> memref<4096xi32, #tpu.memory_space<hbm>>
    tpu.wait_dma2 semaphore(%arg12 : memref<!tpu.dma_semaphore, #tpu.memory_space<semaphore_mem>>) src(%dma_wait3A_522 : memref<4096xi32, #tpu.memory_space<hbm>>) dst(%arg8 : memref<4096xi32, #tpu.memory_space<vmem>>)
    %dma_start3A_523 = arith.constant 22 : i32
    %dma_start3A_524 = arith.constant 0 : i32
    %dma_start3A_525 = tpu.memref_slice %arg2[%dma_start3A_523, %dma_start3A_524] : memref<26x4096xi32, #tpu.memory_space<hbm>> -> memref<1x4096xi32, #tpu.memory_space<hbm>>
    %dma_start3A_526 = tpu.memref_squeeze %dma_start3A_525 : memref<1x4096xi32, #tpu.memory_space<hbm>> -> memref<4096xi32, #tpu.memory_space<hbm>>
    %dma_start3A_527 = arith.constant 0 : i32
    %dma_start3A_528 = tpu.memref_slice %arg2[%dma_start3A_523, %dma_start3A_527] : memref<26x4096xi32, #tpu.memory_space<hbm>> -> memref<1x4096xi32, #tpu.memory_space<hbm>>
    %dma_start3A_529 = tpu.memref_squeeze %dma_start3A_528 : memref<1x4096xi32, #tpu.memory_space<hbm>> -> memref<4096xi32, #tpu.memory_space<hbm>>
    tpu.enqueue_dma source(%dma_start3A_529 : memref<4096xi32, #tpu.memory_space<hbm>>) target(%arg7 : memref<4096xi32, #tpu.memory_space<vmem>>) target_semaphore(%arg12 : memref<!tpu.dma_semaphore, #tpu.memory_space<semaphore_mem>>)
    %dma_wait3A_530 = arith.constant 16 : i32
    %dma_wait3A_531 = arith.constant 0 : i32
    %dma_wait3A_532 = tpu.memref_slice %arg4[%dma_wait3A_530, %add3A_23, %dma_wait3A_531] : memref<26x64x4096xf32, #tpu.memory_space<hbm>> -> memref<2x1x4096xf32, #tpu.memory_space<hbm>>
    %dma_wait3A_533 = arith.constant 16 : i32
    %dma_wait3A_534 = arith.constant 0 : i32
    %dma_wait3A_535 = tpu.memref_slice %arg4[%dma_wait3A_533, %add3A_23, %dma_wait3A_534] : memref<26x64x4096xf32, #tpu.memory_space<hbm>> -> memref<2x1x4096xf32, #tpu.memory_space<hbm>>
    tpu.wait_dma2 semaphore(%arg13 : memref<!tpu.dma_semaphore, #tpu.memory_space<semaphore_mem>>) src(%arg9 : memref<2x1x4096xf32, #tpu.memory_space<vmem>>) dst(%dma_wait3A_535 : memref<2x1x4096xf32, #tpu.memory_space<hbm>>)
    %parallel_loop3A_536 = arith.constant 0 : i32
    %parallel_loop3A_537 = arith.constant 4096 : i32
    %parallel_loop3A_538 = arith.constant 16 : i32
    %parallel_loop3A_539 = arith.constant 0 : i32
    %parallel_loop3A_540 = arith.constant 0 : i32
    scf.for %parallel_loop3A_1330 = %parallel_loop3A_536 to %parallel_loop3A_537 step %parallel_loop3A_538  : i32 {
      %parallel_loop3A_1331 = arith.index_cast %parallel_loop3A_1330 : i32 to index
      %parallel_loop3A_1332 = tpu.vector_load %arg8[%parallel_loop3A_1331] {strides = array<i32>} : memref<4096xi32, #tpu.memory_space<vmem>>, vector<16xi32>,
      %parallel_loop3A_1333 = tpu.vector_load_idx %arg5[%parallel_loop3A_1332] : memref<100000xf32, #tpu.memory_space<vmem>>[vector<16xi32>], vector<16xf32>,
      %parallel_loop3A_1334 = arith.constant 0 : i32
      %parallel_loop3A_1335 = tpu.memref_slice %arg9[%parallel_loop3A_539, %parallel_loop3A_540, %parallel_loop3A_1334] : memref<2x1x4096xf32, #tpu.memory_space<vmem>> -> memref<1x1x4096xf32, #tpu.memory_space<vmem>>
      %parallel_loop3A_1336 = tpu.memref_squeeze %parallel_loop3A_1335 : memref<1x1x4096xf32, #tpu.memory_space<vmem>> -> memref<4096xf32, #tpu.memory_space<vmem>>
      %parallel_loop3A_1337 = arith.index_cast %parallel_loop3A_1330 : i32 to index
      %parallel_loop3A_1338 = tpu.vector_load %parallel_loop3A_1336[%parallel_loop3A_1337] {strides = array<i32>} : memref<4096xf32, #tpu.memory_space<vmem>>, vector<16xf32>,
      tpu.vector_store %parallel_loop3A_1336[%parallel_loop3A_1337], %parallel_loop3A_1333 {strides = array<i32>} : memref<4096xf32, #tpu.memory_space<vmem>>, vector<16xf32>,
    } {sc.loop_unroll_factor = 8 : i64, sc.parallel_access}
    %dma_wait3A_541 = arith.constant 21 : i32
    %dma_wait3A_542 = arith.constant 0 : i32
    %dma_wait3A_543 = tpu.memref_slice %arg2[%dma_wait3A_541, %dma_wait3A_542] : memref<26x4096xi32, #tpu.memory_space<hbm>> -> memref<1x4096xi32, #tpu.memory_space<hbm>>
    %dma_wait3A_544 = tpu.memref_squeeze %dma_wait3A_543 : memref<1x4096xi32, #tpu.memory_space<hbm>> -> memref<4096xi32, #tpu.memory_space<hbm>>
    %dma_wait3A_545 = arith.constant 0 : i32
    %dma_wait3A_546 = tpu.memref_slice %arg2[%dma_wait3A_541, %dma_wait3A_545] : memref<26x4096xi32, #tpu.memory_space<hbm>> -> memref<1x4096xi32, #tpu.memory_space<hbm>>
    %dma_wait3A_547 = tpu.memref_squeeze %dma_wait3A_546 : memref<1x4096xi32, #tpu.memory_space<hbm>> -> memref<4096xi32, #tpu.memory_space<hbm>>
    tpu.wait_dma2 semaphore(%arg12 : memref<!tpu.dma_semaphore, #tpu.memory_space<semaphore_mem>>) src(%dma_wait3A_547 : memref<4096xi32, #tpu.memory_space<hbm>>) dst(%arg6 : memref<4096xi32, #tpu.memory_space<vmem>>)
    %dma_start3A_548 = arith.constant 23 : i32
    %dma_start3A_549 = arith.constant 0 : i32
    %dma_start3A_550 = tpu.memref_slice %arg2[%dma_start3A_548, %dma_start3A_549] : memref<26x4096xi32, #tpu.memory_space<hbm>> -> memref<1x4096xi32, #tpu.memory_space<hbm>>
    %dma_start3A_551 = tpu.memref_squeeze %dma_start3A_550 : memref<1x4096xi32, #tpu.memory_space<hbm>> -> memref<4096xi32, #tpu.memory_space<hbm>>
    %dma_start3A_552 = arith.constant 0 : i32
    %dma_start3A_553 = tpu.memref_slice %arg2[%dma_start3A_548, %dma_start3A_552] : memref<26x4096xi32, #tpu.memory_space<hbm>> -> memref<1x4096xi32, #tpu.memory_space<hbm>>
    %dma_start3A_554 = tpu.memref_squeeze %dma_start3A_553 : memref<1x4096xi32, #tpu.memory_space<hbm>> -> memref<4096xi32, #tpu.memory_space<hbm>>
    tpu.enqueue_dma source(%dma_start3A_554 : memref<4096xi32, #tpu.memory_space<hbm>>) target(%arg8 : memref<4096xi32, #tpu.memory_space<vmem>>) target_semaphore(%arg12 : memref<!tpu.dma_semaphore, #tpu.memory_space<semaphore_mem>>)
    %parallel_loop3A_555 = arith.constant 0 : i32
    %parallel_loop3A_556 = arith.constant 4096 : i32
    %parallel_loop3A_557 = arith.constant 16 : i32
    %parallel_loop3A_558 = arith.constant 1 : i32
    %parallel_loop3A_559 = arith.constant 0 : i32
    scf.for %parallel_loop3A_1330 = %parallel_loop3A_555 to %parallel_loop3A_556 step %parallel_loop3A_557  : i32 {
      %parallel_loop3A_1331 = arith.index_cast %parallel_loop3A_1330 : i32 to index
      %parallel_loop3A_1332 = tpu.vector_load %arg6[%parallel_loop3A_1331] {strides = array<i32>} : memref<4096xi32, #tpu.memory_space<vmem>>, vector<16xi32>,
      %parallel_loop3A_1333 = tpu.vector_load_idx %arg5[%parallel_loop3A_1332] : memref<100000xf32, #tpu.memory_space<vmem>>[vector<16xi32>], vector<16xf32>,
      %parallel_loop3A_1334 = arith.constant 0 : i32
      %parallel_loop3A_1335 = tpu.memref_slice %arg9[%parallel_loop3A_558, %parallel_loop3A_559, %parallel_loop3A_1334] : memref<2x1x4096xf32, #tpu.memory_space<vmem>> -> memref<1x1x4096xf32, #tpu.memory_space<vmem>>
      %parallel_loop3A_1336 = tpu.memref_squeeze %parallel_loop3A_1335 : memref<1x1x4096xf32, #tpu.memory_space<vmem>> -> memref<4096xf32, #tpu.memory_space<vmem>>
      %parallel_loop3A_1337 = arith.index_cast %parallel_loop3A_1330 : i32 to index
      %parallel_loop3A_1338 = tpu.vector_load %parallel_loop3A_1336[%parallel_loop3A_1337] {strides = array<i32>} : memref<4096xf32, #tpu.memory_space<vmem>>, vector<16xf32>,
      tpu.vector_store %parallel_loop3A_1336[%parallel_loop3A_1337], %parallel_loop3A_1333 {strides = array<i32>} : memref<4096xf32, #tpu.memory_space<vmem>>, vector<16xf32>,
    } {sc.loop_unroll_factor = 8 : i64, sc.parallel_access}
    %dma_start3A_560 = arith.constant 20 : i32
    %dma_start3A_561 = arith.constant 0 : i32
    %dma_start3A_562 = tpu.memref_slice %arg4[%dma_start3A_560, %add3A_23, %dma_start3A_561] : memref<26x64x4096xf32, #tpu.memory_space<hbm>> -> memref<2x1x4096xf32, #tpu.memory_space<hbm>>
    %dma_start3A_563 = arith.constant 20 : i32
    %dma_start3A_564 = arith.constant 0 : i32
    %dma_start3A_565 = tpu.memref_slice %arg4[%dma_start3A_563, %add3A_23, %dma_start3A_564] : memref<26x64x4096xf32, #tpu.memory_space<hbm>> -> memref<2x1x4096xf32, #tpu.memory_space<hbm>>
    tpu.enqueue_dma source(%arg9 : memref<2x1x4096xf32, #tpu.memory_space<vmem>>) target(%dma_start3A_565 : memref<2x1x4096xf32, #tpu.memory_space<hbm>>) target_semaphore(%arg13 : memref<!tpu.dma_semaphore, #tpu.memory_space<semaphore_mem>>)
    %dma_wait3A_566 = arith.constant 22 : i32
    %dma_wait3A_567 = arith.constant 0 : i32
    %dma_wait3A_568 = tpu.memref_slice %arg2[%dma_wait3A_566, %dma_wait3A_567] : memref<26x4096xi32, #tpu.memory_space<hbm>> -> memref<1x4096xi32, #tpu.memory_space<hbm>>
    %dma_wait3A_569 = tpu.memref_squeeze %dma_wait3A_568 : memref<1x4096xi32, #tpu.memory_space<hbm>> -> memref<4096xi32, #tpu.memory_space<hbm>>
    %dma_wait3A_570 = arith.constant 0 : i32
    %dma_wait3A_571 = tpu.memref_slice %arg2[%dma_wait3A_566, %dma_wait3A_570] : memref<26x4096xi32, #tpu.memory_space<hbm>> -> memref<1x4096xi32, #tpu.memory_space<hbm>>
    %dma_wait3A_572 = tpu.memref_squeeze %dma_wait3A_571 : memref<1x4096xi32, #tpu.memory_space<hbm>> -> memref<4096xi32, #tpu.memory_space<hbm>>
    tpu.wait_dma2 semaphore(%arg12 : memref<!tpu.dma_semaphore, #tpu.memory_space<semaphore_mem>>) src(%dma_wait3A_572 : memref<4096xi32, #tpu.memory_space<hbm>>) dst(%arg7 : memref<4096xi32, #tpu.memory_space<vmem>>)
    %dma_start3A_573 = arith.constant 24 : i32
    %dma_start3A_574 = arith.constant 0 : i32
    %dma_start3A_575 = tpu.memref_slice %arg2[%dma_start3A_573, %dma_start3A_574] : memref<26x4096xi32, #tpu.memory_space<hbm>> -> memref<1x4096xi32, #tpu.memory_space<hbm>>
    %dma_start3A_576 = tpu.memref_squeeze %dma_start3A_575 : memref<1x4096xi32, #tpu.memory_space<hbm>> -> memref<4096xi32, #tpu.memory_space<hbm>>
    %dma_start3A_577 = arith.constant 0 : i32
    %dma_start3A_578 = tpu.memref_slice %arg2[%dma_start3A_573, %dma_start3A_577] : memref<26x4096xi32, #tpu.memory_space<hbm>> -> memref<1x4096xi32, #tpu.memory_space<hbm>>
    %dma_start3A_579 = tpu.memref_squeeze %dma_start3A_578 : memref<1x4096xi32, #tpu.memory_space<hbm>> -> memref<4096xi32, #tpu.memory_space<hbm>>
    tpu.enqueue_dma source(%dma_start3A_579 : memref<4096xi32, #tpu.memory_space<hbm>>) target(%arg6 : memref<4096xi32, #tpu.memory_space<vmem>>) target_semaphore(%arg12 : memref<!tpu.dma_semaphore, #tpu.memory_space<semaphore_mem>>)
    %dma_wait3A_580 = arith.constant 18 : i32
    %dma_wait3A_581 = arith.constant 0 : i32
    %dma_wait3A_582 = tpu.memref_slice %arg4[%dma_wait3A_580, %add3A_23, %dma_wait3A_581] : memref<26x64x4096xf32, #tpu.memory_space<hbm>> -> memref<2x1x4096xf32, #tpu.memory_space<hbm>>
    %dma_wait3A_583 = arith.constant 18 : i32
    %dma_wait3A_584 = arith.constant 0 : i32
    %dma_wait3A_585 = tpu.memref_slice %arg4[%dma_wait3A_583, %add3A_23, %dma_wait3A_584] : memref<26x64x4096xf32, #tpu.memory_space<hbm>> -> memref<2x1x4096xf32, #tpu.memory_space<hbm>>
    tpu.wait_dma2 semaphore(%arg13 : memref<!tpu.dma_semaphore, #tpu.memory_space<semaphore_mem>>) src(%arg10 : memref<2x1x4096xf32, #tpu.memory_space<vmem>>) dst(%dma_wait3A_585 : memref<2x1x4096xf32, #tpu.memory_space<hbm>>)
    %parallel_loop3A_586 = arith.constant 0 : i32
    %parallel_loop3A_587 = arith.constant 4096 : i32
    %parallel_loop3A_588 = arith.constant 16 : i32
    %parallel_loop3A_589 = arith.constant 0 : i32
    %parallel_loop3A_590 = arith.constant 0 : i32
    scf.for %parallel_loop3A_1330 = %parallel_loop3A_586 to %parallel_loop3A_587 step %parallel_loop3A_588  : i32 {
      %parallel_loop3A_1331 = arith.index_cast %parallel_loop3A_1330 : i32 to index
      %parallel_loop3A_1332 = tpu.vector_load %arg7[%parallel_loop3A_1331] {strides = array<i32>} : memref<4096xi32, #tpu.memory_space<vmem>>, vector<16xi32>,
      %parallel_loop3A_1333 = tpu.vector_load_idx %arg5[%parallel_loop3A_1332] : memref<100000xf32, #tpu.memory_space<vmem>>[vector<16xi32>], vector<16xf32>,
      %parallel_loop3A_1334 = arith.constant 0 : i32
      %parallel_loop3A_1335 = tpu.memref_slice %arg10[%parallel_loop3A_589, %parallel_loop3A_590, %parallel_loop3A_1334] : memref<2x1x4096xf32, #tpu.memory_space<vmem>> -> memref<1x1x4096xf32, #tpu.memory_space<vmem>>
      %parallel_loop3A_1336 = tpu.memref_squeeze %parallel_loop3A_1335 : memref<1x1x4096xf32, #tpu.memory_space<vmem>> -> memref<4096xf32, #tpu.memory_space<vmem>>
      %parallel_loop3A_1337 = arith.index_cast %parallel_loop3A_1330 : i32 to index
      %parallel_loop3A_1338 = tpu.vector_load %parallel_loop3A_1336[%parallel_loop3A_1337] {strides = array<i32>} : memref<4096xf32, #tpu.memory_space<vmem>>, vector<16xf32>,
      tpu.vector_store %parallel_loop3A_1336[%parallel_loop3A_1337], %parallel_loop3A_1333 {strides = array<i32>} : memref<4096xf32, #tpu.memory_space<vmem>>, vector<16xf32>,
    } {sc.loop_unroll_factor = 8 : i64, sc.parallel_access}
    %dma_wait3A_591 = arith.constant 23 : i32
    %dma_wait3A_592 = arith.constant 0 : i32
    %dma_wait3A_593 = tpu.memref_slice %arg2[%dma_wait3A_591, %dma_wait3A_592] : memref<26x4096xi32, #tpu.memory_space<hbm>> -> memref<1x4096xi32, #tpu.memory_space<hbm>>
    %dma_wait3A_594 = tpu.memref_squeeze %dma_wait3A_593 : memref<1x4096xi32, #tpu.memory_space<hbm>> -> memref<4096xi32, #tpu.memory_space<hbm>>
    %dma_wait3A_595 = arith.constant 0 : i32
    %dma_wait3A_596 = tpu.memref_slice %arg2[%dma_wait3A_591, %dma_wait3A_595] : memref<26x4096xi32, #tpu.memory_space<hbm>> -> memref<1x4096xi32, #tpu.memory_space<hbm>>
    %dma_wait3A_597 = tpu.memref_squeeze %dma_wait3A_596 : memref<1x4096xi32, #tpu.memory_space<hbm>> -> memref<4096xi32, #tpu.memory_space<hbm>>
    tpu.wait_dma2 semaphore(%arg12 : memref<!tpu.dma_semaphore, #tpu.memory_space<semaphore_mem>>) src(%dma_wait3A_597 : memref<4096xi32, #tpu.memory_space<hbm>>) dst(%arg8 : memref<4096xi32, #tpu.memory_space<vmem>>)
    %dma_start3A_598 = arith.constant 25 : i32
    %dma_start3A_599 = arith.constant 0 : i32
    %dma_start3A_600 = tpu.memref_slice %arg2[%dma_start3A_598, %dma_start3A_599] : memref<26x4096xi32, #tpu.memory_space<hbm>> -> memref<1x4096xi32, #tpu.memory_space<hbm>>
    %dma_start3A_601 = tpu.memref_squeeze %dma_start3A_600 : memref<1x4096xi32, #tpu.memory_space<hbm>> -> memref<4096xi32, #tpu.memory_space<hbm>>
    %dma_start3A_602 = arith.constant 0 : i32
    %dma_start3A_603 = tpu.memref_slice %arg2[%dma_start3A_598, %dma_start3A_602] : memref<26x4096xi32, #tpu.memory_space<hbm>> -> memref<1x4096xi32, #tpu.memory_space<hbm>>
    %dma_start3A_604 = tpu.memref_squeeze %dma_start3A_603 : memref<1x4096xi32, #tpu.memory_space<hbm>> -> memref<4096xi32, #tpu.memory_space<hbm>>
    tpu.enqueue_dma source(%dma_start3A_604 : memref<4096xi32, #tpu.memory_space<hbm>>) target(%arg7 : memref<4096xi32, #tpu.memory_space<vmem>>) target_semaphore(%arg12 : memref<!tpu.dma_semaphore, #tpu.memory_space<semaphore_mem>>)
    %parallel_loop3A_605 = arith.constant 0 : i32
    %parallel_loop3A_606 = arith.constant 4096 : i32
    %parallel_loop3A_607 = arith.constant 16 : i32
    %parallel_loop3A_608 = arith.constant 1 : i32
    %parallel_loop3A_609 = arith.constant 0 : i32
    scf.for %parallel_loop3A_1330 = %parallel_loop3A_605 to %parallel_loop3A_606 step %parallel_loop3A_607  : i32 {
      %parallel_loop3A_1331 = arith.index_cast %parallel_loop3A_1330 : i32 to index
      %parallel_loop3A_1332 = tpu.vector_load %arg8[%parallel_loop3A_1331] {strides = array<i32>} : memref<4096xi32, #tpu.memory_space<vmem>>, vector<16xi32>,
      %parallel_loop3A_1333 = tpu.vector_load_idx %arg5[%parallel_loop3A_1332] : memref<100000xf32, #tpu.memory_space<vmem>>[vector<16xi32>], vector<16xf32>,
      %parallel_loop3A_1334 = arith.constant 0 : i32
      %parallel_loop3A_1335 = tpu.memref_slice %arg10[%parallel_loop3A_608, %parallel_loop3A_609, %parallel_loop3A_1334] : memref<2x1x4096xf32, #tpu.memory_space<vmem>> -> memref<1x1x4096xf32, #tpu.memory_space<vmem>>
      %parallel_loop3A_1336 = tpu.memref_squeeze %parallel_loop3A_1335 : memref<1x1x4096xf32, #tpu.memory_space<vmem>> -> memref<4096xf32, #tpu.memory_space<vmem>>
      %parallel_loop3A_1337 = arith.index_cast %parallel_loop3A_1330 : i32 to index
      %parallel_loop3A_1338 = tpu.vector_load %parallel_loop3A_1336[%parallel_loop3A_1337] {strides = array<i32>} : memref<4096xf32, #tpu.memory_space<vmem>>, vector<16xf32>,
      tpu.vector_store %parallel_loop3A_1336[%parallel_loop3A_1337], %parallel_loop3A_1333 {strides = array<i32>} : memref<4096xf32, #tpu.memory_space<vmem>>, vector<16xf32>,
    } {sc.loop_unroll_factor = 8 : i64, sc.parallel_access}
    %dma_start3A_610 = arith.constant 22 : i32
    %dma_start3A_611 = arith.constant 0 : i32
    %dma_start3A_612 = tpu.memref_slice %arg4[%dma_start3A_610, %add3A_23, %dma_start3A_611] : memref<26x64x4096xf32, #tpu.memory_space<hbm>> -> memref<2x1x4096xf32, #tpu.memory_space<hbm>>
    %dma_start3A_613 = arith.constant 22 : i32
    %dma_start3A_614 = arith.constant 0 : i32
    %dma_start3A_615 = tpu.memref_slice %arg4[%dma_start3A_613, %add3A_23, %dma_start3A_614] : memref<26x64x4096xf32, #tpu.memory_space<hbm>> -> memref<2x1x4096xf32, #tpu.memory_space<hbm>>
    tpu.enqueue_dma source(%arg10 : memref<2x1x4096xf32, #tpu.memory_space<vmem>>) target(%dma_start3A_615 : memref<2x1x4096xf32, #tpu.memory_space<hbm>>) target_semaphore(%arg13 : memref<!tpu.dma_semaphore, #tpu.memory_space<semaphore_mem>>)
    %dma_wait3A_616 = arith.constant 24 : i32
    %dma_wait3A_617 = arith.constant 0 : i32
    %dma_wait3A_618 = tpu.memref_slice %arg2[%dma_wait3A_616, %dma_wait3A_617] : memref<26x4096xi32, #tpu.memory_space<hbm>> -> memref<1x4096xi32, #tpu.memory_space<hbm>>
    %dma_wait3A_619 = tpu.memref_squeeze %dma_wait3A_618 : memref<1x4096xi32, #tpu.memory_space<hbm>> -> memref<4096xi32, #tpu.memory_space<hbm>>
    %dma_wait3A_620 = arith.constant 0 : i32
    %dma_wait3A_621 = tpu.memref_slice %arg2[%dma_wait3A_616, %dma_wait3A_620] : memref<26x4096xi32, #tpu.memory_space<hbm>> -> memref<1x4096xi32, #tpu.memory_space<hbm>>
    %dma_wait3A_622 = tpu.memref_squeeze %dma_wait3A_621 : memref<1x4096xi32, #tpu.memory_space<hbm>> -> memref<4096xi32, #tpu.memory_space<hbm>>
    tpu.wait_dma2 semaphore(%arg12 : memref<!tpu.dma_semaphore, #tpu.memory_space<semaphore_mem>>) src(%dma_wait3A_622 : memref<4096xi32, #tpu.memory_space<hbm>>) dst(%arg6 : memref<4096xi32, #tpu.memory_space<vmem>>)
    %dma_wait3A_623 = arith.constant 20 : i32
    %dma_wait3A_624 = arith.constant 0 : i32
    %dma_wait3A_625 = tpu.memref_slice %arg4[%dma_wait3A_623, %add3A_23, %dma_wait3A_624] : memref<26x64x4096xf32, #tpu.memory_space<hbm>> -> memref<2x1x4096xf32, #tpu.memory_space<hbm>>
    %dma_wait3A_626 = arith.constant 20 : i32
    %dma_wait3A_627 = arith.constant 0 : i32
    %dma_wait3A_628 = tpu.memref_slice %arg4[%dma_wait3A_626, %add3A_23, %dma_wait3A_627] : memref<26x64x4096xf32, #tpu.memory_space<hbm>> -> memref<2x1x4096xf32, #tpu.memory_space<hbm>>
    tpu.wait_dma2 semaphore(%arg13 : memref<!tpu.dma_semaphore, #tpu.memory_space<semaphore_mem>>) src(%arg9 : memref<2x1x4096xf32, #tpu.memory_space<vmem>>) dst(%dma_wait3A_628 : memref<2x1x4096xf32, #tpu.memory_space<hbm>>)
    %parallel_loop3A_629 = arith.constant 0 : i32
    %parallel_loop3A_630 = arith.constant 4096 : i32
    %parallel_loop3A_631 = arith.constant 16 : i32
    %parallel_loop3A_632 = arith.constant 0 : i32
    %parallel_loop3A_633 = arith.constant 0 : i32
    scf.for %parallel_loop3A_1330 = %parallel_loop3A_629 to %parallel_loop3A_630 step %parallel_loop3A_631  : i32 {
      %parallel_loop3A_1331 = arith.index_cast %parallel_loop3A_1330 : i32 to index
      %parallel_loop3A_1332 = tpu.vector_load %arg6[%parallel_loop3A_1331] {strides = array<i32>} : memref<4096xi32, #tpu.memory_space<vmem>>, vector<16xi32>,
      %parallel_loop3A_1333 = tpu.vector_load_idx %arg5[%parallel_loop3A_1332] : memref<100000xf32, #tpu.memory_space<vmem>>[vector<16xi32>], vector<16xf32>,
      %parallel_loop3A_1334 = arith.constant 0 : i32
      %parallel_loop3A_1335 = tpu.memref_slice %arg9[%parallel_loop3A_632, %parallel_loop3A_633, %parallel_loop3A_1334] : memref<2x1x4096xf32, #tpu.memory_space<vmem>> -> memref<1x1x4096xf32, #tpu.memory_space<vmem>>
      %parallel_loop3A_1336 = tpu.memref_squeeze %parallel_loop3A_1335 : memref<1x1x4096xf32, #tpu.memory_space<vmem>> -> memref<4096xf32, #tpu.memory_space<vmem>>
      %parallel_loop3A_1337 = arith.index_cast %parallel_loop3A_1330 : i32 to index
      %parallel_loop3A_1338 = tpu.vector_load %parallel_loop3A_1336[%parallel_loop3A_1337] {strides = array<i32>} : memref<4096xf32, #tpu.memory_space<vmem>>, vector<16xf32>,
      tpu.vector_store %parallel_loop3A_1336[%parallel_loop3A_1337], %parallel_loop3A_1333 {strides = array<i32>} : memref<4096xf32, #tpu.memory_space<vmem>>, vector<16xf32>,
    } {sc.loop_unroll_factor = 8 : i64, sc.parallel_access}
    %dma_wait3A_634 = arith.constant 25 : i32
    %dma_wait3A_635 = arith.constant 0 : i32
    %dma_wait3A_636 = tpu.memref_slice %arg2[%dma_wait3A_634, %dma_wait3A_635] : memref<26x4096xi32, #tpu.memory_space<hbm>> -> memref<1x4096xi32, #tpu.memory_space<hbm>>
    %dma_wait3A_637 = tpu.memref_squeeze %dma_wait3A_636 : memref<1x4096xi32, #tpu.memory_space<hbm>> -> memref<4096xi32, #tpu.memory_space<hbm>>
    %dma_wait3A_638 = arith.constant 0 : i32
    %dma_wait3A_639 = tpu.memref_slice %arg2[%dma_wait3A_634, %dma_wait3A_638] : memref<26x4096xi32, #tpu.memory_space<hbm>> -> memref<1x4096xi32, #tpu.memory_space<hbm>>
    %dma_wait3A_640 = tpu.memref_squeeze %dma_wait3A_639 : memref<1x4096xi32, #tpu.memory_space<hbm>> -> memref<4096xi32, #tpu.memory_space<hbm>>
    tpu.wait_dma2 semaphore(%arg12 : memref<!tpu.dma_semaphore, #tpu.memory_space<semaphore_mem>>) src(%dma_wait3A_640 : memref<4096xi32, #tpu.memory_space<hbm>>) dst(%arg7 : memref<4096xi32, #tpu.memory_space<vmem>>)
    %parallel_loop3A_641 = arith.constant 0 : i32
    %parallel_loop3A_642 = arith.constant 4096 : i32
    %parallel_loop3A_643 = arith.constant 16 : i32
    %parallel_loop3A_644 = arith.constant 1 : i32
    %parallel_loop3A_645 = arith.constant 0 : i32
    scf.for %parallel_loop3A_1330 = %parallel_loop3A_641 to %parallel_loop3A_642 step %parallel_loop3A_643  : i32 {
      %parallel_loop3A_1331 = arith.index_cast %parallel_loop3A_1330 : i32 to index
      %parallel_loop3A_1332 = tpu.vector_load %arg7[%parallel_loop3A_1331] {strides = array<i32>} : memref<4096xi32, #tpu.memory_space<vmem>>, vector<16xi32>,
      %parallel_loop3A_1333 = tpu.vector_load_idx %arg5[%parallel_loop3A_1332] : memref<100000xf32, #tpu.memory_space<vmem>>[vector<16xi32>], vector<16xf32>,
      %parallel_loop3A_1334 = arith.constant 0 : i32
      %parallel_loop3A_1335 = tpu.memref_slice %arg9[%parallel_loop3A_644, %parallel_loop3A_645, %parallel_loop3A_1334] : memref<2x1x4096xf32, #tpu.memory_space<vmem>> -> memref<1x1x4096xf32, #tpu.memory_space<vmem>>
      %parallel_loop3A_1336 = tpu.memref_squeeze %parallel_loop3A_1335 : memref<1x1x4096xf32, #tpu.memory_space<vmem>> -> memref<4096xf32, #tpu.memory_space<vmem>>
      %parallel_loop3A_1337 = arith.index_cast %parallel_loop3A_1330 : i32 to index
      %parallel_loop3A_1338 = tpu.vector_load %parallel_loop3A_1336[%parallel_loop3A_1337] {strides = array<i32>} : memref<4096xf32, #tpu.memory_space<vmem>>, vector<16xf32>,
      tpu.vector_store %parallel_loop3A_1336[%parallel_loop3A_1337], %parallel_loop3A_1333 {strides = array<i32>} : memref<4096xf32, #tpu.memory_space<vmem>>, vector<16xf32>,
    } {sc.loop_unroll_factor = 8 : i64, sc.parallel_access}
    %add3A_646 = arith.constant 32 : i32
    %add3A_647 = arith.addi %add3A, %add3A_646 : i32
    %dma_start3A_648 = arith.constant 0 : i32
    %dma_start3A_649 = tpu.memref_slice %arg3[%add3A_647, %dma_start3A_648] : memref<64x100000xf32, #tpu.memory_space<hbm>> -> memref<1x100000xf32, #tpu.memory_space<hbm>>
    %dma_start3A_650 = tpu.memref_squeeze %dma_start3A_649 : memref<1x100000xf32, #tpu.memory_space<hbm>> -> memref<100000xf32, #tpu.memory_space<hbm>>
    %dma_start3A_651 = arith.constant 0 : i32
    %dma_start3A_652 = tpu.memref_slice %arg3[%add3A_647, %dma_start3A_651] : memref<64x100000xf32, #tpu.memory_space<hbm>> -> memref<1x100000xf32, #tpu.memory_space<hbm>>
    %dma_start3A_653 = tpu.memref_squeeze %dma_start3A_652 : memref<1x100000xf32, #tpu.memory_space<hbm>> -> memref<100000xf32, #tpu.memory_space<hbm>>
    tpu.enqueue_dma source(%dma_start3A_653 : memref<100000xf32, #tpu.memory_space<hbm>>) target(%arg5 : memref<100000xf32, #tpu.memory_space<vmem>>) target_semaphore(%arg11 : memref<!tpu.dma_semaphore, #tpu.memory_space<semaphore_mem>>)
    %dma_start3A_654 = arith.constant 24 : i32
    %dma_start3A_655 = arith.constant 0 : i32
    %dma_start3A_656 = tpu.memref_slice %arg4[%dma_start3A_654, %add3A_23, %dma_start3A_655] : memref<26x64x4096xf32, #tpu.memory_space<hbm>> -> memref<2x1x4096xf32, #tpu.memory_space<hbm>>
    %dma_start3A_657 = arith.constant 24 : i32
    %dma_start3A_658 = arith.constant 0 : i32
    %dma_start3A_659 = tpu.memref_slice %arg4[%dma_start3A_657, %add3A_23, %dma_start3A_658] : memref<26x64x4096xf32, #tpu.memory_space<hbm>> -> memref<2x1x4096xf32, #tpu.memory_space<hbm>>
    tpu.enqueue_dma source(%arg9 : memref<2x1x4096xf32, #tpu.memory_space<vmem>>) target(%dma_start3A_659 : memref<2x1x4096xf32, #tpu.memory_space<hbm>>) target_semaphore(%arg13 : memref<!tpu.dma_semaphore, #tpu.memory_space<semaphore_mem>>)
    %dma_wait3A_660 = arith.constant 22 : i32
    %dma_wait3A_661 = arith.constant 0 : i32
    %dma_wait3A_662 = tpu.memref_slice %arg4[%dma_wait3A_660, %add3A_23, %dma_wait3A_661] : memref<26x64x4096xf32, #tpu.memory_space<hbm>> -> memref<2x1x4096xf32, #tpu.memory_space<hbm>>
    %dma_wait3A_663 = arith.constant 22 : i32
    %dma_wait3A_664 = arith.constant 0 : i32
    %dma_wait3A_665 = tpu.memref_slice %arg4[%dma_wait3A_663, %add3A_23, %dma_wait3A_664] : memref<26x64x4096xf32, #tpu.memory_space<hbm>> -> memref<2x1x4096xf32, #tpu.memory_space<hbm>>
    tpu.wait_dma2 semaphore(%arg13 : memref<!tpu.dma_semaphore, #tpu.memory_space<semaphore_mem>>) src(%arg10 : memref<2x1x4096xf32, #tpu.memory_space<vmem>>) dst(%dma_wait3A_665 : memref<2x1x4096xf32, #tpu.memory_space<hbm>>)
    %dma_wait3A_666 = arith.constant 24 : i32
    %dma_wait3A_667 = arith.constant 0 : i32
    %dma_wait3A_668 = tpu.memref_slice %arg4[%dma_wait3A_666, %add3A_23, %dma_wait3A_667] : memref<26x64x4096xf32, #tpu.memory_space<hbm>> -> memref<2x1x4096xf32, #tpu.memory_space<hbm>>
    %dma_wait3A_669 = arith.constant 24 : i32
    %dma_wait3A_670 = arith.constant 0 : i32
    %dma_wait3A_671 = tpu.memref_slice %arg4[%dma_wait3A_669, %add3A_23, %dma_wait3A_670] : memref<26x64x4096xf32, #tpu.memory_space<hbm>> -> memref<2x1x4096xf32, #tpu.memory_space<hbm>>
    tpu.wait_dma2 semaphore(%arg13 : memref<!tpu.dma_semaphore, #tpu.memory_space<semaphore_mem>>) src(%arg9 : memref<2x1x4096xf32, #tpu.memory_space<vmem>>) dst(%dma_wait3A_671 : memref<2x1x4096xf32, #tpu.memory_space<hbm>>)
    %add3A_672 = arith.constant 32 : i32
    %add3A_673 = arith.addi %add3A, %add3A_672 : i32
    %dma_wait3A_674 = arith.constant 0 : i32
    %dma_wait3A_675 = tpu.memref_slice %arg3[%add3A_647, %dma_wait3A_674] : memref<64x100000xf32, #tpu.memory_space<hbm>> -> memref<1x100000xf32, #tpu.memory_space<hbm>>
    %dma_wait3A_676 = tpu.memref_squeeze %dma_wait3A_675 : memref<1x100000xf32, #tpu.memory_space<hbm>> -> memref<100000xf32, #tpu.memory_space<hbm>>
    %dma_wait3A_677 = arith.constant 0 : i32
    %dma_wait3A_678 = tpu.memref_slice %arg3[%add3A_647, %dma_wait3A_677] : memref<64x100000xf32, #tpu.memory_space<hbm>> -> memref<1x100000xf32, #tpu.memory_space<hbm>>
    %dma_wait3A_679 = tpu.memref_squeeze %dma_wait3A_678 : memref<1x100000xf32, #tpu.memory_space<hbm>> -> memref<100000xf32, #tpu.memory_space<hbm>>
    tpu.wait_dma2 semaphore(%arg11 : memref<!tpu.dma_semaphore, #tpu.memory_space<semaphore_mem>>) src(%dma_wait3A_679 : memref<100000xf32, #tpu.memory_space<hbm>>) dst(%arg5 : memref<100000xf32, #tpu.memory_space<vmem>>)
    %dma_start3A_680 = arith.constant 0 : i32
    %dma_start3A_681 = arith.constant 0 : i32
    %dma_start3A_682 = tpu.memref_slice %arg2[%dma_start3A_680, %dma_start3A_681] : memref<26x4096xi32, #tpu.memory_space<hbm>> -> memref<1x4096xi32, #tpu.memory_space<hbm>>
    %dma_start3A_683 = tpu.memref_squeeze %dma_start3A_682 : memref<1x4096xi32, #tpu.memory_space<hbm>> -> memref<4096xi32, #tpu.memory_space<hbm>>
    %dma_start3A_684 = arith.constant 0 : i32
    %dma_start3A_685 = tpu.memref_slice %arg2[%dma_start3A_680, %dma_start3A_684] : memref<26x4096xi32, #tpu.memory_space<hbm>> -> memref<1x4096xi32, #tpu.memory_space<hbm>>
    %dma_start3A_686 = tpu.memref_squeeze %dma_start3A_685 : memref<1x4096xi32, #tpu.memory_space<hbm>> -> memref<4096xi32, #tpu.memory_space<hbm>>
    tpu.enqueue_dma source(%dma_start3A_686 : memref<4096xi32, #tpu.memory_space<hbm>>) target(%arg6 : memref<4096xi32, #tpu.memory_space<vmem>>) target_semaphore(%arg12 : memref<!tpu.dma_semaphore, #tpu.memory_space<semaphore_mem>>)
    %dma_start3A_687 = arith.constant 1 : i32
    %dma_start3A_688 = arith.constant 0 : i32
    %dma_start3A_689 = tpu.memref_slice %arg2[%dma_start3A_687, %dma_start3A_688] : memref<26x4096xi32, #tpu.memory_space<hbm>> -> memref<1x4096xi32, #tpu.memory_space<hbm>>
    %dma_start3A_690 = tpu.memref_squeeze %dma_start3A_689 : memref<1x4096xi32, #tpu.memory_space<hbm>> -> memref<4096xi32, #tpu.memory_space<hbm>>
    %dma_start3A_691 = arith.constant 0 : i32
    %dma_start3A_692 = tpu.memref_slice %arg2[%dma_start3A_687, %dma_start3A_691] : memref<26x4096xi32, #tpu.memory_space<hbm>> -> memref<1x4096xi32, #tpu.memory_space<hbm>>
    %dma_start3A_693 = tpu.memref_squeeze %dma_start3A_692 : memref<1x4096xi32, #tpu.memory_space<hbm>> -> memref<4096xi32, #tpu.memory_space<hbm>>
    tpu.enqueue_dma source(%dma_start3A_693 : memref<4096xi32, #tpu.memory_space<hbm>>) target(%arg7 : memref<4096xi32, #tpu.memory_space<vmem>>) target_semaphore(%arg12 : memref<!tpu.dma_semaphore, #tpu.memory_space<semaphore_mem>>)
    %dma_wait3A_694 = arith.constant 0 : i32
    %dma_wait3A_695 = arith.constant 0 : i32
    %dma_wait3A_696 = tpu.memref_slice %arg2[%dma_wait3A_694, %dma_wait3A_695] : memref<26x4096xi32, #tpu.memory_space<hbm>> -> memref<1x4096xi32, #tpu.memory_space<hbm>>
    %dma_wait3A_697 = tpu.memref_squeeze %dma_wait3A_696 : memref<1x4096xi32, #tpu.memory_space<hbm>> -> memref<4096xi32, #tpu.memory_space<hbm>>
    %dma_wait3A_698 = arith.constant 0 : i32
    %dma_wait3A_699 = tpu.memref_slice %arg2[%dma_wait3A_694, %dma_wait3A_698] : memref<26x4096xi32, #tpu.memory_space<hbm>> -> memref<1x4096xi32, #tpu.memory_space<hbm>>
    %dma_wait3A_700 = tpu.memref_squeeze %dma_wait3A_699 : memref<1x4096xi32, #tpu.memory_space<hbm>> -> memref<4096xi32, #tpu.memory_space<hbm>>
    tpu.wait_dma2 semaphore(%arg12 : memref<!tpu.dma_semaphore, #tpu.memory_space<semaphore_mem>>) src(%dma_wait3A_700 : memref<4096xi32, #tpu.memory_space<hbm>>) dst(%arg6 : memref<4096xi32, #tpu.memory_space<vmem>>)
    %dma_start3A_701 = arith.constant 2 : i32
    %dma_start3A_702 = arith.constant 0 : i32
    %dma_start3A_703 = tpu.memref_slice %arg2[%dma_start3A_701, %dma_start3A_702] : memref<26x4096xi32, #tpu.memory_space<hbm>> -> memref<1x4096xi32, #tpu.memory_space<hbm>>
    %dma_start3A_704 = tpu.memref_squeeze %dma_start3A_703 : memref<1x4096xi32, #tpu.memory_space<hbm>> -> memref<4096xi32, #tpu.memory_space<hbm>>
    %dma_start3A_705 = arith.constant 0 : i32
    %dma_start3A_706 = tpu.memref_slice %arg2[%dma_start3A_701, %dma_start3A_705] : memref<26x4096xi32, #tpu.memory_space<hbm>> -> memref<1x4096xi32, #tpu.memory_space<hbm>>
    %dma_start3A_707 = tpu.memref_squeeze %dma_start3A_706 : memref<1x4096xi32, #tpu.memory_space<hbm>> -> memref<4096xi32, #tpu.memory_space<hbm>>
    tpu.enqueue_dma source(%dma_start3A_707 : memref<4096xi32, #tpu.memory_space<hbm>>) target(%arg8 : memref<4096xi32, #tpu.memory_space<vmem>>) target_semaphore(%arg12 : memref<!tpu.dma_semaphore, #tpu.memory_space<semaphore_mem>>)
    %parallel_loop3A_708 = arith.constant 0 : i32
    %parallel_loop3A_709 = arith.constant 4096 : i32
    %parallel_loop3A_710 = arith.constant 16 : i32
    %parallel_loop3A_711 = arith.constant 0 : i32
    %parallel_loop3A_712 = arith.constant 0 : i32
    scf.for %parallel_loop3A_1330 = %parallel_loop3A_708 to %parallel_loop3A_709 step %parallel_loop3A_710  : i32 {
      %parallel_loop3A_1331 = arith.index_cast %parallel_loop3A_1330 : i32 to index
      %parallel_loop3A_1332 = tpu.vector_load %arg6[%parallel_loop3A_1331] {strides = array<i32>} : memref<4096xi32, #tpu.memory_space<vmem>>, vector<16xi32>,
      %parallel_loop3A_1333 = tpu.vector_load_idx %arg5[%parallel_loop3A_1332] : memref<100000xf32, #tpu.memory_space<vmem>>[vector<16xi32>], vector<16xf32>,
      %parallel_loop3A_1334 = arith.constant 0 : i32
      %parallel_loop3A_1335 = tpu.memref_slice %arg9[%parallel_loop3A_711, %parallel_loop3A_712, %parallel_loop3A_1334] : memref<2x1x4096xf32, #tpu.memory_space<vmem>> -> memref<1x1x4096xf32, #tpu.memory_space<vmem>>
      %parallel_loop3A_1336 = tpu.memref_squeeze %parallel_loop3A_1335 : memref<1x1x4096xf32, #tpu.memory_space<vmem>> -> memref<4096xf32, #tpu.memory_space<vmem>>
      %parallel_loop3A_1337 = arith.index_cast %parallel_loop3A_1330 : i32 to index
      %parallel_loop3A_1338 = tpu.vector_load %parallel_loop3A_1336[%parallel_loop3A_1337] {strides = array<i32>} : memref<4096xf32, #tpu.memory_space<vmem>>, vector<16xf32>,
      tpu.vector_store %parallel_loop3A_1336[%parallel_loop3A_1337], %parallel_loop3A_1333 {strides = array<i32>} : memref<4096xf32, #tpu.memory_space<vmem>>, vector<16xf32>,
    } {sc.loop_unroll_factor = 8 : i64, sc.parallel_access}
    %dma_wait3A_713 = arith.constant 1 : i32
    %dma_wait3A_714 = arith.constant 0 : i32
    %dma_wait3A_715 = tpu.memref_slice %arg2[%dma_wait3A_713, %dma_wait3A_714] : memref<26x4096xi32, #tpu.memory_space<hbm>> -> memref<1x4096xi32, #tpu.memory_space<hbm>>
    %dma_wait3A_716 = tpu.memref_squeeze %dma_wait3A_715 : memref<1x4096xi32, #tpu.memory_space<hbm>> -> memref<4096xi32, #tpu.memory_space<hbm>>
    %dma_wait3A_717 = arith.constant 0 : i32
    %dma_wait3A_718 = tpu.memref_slice %arg2[%dma_wait3A_713, %dma_wait3A_717] : memref<26x4096xi32, #tpu.memory_space<hbm>> -> memref<1x4096xi32, #tpu.memory_space<hbm>>
    %dma_wait3A_719 = tpu.memref_squeeze %dma_wait3A_718 : memref<1x4096xi32, #tpu.memory_space<hbm>> -> memref<4096xi32, #tpu.memory_space<hbm>>
    tpu.wait_dma2 semaphore(%arg12 : memref<!tpu.dma_semaphore, #tpu.memory_space<semaphore_mem>>) src(%dma_wait3A_719 : memref<4096xi32, #tpu.memory_space<hbm>>) dst(%arg7 : memref<4096xi32, #tpu.memory_space<vmem>>)
    %dma_start3A_720 = arith.constant 3 : i32
    %dma_start3A_721 = arith.constant 0 : i32
    %dma_start3A_722 = tpu.memref_slice %arg2[%dma_start3A_720, %dma_start3A_721] : memref<26x4096xi32, #tpu.memory_space<hbm>> -> memref<1x4096xi32, #tpu.memory_space<hbm>>
    %dma_start3A_723 = tpu.memref_squeeze %dma_start3A_722 : memref<1x4096xi32, #tpu.memory_space<hbm>> -> memref<4096xi32, #tpu.memory_space<hbm>>
    %dma_start3A_724 = arith.constant 0 : i32
    %dma_start3A_725 = tpu.memref_slice %arg2[%dma_start3A_720, %dma_start3A_724] : memref<26x4096xi32, #tpu.memory_space<hbm>> -> memref<1x4096xi32, #tpu.memory_space<hbm>>
    %dma_start3A_726 = tpu.memref_squeeze %dma_start3A_725 : memref<1x4096xi32, #tpu.memory_space<hbm>> -> memref<4096xi32, #tpu.memory_space<hbm>>
    tpu.enqueue_dma source(%dma_start3A_726 : memref<4096xi32, #tpu.memory_space<hbm>>) target(%arg6 : memref<4096xi32, #tpu.memory_space<vmem>>) target_semaphore(%arg12 : memref<!tpu.dma_semaphore, #tpu.memory_space<semaphore_mem>>)
    %parallel_loop3A_727 = arith.constant 0 : i32
    %parallel_loop3A_728 = arith.constant 4096 : i32
    %parallel_loop3A_729 = arith.constant 16 : i32
    %parallel_loop3A_730 = arith.constant 1 : i32
    %parallel_loop3A_731 = arith.constant 0 : i32
    scf.for %parallel_loop3A_1330 = %parallel_loop3A_727 to %parallel_loop3A_728 step %parallel_loop3A_729  : i32 {
      %parallel_loop3A_1331 = arith.index_cast %parallel_loop3A_1330 : i32 to index
      %parallel_loop3A_1332 = tpu.vector_load %arg7[%parallel_loop3A_1331] {strides = array<i32>} : memref<4096xi32, #tpu.memory_space<vmem>>, vector<16xi32>,
      %parallel_loop3A_1333 = tpu.vector_load_idx %arg5[%parallel_loop3A_1332] : memref<100000xf32, #tpu.memory_space<vmem>>[vector<16xi32>], vector<16xf32>,
      %parallel_loop3A_1334 = arith.constant 0 : i32
      %parallel_loop3A_1335 = tpu.memref_slice %arg9[%parallel_loop3A_730, %parallel_loop3A_731, %parallel_loop3A_1334] : memref<2x1x4096xf32, #tpu.memory_space<vmem>> -> memref<1x1x4096xf32, #tpu.memory_space<vmem>>
      %parallel_loop3A_1336 = tpu.memref_squeeze %parallel_loop3A_1335 : memref<1x1x4096xf32, #tpu.memory_space<vmem>> -> memref<4096xf32, #tpu.memory_space<vmem>>
      %parallel_loop3A_1337 = arith.index_cast %parallel_loop3A_1330 : i32 to index
      %parallel_loop3A_1338 = tpu.vector_load %parallel_loop3A_1336[%parallel_loop3A_1337] {strides = array<i32>} : memref<4096xf32, #tpu.memory_space<vmem>>, vector<16xf32>,
      tpu.vector_store %parallel_loop3A_1336[%parallel_loop3A_1337], %parallel_loop3A_1333 {strides = array<i32>} : memref<4096xf32, #tpu.memory_space<vmem>>, vector<16xf32>,
    } {sc.loop_unroll_factor = 8 : i64, sc.parallel_access}
    %dma_start3A_732 = arith.constant 0 : i32
    %dma_start3A_733 = arith.constant 0 : i32
    %dma_start3A_734 = tpu.memref_slice %arg4[%dma_start3A_732, %add3A_673, %dma_start3A_733] : memref<26x64x4096xf32, #tpu.memory_space<hbm>> -> memref<2x1x4096xf32, #tpu.memory_space<hbm>>
    %dma_start3A_735 = arith.constant 0 : i32
    %dma_start3A_736 = arith.constant 0 : i32
    %dma_start3A_737 = tpu.memref_slice %arg4[%dma_start3A_735, %add3A_673, %dma_start3A_736] : memref<26x64x4096xf32, #tpu.memory_space<hbm>> -> memref<2x1x4096xf32, #tpu.memory_space<hbm>>
    tpu.enqueue_dma source(%arg9 : memref<2x1x4096xf32, #tpu.memory_space<vmem>>) target(%dma_start3A_737 : memref<2x1x4096xf32, #tpu.memory_space<hbm>>) target_semaphore(%arg13 : memref<!tpu.dma_semaphore, #tpu.memory_space<semaphore_mem>>)
    %dma_wait3A_738 = arith.constant 2 : i32
    %dma_wait3A_739 = arith.constant 0 : i32
    %dma_wait3A_740 = tpu.memref_slice %arg2[%dma_wait3A_738, %dma_wait3A_739] : memref<26x4096xi32, #tpu.memory_space<hbm>> -> memref<1x4096xi32, #tpu.memory_space<hbm>>
    %dma_wait3A_741 = tpu.memref_squeeze %dma_wait3A_740 : memref<1x4096xi32, #tpu.memory_space<hbm>> -> memref<4096xi32, #tpu.memory_space<hbm>>
    %dma_wait3A_742 = arith.constant 0 : i32
    %dma_wait3A_743 = tpu.memref_slice %arg2[%dma_wait3A_738, %dma_wait3A_742] : memref<26x4096xi32, #tpu.memory_space<hbm>> -> memref<1x4096xi32, #tpu.memory_space<hbm>>
    %dma_wait3A_744 = tpu.memref_squeeze %dma_wait3A_743 : memref<1x4096xi32, #tpu.memory_space<hbm>> -> memref<4096xi32, #tpu.memory_space<hbm>>
    tpu.wait_dma2 semaphore(%arg12 : memref<!tpu.dma_semaphore, #tpu.memory_space<semaphore_mem>>) src(%dma_wait3A_744 : memref<4096xi32, #tpu.memory_space<hbm>>) dst(%arg8 : memref<4096xi32, #tpu.memory_space<vmem>>)
    %dma_start3A_745 = arith.constant 4 : i32
    %dma_start3A_746 = arith.constant 0 : i32
    %dma_start3A_747 = tpu.memref_slice %arg2[%dma_start3A_745, %dma_start3A_746] : memref<26x4096xi32, #tpu.memory_space<hbm>> -> memref<1x4096xi32, #tpu.memory_space<hbm>>
    %dma_start3A_748 = tpu.memref_squeeze %dma_start3A_747 : memref<1x4096xi32, #tpu.memory_space<hbm>> -> memref<4096xi32, #tpu.memory_space<hbm>>
    %dma_start3A_749 = arith.constant 0 : i32
    %dma_start3A_750 = tpu.memref_slice %arg2[%dma_start3A_745, %dma_start3A_749] : memref<26x4096xi32, #tpu.memory_space<hbm>> -> memref<1x4096xi32, #tpu.memory_space<hbm>>
    %dma_start3A_751 = tpu.memref_squeeze %dma_start3A_750 : memref<1x4096xi32, #tpu.memory_space<hbm>> -> memref<4096xi32, #tpu.memory_space<hbm>>
    tpu.enqueue_dma source(%dma_start3A_751 : memref<4096xi32, #tpu.memory_space<hbm>>) target(%arg7 : memref<4096xi32, #tpu.memory_space<vmem>>) target_semaphore(%arg12 : memref<!tpu.dma_semaphore, #tpu.memory_space<semaphore_mem>>)
    %parallel_loop3A_752 = arith.constant 0 : i32
    %parallel_loop3A_753 = arith.constant 4096 : i32
    %parallel_loop3A_754 = arith.constant 16 : i32
    %parallel_loop3A_755 = arith.constant 0 : i32
    %parallel_loop3A_756 = arith.constant 0 : i32
    scf.for %parallel_loop3A_1330 = %parallel_loop3A_752 to %parallel_loop3A_753 step %parallel_loop3A_754  : i32 {
      %parallel_loop3A_1331 = arith.index_cast %parallel_loop3A_1330 : i32 to index
      %parallel_loop3A_1332 = tpu.vector_load %arg8[%parallel_loop3A_1331] {strides = array<i32>} : memref<4096xi32, #tpu.memory_space<vmem>>, vector<16xi32>,
      %parallel_loop3A_1333 = tpu.vector_load_idx %arg5[%parallel_loop3A_1332] : memref<100000xf32, #tpu.memory_space<vmem>>[vector<16xi32>], vector<16xf32>,
      %parallel_loop3A_1334 = arith.constant 0 : i32
      %parallel_loop3A_1335 = tpu.memref_slice %arg10[%parallel_loop3A_755, %parallel_loop3A_756, %parallel_loop3A_1334] : memref<2x1x4096xf32, #tpu.memory_space<vmem>> -> memref<1x1x4096xf32, #tpu.memory_space<vmem>>
      %parallel_loop3A_1336 = tpu.memref_squeeze %parallel_loop3A_1335 : memref<1x1x4096xf32, #tpu.memory_space<vmem>> -> memref<4096xf32, #tpu.memory_space<vmem>>
      %parallel_loop3A_1337 = arith.index_cast %parallel_loop3A_1330 : i32 to index
      %parallel_loop3A_1338 = tpu.vector_load %parallel_loop3A_1336[%parallel_loop3A_1337] {strides = array<i32>} : memref<4096xf32, #tpu.memory_space<vmem>>, vector<16xf32>,
      tpu.vector_store %parallel_loop3A_1336[%parallel_loop3A_1337], %parallel_loop3A_1333 {strides = array<i32>} : memref<4096xf32, #tpu.memory_space<vmem>>, vector<16xf32>,
    } {sc.loop_unroll_factor = 8 : i64, sc.parallel_access}
    %dma_wait3A_757 = arith.constant 3 : i32
    %dma_wait3A_758 = arith.constant 0 : i32
    %dma_wait3A_759 = tpu.memref_slice %arg2[%dma_wait3A_757, %dma_wait3A_758] : memref<26x4096xi32, #tpu.memory_space<hbm>> -> memref<1x4096xi32, #tpu.memory_space<hbm>>
    %dma_wait3A_760 = tpu.memref_squeeze %dma_wait3A_759 : memref<1x4096xi32, #tpu.memory_space<hbm>> -> memref<4096xi32, #tpu.memory_space<hbm>>
    %dma_wait3A_761 = arith.constant 0 : i32
    %dma_wait3A_762 = tpu.memref_slice %arg2[%dma_wait3A_757, %dma_wait3A_761] : memref<26x4096xi32, #tpu.memory_space<hbm>> -> memref<1x4096xi32, #tpu.memory_space<hbm>>
    %dma_wait3A_763 = tpu.memref_squeeze %dma_wait3A_762 : memref<1x4096xi32, #tpu.memory_space<hbm>> -> memref<4096xi32, #tpu.memory_space<hbm>>
    tpu.wait_dma2 semaphore(%arg12 : memref<!tpu.dma_semaphore, #tpu.memory_space<semaphore_mem>>) src(%dma_wait3A_763 : memref<4096xi32, #tpu.memory_space<hbm>>) dst(%arg6 : memref<4096xi32, #tpu.memory_space<vmem>>)
    %dma_start3A_764 = arith.constant 5 : i32
    %dma_start3A_765 = arith.constant 0 : i32
    %dma_start3A_766 = tpu.memref_slice %arg2[%dma_start3A_764, %dma_start3A_765] : memref<26x4096xi32, #tpu.memory_space<hbm>> -> memref<1x4096xi32, #tpu.memory_space<hbm>>
    %dma_start3A_767 = tpu.memref_squeeze %dma_start3A_766 : memref<1x4096xi32, #tpu.memory_space<hbm>> -> memref<4096xi32, #tpu.memory_space<hbm>>
    %dma_start3A_768 = arith.constant 0 : i32
    %dma_start3A_769 = tpu.memref_slice %arg2[%dma_start3A_764, %dma_start3A_768] : memref<26x4096xi32, #tpu.memory_space<hbm>> -> memref<1x4096xi32, #tpu.memory_space<hbm>>
    %dma_start3A_770 = tpu.memref_squeeze %dma_start3A_769 : memref<1x4096xi32, #tpu.memory_space<hbm>> -> memref<4096xi32, #tpu.memory_space<hbm>>
    tpu.enqueue_dma source(%dma_start3A_770 : memref<4096xi32, #tpu.memory_space<hbm>>) target(%arg8 : memref<4096xi32, #tpu.memory_space<vmem>>) target_semaphore(%arg12 : memref<!tpu.dma_semaphore, #tpu.memory_space<semaphore_mem>>)
    %parallel_loop3A_771 = arith.constant 0 : i32
    %parallel_loop3A_772 = arith.constant 4096 : i32
    %parallel_loop3A_773 = arith.constant 16 : i32
    %parallel_loop3A_774 = arith.constant 1 : i32
    %parallel_loop3A_775 = arith.constant 0 : i32
    scf.for %parallel_loop3A_1330 = %parallel_loop3A_771 to %parallel_loop3A_772 step %parallel_loop3A_773  : i32 {
      %parallel_loop3A_1331 = arith.index_cast %parallel_loop3A_1330 : i32 to index
      %parallel_loop3A_1332 = tpu.vector_load %arg6[%parallel_loop3A_1331] {strides = array<i32>} : memref<4096xi32, #tpu.memory_space<vmem>>, vector<16xi32>,
      %parallel_loop3A_1333 = tpu.vector_load_idx %arg5[%parallel_loop3A_1332] : memref<100000xf32, #tpu.memory_space<vmem>>[vector<16xi32>], vector<16xf32>,
      %parallel_loop3A_1334 = arith.constant 0 : i32
      %parallel_loop3A_1335 = tpu.memref_slice %arg10[%parallel_loop3A_774, %parallel_loop3A_775, %parallel_loop3A_1334] : memref<2x1x4096xf32, #tpu.memory_space<vmem>> -> memref<1x1x4096xf32, #tpu.memory_space<vmem>>
      %parallel_loop3A_1336 = tpu.memref_squeeze %parallel_loop3A_1335 : memref<1x1x4096xf32, #tpu.memory_space<vmem>> -> memref<4096xf32, #tpu.memory_space<vmem>>
      %parallel_loop3A_1337 = arith.index_cast %parallel_loop3A_1330 : i32 to index
      %parallel_loop3A_1338 = tpu.vector_load %parallel_loop3A_1336[%parallel_loop3A_1337] {strides = array<i32>} : memref<4096xf32, #tpu.memory_space<vmem>>, vector<16xf32>,
      tpu.vector_store %parallel_loop3A_1336[%parallel_loop3A_1337], %parallel_loop3A_1333 {strides = array<i32>} : memref<4096xf32, #tpu.memory_space<vmem>>, vector<16xf32>,
    } {sc.loop_unroll_factor = 8 : i64, sc.parallel_access}
    %dma_start3A_776 = arith.constant 2 : i32
    %dma_start3A_777 = arith.constant 0 : i32
    %dma_start3A_778 = tpu.memref_slice %arg4[%dma_start3A_776, %add3A_673, %dma_start3A_777] : memref<26x64x4096xf32, #tpu.memory_space<hbm>> -> memref<2x1x4096xf32, #tpu.memory_space<hbm>>
    %dma_start3A_779 = arith.constant 2 : i32
    %dma_start3A_780 = arith.constant 0 : i32
    %dma_start3A_781 = tpu.memref_slice %arg4[%dma_start3A_779, %add3A_673, %dma_start3A_780] : memref<26x64x4096xf32, #tpu.memory_space<hbm>> -> memref<2x1x4096xf32, #tpu.memory_space<hbm>>
    tpu.enqueue_dma source(%arg10 : memref<2x1x4096xf32, #tpu.memory_space<vmem>>) target(%dma_start3A_781 : memref<2x1x4096xf32, #tpu.memory_space<hbm>>) target_semaphore(%arg13 : memref<!tpu.dma_semaphore, #tpu.memory_space<semaphore_mem>>)
    %dma_wait3A_782 = arith.constant 4 : i32
    %dma_wait3A_783 = arith.constant 0 : i32
    %dma_wait3A_784 = tpu.memref_slice %arg2[%dma_wait3A_782, %dma_wait3A_783] : memref<26x4096xi32, #tpu.memory_space<hbm>> -> memref<1x4096xi32, #tpu.memory_space<hbm>>
    %dma_wait3A_785 = tpu.memref_squeeze %dma_wait3A_784 : memref<1x4096xi32, #tpu.memory_space<hbm>> -> memref<4096xi32, #tpu.memory_space<hbm>>
    %dma_wait3A_786 = arith.constant 0 : i32
    %dma_wait3A_787 = tpu.memref_slice %arg2[%dma_wait3A_782, %dma_wait3A_786] : memref<26x4096xi32, #tpu.memory_space<hbm>> -> memref<1x4096xi32, #tpu.memory_space<hbm>>
    %dma_wait3A_788 = tpu.memref_squeeze %dma_wait3A_787 : memref<1x4096xi32, #tpu.memory_space<hbm>> -> memref<4096xi32, #tpu.memory_space<hbm>>
    tpu.wait_dma2 semaphore(%arg12 : memref<!tpu.dma_semaphore, #tpu.memory_space<semaphore_mem>>) src(%dma_wait3A_788 : memref<4096xi32, #tpu.memory_space<hbm>>) dst(%arg7 : memref<4096xi32, #tpu.memory_space<vmem>>)
    %dma_start3A_789 = arith.constant 6 : i32
    %dma_start3A_790 = arith.constant 0 : i32
    %dma_start3A_791 = tpu.memref_slice %arg2[%dma_start3A_789, %dma_start3A_790] : memref<26x4096xi32, #tpu.memory_space<hbm>> -> memref<1x4096xi32, #tpu.memory_space<hbm>>
    %dma_start3A_792 = tpu.memref_squeeze %dma_start3A_791 : memref<1x4096xi32, #tpu.memory_space<hbm>> -> memref<4096xi32, #tpu.memory_space<hbm>>
    %dma_start3A_793 = arith.constant 0 : i32
    %dma_start3A_794 = tpu.memref_slice %arg2[%dma_start3A_789, %dma_start3A_793] : memref<26x4096xi32, #tpu.memory_space<hbm>> -> memref<1x4096xi32, #tpu.memory_space<hbm>>
    %dma_start3A_795 = tpu.memref_squeeze %dma_start3A_794 : memref<1x4096xi32, #tpu.memory_space<hbm>> -> memref<4096xi32, #tpu.memory_space<hbm>>
    tpu.enqueue_dma source(%dma_start3A_795 : memref<4096xi32, #tpu.memory_space<hbm>>) target(%arg6 : memref<4096xi32, #tpu.memory_space<vmem>>) target_semaphore(%arg12 : memref<!tpu.dma_semaphore, #tpu.memory_space<semaphore_mem>>)
    %dma_wait3A_796 = arith.constant 0 : i32
    %dma_wait3A_797 = arith.constant 0 : i32
    %dma_wait3A_798 = tpu.memref_slice %arg4[%dma_wait3A_796, %add3A_673, %dma_wait3A_797] : memref<26x64x4096xf32, #tpu.memory_space<hbm>> -> memref<2x1x4096xf32, #tpu.memory_space<hbm>>
    %dma_wait3A_799 = arith.constant 0 : i32
    %dma_wait3A_800 = arith.constant 0 : i32
    %dma_wait3A_801 = tpu.memref_slice %arg4[%dma_wait3A_799, %add3A_673, %dma_wait3A_800] : memref<26x64x4096xf32, #tpu.memory_space<hbm>> -> memref<2x1x4096xf32, #tpu.memory_space<hbm>>
    tpu.wait_dma2 semaphore(%arg13 : memref<!tpu.dma_semaphore, #tpu.memory_space<semaphore_mem>>) src(%arg9 : memref<2x1x4096xf32, #tpu.memory_space<vmem>>) dst(%dma_wait3A_801 : memref<2x1x4096xf32, #tpu.memory_space<hbm>>)
    %parallel_loop3A_802 = arith.constant 0 : i32
    %parallel_loop3A_803 = arith.constant 4096 : i32
    %parallel_loop3A_804 = arith.constant 16 : i32
    %parallel_loop3A_805 = arith.constant 0 : i32
    %parallel_loop3A_806 = arith.constant 0 : i32
    scf.for %parallel_loop3A_1330 = %parallel_loop3A_802 to %parallel_loop3A_803 step %parallel_loop3A_804  : i32 {
      %parallel_loop3A_1331 = arith.index_cast %parallel_loop3A_1330 : i32 to index
      %parallel_loop3A_1332 = tpu.vector_load %arg7[%parallel_loop3A_1331] {strides = array<i32>} : memref<4096xi32, #tpu.memory_space<vmem>>, vector<16xi32>,
      %parallel_loop3A_1333 = tpu.vector_load_idx %arg5[%parallel_loop3A_1332] : memref<100000xf32, #tpu.memory_space<vmem>>[vector<16xi32>], vector<16xf32>,
      %parallel_loop3A_1334 = arith.constant 0 : i32
      %parallel_loop3A_1335 = tpu.memref_slice %arg9[%parallel_loop3A_805, %parallel_loop3A_806, %parallel_loop3A_1334] : memref<2x1x4096xf32, #tpu.memory_space<vmem>> -> memref<1x1x4096xf32, #tpu.memory_space<vmem>>
      %parallel_loop3A_1336 = tpu.memref_squeeze %parallel_loop3A_1335 : memref<1x1x4096xf32, #tpu.memory_space<vmem>> -> memref<4096xf32, #tpu.memory_space<vmem>>
      %parallel_loop3A_1337 = arith.index_cast %parallel_loop3A_1330 : i32 to index
      %parallel_loop3A_1338 = tpu.vector_load %parallel_loop3A_1336[%parallel_loop3A_1337] {strides = array<i32>} : memref<4096xf32, #tpu.memory_space<vmem>>, vector<16xf32>,
      tpu.vector_store %parallel_loop3A_1336[%parallel_loop3A_1337], %parallel_loop3A_1333 {strides = array<i32>} : memref<4096xf32, #tpu.memory_space<vmem>>, vector<16xf32>,
    } {sc.loop_unroll_factor = 8 : i64, sc.parallel_access}
    %dma_wait3A_807 = arith.constant 5 : i32
    %dma_wait3A_808 = arith.constant 0 : i32
    %dma_wait3A_809 = tpu.memref_slice %arg2[%dma_wait3A_807, %dma_wait3A_808] : memref<26x4096xi32, #tpu.memory_space<hbm>> -> memref<1x4096xi32, #tpu.memory_space<hbm>>
    %dma_wait3A_810 = tpu.memref_squeeze %dma_wait3A_809 : memref<1x4096xi32, #tpu.memory_space<hbm>> -> memref<4096xi32, #tpu.memory_space<hbm>>
    %dma_wait3A_811 = arith.constant 0 : i32
    %dma_wait3A_812 = tpu.memref_slice %arg2[%dma_wait3A_807, %dma_wait3A_811] : memref<26x4096xi32, #tpu.memory_space<hbm>> -> memref<1x4096xi32, #tpu.memory_space<hbm>>
    %dma_wait3A_813 = tpu.memref_squeeze %dma_wait3A_812 : memref<1x4096xi32, #tpu.memory_space<hbm>> -> memref<4096xi32, #tpu.memory_space<hbm>>
    tpu.wait_dma2 semaphore(%arg12 : memref<!tpu.dma_semaphore, #tpu.memory_space<semaphore_mem>>) src(%dma_wait3A_813 : memref<4096xi32, #tpu.memory_space<hbm>>) dst(%arg8 : memref<4096xi32, #tpu.memory_space<vmem>>)
    %dma_start3A_814 = arith.constant 7 : i32
    %dma_start3A_815 = arith.constant 0 : i32
    %dma_start3A_816 = tpu.memref_slice %arg2[%dma_start3A_814, %dma_start3A_815] : memref<26x4096xi32, #tpu.memory_space<hbm>> -> memref<1x4096xi32, #tpu.memory_space<hbm>>
    %dma_start3A_817 = tpu.memref_squeeze %dma_start3A_816 : memref<1x4096xi32, #tpu.memory_space<hbm>> -> memref<4096xi32, #tpu.memory_space<hbm>>
    %dma_start3A_818 = arith.constant 0 : i32
    %dma_start3A_819 = tpu.memref_slice %arg2[%dma_start3A_814, %dma_start3A_818] : memref<26x4096xi32, #tpu.memory_space<hbm>> -> memref<1x4096xi32, #tpu.memory_space<hbm>>
    %dma_start3A_820 = tpu.memref_squeeze %dma_start3A_819 : memref<1x4096xi32, #tpu.memory_space<hbm>> -> memref<4096xi32, #tpu.memory_space<hbm>>
    tpu.enqueue_dma source(%dma_start3A_820 : memref<4096xi32, #tpu.memory_space<hbm>>) target(%arg7 : memref<4096xi32, #tpu.memory_space<vmem>>) target_semaphore(%arg12 : memref<!tpu.dma_semaphore, #tpu.memory_space<semaphore_mem>>)
    %parallel_loop3A_821 = arith.constant 0 : i32
    %parallel_loop3A_822 = arith.constant 4096 : i32
    %parallel_loop3A_823 = arith.constant 16 : i32
    %parallel_loop3A_824 = arith.constant 1 : i32
    %parallel_loop3A_825 = arith.constant 0 : i32
    scf.for %parallel_loop3A_1330 = %parallel_loop3A_821 to %parallel_loop3A_822 step %parallel_loop3A_823  : i32 {
      %parallel_loop3A_1331 = arith.index_cast %parallel_loop3A_1330 : i32 to index
      %parallel_loop3A_1332 = tpu.vector_load %arg8[%parallel_loop3A_1331] {strides = array<i32>} : memref<4096xi32, #tpu.memory_space<vmem>>, vector<16xi32>,
      %parallel_loop3A_1333 = tpu.vector_load_idx %arg5[%parallel_loop3A_1332] : memref<100000xf32, #tpu.memory_space<vmem>>[vector<16xi32>], vector<16xf32>,
      %parallel_loop3A_1334 = arith.constant 0 : i32
      %parallel_loop3A_1335 = tpu.memref_slice %arg9[%parallel_loop3A_824, %parallel_loop3A_825, %parallel_loop3A_1334] : memref<2x1x4096xf32, #tpu.memory_space<vmem>> -> memref<1x1x4096xf32, #tpu.memory_space<vmem>>
      %parallel_loop3A_1336 = tpu.memref_squeeze %parallel_loop3A_1335 : memref<1x1x4096xf32, #tpu.memory_space<vmem>> -> memref<4096xf32, #tpu.memory_space<vmem>>
      %parallel_loop3A_1337 = arith.index_cast %parallel_loop3A_1330 : i32 to index
      %parallel_loop3A_1338 = tpu.vector_load %parallel_loop3A_1336[%parallel_loop3A_1337] {strides = array<i32>} : memref<4096xf32, #tpu.memory_space<vmem>>, vector<16xf32>,
      tpu.vector_store %parallel_loop3A_1336[%parallel_loop3A_1337], %parallel_loop3A_1333 {strides = array<i32>} : memref<4096xf32, #tpu.memory_space<vmem>>, vector<16xf32>,
    } {sc.loop_unroll_factor = 8 : i64, sc.parallel_access}
    %dma_start3A_826 = arith.constant 4 : i32
    %dma_start3A_827 = arith.constant 0 : i32
    %dma_start3A_828 = tpu.memref_slice %arg4[%dma_start3A_826, %add3A_673, %dma_start3A_827] : memref<26x64x4096xf32, #tpu.memory_space<hbm>> -> memref<2x1x4096xf32, #tpu.memory_space<hbm>>
    %dma_start3A_829 = arith.constant 4 : i32
    %dma_start3A_830 = arith.constant 0 : i32
    %dma_start3A_831 = tpu.memref_slice %arg4[%dma_start3A_829, %add3A_673, %dma_start3A_830] : memref<26x64x4096xf32, #tpu.memory_space<hbm>> -> memref<2x1x4096xf32, #tpu.memory_space<hbm>>
    tpu.enqueue_dma source(%arg9 : memref<2x1x4096xf32, #tpu.memory_space<vmem>>) target(%dma_start3A_831 : memref<2x1x4096xf32, #tpu.memory_space<hbm>>) target_semaphore(%arg13 : memref<!tpu.dma_semaphore, #tpu.memory_space<semaphore_mem>>)
    %dma_wait3A_832 = arith.constant 6 : i32
    %dma_wait3A_833 = arith.constant 0 : i32
    %dma_wait3A_834 = tpu.memref_slice %arg2[%dma_wait3A_832, %dma_wait3A_833] : memref<26x4096xi32, #tpu.memory_space<hbm>> -> memref<1x4096xi32, #tpu.memory_space<hbm>>
    %dma_wait3A_835 = tpu.memref_squeeze %dma_wait3A_834 : memref<1x4096xi32, #tpu.memory_space<hbm>> -> memref<4096xi32, #tpu.memory_space<hbm>>
    %dma_wait3A_836 = arith.constant 0 : i32
    %dma_wait3A_837 = tpu.memref_slice %arg2[%dma_wait3A_832, %dma_wait3A_836] : memref<26x4096xi32, #tpu.memory_space<hbm>> -> memref<1x4096xi32, #tpu.memory_space<hbm>>
    %dma_wait3A_838 = tpu.memref_squeeze %dma_wait3A_837 : memref<1x4096xi32, #tpu.memory_space<hbm>> -> memref<4096xi32, #tpu.memory_space<hbm>>
    tpu.wait_dma2 semaphore(%arg12 : memref<!tpu.dma_semaphore, #tpu.memory_space<semaphore_mem>>) src(%dma_wait3A_838 : memref<4096xi32, #tpu.memory_space<hbm>>) dst(%arg6 : memref<4096xi32, #tpu.memory_space<vmem>>)
    %dma_start3A_839 = arith.constant 8 : i32
    %dma_start3A_840 = arith.constant 0 : i32
    %dma_start3A_841 = tpu.memref_slice %arg2[%dma_start3A_839, %dma_start3A_840] : memref<26x4096xi32, #tpu.memory_space<hbm>> -> memref<1x4096xi32, #tpu.memory_space<hbm>>
    %dma_start3A_842 = tpu.memref_squeeze %dma_start3A_841 : memref<1x4096xi32, #tpu.memory_space<hbm>> -> memref<4096xi32, #tpu.memory_space<hbm>>
    %dma_start3A_843 = arith.constant 0 : i32
    %dma_start3A_844 = tpu.memref_slice %arg2[%dma_start3A_839, %dma_start3A_843] : memref<26x4096xi32, #tpu.memory_space<hbm>> -> memref<1x4096xi32, #tpu.memory_space<hbm>>
    %dma_start3A_845 = tpu.memref_squeeze %dma_start3A_844 : memref<1x4096xi32, #tpu.memory_space<hbm>> -> memref<4096xi32, #tpu.memory_space<hbm>>
    tpu.enqueue_dma source(%dma_start3A_845 : memref<4096xi32, #tpu.memory_space<hbm>>) target(%arg8 : memref<4096xi32, #tpu.memory_space<vmem>>) target_semaphore(%arg12 : memref<!tpu.dma_semaphore, #tpu.memory_space<semaphore_mem>>)
    %dma_wait3A_846 = arith.constant 2 : i32
    %dma_wait3A_847 = arith.constant 0 : i32
    %dma_wait3A_848 = tpu.memref_slice %arg4[%dma_wait3A_846, %add3A_673, %dma_wait3A_847] : memref<26x64x4096xf32, #tpu.memory_space<hbm>> -> memref<2x1x4096xf32, #tpu.memory_space<hbm>>
    %dma_wait3A_849 = arith.constant 2 : i32
    %dma_wait3A_850 = arith.constant 0 : i32
    %dma_wait3A_851 = tpu.memref_slice %arg4[%dma_wait3A_849, %add3A_673, %dma_wait3A_850] : memref<26x64x4096xf32, #tpu.memory_space<hbm>> -> memref<2x1x4096xf32, #tpu.memory_space<hbm>>
    tpu.wait_dma2 semaphore(%arg13 : memref<!tpu.dma_semaphore, #tpu.memory_space<semaphore_mem>>) src(%arg10 : memref<2x1x4096xf32, #tpu.memory_space<vmem>>) dst(%dma_wait3A_851 : memref<2x1x4096xf32, #tpu.memory_space<hbm>>)
    %parallel_loop3A_852 = arith.constant 0 : i32
    %parallel_loop3A_853 = arith.constant 4096 : i32
    %parallel_loop3A_854 = arith.constant 16 : i32
    %parallel_loop3A_855 = arith.constant 0 : i32
    %parallel_loop3A_856 = arith.constant 0 : i32
    scf.for %parallel_loop3A_1330 = %parallel_loop3A_852 to %parallel_loop3A_853 step %parallel_loop3A_854  : i32 {
      %parallel_loop3A_1331 = arith.index_cast %parallel_loop3A_1330 : i32 to index
      %parallel_loop3A_1332 = tpu.vector_load %arg6[%parallel_loop3A_1331] {strides = array<i32>} : memref<4096xi32, #tpu.memory_space<vmem>>, vector<16xi32>,
      %parallel_loop3A_1333 = tpu.vector_load_idx %arg5[%parallel_loop3A_1332] : memref<100000xf32, #tpu.memory_space<vmem>>[vector<16xi32>], vector<16xf32>,
      %parallel_loop3A_1334 = arith.constant 0 : i32
      %parallel_loop3A_1335 = tpu.memref_slice %arg10[%parallel_loop3A_855, %parallel_loop3A_856, %parallel_loop3A_1334] : memref<2x1x4096xf32, #tpu.memory_space<vmem>> -> memref<1x1x4096xf32, #tpu.memory_space<vmem>>
      %parallel_loop3A_1336 = tpu.memref_squeeze %parallel_loop3A_1335 : memref<1x1x4096xf32, #tpu.memory_space<vmem>> -> memref<4096xf32, #tpu.memory_space<vmem>>
      %parallel_loop3A_1337 = arith.index_cast %parallel_loop3A_1330 : i32 to index
      %parallel_loop3A_1338 = tpu.vector_load %parallel_loop3A_1336[%parallel_loop3A_1337] {strides = array<i32>} : memref<4096xf32, #tpu.memory_space<vmem>>, vector<16xf32>,
      tpu.vector_store %parallel_loop3A_1336[%parallel_loop3A_1337], %parallel_loop3A_1333 {strides = array<i32>} : memref<4096xf32, #tpu.memory_space<vmem>>, vector<16xf32>,
    } {sc.loop_unroll_factor = 8 : i64, sc.parallel_access}
    %dma_wait3A_857 = arith.constant 7 : i32
    %dma_wait3A_858 = arith.constant 0 : i32
    %dma_wait3A_859 = tpu.memref_slice %arg2[%dma_wait3A_857, %dma_wait3A_858] : memref<26x4096xi32, #tpu.memory_space<hbm>> -> memref<1x4096xi32, #tpu.memory_space<hbm>>
    %dma_wait3A_860 = tpu.memref_squeeze %dma_wait3A_859 : memref<1x4096xi32, #tpu.memory_space<hbm>> -> memref<4096xi32, #tpu.memory_space<hbm>>
    %dma_wait3A_861 = arith.constant 0 : i32
    %dma_wait3A_862 = tpu.memref_slice %arg2[%dma_wait3A_857, %dma_wait3A_861] : memref<26x4096xi32, #tpu.memory_space<hbm>> -> memref<1x4096xi32, #tpu.memory_space<hbm>>
    %dma_wait3A_863 = tpu.memref_squeeze %dma_wait3A_862 : memref<1x4096xi32, #tpu.memory_space<hbm>> -> memref<4096xi32, #tpu.memory_space<hbm>>
    tpu.wait_dma2 semaphore(%arg12 : memref<!tpu.dma_semaphore, #tpu.memory_space<semaphore_mem>>) src(%dma_wait3A_863 : memref<4096xi32, #tpu.memory_space<hbm>>) dst(%arg7 : memref<4096xi32, #tpu.memory_space<vmem>>)
    %dma_start3A_864 = arith.constant 9 : i32
    %dma_start3A_865 = arith.constant 0 : i32
    %dma_start3A_866 = tpu.memref_slice %arg2[%dma_start3A_864, %dma_start3A_865] : memref<26x4096xi32, #tpu.memory_space<hbm>> -> memref<1x4096xi32, #tpu.memory_space<hbm>>
    %dma_start3A_867 = tpu.memref_squeeze %dma_start3A_866 : memref<1x4096xi32, #tpu.memory_space<hbm>> -> memref<4096xi32, #tpu.memory_space<hbm>>
    %dma_start3A_868 = arith.constant 0 : i32
    %dma_start3A_869 = tpu.memref_slice %arg2[%dma_start3A_864, %dma_start3A_868] : memref<26x4096xi32, #tpu.memory_space<hbm>> -> memref<1x4096xi32, #tpu.memory_space<hbm>>
    %dma_start3A_870 = tpu.memref_squeeze %dma_start3A_869 : memref<1x4096xi32, #tpu.memory_space<hbm>> -> memref<4096xi32, #tpu.memory_space<hbm>>
    tpu.enqueue_dma source(%dma_start3A_870 : memref<4096xi32, #tpu.memory_space<hbm>>) target(%arg6 : memref<4096xi32, #tpu.memory_space<vmem>>) target_semaphore(%arg12 : memref<!tpu.dma_semaphore, #tpu.memory_space<semaphore_mem>>)
    %parallel_loop3A_871 = arith.constant 0 : i32
    %parallel_loop3A_872 = arith.constant 4096 : i32
    %parallel_loop3A_873 = arith.constant 16 : i32
    %parallel_loop3A_874 = arith.constant 1 : i32
    %parallel_loop3A_875 = arith.constant 0 : i32
    scf.for %parallel_loop3A_1330 = %parallel_loop3A_871 to %parallel_loop3A_872 step %parallel_loop3A_873  : i32 {
      %parallel_loop3A_1331 = arith.index_cast %parallel_loop3A_1330 : i32 to index
      %parallel_loop3A_1332 = tpu.vector_load %arg7[%parallel_loop3A_1331] {strides = array<i32>} : memref<4096xi32, #tpu.memory_space<vmem>>, vector<16xi32>,
      %parallel_loop3A_1333 = tpu.vector_load_idx %arg5[%parallel_loop3A_1332] : memref<100000xf32, #tpu.memory_space<vmem>>[vector<16xi32>], vector<16xf32>,
      %parallel_loop3A_1334 = arith.constant 0 : i32
      %parallel_loop3A_1335 = tpu.memref_slice %arg10[%parallel_loop3A_874, %parallel_loop3A_875, %parallel_loop3A_1334] : memref<2x1x4096xf32, #tpu.memory_space<vmem>> -> memref<1x1x4096xf32, #tpu.memory_space<vmem>>
      %parallel_loop3A_1336 = tpu.memref_squeeze %parallel_loop3A_1335 : memref<1x1x4096xf32, #tpu.memory_space<vmem>> -> memref<4096xf32, #tpu.memory_space<vmem>>
      %parallel_loop3A_1337 = arith.index_cast %parallel_loop3A_1330 : i32 to index
      %parallel_loop3A_1338 = tpu.vector_load %parallel_loop3A_1336[%parallel_loop3A_1337] {strides = array<i32>} : memref<4096xf32, #tpu.memory_space<vmem>>, vector<16xf32>,
      tpu.vector_store %parallel_loop3A_1336[%parallel_loop3A_1337], %parallel_loop3A_1333 {strides = array<i32>} : memref<4096xf32, #tpu.memory_space<vmem>>, vector<16xf32>,
    } {sc.loop_unroll_factor = 8 : i64, sc.parallel_access}
    %dma_start3A_876 = arith.constant 6 : i32
    %dma_start3A_877 = arith.constant 0 : i32
    %dma_start3A_878 = tpu.memref_slice %arg4[%dma_start3A_876, %add3A_673, %dma_start3A_877] : memref<26x64x4096xf32, #tpu.memory_space<hbm>> -> memref<2x1x4096xf32, #tpu.memory_space<hbm>>
    %dma_start3A_879 = arith.constant 6 : i32
    %dma_start3A_880 = arith.constant 0 : i32
    %dma_start3A_881 = tpu.memref_slice %arg4[%dma_start3A_879, %add3A_673, %dma_start3A_880] : memref<26x64x4096xf32, #tpu.memory_space<hbm>> -> memref<2x1x4096xf32, #tpu.memory_space<hbm>>
    tpu.enqueue_dma source(%arg10 : memref<2x1x4096xf32, #tpu.memory_space<vmem>>) target(%dma_start3A_881 : memref<2x1x4096xf32, #tpu.memory_space<hbm>>) target_semaphore(%arg13 : memref<!tpu.dma_semaphore, #tpu.memory_space<semaphore_mem>>)
    %dma_wait3A_882 = arith.constant 8 : i32
    %dma_wait3A_883 = arith.constant 0 : i32
    %dma_wait3A_884 = tpu.memref_slice %arg2[%dma_wait3A_882, %dma_wait3A_883] : memref<26x4096xi32, #tpu.memory_space<hbm>> -> memref<1x4096xi32, #tpu.memory_space<hbm>>
    %dma_wait3A_885 = tpu.memref_squeeze %dma_wait3A_884 : memref<1x4096xi32, #tpu.memory_space<hbm>> -> memref<4096xi32, #tpu.memory_space<hbm>>
    %dma_wait3A_886 = arith.constant 0 : i32
    %dma_wait3A_887 = tpu.memref_slice %arg2[%dma_wait3A_882, %dma_wait3A_886] : memref<26x4096xi32, #tpu.memory_space<hbm>> -> memref<1x4096xi32, #tpu.memory_space<hbm>>
    %dma_wait3A_888 = tpu.memref_squeeze %dma_wait3A_887 : memref<1x4096xi32, #tpu.memory_space<hbm>> -> memref<4096xi32, #tpu.memory_space<hbm>>
    tpu.wait_dma2 semaphore(%arg12 : memref<!tpu.dma_semaphore, #tpu.memory_space<semaphore_mem>>) src(%dma_wait3A_888 : memref<4096xi32, #tpu.memory_space<hbm>>) dst(%arg8 : memref<4096xi32, #tpu.memory_space<vmem>>)
    %dma_start3A_889 = arith.constant 10 : i32
    %dma_start3A_890 = arith.constant 0 : i32
    %dma_start3A_891 = tpu.memref_slice %arg2[%dma_start3A_889, %dma_start3A_890] : memref<26x4096xi32, #tpu.memory_space<hbm>> -> memref<1x4096xi32, #tpu.memory_space<hbm>>
    %dma_start3A_892 = tpu.memref_squeeze %dma_start3A_891 : memref<1x4096xi32, #tpu.memory_space<hbm>> -> memref<4096xi32, #tpu.memory_space<hbm>>
    %dma_start3A_893 = arith.constant 0 : i32
    %dma_start3A_894 = tpu.memref_slice %arg2[%dma_start3A_889, %dma_start3A_893] : memref<26x4096xi32, #tpu.memory_space<hbm>> -> memref<1x4096xi32, #tpu.memory_space<hbm>>
    %dma_start3A_895 = tpu.memref_squeeze %dma_start3A_894 : memref<1x4096xi32, #tpu.memory_space<hbm>> -> memref<4096xi32, #tpu.memory_space<hbm>>
    tpu.enqueue_dma source(%dma_start3A_895 : memref<4096xi32, #tpu.memory_space<hbm>>) target(%arg7 : memref<4096xi32, #tpu.memory_space<vmem>>) target_semaphore(%arg12 : memref<!tpu.dma_semaphore, #tpu.memory_space<semaphore_mem>>)
    %dma_wait3A_896 = arith.constant 4 : i32
    %dma_wait3A_897 = arith.constant 0 : i32
    %dma_wait3A_898 = tpu.memref_slice %arg4[%dma_wait3A_896, %add3A_673, %dma_wait3A_897] : memref<26x64x4096xf32, #tpu.memory_space<hbm>> -> memref<2x1x4096xf32, #tpu.memory_space<hbm>>
    %dma_wait3A_899 = arith.constant 4 : i32
    %dma_wait3A_900 = arith.constant 0 : i32
    %dma_wait3A_901 = tpu.memref_slice %arg4[%dma_wait3A_899, %add3A_673, %dma_wait3A_900] : memref<26x64x4096xf32, #tpu.memory_space<hbm>> -> memref<2x1x4096xf32, #tpu.memory_space<hbm>>
    tpu.wait_dma2 semaphore(%arg13 : memref<!tpu.dma_semaphore, #tpu.memory_space<semaphore_mem>>) src(%arg9 : memref<2x1x4096xf32, #tpu.memory_space<vmem>>) dst(%dma_wait3A_901 : memref<2x1x4096xf32, #tpu.memory_space<hbm>>)
    %parallel_loop3A_902 = arith.constant 0 : i32
    %parallel_loop3A_903 = arith.constant 4096 : i32
    %parallel_loop3A_904 = arith.constant 16 : i32
    %parallel_loop3A_905 = arith.constant 0 : i32
    %parallel_loop3A_906 = arith.constant 0 : i32
    scf.for %parallel_loop3A_1330 = %parallel_loop3A_902 to %parallel_loop3A_903 step %parallel_loop3A_904  : i32 {
      %parallel_loop3A_1331 = arith.index_cast %parallel_loop3A_1330 : i32 to index
      %parallel_loop3A_1332 = tpu.vector_load %arg8[%parallel_loop3A_1331] {strides = array<i32>} : memref<4096xi32, #tpu.memory_space<vmem>>, vector<16xi32>,
      %parallel_loop3A_1333 = tpu.vector_load_idx %arg5[%parallel_loop3A_1332] : memref<100000xf32, #tpu.memory_space<vmem>>[vector<16xi32>], vector<16xf32>,
      %parallel_loop3A_1334 = arith.constant 0 : i32
      %parallel_loop3A_1335 = tpu.memref_slice %arg9[%parallel_loop3A_905, %parallel_loop3A_906, %parallel_loop3A_1334] : memref<2x1x4096xf32, #tpu.memory_space<vmem>> -> memref<1x1x4096xf32, #tpu.memory_space<vmem>>
      %parallel_loop3A_1336 = tpu.memref_squeeze %parallel_loop3A_1335 : memref<1x1x4096xf32, #tpu.memory_space<vmem>> -> memref<4096xf32, #tpu.memory_space<vmem>>
      %parallel_loop3A_1337 = arith.index_cast %parallel_loop3A_1330 : i32 to index
      %parallel_loop3A_1338 = tpu.vector_load %parallel_loop3A_1336[%parallel_loop3A_1337] {strides = array<i32>} : memref<4096xf32, #tpu.memory_space<vmem>>, vector<16xf32>,
      tpu.vector_store %parallel_loop3A_1336[%parallel_loop3A_1337], %parallel_loop3A_1333 {strides = array<i32>} : memref<4096xf32, #tpu.memory_space<vmem>>, vector<16xf32>,
    } {sc.loop_unroll_factor = 8 : i64, sc.parallel_access}
    %dma_wait3A_907 = arith.constant 9 : i32
    %dma_wait3A_908 = arith.constant 0 : i32
    %dma_wait3A_909 = tpu.memref_slice %arg2[%dma_wait3A_907, %dma_wait3A_908] : memref<26x4096xi32, #tpu.memory_space<hbm>> -> memref<1x4096xi32, #tpu.memory_space<hbm>>
    %dma_wait3A_910 = tpu.memref_squeeze %dma_wait3A_909 : memref<1x4096xi32, #tpu.memory_space<hbm>> -> memref<4096xi32, #tpu.memory_space<hbm>>
    %dma_wait3A_911 = arith.constant 0 : i32
    %dma_wait3A_912 = tpu.memref_slice %arg2[%dma_wait3A_907, %dma_wait3A_911] : memref<26x4096xi32, #tpu.memory_space<hbm>> -> memref<1x4096xi32, #tpu.memory_space<hbm>>
    %dma_wait3A_913 = tpu.memref_squeeze %dma_wait3A_912 : memref<1x4096xi32, #tpu.memory_space<hbm>> -> memref<4096xi32, #tpu.memory_space<hbm>>
    tpu.wait_dma2 semaphore(%arg12 : memref<!tpu.dma_semaphore, #tpu.memory_space<semaphore_mem>>) src(%dma_wait3A_913 : memref<4096xi32, #tpu.memory_space<hbm>>) dst(%arg6 : memref<4096xi32, #tpu.memory_space<vmem>>)
    %dma_start3A_914 = arith.constant 11 : i32
    %dma_start3A_915 = arith.constant 0 : i32
    %dma_start3A_916 = tpu.memref_slice %arg2[%dma_start3A_914, %dma_start3A_915] : memref<26x4096xi32, #tpu.memory_space<hbm>> -> memref<1x4096xi32, #tpu.memory_space<hbm>>
    %dma_start3A_917 = tpu.memref_squeeze %dma_start3A_916 : memref<1x4096xi32, #tpu.memory_space<hbm>> -> memref<4096xi32, #tpu.memory_space<hbm>>
    %dma_start3A_918 = arith.constant 0 : i32
    %dma_start3A_919 = tpu.memref_slice %arg2[%dma_start3A_914, %dma_start3A_918] : memref<26x4096xi32, #tpu.memory_space<hbm>> -> memref<1x4096xi32, #tpu.memory_space<hbm>>
    %dma_start3A_920 = tpu.memref_squeeze %dma_start3A_919 : memref<1x4096xi32, #tpu.memory_space<hbm>> -> memref<4096xi32, #tpu.memory_space<hbm>>
    tpu.enqueue_dma source(%dma_start3A_920 : memref<4096xi32, #tpu.memory_space<hbm>>) target(%arg8 : memref<4096xi32, #tpu.memory_space<vmem>>) target_semaphore(%arg12 : memref<!tpu.dma_semaphore, #tpu.memory_space<semaphore_mem>>)
    %parallel_loop3A_921 = arith.constant 0 : i32
    %parallel_loop3A_922 = arith.constant 4096 : i32
    %parallel_loop3A_923 = arith.constant 16 : i32
    %parallel_loop3A_924 = arith.constant 1 : i32
    %parallel_loop3A_925 = arith.constant 0 : i32
    scf.for %parallel_loop3A_1330 = %parallel_loop3A_921 to %parallel_loop3A_922 step %parallel_loop3A_923  : i32 {
      %parallel_loop3A_1331 = arith.index_cast %parallel_loop3A_1330 : i32 to index
      %parallel_loop3A_1332 = tpu.vector_load %arg6[%parallel_loop3A_1331] {strides = array<i32>} : memref<4096xi32, #tpu.memory_space<vmem>>, vector<16xi32>,
      %parallel_loop3A_1333 = tpu.vector_load_idx %arg5[%parallel_loop3A_1332] : memref<100000xf32, #tpu.memory_space<vmem>>[vector<16xi32>], vector<16xf32>,
      %parallel_loop3A_1334 = arith.constant 0 : i32
      %parallel_loop3A_1335 = tpu.memref_slice %arg9[%parallel_loop3A_924, %parallel_loop3A_925, %parallel_loop3A_1334] : memref<2x1x4096xf32, #tpu.memory_space<vmem>> -> memref<1x1x4096xf32, #tpu.memory_space<vmem>>
      %parallel_loop3A_1336 = tpu.memref_squeeze %parallel_loop3A_1335 : memref<1x1x4096xf32, #tpu.memory_space<vmem>> -> memref<4096xf32, #tpu.memory_space<vmem>>
      %parallel_loop3A_1337 = arith.index_cast %parallel_loop3A_1330 : i32 to index
      %parallel_loop3A_1338 = tpu.vector_load %parallel_loop3A_1336[%parallel_loop3A_1337] {strides = array<i32>} : memref<4096xf32, #tpu.memory_space<vmem>>, vector<16xf32>,
      tpu.vector_store %parallel_loop3A_1336[%parallel_loop3A_1337], %parallel_loop3A_1333 {strides = array<i32>} : memref<4096xf32, #tpu.memory_space<vmem>>, vector<16xf32>,
    } {sc.loop_unroll_factor = 8 : i64, sc.parallel_access}
    %dma_start3A_926 = arith.constant 8 : i32
    %dma_start3A_927 = arith.constant 0 : i32
    %dma_start3A_928 = tpu.memref_slice %arg4[%dma_start3A_926, %add3A_673, %dma_start3A_927] : memref<26x64x4096xf32, #tpu.memory_space<hbm>> -> memref<2x1x4096xf32, #tpu.memory_space<hbm>>
    %dma_start3A_929 = arith.constant 8 : i32
    %dma_start3A_930 = arith.constant 0 : i32
    %dma_start3A_931 = tpu.memref_slice %arg4[%dma_start3A_929, %add3A_673, %dma_start3A_930] : memref<26x64x4096xf32, #tpu.memory_space<hbm>> -> memref<2x1x4096xf32, #tpu.memory_space<hbm>>
    tpu.enqueue_dma source(%arg9 : memref<2x1x4096xf32, #tpu.memory_space<vmem>>) target(%dma_start3A_931 : memref<2x1x4096xf32, #tpu.memory_space<hbm>>) target_semaphore(%arg13 : memref<!tpu.dma_semaphore, #tpu.memory_space<semaphore_mem>>)
    %dma_wait3A_932 = arith.constant 10 : i32
    %dma_wait3A_933 = arith.constant 0 : i32
    %dma_wait3A_934 = tpu.memref_slice %arg2[%dma_wait3A_932, %dma_wait3A_933] : memref<26x4096xi32, #tpu.memory_space<hbm>> -> memref<1x4096xi32, #tpu.memory_space<hbm>>
    %dma_wait3A_935 = tpu.memref_squeeze %dma_wait3A_934 : memref<1x4096xi32, #tpu.memory_space<hbm>> -> memref<4096xi32, #tpu.memory_space<hbm>>
    %dma_wait3A_936 = arith.constant 0 : i32
    %dma_wait3A_937 = tpu.memref_slice %arg2[%dma_wait3A_932, %dma_wait3A_936] : memref<26x4096xi32, #tpu.memory_space<hbm>> -> memref<1x4096xi32, #tpu.memory_space<hbm>>
    %dma_wait3A_938 = tpu.memref_squeeze %dma_wait3A_937 : memref<1x4096xi32, #tpu.memory_space<hbm>> -> memref<4096xi32, #tpu.memory_space<hbm>>
    tpu.wait_dma2 semaphore(%arg12 : memref<!tpu.dma_semaphore, #tpu.memory_space<semaphore_mem>>) src(%dma_wait3A_938 : memref<4096xi32, #tpu.memory_space<hbm>>) dst(%arg7 : memref<4096xi32, #tpu.memory_space<vmem>>)
    %dma_start3A_939 = arith.constant 12 : i32
    %dma_start3A_940 = arith.constant 0 : i32
    %dma_start3A_941 = tpu.memref_slice %arg2[%dma_start3A_939, %dma_start3A_940] : memref<26x4096xi32, #tpu.memory_space<hbm>> -> memref<1x4096xi32, #tpu.memory_space<hbm>>
    %dma_start3A_942 = tpu.memref_squeeze %dma_start3A_941 : memref<1x4096xi32, #tpu.memory_space<hbm>> -> memref<4096xi32, #tpu.memory_space<hbm>>
    %dma_start3A_943 = arith.constant 0 : i32
    %dma_start3A_944 = tpu.memref_slice %arg2[%dma_start3A_939, %dma_start3A_943] : memref<26x4096xi32, #tpu.memory_space<hbm>> -> memref<1x4096xi32, #tpu.memory_space<hbm>>
    %dma_start3A_945 = tpu.memref_squeeze %dma_start3A_944 : memref<1x4096xi32, #tpu.memory_space<hbm>> -> memref<4096xi32, #tpu.memory_space<hbm>>
    tpu.enqueue_dma source(%dma_start3A_945 : memref<4096xi32, #tpu.memory_space<hbm>>) target(%arg6 : memref<4096xi32, #tpu.memory_space<vmem>>) target_semaphore(%arg12 : memref<!tpu.dma_semaphore, #tpu.memory_space<semaphore_mem>>)
    %dma_wait3A_946 = arith.constant 6 : i32
    %dma_wait3A_947 = arith.constant 0 : i32
    %dma_wait3A_948 = tpu.memref_slice %arg4[%dma_wait3A_946, %add3A_673, %dma_wait3A_947] : memref<26x64x4096xf32, #tpu.memory_space<hbm>> -> memref<2x1x4096xf32, #tpu.memory_space<hbm>>
    %dma_wait3A_949 = arith.constant 6 : i32
    %dma_wait3A_950 = arith.constant 0 : i32
    %dma_wait3A_951 = tpu.memref_slice %arg4[%dma_wait3A_949, %add3A_673, %dma_wait3A_950] : memref<26x64x4096xf32, #tpu.memory_space<hbm>> -> memref<2x1x4096xf32, #tpu.memory_space<hbm>>
    tpu.wait_dma2 semaphore(%arg13 : memref<!tpu.dma_semaphore, #tpu.memory_space<semaphore_mem>>) src(%arg10 : memref<2x1x4096xf32, #tpu.memory_space<vmem>>) dst(%dma_wait3A_951 : memref<2x1x4096xf32, #tpu.memory_space<hbm>>)
    %parallel_loop3A_952 = arith.constant 0 : i32
    %parallel_loop3A_953 = arith.constant 4096 : i32
    %parallel_loop3A_954 = arith.constant 16 : i32
    %parallel_loop3A_955 = arith.constant 0 : i32
    %parallel_loop3A_956 = arith.constant 0 : i32
    scf.for %parallel_loop3A_1330 = %parallel_loop3A_952 to %parallel_loop3A_953 step %parallel_loop3A_954  : i32 {
      %parallel_loop3A_1331 = arith.index_cast %parallel_loop3A_1330 : i32 to index
      %parallel_loop3A_1332 = tpu.vector_load %arg7[%parallel_loop3A_1331] {strides = array<i32>} : memref<4096xi32, #tpu.memory_space<vmem>>, vector<16xi32>,
      %parallel_loop3A_1333 = tpu.vector_load_idx %arg5[%parallel_loop3A_1332] : memref<100000xf32, #tpu.memory_space<vmem>>[vector<16xi32>], vector<16xf32>,
      %parallel_loop3A_1334 = arith.constant 0 : i32
      %parallel_loop3A_1335 = tpu.memref_slice %arg10[%parallel_loop3A_955, %parallel_loop3A_956, %parallel_loop3A_1334] : memref<2x1x4096xf32, #tpu.memory_space<vmem>> -> memref<1x1x4096xf32, #tpu.memory_space<vmem>>
      %parallel_loop3A_1336 = tpu.memref_squeeze %parallel_loop3A_1335 : memref<1x1x4096xf32, #tpu.memory_space<vmem>> -> memref<4096xf32, #tpu.memory_space<vmem>>
      %parallel_loop3A_1337 = arith.index_cast %parallel_loop3A_1330 : i32 to index
      %parallel_loop3A_1338 = tpu.vector_load %parallel_loop3A_1336[%parallel_loop3A_1337] {strides = array<i32>} : memref<4096xf32, #tpu.memory_space<vmem>>, vector<16xf32>,
      tpu.vector_store %parallel_loop3A_1336[%parallel_loop3A_1337], %parallel_loop3A_1333 {strides = array<i32>} : memref<4096xf32, #tpu.memory_space<vmem>>, vector<16xf32>,
    } {sc.loop_unroll_factor = 8 : i64, sc.parallel_access}
    %dma_wait3A_957 = arith.constant 11 : i32
    %dma_wait3A_958 = arith.constant 0 : i32
    %dma_wait3A_959 = tpu.memref_slice %arg2[%dma_wait3A_957, %dma_wait3A_958] : memref<26x4096xi32, #tpu.memory_space<hbm>> -> memref<1x4096xi32, #tpu.memory_space<hbm>>
    %dma_wait3A_960 = tpu.memref_squeeze %dma_wait3A_959 : memref<1x4096xi32, #tpu.memory_space<hbm>> -> memref<4096xi32, #tpu.memory_space<hbm>>
    %dma_wait3A_961 = arith.constant 0 : i32
    %dma_wait3A_962 = tpu.memref_slice %arg2[%dma_wait3A_957, %dma_wait3A_961] : memref<26x4096xi32, #tpu.memory_space<hbm>> -> memref<1x4096xi32, #tpu.memory_space<hbm>>
    %dma_wait3A_963 = tpu.memref_squeeze %dma_wait3A_962 : memref<1x4096xi32, #tpu.memory_space<hbm>> -> memref<4096xi32, #tpu.memory_space<hbm>>
    tpu.wait_dma2 semaphore(%arg12 : memref<!tpu.dma_semaphore, #tpu.memory_space<semaphore_mem>>) src(%dma_wait3A_963 : memref<4096xi32, #tpu.memory_space<hbm>>) dst(%arg8 : memref<4096xi32, #tpu.memory_space<vmem>>)
    %dma_start3A_964 = arith.constant 13 : i32
    %dma_start3A_965 = arith.constant 0 : i32
    %dma_start3A_966 = tpu.memref_slice %arg2[%dma_start3A_964, %dma_start3A_965] : memref<26x4096xi32, #tpu.memory_space<hbm>> -> memref<1x4096xi32, #tpu.memory_space<hbm>>
    %dma_start3A_967 = tpu.memref_squeeze %dma_start3A_966 : memref<1x4096xi32, #tpu.memory_space<hbm>> -> memref<4096xi32, #tpu.memory_space<hbm>>
    %dma_start3A_968 = arith.constant 0 : i32
    %dma_start3A_969 = tpu.memref_slice %arg2[%dma_start3A_964, %dma_start3A_968] : memref<26x4096xi32, #tpu.memory_space<hbm>> -> memref<1x4096xi32, #tpu.memory_space<hbm>>
    %dma_start3A_970 = tpu.memref_squeeze %dma_start3A_969 : memref<1x4096xi32, #tpu.memory_space<hbm>> -> memref<4096xi32, #tpu.memory_space<hbm>>
    tpu.enqueue_dma source(%dma_start3A_970 : memref<4096xi32, #tpu.memory_space<hbm>>) target(%arg7 : memref<4096xi32, #tpu.memory_space<vmem>>) target_semaphore(%arg12 : memref<!tpu.dma_semaphore, #tpu.memory_space<semaphore_mem>>)
    %parallel_loop3A_971 = arith.constant 0 : i32
    %parallel_loop3A_972 = arith.constant 4096 : i32
    %parallel_loop3A_973 = arith.constant 16 : i32
    %parallel_loop3A_974 = arith.constant 1 : i32
    %parallel_loop3A_975 = arith.constant 0 : i32
    scf.for %parallel_loop3A_1330 = %parallel_loop3A_971 to %parallel_loop3A_972 step %parallel_loop3A_973  : i32 {
      %parallel_loop3A_1331 = arith.index_cast %parallel_loop3A_1330 : i32 to index
      %parallel_loop3A_1332 = tpu.vector_load %arg8[%parallel_loop3A_1331] {strides = array<i32>} : memref<4096xi32, #tpu.memory_space<vmem>>, vector<16xi32>,
      %parallel_loop3A_1333 = tpu.vector_load_idx %arg5[%parallel_loop3A_1332] : memref<100000xf32, #tpu.memory_space<vmem>>[vector<16xi32>], vector<16xf32>,
      %parallel_loop3A_1334 = arith.constant 0 : i32
      %parallel_loop3A_1335 = tpu.memref_slice %arg10[%parallel_loop3A_974, %parallel_loop3A_975, %parallel_loop3A_1334] : memref<2x1x4096xf32, #tpu.memory_space<vmem>> -> memref<1x1x4096xf32, #tpu.memory_space<vmem>>
      %parallel_loop3A_1336 = tpu.memref_squeeze %parallel_loop3A_1335 : memref<1x1x4096xf32, #tpu.memory_space<vmem>> -> memref<4096xf32, #tpu.memory_space<vmem>>
      %parallel_loop3A_1337 = arith.index_cast %parallel_loop3A_1330 : i32 to index
      %parallel_loop3A_1338 = tpu.vector_load %parallel_loop3A_1336[%parallel_loop3A_1337] {strides = array<i32>} : memref<4096xf32, #tpu.memory_space<vmem>>, vector<16xf32>,
      tpu.vector_store %parallel_loop3A_1336[%parallel_loop3A_1337], %parallel_loop3A_1333 {strides = array<i32>} : memref<4096xf32, #tpu.memory_space<vmem>>, vector<16xf32>,
    } {sc.loop_unroll_factor = 8 : i64, sc.parallel_access}
    %dma_start3A_976 = arith.constant 10 : i32
    %dma_start3A_977 = arith.constant 0 : i32
    %dma_start3A_978 = tpu.memref_slice %arg4[%dma_start3A_976, %add3A_673, %dma_start3A_977] : memref<26x64x4096xf32, #tpu.memory_space<hbm>> -> memref<2x1x4096xf32, #tpu.memory_space<hbm>>
    %dma_start3A_979 = arith.constant 10 : i32
    %dma_start3A_980 = arith.constant 0 : i32
    %dma_start3A_981 = tpu.memref_slice %arg4[%dma_start3A_979, %add3A_673, %dma_start3A_980] : memref<26x64x4096xf32, #tpu.memory_space<hbm>> -> memref<2x1x4096xf32, #tpu.memory_space<hbm>>
    tpu.enqueue_dma source(%arg10 : memref<2x1x4096xf32, #tpu.memory_space<vmem>>) target(%dma_start3A_981 : memref<2x1x4096xf32, #tpu.memory_space<hbm>>) target_semaphore(%arg13 : memref<!tpu.dma_semaphore, #tpu.memory_space<semaphore_mem>>)
    %dma_wait3A_982 = arith.constant 12 : i32
    %dma_wait3A_983 = arith.constant 0 : i32
    %dma_wait3A_984 = tpu.memref_slice %arg2[%dma_wait3A_982, %dma_wait3A_983] : memref<26x4096xi32, #tpu.memory_space<hbm>> -> memref<1x4096xi32, #tpu.memory_space<hbm>>
    %dma_wait3A_985 = tpu.memref_squeeze %dma_wait3A_984 : memref<1x4096xi32, #tpu.memory_space<hbm>> -> memref<4096xi32, #tpu.memory_space<hbm>>
    %dma_wait3A_986 = arith.constant 0 : i32
    %dma_wait3A_987 = tpu.memref_slice %arg2[%dma_wait3A_982, %dma_wait3A_986] : memref<26x4096xi32, #tpu.memory_space<hbm>> -> memref<1x4096xi32, #tpu.memory_space<hbm>>
    %dma_wait3A_988 = tpu.memref_squeeze %dma_wait3A_987 : memref<1x4096xi32, #tpu.memory_space<hbm>> -> memref<4096xi32, #tpu.memory_space<hbm>>
    tpu.wait_dma2 semaphore(%arg12 : memref<!tpu.dma_semaphore, #tpu.memory_space<semaphore_mem>>) src(%dma_wait3A_988 : memref<4096xi32, #tpu.memory_space<hbm>>) dst(%arg6 : memref<4096xi32, #tpu.memory_space<vmem>>)
    %dma_start3A_989 = arith.constant 14 : i32
    %dma_start3A_990 = arith.constant 0 : i32
    %dma_start3A_991 = tpu.memref_slice %arg2[%dma_start3A_989, %dma_start3A_990] : memref<26x4096xi32, #tpu.memory_space<hbm>> -> memref<1x4096xi32, #tpu.memory_space<hbm>>
    %dma_start3A_992 = tpu.memref_squeeze %dma_start3A_991 : memref<1x4096xi32, #tpu.memory_space<hbm>> -> memref<4096xi32, #tpu.memory_space<hbm>>
    %dma_start3A_993 = arith.constant 0 : i32
    %dma_start3A_994 = tpu.memref_slice %arg2[%dma_start3A_989, %dma_start3A_993] : memref<26x4096xi32, #tpu.memory_space<hbm>> -> memref<1x4096xi32, #tpu.memory_space<hbm>>
    %dma_start3A_995 = tpu.memref_squeeze %dma_start3A_994 : memref<1x4096xi32, #tpu.memory_space<hbm>> -> memref<4096xi32, #tpu.memory_space<hbm>>
    tpu.enqueue_dma source(%dma_start3A_995 : memref<4096xi32, #tpu.memory_space<hbm>>) target(%arg8 : memref<4096xi32, #tpu.memory_space<vmem>>) target_semaphore(%arg12 : memref<!tpu.dma_semaphore, #tpu.memory_space<semaphore_mem>>)
    %dma_wait3A_996 = arith.constant 8 : i32
    %dma_wait3A_997 = arith.constant 0 : i32
    %dma_wait3A_998 = tpu.memref_slice %arg4[%dma_wait3A_996, %add3A_673, %dma_wait3A_997] : memref<26x64x4096xf32, #tpu.memory_space<hbm>> -> memref<2x1x4096xf32, #tpu.memory_space<hbm>>
    %dma_wait3A_999 = arith.constant 8 : i32
    %dma_wait3A_1000 = arith.constant 0 : i32
    %dma_wait3A_1001 = tpu.memref_slice %arg4[%dma_wait3A_999, %add3A_673, %dma_wait3A_1000] : memref<26x64x4096xf32, #tpu.memory_space<hbm>> -> memref<2x1x4096xf32, #tpu.memory_space<hbm>>
    tpu.wait_dma2 semaphore(%arg13 : memref<!tpu.dma_semaphore, #tpu.memory_space<semaphore_mem>>) src(%arg9 : memref<2x1x4096xf32, #tpu.memory_space<vmem>>) dst(%dma_wait3A_1001 : memref<2x1x4096xf32, #tpu.memory_space<hbm>>)
    %parallel_loop3A_1002 = arith.constant 0 : i32
    %parallel_loop3A_1003 = arith.constant 4096 : i32
    %parallel_loop3A_1004 = arith.constant 16 : i32
    %parallel_loop3A_1005 = arith.constant 0 : i32
    %parallel_loop3A_1006 = arith.constant 0 : i32
    scf.for %parallel_loop3A_1330 = %parallel_loop3A_1002 to %parallel_loop3A_1003 step %parallel_loop3A_1004  : i32 {
      %parallel_loop3A_1331 = arith.index_cast %parallel_loop3A_1330 : i32 to index
      %parallel_loop3A_1332 = tpu.vector_load %arg6[%parallel_loop3A_1331] {strides = array<i32>} : memref<4096xi32, #tpu.memory_space<vmem>>, vector<16xi32>,
      %parallel_loop3A_1333 = tpu.vector_load_idx %arg5[%parallel_loop3A_1332] : memref<100000xf32, #tpu.memory_space<vmem>>[vector<16xi32>], vector<16xf32>,
      %parallel_loop3A_1334 = arith.constant 0 : i32
      %parallel_loop3A_1335 = tpu.memref_slice %arg9[%parallel_loop3A_1005, %parallel_loop3A_1006, %parallel_loop3A_1334] : memref<2x1x4096xf32, #tpu.memory_space<vmem>> -> memref<1x1x4096xf32, #tpu.memory_space<vmem>>
      %parallel_loop3A_1336 = tpu.memref_squeeze %parallel_loop3A_1335 : memref<1x1x4096xf32, #tpu.memory_space<vmem>> -> memref<4096xf32, #tpu.memory_space<vmem>>
      %parallel_loop3A_1337 = arith.index_cast %parallel_loop3A_1330 : i32 to index
      %parallel_loop3A_1338 = tpu.vector_load %parallel_loop3A_1336[%parallel_loop3A_1337] {strides = array<i32>} : memref<4096xf32, #tpu.memory_space<vmem>>, vector<16xf32>,
      tpu.vector_store %parallel_loop3A_1336[%parallel_loop3A_1337], %parallel_loop3A_1333 {strides = array<i32>} : memref<4096xf32, #tpu.memory_space<vmem>>, vector<16xf32>,
    } {sc.loop_unroll_factor = 8 : i64, sc.parallel_access}
    %dma_wait3A_1007 = arith.constant 13 : i32
    %dma_wait3A_1008 = arith.constant 0 : i32
    %dma_wait3A_1009 = tpu.memref_slice %arg2[%dma_wait3A_1007, %dma_wait3A_1008] : memref<26x4096xi32, #tpu.memory_space<hbm>> -> memref<1x4096xi32, #tpu.memory_space<hbm>>
    %dma_wait3A_1010 = tpu.memref_squeeze %dma_wait3A_1009 : memref<1x4096xi32, #tpu.memory_space<hbm>> -> memref<4096xi32, #tpu.memory_space<hbm>>
    %dma_wait3A_1011 = arith.constant 0 : i32
    %dma_wait3A_1012 = tpu.memref_slice %arg2[%dma_wait3A_1007, %dma_wait3A_1011] : memref<26x4096xi32, #tpu.memory_space<hbm>> -> memref<1x4096xi32, #tpu.memory_space<hbm>>
    %dma_wait3A_1013 = tpu.memref_squeeze %dma_wait3A_1012 : memref<1x4096xi32, #tpu.memory_space<hbm>> -> memref<4096xi32, #tpu.memory_space<hbm>>
    tpu.wait_dma2 semaphore(%arg12 : memref<!tpu.dma_semaphore, #tpu.memory_space<semaphore_mem>>) src(%dma_wait3A_1013 : memref<4096xi32, #tpu.memory_space<hbm>>) dst(%arg7 : memref<4096xi32, #tpu.memory_space<vmem>>)
    %dma_start3A_1014 = arith.constant 15 : i32
    %dma_start3A_1015 = arith.constant 0 : i32
    %dma_start3A_1016 = tpu.memref_slice %arg2[%dma_start3A_1014, %dma_start3A_1015] : memref<26x4096xi32, #tpu.memory_space<hbm>> -> memref<1x4096xi32, #tpu.memory_space<hbm>>
    %dma_start3A_1017 = tpu.memref_squeeze %dma_start3A_1016 : memref<1x4096xi32, #tpu.memory_space<hbm>> -> memref<4096xi32, #tpu.memory_space<hbm>>
    %dma_start3A_1018 = arith.constant 0 : i32
    %dma_start3A_1019 = tpu.memref_slice %arg2[%dma_start3A_1014, %dma_start3A_1018] : memref<26x4096xi32, #tpu.memory_space<hbm>> -> memref<1x4096xi32, #tpu.memory_space<hbm>>
    %dma_start3A_1020 = tpu.memref_squeeze %dma_start3A_1019 : memref<1x4096xi32, #tpu.memory_space<hbm>> -> memref<4096xi32, #tpu.memory_space<hbm>>
    tpu.enqueue_dma source(%dma_start3A_1020 : memref<4096xi32, #tpu.memory_space<hbm>>) target(%arg6 : memref<4096xi32, #tpu.memory_space<vmem>>) target_semaphore(%arg12 : memref<!tpu.dma_semaphore, #tpu.memory_space<semaphore_mem>>)
    %parallel_loop3A_1021 = arith.constant 0 : i32
    %parallel_loop3A_1022 = arith.constant 4096 : i32
    %parallel_loop3A_1023 = arith.constant 16 : i32
    %parallel_loop3A_1024 = arith.constant 1 : i32
    %parallel_loop3A_1025 = arith.constant 0 : i32
    scf.for %parallel_loop3A_1330 = %parallel_loop3A_1021 to %parallel_loop3A_1022 step %parallel_loop3A_1023  : i32 {
      %parallel_loop3A_1331 = arith.index_cast %parallel_loop3A_1330 : i32 to index
      %parallel_loop3A_1332 = tpu.vector_load %arg7[%parallel_loop3A_1331] {strides = array<i32>} : memref<4096xi32, #tpu.memory_space<vmem>>, vector<16xi32>,
      %parallel_loop3A_1333 = tpu.vector_load_idx %arg5[%parallel_loop3A_1332] : memref<100000xf32, #tpu.memory_space<vmem>>[vector<16xi32>], vector<16xf32>,
      %parallel_loop3A_1334 = arith.constant 0 : i32
      %parallel_loop3A_1335 = tpu.memref_slice %arg9[%parallel_loop3A_1024, %parallel_loop3A_1025, %parallel_loop3A_1334] : memref<2x1x4096xf32, #tpu.memory_space<vmem>> -> memref<1x1x4096xf32, #tpu.memory_space<vmem>>
      %parallel_loop3A_1336 = tpu.memref_squeeze %parallel_loop3A_1335 : memref<1x1x4096xf32, #tpu.memory_space<vmem>> -> memref<4096xf32, #tpu.memory_space<vmem>>
      %parallel_loop3A_1337 = arith.index_cast %parallel_loop3A_1330 : i32 to index
      %parallel_loop3A_1338 = tpu.vector_load %parallel_loop3A_1336[%parallel_loop3A_1337] {strides = array<i32>} : memref<4096xf32, #tpu.memory_space<vmem>>, vector<16xf32>,
      tpu.vector_store %parallel_loop3A_1336[%parallel_loop3A_1337], %parallel_loop3A_1333 {strides = array<i32>} : memref<4096xf32, #tpu.memory_space<vmem>>, vector<16xf32>,
    } {sc.loop_unroll_factor = 8 : i64, sc.parallel_access}
    %dma_start3A_1026 = arith.constant 12 : i32
    %dma_start3A_1027 = arith.constant 0 : i32
    %dma_start3A_1028 = tpu.memref_slice %arg4[%dma_start3A_1026, %add3A_673, %dma_start3A_1027] : memref<26x64x4096xf32, #tpu.memory_space<hbm>> -> memref<2x1x4096xf32, #tpu.memory_space<hbm>>
    %dma_start3A_1029 = arith.constant 12 : i32
    %dma_start3A_1030 = arith.constant 0 : i32
    %dma_start3A_1031 = tpu.memref_slice %arg4[%dma_start3A_1029, %add3A_673, %dma_start3A_1030] : memref<26x64x4096xf32, #tpu.memory_space<hbm>> -> memref<2x1x4096xf32, #tpu.memory_space<hbm>>
    tpu.enqueue_dma source(%arg9 : memref<2x1x4096xf32, #tpu.memory_space<vmem>>) target(%dma_start3A_1031 : memref<2x1x4096xf32, #tpu.memory_space<hbm>>) target_semaphore(%arg13 : memref<!tpu.dma_semaphore, #tpu.memory_space<semaphore_mem>>)
    %dma_wait3A_1032 = arith.constant 14 : i32
    %dma_wait3A_1033 = arith.constant 0 : i32
    %dma_wait3A_1034 = tpu.memref_slice %arg2[%dma_wait3A_1032, %dma_wait3A_1033] : memref<26x4096xi32, #tpu.memory_space<hbm>> -> memref<1x4096xi32, #tpu.memory_space<hbm>>
    %dma_wait3A_1035 = tpu.memref_squeeze %dma_wait3A_1034 : memref<1x4096xi32, #tpu.memory_space<hbm>> -> memref<4096xi32, #tpu.memory_space<hbm>>
    %dma_wait3A_1036 = arith.constant 0 : i32
    %dma_wait3A_1037 = tpu.memref_slice %arg2[%dma_wait3A_1032, %dma_wait3A_1036] : memref<26x4096xi32, #tpu.memory_space<hbm>> -> memref<1x4096xi32, #tpu.memory_space<hbm>>
    %dma_wait3A_1038 = tpu.memref_squeeze %dma_wait3A_1037 : memref<1x4096xi32, #tpu.memory_space<hbm>> -> memref<4096xi32, #tpu.memory_space<hbm>>
    tpu.wait_dma2 semaphore(%arg12 : memref<!tpu.dma_semaphore, #tpu.memory_space<semaphore_mem>>) src(%dma_wait3A_1038 : memref<4096xi32, #tpu.memory_space<hbm>>) dst(%arg8 : memref<4096xi32, #tpu.memory_space<vmem>>)
    %dma_start3A_1039 = arith.constant 16 : i32
    %dma_start3A_1040 = arith.constant 0 : i32
    %dma_start3A_1041 = tpu.memref_slice %arg2[%dma_start3A_1039, %dma_start3A_1040] : memref<26x4096xi32, #tpu.memory_space<hbm>> -> memref<1x4096xi32, #tpu.memory_space<hbm>>
    %dma_start3A_1042 = tpu.memref_squeeze %dma_start3A_1041 : memref<1x4096xi32, #tpu.memory_space<hbm>> -> memref<4096xi32, #tpu.memory_space<hbm>>
    %dma_start3A_1043 = arith.constant 0 : i32
    %dma_start3A_1044 = tpu.memref_slice %arg2[%dma_start3A_1039, %dma_start3A_1043] : memref<26x4096xi32, #tpu.memory_space<hbm>> -> memref<1x4096xi32, #tpu.memory_space<hbm>>
    %dma_start3A_1045 = tpu.memref_squeeze %dma_start3A_1044 : memref<1x4096xi32, #tpu.memory_space<hbm>> -> memref<4096xi32, #tpu.memory_space<hbm>>
    tpu.enqueue_dma source(%dma_start3A_1045 : memref<4096xi32, #tpu.memory_space<hbm>>) target(%arg7 : memref<4096xi32, #tpu.memory_space<vmem>>) target_semaphore(%arg12 : memref<!tpu.dma_semaphore, #tpu.memory_space<semaphore_mem>>)
    %dma_wait3A_1046 = arith.constant 10 : i32
    %dma_wait3A_1047 = arith.constant 0 : i32
    %dma_wait3A_1048 = tpu.memref_slice %arg4[%dma_wait3A_1046, %add3A_673, %dma_wait3A_1047] : memref<26x64x4096xf32, #tpu.memory_space<hbm>> -> memref<2x1x4096xf32, #tpu.memory_space<hbm>>
    %dma_wait3A_1049 = arith.constant 10 : i32
    %dma_wait3A_1050 = arith.constant 0 : i32
    %dma_wait3A_1051 = tpu.memref_slice %arg4[%dma_wait3A_1049, %add3A_673, %dma_wait3A_1050] : memref<26x64x4096xf32, #tpu.memory_space<hbm>> -> memref<2x1x4096xf32, #tpu.memory_space<hbm>>
    tpu.wait_dma2 semaphore(%arg13 : memref<!tpu.dma_semaphore, #tpu.memory_space<semaphore_mem>>) src(%arg10 : memref<2x1x4096xf32, #tpu.memory_space<vmem>>) dst(%dma_wait3A_1051 : memref<2x1x4096xf32, #tpu.memory_space<hbm>>)
    %parallel_loop3A_1052 = arith.constant 0 : i32
    %parallel_loop3A_1053 = arith.constant 4096 : i32
    %parallel_loop3A_1054 = arith.constant 16 : i32
    %parallel_loop3A_1055 = arith.constant 0 : i32
    %parallel_loop3A_1056 = arith.constant 0 : i32
    scf.for %parallel_loop3A_1330 = %parallel_loop3A_1052 to %parallel_loop3A_1053 step %parallel_loop3A_1054  : i32 {
      %parallel_loop3A_1331 = arith.index_cast %parallel_loop3A_1330 : i32 to index
      %parallel_loop3A_1332 = tpu.vector_load %arg8[%parallel_loop3A_1331] {strides = array<i32>} : memref<4096xi32, #tpu.memory_space<vmem>>, vector<16xi32>,
      %parallel_loop3A_1333 = tpu.vector_load_idx %arg5[%parallel_loop3A_1332] : memref<100000xf32, #tpu.memory_space<vmem>>[vector<16xi32>], vector<16xf32>,
      %parallel_loop3A_1334 = arith.constant 0 : i32
      %parallel_loop3A_1335 = tpu.memref_slice %arg10[%parallel_loop3A_1055, %parallel_loop3A_1056, %parallel_loop3A_1334] : memref<2x1x4096xf32, #tpu.memory_space<vmem>> -> memref<1x1x4096xf32, #tpu.memory_space<vmem>>
      %parallel_loop3A_1336 = tpu.memref_squeeze %parallel_loop3A_1335 : memref<1x1x4096xf32, #tpu.memory_space<vmem>> -> memref<4096xf32, #tpu.memory_space<vmem>>
      %parallel_loop3A_1337 = arith.index_cast %parallel_loop3A_1330 : i32 to index
      %parallel_loop3A_1338 = tpu.vector_load %parallel_loop3A_1336[%parallel_loop3A_1337] {strides = array<i32>} : memref<4096xf32, #tpu.memory_space<vmem>>, vector<16xf32>,
      tpu.vector_store %parallel_loop3A_1336[%parallel_loop3A_1337], %parallel_loop3A_1333 {strides = array<i32>} : memref<4096xf32, #tpu.memory_space<vmem>>, vector<16xf32>,
    } {sc.loop_unroll_factor = 8 : i64, sc.parallel_access}
    %dma_wait3A_1057 = arith.constant 15 : i32
    %dma_wait3A_1058 = arith.constant 0 : i32
    %dma_wait3A_1059 = tpu.memref_slice %arg2[%dma_wait3A_1057, %dma_wait3A_1058] : memref<26x4096xi32, #tpu.memory_space<hbm>> -> memref<1x4096xi32, #tpu.memory_space<hbm>>
    %dma_wait3A_1060 = tpu.memref_squeeze %dma_wait3A_1059 : memref<1x4096xi32, #tpu.memory_space<hbm>> -> memref<4096xi32, #tpu.memory_space<hbm>>
    %dma_wait3A_1061 = arith.constant 0 : i32
    %dma_wait3A_1062 = tpu.memref_slice %arg2[%dma_wait3A_1057, %dma_wait3A_1061] : memref<26x4096xi32, #tpu.memory_space<hbm>> -> memref<1x4096xi32, #tpu.memory_space<hbm>>
    %dma_wait3A_1063 = tpu.memref_squeeze %dma_wait3A_1062 : memref<1x4096xi32, #tpu.memory_space<hbm>> -> memref<4096xi32, #tpu.memory_space<hbm>>
    tpu.wait_dma2 semaphore(%arg12 : memref<!tpu.dma_semaphore, #tpu.memory_space<semaphore_mem>>) src(%dma_wait3A_1063 : memref<4096xi32, #tpu.memory_space<hbm>>) dst(%arg6 : memref<4096xi32, #tpu.memory_space<vmem>>)
    %dma_start3A_1064 = arith.constant 17 : i32
    %dma_start3A_1065 = arith.constant 0 : i32
    %dma_start3A_1066 = tpu.memref_slice %arg2[%dma_start3A_1064, %dma_start3A_1065] : memref<26x4096xi32, #tpu.memory_space<hbm>> -> memref<1x4096xi32, #tpu.memory_space<hbm>>
    %dma_start3A_1067 = tpu.memref_squeeze %dma_start3A_1066 : memref<1x4096xi32, #tpu.memory_space<hbm>> -> memref<4096xi32, #tpu.memory_space<hbm>>
    %dma_start3A_1068 = arith.constant 0 : i32
    %dma_start3A_1069 = tpu.memref_slice %arg2[%dma_start3A_1064, %dma_start3A_1068] : memref<26x4096xi32, #tpu.memory_space<hbm>> -> memref<1x4096xi32, #tpu.memory_space<hbm>>
    %dma_start3A_1070 = tpu.memref_squeeze %dma_start3A_1069 : memref<1x4096xi32, #tpu.memory_space<hbm>> -> memref<4096xi32, #tpu.memory_space<hbm>>
    tpu.enqueue_dma source(%dma_start3A_1070 : memref<4096xi32, #tpu.memory_space<hbm>>) target(%arg8 : memref<4096xi32, #tpu.memory_space<vmem>>) target_semaphore(%arg12 : memref<!tpu.dma_semaphore, #tpu.memory_space<semaphore_mem>>)
    %parallel_loop3A_1071 = arith.constant 0 : i32
    %parallel_loop3A_1072 = arith.constant 4096 : i32
    %parallel_loop3A_1073 = arith.constant 16 : i32
    %parallel_loop3A_1074 = arith.constant 1 : i32
    %parallel_loop3A_1075 = arith.constant 0 : i32
    scf.for %parallel_loop3A_1330 = %parallel_loop3A_1071 to %parallel_loop3A_1072 step %parallel_loop3A_1073  : i32 {
      %parallel_loop3A_1331 = arith.index_cast %parallel_loop3A_1330 : i32 to index
      %parallel_loop3A_1332 = tpu.vector_load %arg6[%parallel_loop3A_1331] {strides = array<i32>} : memref<4096xi32, #tpu.memory_space<vmem>>, vector<16xi32>,
      %parallel_loop3A_1333 = tpu.vector_load_idx %arg5[%parallel_loop3A_1332] : memref<100000xf32, #tpu.memory_space<vmem>>[vector<16xi32>], vector<16xf32>,
      %parallel_loop3A_1334 = arith.constant 0 : i32
      %parallel_loop3A_1335 = tpu.memref_slice %arg10[%parallel_loop3A_1074, %parallel_loop3A_1075, %parallel_loop3A_1334] : memref<2x1x4096xf32, #tpu.memory_space<vmem>> -> memref<1x1x4096xf32, #tpu.memory_space<vmem>>
      %parallel_loop3A_1336 = tpu.memref_squeeze %parallel_loop3A_1335 : memref<1x1x4096xf32, #tpu.memory_space<vmem>> -> memref<4096xf32, #tpu.memory_space<vmem>>
      %parallel_loop3A_1337 = arith.index_cast %parallel_loop3A_1330 : i32 to index
      %parallel_loop3A_1338 = tpu.vector_load %parallel_loop3A_1336[%parallel_loop3A_1337] {strides = array<i32>} : memref<4096xf32, #tpu.memory_space<vmem>>, vector<16xf32>,
      tpu.vector_store %parallel_loop3A_1336[%parallel_loop3A_1337], %parallel_loop3A_1333 {strides = array<i32>} : memref<4096xf32, #tpu.memory_space<vmem>>, vector<16xf32>,
    } {sc.loop_unroll_factor = 8 : i64, sc.parallel_access}
    %dma_start3A_1076 = arith.constant 14 : i32
    %dma_start3A_1077 = arith.constant 0 : i32
    %dma_start3A_1078 = tpu.memref_slice %arg4[%dma_start3A_1076, %add3A_673, %dma_start3A_1077] : memref<26x64x4096xf32, #tpu.memory_space<hbm>> -> memref<2x1x4096xf32, #tpu.memory_space<hbm>>
    %dma_start3A_1079 = arith.constant 14 : i32
    %dma_start3A_1080 = arith.constant 0 : i32
    %dma_start3A_1081 = tpu.memref_slice %arg4[%dma_start3A_1079, %add3A_673, %dma_start3A_1080] : memref<26x64x4096xf32, #tpu.memory_space<hbm>> -> memref<2x1x4096xf32, #tpu.memory_space<hbm>>
    tpu.enqueue_dma source(%arg10 : memref<2x1x4096xf32, #tpu.memory_space<vmem>>) target(%dma_start3A_1081 : memref<2x1x4096xf32, #tpu.memory_space<hbm>>) target_semaphore(%arg13 : memref<!tpu.dma_semaphore, #tpu.memory_space<semaphore_mem>>)
    %dma_wait3A_1082 = arith.constant 16 : i32
    %dma_wait3A_1083 = arith.constant 0 : i32
    %dma_wait3A_1084 = tpu.memref_slice %arg2[%dma_wait3A_1082, %dma_wait3A_1083] : memref<26x4096xi32, #tpu.memory_space<hbm>> -> memref<1x4096xi32, #tpu.memory_space<hbm>>
    %dma_wait3A_1085 = tpu.memref_squeeze %dma_wait3A_1084 : memref<1x4096xi32, #tpu.memory_space<hbm>> -> memref<4096xi32, #tpu.memory_space<hbm>>
    %dma_wait3A_1086 = arith.constant 0 : i32
    %dma_wait3A_1087 = tpu.memref_slice %arg2[%dma_wait3A_1082, %dma_wait3A_1086] : memref<26x4096xi32, #tpu.memory_space<hbm>> -> memref<1x4096xi32, #tpu.memory_space<hbm>>
    %dma_wait3A_1088 = tpu.memref_squeeze %dma_wait3A_1087 : memref<1x4096xi32, #tpu.memory_space<hbm>> -> memref<4096xi32, #tpu.memory_space<hbm>>
    tpu.wait_dma2 semaphore(%arg12 : memref<!tpu.dma_semaphore, #tpu.memory_space<semaphore_mem>>) src(%dma_wait3A_1088 : memref<4096xi32, #tpu.memory_space<hbm>>) dst(%arg7 : memref<4096xi32, #tpu.memory_space<vmem>>)
    %dma_start3A_1089 = arith.constant 18 : i32
    %dma_start3A_1090 = arith.constant 0 : i32
    %dma_start3A_1091 = tpu.memref_slice %arg2[%dma_start3A_1089, %dma_start3A_1090] : memref<26x4096xi32, #tpu.memory_space<hbm>> -> memref<1x4096xi32, #tpu.memory_space<hbm>>
    %dma_start3A_1092 = tpu.memref_squeeze %dma_start3A_1091 : memref<1x4096xi32, #tpu.memory_space<hbm>> -> memref<4096xi32, #tpu.memory_space<hbm>>
    %dma_start3A_1093 = arith.constant 0 : i32
    %dma_start3A_1094 = tpu.memref_slice %arg2[%dma_start3A_1089, %dma_start3A_1093] : memref<26x4096xi32, #tpu.memory_space<hbm>> -> memref<1x4096xi32, #tpu.memory_space<hbm>>
    %dma_start3A_1095 = tpu.memref_squeeze %dma_start3A_1094 : memref<1x4096xi32, #tpu.memory_space<hbm>> -> memref<4096xi32, #tpu.memory_space<hbm>>
    tpu.enqueue_dma source(%dma_start3A_1095 : memref<4096xi32, #tpu.memory_space<hbm>>) target(%arg6 : memref<4096xi32, #tpu.memory_space<vmem>>) target_semaphore(%arg12 : memref<!tpu.dma_semaphore, #tpu.memory_space<semaphore_mem>>)
    %dma_wait3A_1096 = arith.constant 12 : i32
    %dma_wait3A_1097 = arith.constant 0 : i32
    %dma_wait3A_1098 = tpu.memref_slice %arg4[%dma_wait3A_1096, %add3A_673, %dma_wait3A_1097] : memref<26x64x4096xf32, #tpu.memory_space<hbm>> -> memref<2x1x4096xf32, #tpu.memory_space<hbm>>
    %dma_wait3A_1099 = arith.constant 12 : i32
    %dma_wait3A_1100 = arith.constant 0 : i32
    %dma_wait3A_1101 = tpu.memref_slice %arg4[%dma_wait3A_1099, %add3A_673, %dma_wait3A_1100] : memref<26x64x4096xf32, #tpu.memory_space<hbm>> -> memref<2x1x4096xf32, #tpu.memory_space<hbm>>
    tpu.wait_dma2 semaphore(%arg13 : memref<!tpu.dma_semaphore, #tpu.memory_space<semaphore_mem>>) src(%arg9 : memref<2x1x4096xf32, #tpu.memory_space<vmem>>) dst(%dma_wait3A_1101 : memref<2x1x4096xf32, #tpu.memory_space<hbm>>)
    %parallel_loop3A_1102 = arith.constant 0 : i32
    %parallel_loop3A_1103 = arith.constant 4096 : i32
    %parallel_loop3A_1104 = arith.constant 16 : i32
    %parallel_loop3A_1105 = arith.constant 0 : i32
    %parallel_loop3A_1106 = arith.constant 0 : i32
    scf.for %parallel_loop3A_1330 = %parallel_loop3A_1102 to %parallel_loop3A_1103 step %parallel_loop3A_1104  : i32 {
      %parallel_loop3A_1331 = arith.index_cast %parallel_loop3A_1330 : i32 to index
      %parallel_loop3A_1332 = tpu.vector_load %arg7[%parallel_loop3A_1331] {strides = array<i32>} : memref<4096xi32, #tpu.memory_space<vmem>>, vector<16xi32>,
      %parallel_loop3A_1333 = tpu.vector_load_idx %arg5[%parallel_loop3A_1332] : memref<100000xf32, #tpu.memory_space<vmem>>[vector<16xi32>], vector<16xf32>,
      %parallel_loop3A_1334 = arith.constant 0 : i32
      %parallel_loop3A_1335 = tpu.memref_slice %arg9[%parallel_loop3A_1105, %parallel_loop3A_1106, %parallel_loop3A_1334] : memref<2x1x4096xf32, #tpu.memory_space<vmem>> -> memref<1x1x4096xf32, #tpu.memory_space<vmem>>
      %parallel_loop3A_1336 = tpu.memref_squeeze %parallel_loop3A_1335 : memref<1x1x4096xf32, #tpu.memory_space<vmem>> -> memref<4096xf32, #tpu.memory_space<vmem>>
      %parallel_loop3A_1337 = arith.index_cast %parallel_loop3A_1330 : i32 to index
      %parallel_loop3A_1338 = tpu.vector_load %parallel_loop3A_1336[%parallel_loop3A_1337] {strides = array<i32>} : memref<4096xf32, #tpu.memory_space<vmem>>, vector<16xf32>,
      tpu.vector_store %parallel_loop3A_1336[%parallel_loop3A_1337], %parallel_loop3A_1333 {strides = array<i32>} : memref<4096xf32, #tpu.memory_space<vmem>>, vector<16xf32>,
    } {sc.loop_unroll_factor = 8 : i64, sc.parallel_access}
    %dma_wait3A_1107 = arith.constant 17 : i32
    %dma_wait3A_1108 = arith.constant 0 : i32
    %dma_wait3A_1109 = tpu.memref_slice %arg2[%dma_wait3A_1107, %dma_wait3A_1108] : memref<26x4096xi32, #tpu.memory_space<hbm>> -> memref<1x4096xi32, #tpu.memory_space<hbm>>
    %dma_wait3A_1110 = tpu.memref_squeeze %dma_wait3A_1109 : memref<1x4096xi32, #tpu.memory_space<hbm>> -> memref<4096xi32, #tpu.memory_space<hbm>>
    %dma_wait3A_1111 = arith.constant 0 : i32
    %dma_wait3A_1112 = tpu.memref_slice %arg2[%dma_wait3A_1107, %dma_wait3A_1111] : memref<26x4096xi32, #tpu.memory_space<hbm>> -> memref<1x4096xi32, #tpu.memory_space<hbm>>
    %dma_wait3A_1113 = tpu.memref_squeeze %dma_wait3A_1112 : memref<1x4096xi32, #tpu.memory_space<hbm>> -> memref<4096xi32, #tpu.memory_space<hbm>>
    tpu.wait_dma2 semaphore(%arg12 : memref<!tpu.dma_semaphore, #tpu.memory_space<semaphore_mem>>) src(%dma_wait3A_1113 : memref<4096xi32, #tpu.memory_space<hbm>>) dst(%arg8 : memref<4096xi32, #tpu.memory_space<vmem>>)
    %dma_start3A_1114 = arith.constant 19 : i32
    %dma_start3A_1115 = arith.constant 0 : i32
    %dma_start3A_1116 = tpu.memref_slice %arg2[%dma_start3A_1114, %dma_start3A_1115] : memref<26x4096xi32, #tpu.memory_space<hbm>> -> memref<1x4096xi32, #tpu.memory_space<hbm>>
    %dma_start3A_1117 = tpu.memref_squeeze %dma_start3A_1116 : memref<1x4096xi32, #tpu.memory_space<hbm>> -> memref<4096xi32, #tpu.memory_space<hbm>>
    %dma_start3A_1118 = arith.constant 0 : i32
    %dma_start3A_1119 = tpu.memref_slice %arg2[%dma_start3A_1114, %dma_start3A_1118] : memref<26x4096xi32, #tpu.memory_space<hbm>> -> memref<1x4096xi32, #tpu.memory_space<hbm>>
    %dma_start3A_1120 = tpu.memref_squeeze %dma_start3A_1119 : memref<1x4096xi32, #tpu.memory_space<hbm>> -> memref<4096xi32, #tpu.memory_space<hbm>>
    tpu.enqueue_dma source(%dma_start3A_1120 : memref<4096xi32, #tpu.memory_space<hbm>>) target(%arg7 : memref<4096xi32, #tpu.memory_space<vmem>>) target_semaphore(%arg12 : memref<!tpu.dma_semaphore, #tpu.memory_space<semaphore_mem>>)
    %parallel_loop3A_1121 = arith.constant 0 : i32
    %parallel_loop3A_1122 = arith.constant 4096 : i32
    %parallel_loop3A_1123 = arith.constant 16 : i32
    %parallel_loop3A_1124 = arith.constant 1 : i32
    %parallel_loop3A_1125 = arith.constant 0 : i32
    scf.for %parallel_loop3A_1330 = %parallel_loop3A_1121 to %parallel_loop3A_1122 step %parallel_loop3A_1123  : i32 {
      %parallel_loop3A_1331 = arith.index_cast %parallel_loop3A_1330 : i32 to index
      %parallel_loop3A_1332 = tpu.vector_load %arg8[%parallel_loop3A_1331] {strides = array<i32>} : memref<4096xi32, #tpu.memory_space<vmem>>, vector<16xi32>,
      %parallel_loop3A_1333 = tpu.vector_load_idx %arg5[%parallel_loop3A_1332] : memref<100000xf32, #tpu.memory_space<vmem>>[vector<16xi32>], vector<16xf32>,
      %parallel_loop3A_1334 = arith.constant 0 : i32
      %parallel_loop3A_1335 = tpu.memref_slice %arg9[%parallel_loop3A_1124, %parallel_loop3A_1125, %parallel_loop3A_1334] : memref<2x1x4096xf32, #tpu.memory_space<vmem>> -> memref<1x1x4096xf32, #tpu.memory_space<vmem>>
      %parallel_loop3A_1336 = tpu.memref_squeeze %parallel_loop3A_1335 : memref<1x1x4096xf32, #tpu.memory_space<vmem>> -> memref<4096xf32, #tpu.memory_space<vmem>>
      %parallel_loop3A_1337 = arith.index_cast %parallel_loop3A_1330 : i32 to index
      %parallel_loop3A_1338 = tpu.vector_load %parallel_loop3A_1336[%parallel_loop3A_1337] {strides = array<i32>} : memref<4096xf32, #tpu.memory_space<vmem>>, vector<16xf32>,
      tpu.vector_store %parallel_loop3A_1336[%parallel_loop3A_1337], %parallel_loop3A_1333 {strides = array<i32>} : memref<4096xf32, #tpu.memory_space<vmem>>, vector<16xf32>,
    } {sc.loop_unroll_factor = 8 : i64, sc.parallel_access}
    %dma_start3A_1126 = arith.constant 16 : i32
    %dma_start3A_1127 = arith.constant 0 : i32
    %dma_start3A_1128 = tpu.memref_slice %arg4[%dma_start3A_1126, %add3A_673, %dma_start3A_1127] : memref<26x64x4096xf32, #tpu.memory_space<hbm>> -> memref<2x1x4096xf32, #tpu.memory_space<hbm>>
    %dma_start3A_1129 = arith.constant 16 : i32
    %dma_start3A_1130 = arith.constant 0 : i32
    %dma_start3A_1131 = tpu.memref_slice %arg4[%dma_start3A_1129, %add3A_673, %dma_start3A_1130] : memref<26x64x4096xf32, #tpu.memory_space<hbm>> -> memref<2x1x4096xf32, #tpu.memory_space<hbm>>
    tpu.enqueue_dma source(%arg9 : memref<2x1x4096xf32, #tpu.memory_space<vmem>>) target(%dma_start3A_1131 : memref<2x1x4096xf32, #tpu.memory_space<hbm>>) target_semaphore(%arg13 : memref<!tpu.dma_semaphore, #tpu.memory_space<semaphore_mem>>)
    %dma_wait3A_1132 = arith.constant 18 : i32
    %dma_wait3A_1133 = arith.constant 0 : i32
    %dma_wait3A_1134 = tpu.memref_slice %arg2[%dma_wait3A_1132, %dma_wait3A_1133] : memref<26x4096xi32, #tpu.memory_space<hbm>> -> memref<1x4096xi32, #tpu.memory_space<hbm>>
    %dma_wait3A_1135 = tpu.memref_squeeze %dma_wait3A_1134 : memref<1x4096xi32, #tpu.memory_space<hbm>> -> memref<4096xi32, #tpu.memory_space<hbm>>
    %dma_wait3A_1136 = arith.constant 0 : i32
    %dma_wait3A_1137 = tpu.memref_slice %arg2[%dma_wait3A_1132, %dma_wait3A_1136] : memref<26x4096xi32, #tpu.memory_space<hbm>> -> memref<1x4096xi32, #tpu.memory_space<hbm>>
    %dma_wait3A_1138 = tpu.memref_squeeze %dma_wait3A_1137 : memref<1x4096xi32, #tpu.memory_space<hbm>> -> memref<4096xi32, #tpu.memory_space<hbm>>
    tpu.wait_dma2 semaphore(%arg12 : memref<!tpu.dma_semaphore, #tpu.memory_space<semaphore_mem>>) src(%dma_wait3A_1138 : memref<4096xi32, #tpu.memory_space<hbm>>) dst(%arg6 : memref<4096xi32, #tpu.memory_space<vmem>>)
    %dma_start3A_1139 = arith.constant 20 : i32
    %dma_start3A_1140 = arith.constant 0 : i32
    %dma_start3A_1141 = tpu.memref_slice %arg2[%dma_start3A_1139, %dma_start3A_1140] : memref<26x4096xi32, #tpu.memory_space<hbm>> -> memref<1x4096xi32, #tpu.memory_space<hbm>>
    %dma_start3A_1142 = tpu.memref_squeeze %dma_start3A_1141 : memref<1x4096xi32, #tpu.memory_space<hbm>> -> memref<4096xi32, #tpu.memory_space<hbm>>
    %dma_start3A_1143 = arith.constant 0 : i32
    %dma_start3A_1144 = tpu.memref_slice %arg2[%dma_start3A_1139, %dma_start3A_1143] : memref<26x4096xi32, #tpu.memory_space<hbm>> -> memref<1x4096xi32, #tpu.memory_space<hbm>>
    %dma_start3A_1145 = tpu.memref_squeeze %dma_start3A_1144 : memref<1x4096xi32, #tpu.memory_space<hbm>> -> memref<4096xi32, #tpu.memory_space<hbm>>
    tpu.enqueue_dma source(%dma_start3A_1145 : memref<4096xi32, #tpu.memory_space<hbm>>) target(%arg8 : memref<4096xi32, #tpu.memory_space<vmem>>) target_semaphore(%arg12 : memref<!tpu.dma_semaphore, #tpu.memory_space<semaphore_mem>>)
    %dma_wait3A_1146 = arith.constant 14 : i32
    %dma_wait3A_1147 = arith.constant 0 : i32
    %dma_wait3A_1148 = tpu.memref_slice %arg4[%dma_wait3A_1146, %add3A_673, %dma_wait3A_1147] : memref<26x64x4096xf32, #tpu.memory_space<hbm>> -> memref<2x1x4096xf32, #tpu.memory_space<hbm>>
    %dma_wait3A_1149 = arith.constant 14 : i32
    %dma_wait3A_1150 = arith.constant 0 : i32
    %dma_wait3A_1151 = tpu.memref_slice %arg4[%dma_wait3A_1149, %add3A_673, %dma_wait3A_1150] : memref<26x64x4096xf32, #tpu.memory_space<hbm>> -> memref<2x1x4096xf32, #tpu.memory_space<hbm>>
    tpu.wait_dma2 semaphore(%arg13 : memref<!tpu.dma_semaphore, #tpu.memory_space<semaphore_mem>>) src(%arg10 : memref<2x1x4096xf32, #tpu.memory_space<vmem>>) dst(%dma_wait3A_1151 : memref<2x1x4096xf32, #tpu.memory_space<hbm>>)
    %parallel_loop3A_1152 = arith.constant 0 : i32
    %parallel_loop3A_1153 = arith.constant 4096 : i32
    %parallel_loop3A_1154 = arith.constant 16 : i32
    %parallel_loop3A_1155 = arith.constant 0 : i32
    %parallel_loop3A_1156 = arith.constant 0 : i32
    scf.for %parallel_loop3A_1330 = %parallel_loop3A_1152 to %parallel_loop3A_1153 step %parallel_loop3A_1154  : i32 {
      %parallel_loop3A_1331 = arith.index_cast %parallel_loop3A_1330 : i32 to index
      %parallel_loop3A_1332 = tpu.vector_load %arg6[%parallel_loop3A_1331] {strides = array<i32>} : memref<4096xi32, #tpu.memory_space<vmem>>, vector<16xi32>,
      %parallel_loop3A_1333 = tpu.vector_load_idx %arg5[%parallel_loop3A_1332] : memref<100000xf32, #tpu.memory_space<vmem>>[vector<16xi32>], vector<16xf32>,
      %parallel_loop3A_1334 = arith.constant 0 : i32
      %parallel_loop3A_1335 = tpu.memref_slice %arg10[%parallel_loop3A_1155, %parallel_loop3A_1156, %parallel_loop3A_1334] : memref<2x1x4096xf32, #tpu.memory_space<vmem>> -> memref<1x1x4096xf32, #tpu.memory_space<vmem>>
      %parallel_loop3A_1336 = tpu.memref_squeeze %parallel_loop3A_1335 : memref<1x1x4096xf32, #tpu.memory_space<vmem>> -> memref<4096xf32, #tpu.memory_space<vmem>>
      %parallel_loop3A_1337 = arith.index_cast %parallel_loop3A_1330 : i32 to index
      %parallel_loop3A_1338 = tpu.vector_load %parallel_loop3A_1336[%parallel_loop3A_1337] {strides = array<i32>} : memref<4096xf32, #tpu.memory_space<vmem>>, vector<16xf32>,
      tpu.vector_store %parallel_loop3A_1336[%parallel_loop3A_1337], %parallel_loop3A_1333 {strides = array<i32>} : memref<4096xf32, #tpu.memory_space<vmem>>, vector<16xf32>,
    } {sc.loop_unroll_factor = 8 : i64, sc.parallel_access}
    %dma_wait3A_1157 = arith.constant 19 : i32
    %dma_wait3A_1158 = arith.constant 0 : i32
    %dma_wait3A_1159 = tpu.memref_slice %arg2[%dma_wait3A_1157, %dma_wait3A_1158] : memref<26x4096xi32, #tpu.memory_space<hbm>> -> memref<1x4096xi32, #tpu.memory_space<hbm>>
    %dma_wait3A_1160 = tpu.memref_squeeze %dma_wait3A_1159 : memref<1x4096xi32, #tpu.memory_space<hbm>> -> memref<4096xi32, #tpu.memory_space<hbm>>
    %dma_wait3A_1161 = arith.constant 0 : i32
    %dma_wait3A_1162 = tpu.memref_slice %arg2[%dma_wait3A_1157, %dma_wait3A_1161] : memref<26x4096xi32, #tpu.memory_space<hbm>> -> memref<1x4096xi32, #tpu.memory_space<hbm>>
    %dma_wait3A_1163 = tpu.memref_squeeze %dma_wait3A_1162 : memref<1x4096xi32, #tpu.memory_space<hbm>> -> memref<4096xi32, #tpu.memory_space<hbm>>
    tpu.wait_dma2 semaphore(%arg12 : memref<!tpu.dma_semaphore, #tpu.memory_space<semaphore_mem>>) src(%dma_wait3A_1163 : memref<4096xi32, #tpu.memory_space<hbm>>) dst(%arg7 : memref<4096xi32, #tpu.memory_space<vmem>>)
    %dma_start3A_1164 = arith.constant 21 : i32
    %dma_start3A_1165 = arith.constant 0 : i32
    %dma_start3A_1166 = tpu.memref_slice %arg2[%dma_start3A_1164, %dma_start3A_1165] : memref<26x4096xi32, #tpu.memory_space<hbm>> -> memref<1x4096xi32, #tpu.memory_space<hbm>>
    %dma_start3A_1167 = tpu.memref_squeeze %dma_start3A_1166 : memref<1x4096xi32, #tpu.memory_space<hbm>> -> memref<4096xi32, #tpu.memory_space<hbm>>
    %dma_start3A_1168 = arith.constant 0 : i32
    %dma_start3A_1169 = tpu.memref_slice %arg2[%dma_start3A_1164, %dma_start3A_1168] : memref<26x4096xi32, #tpu.memory_space<hbm>> -> memref<1x4096xi32, #tpu.memory_space<hbm>>
    %dma_start3A_1170 = tpu.memref_squeeze %dma_start3A_1169 : memref<1x4096xi32, #tpu.memory_space<hbm>> -> memref<4096xi32, #tpu.memory_space<hbm>>
    tpu.enqueue_dma source(%dma_start3A_1170 : memref<4096xi32, #tpu.memory_space<hbm>>) target(%arg6 : memref<4096xi32, #tpu.memory_space<vmem>>) target_semaphore(%arg12 : memref<!tpu.dma_semaphore, #tpu.memory_space<semaphore_mem>>)
    %parallel_loop3A_1171 = arith.constant 0 : i32
    %parallel_loop3A_1172 = arith.constant 4096 : i32
    %parallel_loop3A_1173 = arith.constant 16 : i32
    %parallel_loop3A_1174 = arith.constant 1 : i32
    %parallel_loop3A_1175 = arith.constant 0 : i32
    scf.for %parallel_loop3A_1330 = %parallel_loop3A_1171 to %parallel_loop3A_1172 step %parallel_loop3A_1173  : i32 {
      %parallel_loop3A_1331 = arith.index_cast %parallel_loop3A_1330 : i32 to index
      %parallel_loop3A_1332 = tpu.vector_load %arg7[%parallel_loop3A_1331] {strides = array<i32>} : memref<4096xi32, #tpu.memory_space<vmem>>, vector<16xi32>,
      %parallel_loop3A_1333 = tpu.vector_load_idx %arg5[%parallel_loop3A_1332] : memref<100000xf32, #tpu.memory_space<vmem>>[vector<16xi32>], vector<16xf32>,
      %parallel_loop3A_1334 = arith.constant 0 : i32
      %parallel_loop3A_1335 = tpu.memref_slice %arg10[%parallel_loop3A_1174, %parallel_loop3A_1175, %parallel_loop3A_1334] : memref<2x1x4096xf32, #tpu.memory_space<vmem>> -> memref<1x1x4096xf32, #tpu.memory_space<vmem>>
      %parallel_loop3A_1336 = tpu.memref_squeeze %parallel_loop3A_1335 : memref<1x1x4096xf32, #tpu.memory_space<vmem>> -> memref<4096xf32, #tpu.memory_space<vmem>>
      %parallel_loop3A_1337 = arith.index_cast %parallel_loop3A_1330 : i32 to index
      %parallel_loop3A_1338 = tpu.vector_load %parallel_loop3A_1336[%parallel_loop3A_1337] {strides = array<i32>} : memref<4096xf32, #tpu.memory_space<vmem>>, vector<16xf32>,
      tpu.vector_store %parallel_loop3A_1336[%parallel_loop3A_1337], %parallel_loop3A_1333 {strides = array<i32>} : memref<4096xf32, #tpu.memory_space<vmem>>, vector<16xf32>,
    } {sc.loop_unroll_factor = 8 : i64, sc.parallel_access}
    %dma_start3A_1176 = arith.constant 18 : i32
    %dma_start3A_1177 = arith.constant 0 : i32
    %dma_start3A_1178 = tpu.memref_slice %arg4[%dma_start3A_1176, %add3A_673, %dma_start3A_1177] : memref<26x64x4096xf32, #tpu.memory_space<hbm>> -> memref<2x1x4096xf32, #tpu.memory_space<hbm>>
    %dma_start3A_1179 = arith.constant 18 : i32
    %dma_start3A_1180 = arith.constant 0 : i32
    %dma_start3A_1181 = tpu.memref_slice %arg4[%dma_start3A_1179, %add3A_673, %dma_start3A_1180] : memref<26x64x4096xf32, #tpu.memory_space<hbm>> -> memref<2x1x4096xf32, #tpu.memory_space<hbm>>
    tpu.enqueue_dma source(%arg10 : memref<2x1x4096xf32, #tpu.memory_space<vmem>>) target(%dma_start3A_1181 : memref<2x1x4096xf32, #tpu.memory_space<hbm>>) target_semaphore(%arg13 : memref<!tpu.dma_semaphore, #tpu.memory_space<semaphore_mem>>)
    %dma_wait3A_1182 = arith.constant 20 : i32
    %dma_wait3A_1183 = arith.constant 0 : i32
    %dma_wait3A_1184 = tpu.memref_slice %arg2[%dma_wait3A_1182, %dma_wait3A_1183] : memref<26x4096xi32, #tpu.memory_space<hbm>> -> memref<1x4096xi32, #tpu.memory_space<hbm>>
    %dma_wait3A_1185 = tpu.memref_squeeze %dma_wait3A_1184 : memref<1x4096xi32, #tpu.memory_space<hbm>> -> memref<4096xi32, #tpu.memory_space<hbm>>
    %dma_wait3A_1186 = arith.constant 0 : i32
    %dma_wait3A_1187 = tpu.memref_slice %arg2[%dma_wait3A_1182, %dma_wait3A_1186] : memref<26x4096xi32, #tpu.memory_space<hbm>> -> memref<1x4096xi32, #tpu.memory_space<hbm>>
    %dma_wait3A_1188 = tpu.memref_squeeze %dma_wait3A_1187 : memref<1x4096xi32, #tpu.memory_space<hbm>> -> memref<4096xi32, #tpu.memory_space<hbm>>
    tpu.wait_dma2 semaphore(%arg12 : memref<!tpu.dma_semaphore, #tpu.memory_space<semaphore_mem>>) src(%dma_wait3A_1188 : memref<4096xi32, #tpu.memory_space<hbm>>) dst(%arg8 : memref<4096xi32, #tpu.memory_space<vmem>>)
    %dma_start3A_1189 = arith.constant 22 : i32
    %dma_start3A_1190 = arith.constant 0 : i32
    %dma_start3A_1191 = tpu.memref_slice %arg2[%dma_start3A_1189, %dma_start3A_1190] : memref<26x4096xi32, #tpu.memory_space<hbm>> -> memref<1x4096xi32, #tpu.memory_space<hbm>>
    %dma_start3A_1192 = tpu.memref_squeeze %dma_start3A_1191 : memref<1x4096xi32, #tpu.memory_space<hbm>> -> memref<4096xi32, #tpu.memory_space<hbm>>
    %dma_start3A_1193 = arith.constant 0 : i32
    %dma_start3A_1194 = tpu.memref_slice %arg2[%dma_start3A_1189, %dma_start3A_1193] : memref<26x4096xi32, #tpu.memory_space<hbm>> -> memref<1x4096xi32, #tpu.memory_space<hbm>>
    %dma_start3A_1195 = tpu.memref_squeeze %dma_start3A_1194 : memref<1x4096xi32, #tpu.memory_space<hbm>> -> memref<4096xi32, #tpu.memory_space<hbm>>
    tpu.enqueue_dma source(%dma_start3A_1195 : memref<4096xi32, #tpu.memory_space<hbm>>) target(%arg7 : memref<4096xi32, #tpu.memory_space<vmem>>) target_semaphore(%arg12 : memref<!tpu.dma_semaphore, #tpu.memory_space<semaphore_mem>>)
    %dma_wait3A_1196 = arith.constant 16 : i32
    %dma_wait3A_1197 = arith.constant 0 : i32
    %dma_wait3A_1198 = tpu.memref_slice %arg4[%dma_wait3A_1196, %add3A_673, %dma_wait3A_1197] : memref<26x64x4096xf32, #tpu.memory_space<hbm>> -> memref<2x1x4096xf32, #tpu.memory_space<hbm>>
    %dma_wait3A_1199 = arith.constant 16 : i32
    %dma_wait3A_1200 = arith.constant 0 : i32
    %dma_wait3A_1201 = tpu.memref_slice %arg4[%dma_wait3A_1199, %add3A_673, %dma_wait3A_1200] : memref<26x64x4096xf32, #tpu.memory_space<hbm>> -> memref<2x1x4096xf32, #tpu.memory_space<hbm>>
    tpu.wait_dma2 semaphore(%arg13 : memref<!tpu.dma_semaphore, #tpu.memory_space<semaphore_mem>>) src(%arg9 : memref<2x1x4096xf32, #tpu.memory_space<vmem>>) dst(%dma_wait3A_1201 : memref<2x1x4096xf32, #tpu.memory_space<hbm>>)
    %parallel_loop3A_1202 = arith.constant 0 : i32
    %parallel_loop3A_1203 = arith.constant 4096 : i32
    %parallel_loop3A_1204 = arith.constant 16 : i32
    %parallel_loop3A_1205 = arith.constant 0 : i32
    %parallel_loop3A_1206 = arith.constant 0 : i32
    scf.for %parallel_loop3A_1330 = %parallel_loop3A_1202 to %parallel_loop3A_1203 step %parallel_loop3A_1204  : i32 {
      %parallel_loop3A_1331 = arith.index_cast %parallel_loop3A_1330 : i32 to index
      %parallel_loop3A_1332 = tpu.vector_load %arg8[%parallel_loop3A_1331] {strides = array<i32>} : memref<4096xi32, #tpu.memory_space<vmem>>, vector<16xi32>,
      %parallel_loop3A_1333 = tpu.vector_load_idx %arg5[%parallel_loop3A_1332] : memref<100000xf32, #tpu.memory_space<vmem>>[vector<16xi32>], vector<16xf32>,
      %parallel_loop3A_1334 = arith.constant 0 : i32
      %parallel_loop3A_1335 = tpu.memref_slice %arg9[%parallel_loop3A_1205, %parallel_loop3A_1206, %parallel_loop3A_1334] : memref<2x1x4096xf32, #tpu.memory_space<vmem>> -> memref<1x1x4096xf32, #tpu.memory_space<vmem>>
      %parallel_loop3A_1336 = tpu.memref_squeeze %parallel_loop3A_1335 : memref<1x1x4096xf32, #tpu.memory_space<vmem>> -> memref<4096xf32, #tpu.memory_space<vmem>>
      %parallel_loop3A_1337 = arith.index_cast %parallel_loop3A_1330 : i32 to index
      %parallel_loop3A_1338 = tpu.vector_load %parallel_loop3A_1336[%parallel_loop3A_1337] {strides = array<i32>} : memref<4096xf32, #tpu.memory_space<vmem>>, vector<16xf32>,
      tpu.vector_store %parallel_loop3A_1336[%parallel_loop3A_1337], %parallel_loop3A_1333 {strides = array<i32>} : memref<4096xf32, #tpu.memory_space<vmem>>, vector<16xf32>,
    } {sc.loop_unroll_factor = 8 : i64, sc.parallel_access}
    %dma_wait3A_1207 = arith.constant 21 : i32
    %dma_wait3A_1208 = arith.constant 0 : i32
    %dma_wait3A_1209 = tpu.memref_slice %arg2[%dma_wait3A_1207, %dma_wait3A_1208] : memref<26x4096xi32, #tpu.memory_space<hbm>> -> memref<1x4096xi32, #tpu.memory_space<hbm>>
    %dma_wait3A_1210 = tpu.memref_squeeze %dma_wait3A_1209 : memref<1x4096xi32, #tpu.memory_space<hbm>> -> memref<4096xi32, #tpu.memory_space<hbm>>
    %dma_wait3A_1211 = arith.constant 0 : i32
    %dma_wait3A_1212 = tpu.memref_slice %arg2[%dma_wait3A_1207, %dma_wait3A_1211] : memref<26x4096xi32, #tpu.memory_space<hbm>> -> memref<1x4096xi32, #tpu.memory_space<hbm>>
    %dma_wait3A_1213 = tpu.memref_squeeze %dma_wait3A_1212 : memref<1x4096xi32, #tpu.memory_space<hbm>> -> memref<4096xi32, #tpu.memory_space<hbm>>
    tpu.wait_dma2 semaphore(%arg12 : memref<!tpu.dma_semaphore, #tpu.memory_space<semaphore_mem>>) src(%dma_wait3A_1213 : memref<4096xi32, #tpu.memory_space<hbm>>) dst(%arg6 : memref<4096xi32, #tpu.memory_space<vmem>>)
    %dma_start3A_1214 = arith.constant 23 : i32
    %dma_start3A_1215 = arith.constant 0 : i32
    %dma_start3A_1216 = tpu.memref_slice %arg2[%dma_start3A_1214, %dma_start3A_1215] : memref<26x4096xi32, #tpu.memory_space<hbm>> -> memref<1x4096xi32, #tpu.memory_space<hbm>>
    %dma_start3A_1217 = tpu.memref_squeeze %dma_start3A_1216 : memref<1x4096xi32, #tpu.memory_space<hbm>> -> memref<4096xi32, #tpu.memory_space<hbm>>
    %dma_start3A_1218 = arith.constant 0 : i32
    %dma_start3A_1219 = tpu.memref_slice %arg2[%dma_start3A_1214, %dma_start3A_1218] : memref<26x4096xi32, #tpu.memory_space<hbm>> -> memref<1x4096xi32, #tpu.memory_space<hbm>>
    %dma_start3A_1220 = tpu.memref_squeeze %dma_start3A_1219 : memref<1x4096xi32, #tpu.memory_space<hbm>> -> memref<4096xi32, #tpu.memory_space<hbm>>
    tpu.enqueue_dma source(%dma_start3A_1220 : memref<4096xi32, #tpu.memory_space<hbm>>) target(%arg8 : memref<4096xi32, #tpu.memory_space<vmem>>) target_semaphore(%arg12 : memref<!tpu.dma_semaphore, #tpu.memory_space<semaphore_mem>>)
    %parallel_loop3A_1221 = arith.constant 0 : i32
    %parallel_loop3A_1222 = arith.constant 4096 : i32
    %parallel_loop3A_1223 = arith.constant 16 : i32
    %parallel_loop3A_1224 = arith.constant 1 : i32
    %parallel_loop3A_1225 = arith.constant 0 : i32
    scf.for %parallel_loop3A_1330 = %parallel_loop3A_1221 to %parallel_loop3A_1222 step %parallel_loop3A_1223  : i32 {
      %parallel_loop3A_1331 = arith.index_cast %parallel_loop3A_1330 : i32 to index
      %parallel_loop3A_1332 = tpu.vector_load %arg6[%parallel_loop3A_1331] {strides = array<i32>} : memref<4096xi32, #tpu.memory_space<vmem>>, vector<16xi32>,
      %parallel_loop3A_1333 = tpu.vector_load_idx %arg5[%parallel_loop3A_1332] : memref<100000xf32, #tpu.memory_space<vmem>>[vector<16xi32>], vector<16xf32>,
      %parallel_loop3A_1334 = arith.constant 0 : i32
      %parallel_loop3A_1335 = tpu.memref_slice %arg9[%parallel_loop3A_1224, %parallel_loop3A_1225, %parallel_loop3A_1334] : memref<2x1x4096xf32, #tpu.memory_space<vmem>> -> memref<1x1x4096xf32, #tpu.memory_space<vmem>>
      %parallel_loop3A_1336 = tpu.memref_squeeze %parallel_loop3A_1335 : memref<1x1x4096xf32, #tpu.memory_space<vmem>> -> memref<4096xf32, #tpu.memory_space<vmem>>
      %parallel_loop3A_1337 = arith.index_cast %parallel_loop3A_1330 : i32 to index
      %parallel_loop3A_1338 = tpu.vector_load %parallel_loop3A_1336[%parallel_loop3A_1337] {strides = array<i32>} : memref<4096xf32, #tpu.memory_space<vmem>>, vector<16xf32>,
      tpu.vector_store %parallel_loop3A_1336[%parallel_loop3A_1337], %parallel_loop3A_1333 {strides = array<i32>} : memref<4096xf32, #tpu.memory_space<vmem>>, vector<16xf32>,
    } {sc.loop_unroll_factor = 8 : i64, sc.parallel_access}
    %dma_start3A_1226 = arith.constant 20 : i32
    %dma_start3A_1227 = arith.constant 0 : i32
    %dma_start3A_1228 = tpu.memref_slice %arg4[%dma_start3A_1226, %add3A_673, %dma_start3A_1227] : memref<26x64x4096xf32, #tpu.memory_space<hbm>> -> memref<2x1x4096xf32, #tpu.memory_space<hbm>>
    %dma_start3A_1229 = arith.constant 20 : i32
    %dma_start3A_1230 = arith.constant 0 : i32
    %dma_start3A_1231 = tpu.memref_slice %arg4[%dma_start3A_1229, %add3A_673, %dma_start3A_1230] : memref<26x64x4096xf32, #tpu.memory_space<hbm>> -> memref<2x1x4096xf32, #tpu.memory_space<hbm>>
    tpu.enqueue_dma source(%arg9 : memref<2x1x4096xf32, #tpu.memory_space<vmem>>) target(%dma_start3A_1231 : memref<2x1x4096xf32, #tpu.memory_space<hbm>>) target_semaphore(%arg13 : memref<!tpu.dma_semaphore, #tpu.memory_space<semaphore_mem>>)
    %dma_wait3A_1232 = arith.constant 22 : i32
    %dma_wait3A_1233 = arith.constant 0 : i32
    %dma_wait3A_1234 = tpu.memref_slice %arg2[%dma_wait3A_1232, %dma_wait3A_1233] : memref<26x4096xi32, #tpu.memory_space<hbm>> -> memref<1x4096xi32, #tpu.memory_space<hbm>>
    %dma_wait3A_1235 = tpu.memref_squeeze %dma_wait3A_1234 : memref<1x4096xi32, #tpu.memory_space<hbm>> -> memref<4096xi32, #tpu.memory_space<hbm>>
    %dma_wait3A_1236 = arith.constant 0 : i32
    %dma_wait3A_1237 = tpu.memref_slice %arg2[%dma_wait3A_1232, %dma_wait3A_1236] : memref<26x4096xi32, #tpu.memory_space<hbm>> -> memref<1x4096xi32, #tpu.memory_space<hbm>>
    %dma_wait3A_1238 = tpu.memref_squeeze %dma_wait3A_1237 : memref<1x4096xi32, #tpu.memory_space<hbm>> -> memref<4096xi32, #tpu.memory_space<hbm>>
    tpu.wait_dma2 semaphore(%arg12 : memref<!tpu.dma_semaphore, #tpu.memory_space<semaphore_mem>>) src(%dma_wait3A_1238 : memref<4096xi32, #tpu.memory_space<hbm>>) dst(%arg7 : memref<4096xi32, #tpu.memory_space<vmem>>)
    %dma_start3A_1239 = arith.constant 24 : i32
    %dma_start3A_1240 = arith.constant 0 : i32
    %dma_start3A_1241 = tpu.memref_slice %arg2[%dma_start3A_1239, %dma_start3A_1240] : memref<26x4096xi32, #tpu.memory_space<hbm>> -> memref<1x4096xi32, #tpu.memory_space<hbm>>
    %dma_start3A_1242 = tpu.memref_squeeze %dma_start3A_1241 : memref<1x4096xi32, #tpu.memory_space<hbm>> -> memref<4096xi32, #tpu.memory_space<hbm>>
    %dma_start3A_1243 = arith.constant 0 : i32
    %dma_start3A_1244 = tpu.memref_slice %arg2[%dma_start3A_1239, %dma_start3A_1243] : memref<26x4096xi32, #tpu.memory_space<hbm>> -> memref<1x4096xi32, #tpu.memory_space<hbm>>
    %dma_start3A_1245 = tpu.memref_squeeze %dma_start3A_1244 : memref<1x4096xi32, #tpu.memory_space<hbm>> -> memref<4096xi32, #tpu.memory_space<hbm>>
    tpu.enqueue_dma source(%dma_start3A_1245 : memref<4096xi32, #tpu.memory_space<hbm>>) target(%arg6 : memref<4096xi32, #tpu.memory_space<vmem>>) target_semaphore(%arg12 : memref<!tpu.dma_semaphore, #tpu.memory_space<semaphore_mem>>)
    %dma_wait3A_1246 = arith.constant 18 : i32
    %dma_wait3A_1247 = arith.constant 0 : i32
    %dma_wait3A_1248 = tpu.memref_slice %arg4[%dma_wait3A_1246, %add3A_673, %dma_wait3A_1247] : memref<26x64x4096xf32, #tpu.memory_space<hbm>> -> memref<2x1x4096xf32, #tpu.memory_space<hbm>>
    %dma_wait3A_1249 = arith.constant 18 : i32
    %dma_wait3A_1250 = arith.constant 0 : i32
    %dma_wait3A_1251 = tpu.memref_slice %arg4[%dma_wait3A_1249, %add3A_673, %dma_wait3A_1250] : memref<26x64x4096xf32, #tpu.memory_space<hbm>> -> memref<2x1x4096xf32, #tpu.memory_space<hbm>>
    tpu.wait_dma2 semaphore(%arg13 : memref<!tpu.dma_semaphore, #tpu.memory_space<semaphore_mem>>) src(%arg10 : memref<2x1x4096xf32, #tpu.memory_space<vmem>>) dst(%dma_wait3A_1251 : memref<2x1x4096xf32, #tpu.memory_space<hbm>>)
    %parallel_loop3A_1252 = arith.constant 0 : i32
    %parallel_loop3A_1253 = arith.constant 4096 : i32
    %parallel_loop3A_1254 = arith.constant 16 : i32
    %parallel_loop3A_1255 = arith.constant 0 : i32
    %parallel_loop3A_1256 = arith.constant 0 : i32
    scf.for %parallel_loop3A_1330 = %parallel_loop3A_1252 to %parallel_loop3A_1253 step %parallel_loop3A_1254  : i32 {
      %parallel_loop3A_1331 = arith.index_cast %parallel_loop3A_1330 : i32 to index
      %parallel_loop3A_1332 = tpu.vector_load %arg7[%parallel_loop3A_1331] {strides = array<i32>} : memref<4096xi32, #tpu.memory_space<vmem>>, vector<16xi32>,
      %parallel_loop3A_1333 = tpu.vector_load_idx %arg5[%parallel_loop3A_1332] : memref<100000xf32, #tpu.memory_space<vmem>>[vector<16xi32>], vector<16xf32>,
      %parallel_loop3A_1334 = arith.constant 0 : i32
      %parallel_loop3A_1335 = tpu.memref_slice %arg10[%parallel_loop3A_1255, %parallel_loop3A_1256, %parallel_loop3A_1334] : memref<2x1x4096xf32, #tpu.memory_space<vmem>> -> memref<1x1x4096xf32, #tpu.memory_space<vmem>>
      %parallel_loop3A_1336 = tpu.memref_squeeze %parallel_loop3A_1335 : memref<1x1x4096xf32, #tpu.memory_space<vmem>> -> memref<4096xf32, #tpu.memory_space<vmem>>
      %parallel_loop3A_1337 = arith.index_cast %parallel_loop3A_1330 : i32 to index
      %parallel_loop3A_1338 = tpu.vector_load %parallel_loop3A_1336[%parallel_loop3A_1337] {strides = array<i32>} : memref<4096xf32, #tpu.memory_space<vmem>>, vector<16xf32>,
      tpu.vector_store %parallel_loop3A_1336[%parallel_loop3A_1337], %parallel_loop3A_1333 {strides = array<i32>} : memref<4096xf32, #tpu.memory_space<vmem>>, vector<16xf32>,
    } {sc.loop_unroll_factor = 8 : i64, sc.parallel_access}
    %dma_wait3A_1257 = arith.constant 23 : i32
    %dma_wait3A_1258 = arith.constant 0 : i32
    %dma_wait3A_1259 = tpu.memref_slice %arg2[%dma_wait3A_1257, %dma_wait3A_1258] : memref<26x4096xi32, #tpu.memory_space<hbm>> -> memref<1x4096xi32, #tpu.memory_space<hbm>>
    %dma_wait3A_1260 = tpu.memref_squeeze %dma_wait3A_1259 : memref<1x4096xi32, #tpu.memory_space<hbm>> -> memref<4096xi32, #tpu.memory_space<hbm>>
    %dma_wait3A_1261 = arith.constant 0 : i32
    %dma_wait3A_1262 = tpu.memref_slice %arg2[%dma_wait3A_1257, %dma_wait3A_1261] : memref<26x4096xi32, #tpu.memory_space<hbm>> -> memref<1x4096xi32, #tpu.memory_space<hbm>>
    %dma_wait3A_1263 = tpu.memref_squeeze %dma_wait3A_1262 : memref<1x4096xi32, #tpu.memory_space<hbm>> -> memref<4096xi32, #tpu.memory_space<hbm>>
    tpu.wait_dma2 semaphore(%arg12 : memref<!tpu.dma_semaphore, #tpu.memory_space<semaphore_mem>>) src(%dma_wait3A_1263 : memref<4096xi32, #tpu.memory_space<hbm>>) dst(%arg8 : memref<4096xi32, #tpu.memory_space<vmem>>)
    %dma_start3A_1264 = arith.constant 25 : i32
    %dma_start3A_1265 = arith.constant 0 : i32
    %dma_start3A_1266 = tpu.memref_slice %arg2[%dma_start3A_1264, %dma_start3A_1265] : memref<26x4096xi32, #tpu.memory_space<hbm>> -> memref<1x4096xi32, #tpu.memory_space<hbm>>
    %dma_start3A_1267 = tpu.memref_squeeze %dma_start3A_1266 : memref<1x4096xi32, #tpu.memory_space<hbm>> -> memref<4096xi32, #tpu.memory_space<hbm>>
    %dma_start3A_1268 = arith.constant 0 : i32
    %dma_start3A_1269 = tpu.memref_slice %arg2[%dma_start3A_1264, %dma_start3A_1268] : memref<26x4096xi32, #tpu.memory_space<hbm>> -> memref<1x4096xi32, #tpu.memory_space<hbm>>
    %dma_start3A_1270 = tpu.memref_squeeze %dma_start3A_1269 : memref<1x4096xi32, #tpu.memory_space<hbm>> -> memref<4096xi32, #tpu.memory_space<hbm>>
    tpu.enqueue_dma source(%dma_start3A_1270 : memref<4096xi32, #tpu.memory_space<hbm>>) target(%arg7 : memref<4096xi32, #tpu.memory_space<vmem>>) target_semaphore(%arg12 : memref<!tpu.dma_semaphore, #tpu.memory_space<semaphore_mem>>)
    %parallel_loop3A_1271 = arith.constant 0 : i32
    %parallel_loop3A_1272 = arith.constant 4096 : i32
    %parallel_loop3A_1273 = arith.constant 16 : i32
    %parallel_loop3A_1274 = arith.constant 1 : i32
    %parallel_loop3A_1275 = arith.constant 0 : i32
    scf.for %parallel_loop3A_1330 = %parallel_loop3A_1271 to %parallel_loop3A_1272 step %parallel_loop3A_1273  : i32 {
      %parallel_loop3A_1331 = arith.index_cast %parallel_loop3A_1330 : i32 to index
      %parallel_loop3A_1332 = tpu.vector_load %arg8[%parallel_loop3A_1331] {strides = array<i32>} : memref<4096xi32, #tpu.memory_space<vmem>>, vector<16xi32>,
      %parallel_loop3A_1333 = tpu.vector_load_idx %arg5[%parallel_loop3A_1332] : memref<100000xf32, #tpu.memory_space<vmem>>[vector<16xi32>], vector<16xf32>,
      %parallel_loop3A_1334 = arith.constant 0 : i32
      %parallel_loop3A_1335 = tpu.memref_slice %arg10[%parallel_loop3A_1274, %parallel_loop3A_1275, %parallel_loop3A_1334] : memref<2x1x4096xf32, #tpu.memory_space<vmem>> -> memref<1x1x4096xf32, #tpu.memory_space<vmem>>
      %parallel_loop3A_1336 = tpu.memref_squeeze %parallel_loop3A_1335 : memref<1x1x4096xf32, #tpu.memory_space<vmem>> -> memref<4096xf32, #tpu.memory_space<vmem>>
      %parallel_loop3A_1337 = arith.index_cast %parallel_loop3A_1330 : i32 to index
      %parallel_loop3A_1338 = tpu.vector_load %parallel_loop3A_1336[%parallel_loop3A_1337] {strides = array<i32>} : memref<4096xf32, #tpu.memory_space<vmem>>, vector<16xf32>,
      tpu.vector_store %parallel_loop3A_1336[%parallel_loop3A_1337], %parallel_loop3A_1333 {strides = array<i32>} : memref<4096xf32, #tpu.memory_space<vmem>>, vector<16xf32>,
    } {sc.loop_unroll_factor = 8 : i64, sc.parallel_access}
    %dma_start3A_1276 = arith.constant 22 : i32
    %dma_start3A_1277 = arith.constant 0 : i32
    %dma_start3A_1278 = tpu.memref_slice %arg4[%dma_start3A_1276, %add3A_673, %dma_start3A_1277] : memref<26x64x4096xf32, #tpu.memory_space<hbm>> -> memref<2x1x4096xf32, #tpu.memory_space<hbm>>
    %dma_start3A_1279 = arith.constant 22 : i32
    %dma_start3A_1280 = arith.constant 0 : i32
    %dma_start3A_1281 = tpu.memref_slice %arg4[%dma_start3A_1279, %add3A_673, %dma_start3A_1280] : memref<26x64x4096xf32, #tpu.memory_space<hbm>> -> memref<2x1x4096xf32, #tpu.memory_space<hbm>>
    tpu.enqueue_dma source(%arg10 : memref<2x1x4096xf32, #tpu.memory_space<vmem>>) target(%dma_start3A_1281 : memref<2x1x4096xf32, #tpu.memory_space<hbm>>) target_semaphore(%arg13 : memref<!tpu.dma_semaphore, #tpu.memory_space<semaphore_mem>>)
    %dma_wait3A_1282 = arith.constant 24 : i32
    %dma_wait3A_1283 = arith.constant 0 : i32
    %dma_wait3A_1284 = tpu.memref_slice %arg2[%dma_wait3A_1282, %dma_wait3A_1283] : memref<26x4096xi32, #tpu.memory_space<hbm>> -> memref<1x4096xi32, #tpu.memory_space<hbm>>
    %dma_wait3A_1285 = tpu.memref_squeeze %dma_wait3A_1284 : memref<1x4096xi32, #tpu.memory_space<hbm>> -> memref<4096xi32, #tpu.memory_space<hbm>>
    %dma_wait3A_1286 = arith.constant 0 : i32
    %dma_wait3A_1287 = tpu.memref_slice %arg2[%dma_wait3A_1282, %dma_wait3A_1286] : memref<26x4096xi32, #tpu.memory_space<hbm>> -> memref<1x4096xi32, #tpu.memory_space<hbm>>
    %dma_wait3A_1288 = tpu.memref_squeeze %dma_wait3A_1287 : memref<1x4096xi32, #tpu.memory_space<hbm>> -> memref<4096xi32, #tpu.memory_space<hbm>>
    tpu.wait_dma2 semaphore(%arg12 : memref<!tpu.dma_semaphore, #tpu.memory_space<semaphore_mem>>) src(%dma_wait3A_1288 : memref<4096xi32, #tpu.memory_space<hbm>>) dst(%arg6 : memref<4096xi32, #tpu.memory_space<vmem>>)
    %dma_wait3A_1289 = arith.constant 20 : i32
    %dma_wait3A_1290 = arith.constant 0 : i32
    %dma_wait3A_1291 = tpu.memref_slice %arg4[%dma_wait3A_1289, %add3A_673, %dma_wait3A_1290] : memref<26x64x4096xf32, #tpu.memory_space<hbm>> -> memref<2x1x4096xf32, #tpu.memory_space<hbm>>
    %dma_wait3A_1292 = arith.constant 20 : i32
    %dma_wait3A_1293 = arith.constant 0 : i32
    %dma_wait3A_1294 = tpu.memref_slice %arg4[%dma_wait3A_1292, %add3A_673, %dma_wait3A_1293] : memref<26x64x4096xf32, #tpu.memory_space<hbm>> -> memref<2x1x4096xf32, #tpu.memory_space<hbm>>
    tpu.wait_dma2 semaphore(%arg13 : memref<!tpu.dma_semaphore, #tpu.memory_space<semaphore_mem>>) src(%arg9 : memref<2x1x4096xf32, #tpu.memory_space<vmem>>) dst(%dma_wait3A_1294 : memref<2x1x4096xf32, #tpu.memory_space<hbm>>)
    %parallel_loop3A_1295 = arith.constant 0 : i32
    %parallel_loop3A_1296 = arith.constant 4096 : i32
    %parallel_loop3A_1297 = arith.constant 16 : i32
    %parallel_loop3A_1298 = arith.constant 0 : i32
    %parallel_loop3A_1299 = arith.constant 0 : i32
    scf.for %parallel_loop3A_1330 = %parallel_loop3A_1295 to %parallel_loop3A_1296 step %parallel_loop3A_1297  : i32 {
      %parallel_loop3A_1331 = arith.index_cast %parallel_loop3A_1330 : i32 to index
      %parallel_loop3A_1332 = tpu.vector_load %arg6[%parallel_loop3A_1331] {strides = array<i32>} : memref<4096xi32, #tpu.memory_space<vmem>>, vector<16xi32>,
      %parallel_loop3A_1333 = tpu.vector_load_idx %arg5[%parallel_loop3A_1332] : memref<100000xf32, #tpu.memory_space<vmem>>[vector<16xi32>], vector<16xf32>,
      %parallel_loop3A_1334 = arith.constant 0 : i32
      %parallel_loop3A_1335 = tpu.memref_slice %arg9[%parallel_loop3A_1298, %parallel_loop3A_1299, %parallel_loop3A_1334] : memref<2x1x4096xf32, #tpu.memory_space<vmem>> -> memref<1x1x4096xf32, #tpu.memory_space<vmem>>
      %parallel_loop3A_1336 = tpu.memref_squeeze %parallel_loop3A_1335 : memref<1x1x4096xf32, #tpu.memory_space<vmem>> -> memref<4096xf32, #tpu.memory_space<vmem>>
      %parallel_loop3A_1337 = arith.index_cast %parallel_loop3A_1330 : i32 to index
      %parallel_loop3A_1338 = tpu.vector_load %parallel_loop3A_1336[%parallel_loop3A_1337] {strides = array<i32>} : memref<4096xf32, #tpu.memory_space<vmem>>, vector<16xf32>,
      tpu.vector_store %parallel_loop3A_1336[%parallel_loop3A_1337], %parallel_loop3A_1333 {strides = array<i32>} : memref<4096xf32, #tpu.memory_space<vmem>>, vector<16xf32>,
    } {sc.loop_unroll_factor = 8 : i64, sc.parallel_access}
    %dma_wait3A_1300 = arith.constant 25 : i32
    %dma_wait3A_1301 = arith.constant 0 : i32
    %dma_wait3A_1302 = tpu.memref_slice %arg2[%dma_wait3A_1300, %dma_wait3A_1301] : memref<26x4096xi32, #tpu.memory_space<hbm>> -> memref<1x4096xi32, #tpu.memory_space<hbm>>
    %dma_wait3A_1303 = tpu.memref_squeeze %dma_wait3A_1302 : memref<1x4096xi32, #tpu.memory_space<hbm>> -> memref<4096xi32, #tpu.memory_space<hbm>>
    %dma_wait3A_1304 = arith.constant 0 : i32
    %dma_wait3A_1305 = tpu.memref_slice %arg2[%dma_wait3A_1300, %dma_wait3A_1304] : memref<26x4096xi32, #tpu.memory_space<hbm>> -> memref<1x4096xi32, #tpu.memory_space<hbm>>
    %dma_wait3A_1306 = tpu.memref_squeeze %dma_wait3A_1305 : memref<1x4096xi32, #tpu.memory_space<hbm>> -> memref<4096xi32, #tpu.memory_space<hbm>>
    tpu.wait_dma2 semaphore(%arg12 : memref<!tpu.dma_semaphore, #tpu.memory_space<semaphore_mem>>) src(%dma_wait3A_1306 : memref<4096xi32, #tpu.memory_space<hbm>>) dst(%arg7 : memref<4096xi32, #tpu.memory_space<vmem>>)
    %parallel_loop3A_1307 = arith.constant 0 : i32
    %parallel_loop3A_1308 = arith.constant 4096 : i32
    %parallel_loop3A_1309 = arith.constant 16 : i32
    %parallel_loop3A_1310 = arith.constant 1 : i32
    %parallel_loop3A_1311 = arith.constant 0 : i32
    scf.for %parallel_loop3A_1330 = %parallel_loop3A_1307 to %parallel_loop3A_1308 step %parallel_loop3A_1309  : i32 {
      %parallel_loop3A_1331 = arith.index_cast %parallel_loop3A_1330 : i32 to index
      %parallel_loop3A_1332 = tpu.vector_load %arg7[%parallel_loop3A_1331] {strides = array<i32>} : memref<4096xi32, #tpu.memory_space<vmem>>, vector<16xi32>,
      %parallel_loop3A_1333 = tpu.vector_load_idx %arg5[%parallel_loop3A_1332] : memref<100000xf32, #tpu.memory_space<vmem>>[vector<16xi32>], vector<16xf32>,
      %parallel_loop3A_1334 = arith.constant 0 : i32
      %parallel_loop3A_1335 = tpu.memref_slice %arg9[%parallel_loop3A_1310, %parallel_loop3A_1311, %parallel_loop3A_1334] : memref<2x1x4096xf32, #tpu.memory_space<vmem>> -> memref<1x1x4096xf32, #tpu.memory_space<vmem>>
      %parallel_loop3A_1336 = tpu.memref_squeeze %parallel_loop3A_1335 : memref<1x1x4096xf32, #tpu.memory_space<vmem>> -> memref<4096xf32, #tpu.memory_space<vmem>>
      %parallel_loop3A_1337 = arith.index_cast %parallel_loop3A_1330 : i32 to index
      %parallel_loop3A_1338 = tpu.vector_load %parallel_loop3A_1336[%parallel_loop3A_1337] {strides = array<i32>} : memref<4096xf32, #tpu.memory_space<vmem>>, vector<16xf32>,
      tpu.vector_store %parallel_loop3A_1336[%parallel_loop3A_1337], %parallel_loop3A_1333 {strides = array<i32>} : memref<4096xf32, #tpu.memory_space<vmem>>, vector<16xf32>,
    } {sc.loop_unroll_factor = 8 : i64, sc.parallel_access}
    %dma_start3A_1312 = arith.constant 24 : i32
    %dma_start3A_1313 = arith.constant 0 : i32
    %dma_start3A_1314 = tpu.memref_slice %arg4[%dma_start3A_1312, %add3A_673, %dma_start3A_1313] : memref<26x64x4096xf32, #tpu.memory_space<hbm>> -> memref<2x1x4096xf32, #tpu.memory_space<hbm>>
    %dma_start3A_1315 = arith.constant 24 : i32
    %dma_start3A_1316 = arith.constant 0 : i32
    %dma_start3A_1317 = tpu.memref_slice %arg4[%dma_start3A_1315, %add3A_673, %dma_start3A_1316] : memref<26x64x4096xf32, #tpu.memory_space<hbm>> -> memref<2x1x4096xf32, #tpu.memory_space<hbm>>
    tpu.enqueue_dma source(%arg9 : memref<2x1x4096xf32, #tpu.memory_space<vmem>>) target(%dma_start3A_1317 : memref<2x1x4096xf32, #tpu.memory_space<hbm>>) target_semaphore(%arg13 : memref<!tpu.dma_semaphore, #tpu.memory_space<semaphore_mem>>)
    %dma_wait3A_1318 = arith.constant 22 : i32
    %dma_wait3A_1319 = arith.constant 0 : i32
    %dma_wait3A_1320 = tpu.memref_slice %arg4[%dma_wait3A_1318, %add3A_673, %dma_wait3A_1319] : memref<26x64x4096xf32, #tpu.memory_space<hbm>> -> memref<2x1x4096xf32, #tpu.memory_space<hbm>>
    %dma_wait3A_1321 = arith.constant 22 : i32
    %dma_wait3A_1322 = arith.constant 0 : i32
    %dma_wait3A_1323 = tpu.memref_slice %arg4[%dma_wait3A_1321, %add3A_673, %dma_wait3A_1322] : memref<26x64x4096xf32, #tpu.memory_space<hbm>> -> memref<2x1x4096xf32, #tpu.memory_space<hbm>>
    tpu.wait_dma2 semaphore(%arg13 : memref<!tpu.dma_semaphore, #tpu.memory_space<semaphore_mem>>) src(%arg10 : memref<2x1x4096xf32, #tpu.memory_space<vmem>>) dst(%dma_wait3A_1323 : memref<2x1x4096xf32, #tpu.memory_space<hbm>>)
    %dma_wait3A_1324 = arith.constant 24 : i32
    %dma_wait3A_1325 = arith.constant 0 : i32
    %dma_wait3A_1326 = tpu.memref_slice %arg4[%dma_wait3A_1324, %add3A_673, %dma_wait3A_1325] : memref<26x64x4096xf32, #tpu.memory_space<hbm>> -> memref<2x1x4096xf32, #tpu.memory_space<hbm>>
    %dma_wait3A_1327 = arith.constant 24 : i32
    %dma_wait3A_1328 = arith.constant 0 : i32
    %dma_wait3A_1329 = tpu.memref_slice %arg4[%dma_wait3A_1327, %add3A_673, %dma_wait3A_1328] : memref<26x64x4096xf32, #tpu.memory_space<hbm>> -> memref<2x1x4096xf32, #tpu.memory_space<hbm>>
    tpu.wait_dma2 semaphore(%arg13 : memref<!tpu.dma_semaphore, #tpu.memory_space<semaphore_mem>>) src(%arg9 : memref<2x1x4096xf32, #tpu.memory_space<vmem>>) dst(%dma_wait3A_1329 : memref<2x1x4096xf32, #tpu.memory_space<hbm>>)
    return
  }
}

</mosaic_0001>

<sc_bundles>
// kernel: _sc_embed.3.cloned.1.call-start
scs
__scs_entry_jumppad:
0x0: {  	(pc) =	sbr.rel $0x88, $3  }
0x1: {  	(tag) =	ssettag $0x0;
	lr =	simm.s32 $0x1  }
0x2: {  	[smem:$0x3F9F] =	sst lr;
	_ =	strace $0xD0000000  }
0x3: {  	_ = 	snop  }
0x4: {  	_ = 	snop  }
0x5: {  	_ = 	snop  }
0x6: {  	_ = 	snop  }
0x7: {  	_ = 	snop  }
__scs_overlays_trampoline_lowered:
0x8: {  	[smem:$0x3FAE] =	sst s0  }
0x9: {  	[smem:$0x3FAF] =	sst s1  }
0xa: {  	[smem:$0x3FB0] =	sst s2  }
0xb: {  	[smem:$0x3FB1] =	sst s3  }
0xc: {  	[smem:$0x3FB2] =	sst s4  }
0xd: {  	[smem:$0x3FB3] =	sst s5  }
0xe: {  	[smem:$0x3FB4] =	sst s6  }
0xf: {  	[smem:$0x3FB5] =	sst s7  }
0x10: {  	[smem:$0x3FB6] =	sst s8  }
0x11: {  	[smem:$0x3FB7] =	sst s9;
	s0 =	simm.s32 @!p0 $0x0  }
0x12: {  	s1 =	sld [smem:$0x3F9D];
	s0 =	simm.s32 @p0 $0x1  }
0x13: {  	[smem:$0x3FB8] =	sst s0;
	s0 =	simm.s32 @!p1 $0x0  }
0x14: {  	s2 =	sld [smem:$0x3F9C];
	s0 =	simm.s32 @p1 $0x1  }
0x15: {  	[smem:$0x3FB9] =	sst s0;
	s0 =	simm.s32 @!p2 $0x0  }
0x16: {  	s3 =	sld [smem:$0x3FDB];
	s0 =	simm.s32 @p2 $0x1  }
0x17: {  	s4 =	simm.s32 $0x1BF5;
	[smem:$0x3FBB] =	sst s0  }
0x18: {  	s0 =	sld [smem:$0x3F9E];
	_ =	swait.ge [sflag:s4], $0x0  }
0x19: {  	s7 =	sld [smem:$0x3F9F]  }
0x1a: {  	s8 =	sadd.s32 $0xFFFFE003, lr  }
0x1b: {  	s9 =	sadd.s32 $0xFFFFFEF7, lr;
	s5 =	simm.s32 $0xFFFFFFFF;
	p2 =	slt.u32 s8, $0xFFFFF086  }
0x1c: {  	p1 =	slt.u32 s9, $0xF7A;
	s5 =	simm.s32 @!p2 $0x0  }
0x1d: {  	s5 =	simm.s32 @p1 $0x1;
	p0 =	seq.s32 s7, s2  }
0x1e: {  	s7 =	smul.u32 @!p0 $0xF7A, s2;
	p2 =	seq.s32 @!p0 s5, $0x0  }
0x1f: {  	s9 =	smul.u32 $0xF7A, s1;
	s8 =	simm.s32 @!p0 $0x1BF5;
	p2 =	por !p2, p0  }
0x20: {  	[sflag:s8] =	ssyncset.s32 @!p0 $0xFFFFF086;
	s6 =	sadd.s32 @!p0 s3, s7;
	s7 =	simm.s32 @!p0 $0x108  }
0x21: {  	s3 =	sadd.s32 s3, s9;
	s6 =	sadd.s32 @!p0 $0x88, s6;
	s7 =	simm.s32 @p2 $0x1082  }
0x22: {  	[simem:s7], [sflag:s8] =	dma.local @!p0 [hbm:s6], $0xF7A  }
0x23: {  	s9 =	sor.u32 $0xD0000000, s2;
	s6 =	simm.s32 $0x108;
	_ =	swait.ge @!p0 [sflag:s8], $0x0  }
0x24: {  	s3 =	sadd.s32 $0x88, s3;
	s6 =	simm.s32 @!p1 $0x1082;
	[sflag:s4] =	ssyncset.s32 $0xFFFFF086  }
0x25: {  	[simem:s6], [sflag:s4] =	dma.local [hbm:s3], $0xF7A  }
0x26: {  	[smem:$0x3F9F] =	sst s1;
	(tag) =	ssettag s2;
	_ =	strace s9  }
0x27: {  	s1 =	sld [smem:$0x3FAF]  }
0x28: {  	s2 =	sld [smem:$0x3FB0]  }
0x29: {  	s4 =	sld [smem:$0x3FB2]  }
0x2a: {  	p0 =	seq.s32 s5, $0x0;
	s5 =	sld [smem:$0x3FB3]  }
0x2b: {  	s6 =	sld [smem:$0x3FB4]  }
0x2c: {  	s7 =	sld [smem:$0x3FB5]  }
0x2d: {  	s3 =	simm.s32 $0x108;
	s8 =	sld [smem:$0x3FB6]  }
0x2e: {  	s3 =	simm.s32 @!p0 $0x1082;
	s9 =	sld [smem:$0x3FB7]  }
0x2f: {  	lr =	sadd.s32 s0, s3;
	s0 =	sld [smem:$0x3FAE]  }
0x30: {  	s3 =	sld [smem:$0x3FB1]  }
0x31: {  	[smem:$0x3FBA] =	sst s10  }
0x32: {  	s10 =	sld [smem:$0x3FB8];
	_ =	sdelay $0x3  }
0x33: {  	p0 =	seq.s32 s10, $0x1;
	s10 =	sld [smem:$0x3FBA];
	_ =	sdelay $0x3  }
0x34: {  	[smem:$0x3FBA] =	sst s10  }
0x35: {  	s10 =	sld [smem:$0x3FB9];
	_ =	sdelay $0x3  }
0x36: {  	p1 =	seq.s32 s10, $0x1;
	s10 =	sld [smem:$0x3FBA];
	_ =	sdelay $0x3  }
0x37: {  	[smem:$0x3FBA] =	sst s10  }
0x38: {  	s10 =	sld [smem:$0x3FBB]  }
0x39: {  	_ = 	snop;
	(pc) =	sbr.ind lr, $3  }
0x3a: {  	_ = 	snop  }
0x3b: {  	_ = 	snop  }
0x3c: {  	p2 =	seq.s32 s10, $0x1;
	s10 =	sld [smem:$0x3FBA]  }
0x3d: {  	_ =	shalt  }
0x3e: {  	_ =	shalt  }
0x3f: {  	_ =	shalt  }
0x40: {  	_ =	shalt  }
0x41: {  	_ =	shalt  }
0x42: {  	_ =	shalt  }
0x43: {  	_ =	shalt  }
0x44: {  	_ =	shalt  }
0x45: {  	_ =	shalt  }
0x46: {  	_ =	shalt  }
0x47: {  	_ =	shalt  }
0x48: {  	_ =	shalt  }
0x49: {  	_ =	shalt  }
0x4a: {  	_ =	shalt  }
0x4b: {  	_ =	shalt  }
0x4c: {  	_ =	shalt  }
0x4d: {  	_ =	shalt  }
0x4e: {  	_ =	shalt  }
0x4f: {  	_ =	shalt  }
0x50: {  	_ =	shalt  }
0x51: {  	_ =	shalt  }
0x52: {  	_ =	shalt  }
0x53: {  	_ =	shalt  }
0x54: {  	_ =	shalt  }
0x55: {  	_ =	shalt  }
0x56: {  	_ =	shalt  }
0x57: {  	_ =	shalt  }
0x58: {  	_ =	shalt  }
0x59: {  	_ =	shalt  }
0x5a: {  	_ =	shalt  }
0x5b: {  	_ =	shalt  }
0x5c: {  	_ =	shalt  }
0x5d: {  	_ =	shalt  }
0x5e: {  	_ =	shalt  }
0x5f: {  	_ =	shalt  }
0x60: {  	_ =	shalt  }
0x61: {  	_ =	shalt  }
0x62: {  	_ =	shalt  }
0x63: {  	_ =	shalt  }
0x64: {  	_ =	shalt  }
0x65: {  	_ =	shalt  }
0x66: {  	_ =	shalt  }
0x67: {  	_ =	shalt  }
0x68: {  	_ =	shalt  }
0x69: {  	_ =	shalt  }
0x6a: {  	_ =	shalt  }
0x6b: {  	_ =	shalt  }
0x6c: {  	_ =	shalt  }
0x6d: {  	_ =	shalt  }
0x6e: {  	_ =	shalt  }
0x6f: {  	_ =	shalt  }
0x70: {  	_ =	shalt  }
0x71: {  	_ =	shalt  }
0x72: {  	_ =	shalt  }
0x73: {  	_ =	shalt  }
0x74: {  	_ =	shalt  }
0x75: {  	_ =	shalt  }
0x76: {  	_ =	shalt  }
0x77: {  	_ =	shalt  }
0x78: {  	_ =	shalt  }
0x79: {  	_ =	shalt  }
0x7a: {  	_ =	shalt  }
0x7b: {  	_ =	shalt  }
0x7c: {  	_ =	shalt  }
0x7d: {  	_ =	shalt  }
0x7e: {  	_ =	shalt  }
0x7f: {  	_ =	shalt  }
0x80: {  	_ =	shalt  }
0x81: {  	_ =	shalt  }
0x82: {  	_ =	shalt  }
0x83: {  	_ =	shalt  }
0x84: {  	_ =	shalt  }
0x85: {  	_ =	shalt  }
0x86: {  	_ =	shalt  }
0x87: {  	_ =	shalt  }
.Lfunc_end0:
.L_simem_size_0:
called_computation_lowered:
.L_overlay_start_0:
0x88: {  	s2 =	sld [smem:$0x3FD9]  }
0x89: {  	s3 =	sld [smem:$0x3FFE];
	_ =	sdelay $0x1  }
0x8a: {  	s1 =	srdreg.scid  }
0x8b: {  	s0 =	sand.u32 $0x1, s1  }
0x8c: {  	s18 =	sshll.u32 s0, $0xA;
	s2 =	sadd.s32 s3, s2  }
0x8d: {  	s2 =	sadd.s32 s2, s18  }
0x8e: {  	[smem:$0x3FC6] =	sst s2  }
0x8f: {  	_ = 	snop  }
0x90: {  	s2 =	sld [smem:$0x3FC9]  }
0x91: {  	s19 =	sld [smem:$0x3FC8]  }
0x92: {  	s4 =	sld [smem:$0x3FD0];
	(tm) =	ssettm $0x1  }
0x93: {  	s5 =	sld [smem:$0x3FFB];
	_ =	sdelay $0x3  }
0x94: {  	_ =	strace s5  }
0x95: {  	s5 =	sld [smem:$0x3FFC];
	_ =	sdelay $0x3  }
0x96: {  	_ =	strace s5  }
0x97: {  	s5 =	sld [smem:$0x3FFD];
	_ =	sdelay $0x3  }
0x98: {  	_ =	strace s5  }
0x99: {  	_ =	strace $0x8FFFFFFF  }
0x9a: {  	s20 =	sld [smem:$0x3FDB];
	_ =	sdelay $0x1  }
0x9b: {  	s6 =	simm.s32 $_scs_section_size  }
0x9c: {  	s7 =	simm.s32 $_size__tile_overlayer_lowered;
	s8 =	simm.s32 $_tile_overlayer_lowered  }
0x9d: {  	s23 =	simm.s32 $0x1BFF;
	s22 =	sshll.u32 s8, $0x1;
	s5 =	sadd.s32 s6, s20  }
0x9e: {  	s9 =	simm.s32 $0x0;
	s21 =	sshll.u32 s7, $0x1;
	s7 =	sadd.s32 s22, s5  }
0x9f: {  	[timem:s9], [sflag:s23] =	dma.local [hbm:s7], s21  }
0xa0: {  	_ =	swait.ge [sflag:s23], s21  }
0xa1: {  	s6 =	ssub.s32 $0x0, s21;
	[sflag:s23] =	ssyncset.done $0x0  }
0xa2: {  	[sflag:s23] =	ssyncadd.s32 s6;
	_ =	sdelay $0x1  }
0xa3: {  	s24 =	simm.s32 $0x1B8B  }
0xa4: {  	_ =	swait.ge [sflag:s24], $0x1  }
0xa5: {  	[sflag:s24] =	ssyncset.done $0x0  }
0xa6: {  	s25 =	simm.s32 $0x1B8E;
	[sflag:s24] =	ssyncadd.s32 $0xFFFFFFFF  }
0xa7: {  	s26 =	simm.s32 $execute0_lowered;
	[smem:$0x3FD2] =	sst s25  }
0xa8: {  	s6 =	sshll.u32 s26, $0x1;
	_ =	strace $0x80000046;
	[dreg:$0x1] =	wrdreg $0xFFFFFFFF  }
0xa9: {  	s28 =	simm.s32 $_size_execute0_lowered;
	s5 =	sadd.s32 s5, s6;
	[dreg:$0x0] =	wrdreg $0x0  }
0xaa: {  	s6 =	sshll.u32 s28, $0x1;
	[dreg:$0x2] =	wrdreg s5  }
0xab: {  	[dreg:$0x3] =	wrdreg s6  }
0xac: {  	[dreg:$0x4] =	wrdreg $0xC0  }
0xad: {  	_ =	task [dreg:s9], $0x5FFFF  }
0xae: {  	[dreg:$0x1] =	wrdreg $0xFFFFFFFF  }
0xaf: {  	[dreg:$0x0] =	wrdreg $0x60  }
0xb0: {  	[dreg:$0x2] =	wrdreg s2  }
0xb1: {  	[dreg:$0x3] =	wrdreg s19  }
0xb2: {  	[dreg:$0x4] =	wrdreg s4  }
0xb3: {  	[dreg:$0x5] =	wrdreg $0x9  }
0xb4: {  	_ =	task.clear_ibuf [dreg:s9], $0x6FFFF;
	_ =	strace $0x90000046  }
0xb5: {  	s29 =	simm.s32 $0x9;
	_ =	strace $0x80000048  }
0xb6: {  	_ =	swait.ge [sflag:s29], $0x1  }
0xb7: {  	[sflag:s29] =	ssyncadd.s32 $0xFFFFFFFF  }
0xb8: {  	_ =	strace $0x90000048  }
0xb9: {  	_ =	sfence  }
0xba: {  	s30 =	sld [smem:$0x0];
	_ =	sdelay $0x2  }
0xbb: {  	s31 =	sshll.u32 s1, $0xD;
	s1 =	sshrl.u32 s1, $0x2  }
0xbc: {  	s3 =	sand.u32 $0x4000, s31;
	s1 =	sadd.s32 s1, s30  }
0xbd: {  	s0 =	sor.u32 s3, s0;
	s1 =	sshll.u32 s1, $0x11  }
0xbe: {  	s0 =	sor.u32 s1, s0  }
0xbf: {  	s0 =	sadd.s32 $0x8F2B, s0  }
0xc0: {  	[sflag:s0] =	ssyncadd.remote.s32 $0x1  }
0xc1: {  	_ =	sfence.sel $0xFFFF  }
0xc2: {  	[dreg:$0x0] =	wrdreg $0xFFFFFFFF;
	(pc) =	sbr.abs _section_cstart, $3  }
0xc3: {  	[dreg:$0x1] =	wrdreg $0xFFFFFFFF  }
0xc4: {  	_ =	task.clear_ibuf [dreg:s9], $0x2FFFF;
	_ =	strace $0x9FFFFFFF  }
0xc5: {  	(tm) =	ssettm $0x7FFFFFFF  }
tec
execute0_lowered:
.L_overlay_start_1:
0x0: {  	(tag) =	ssettag $0x1  }
0x1: {  	s0 =	rddreg [dreg:$0x1]  }
0x2: {  	s2 =	rddreg [dreg:$0x2]  }
0x3: {  	s3 =	srdreg.scid;
	s5 =	stileid.u32  }
0x4: {  	s1 =	simm.s32 $0x0;
	s3 =	sand.u32 $0x1, s3;
	s4 =	sshrl.u32 s5, $0x2  }
0x5: {  	s5 =	sshll.u32 s5, $0x8;
	[smem:$0x7FF] =	sst s1;
	s25 =	sadd.s32 $0x20000, s2  }
0x6: {  	s26 =	sadd.s32 $0x30000, s2;
	s6 =	sshll.u32 s3, $0x7;
	s5 =	sand.u32 $0x300, s5  }
0x7: {  	s7 =	smul.u32 $0xC3800, s4;
	s8 =	sshll.u32 s4, $0xF;
	s4 =	sor.u32 $0x4, s4  }
0x8: {  	s10 =	sadd.s32 $0x40000, s2;
	s5 =	sor.u32 s6, s5;
	s12 =	smul.u32 $0xC3800, s4  }
0x9: {  	s11 =	sadd.s32 $0x50000, s2;
	s19 =	sadd.s32 $0x90000, s2;
	s7 =	sor.u32 s7, s5  }
0xa: {  	s3 =	ssub.s32 $0x2, s3;
	s21 =	sshrl.u32 s7, $0x3;
	s12 =	sor.u32 s5, s12  }
0xb: {  	s22 =	sor.u32 s8, s5;
	s6 =	sadd.s32 s0, s21;
	s12 =	sshrl.u32 s12, $0x3  }
0xc: {  	[dreg:$0x4] =	wrdreg s6;
	s6 =	sshrl.u32 s22, $0x3;
	s0 =	sadd.s32 s0, s12  }
0xd: {  	s7 =	sadd.s32 $0x10000, s2;
	s23 =	sadd.s32 s2, s6;
	[dreg:$0xd] =	wrdreg s0  }
0xe: {  	s20 =	sshrl.u32 s3, $0x1;
	s24 =	sadd.s32 s6, s7;
	[dreg:$0x5] =	wrdreg s23  }
0xf: {  	s17 =	sshll.u32 s4, $0xF;
	s9 =	sadd.s32 s6, s25;
	[dreg:$0x6] =	wrdreg s24  }
0x10: {  	s3 =	ssub.s32 s3, s20;
	s13 =	sadd.s32 s6, s26;
	[dreg:$0x7] =	wrdreg s9  }
0x11: {  	s21 =	sadd.s32 $0xA0000, s2;
	s14 =	sadd.s32 s6, s10;
	[dreg:$0x8] =	wrdreg s13  }
0x12: {  	s15 =	sadd.s32 s6, s11;
	s0 =	sor.u32 s5, s17;
	[dreg:$0x9] =	wrdreg s14  }
0x13: {  	s20 =	sadd.s32 s6, s19;
	s22 =	sadd.s32 s6, s21;
	[dreg:$0xa] =	wrdreg s15  }
0x14: {  	s13 =	sadd.s32 $0x60000, s2;
	s14 =	sadd.s32 $0x70000, s2;
	[dreg:$0xf] =	wrdreg s20  }
0x15: {  	s0 =	sshrl.u32 s0, $0x3;
	[dreg:$0x10] =	wrdreg s22;
	s15 =	sadd.s32 s6, s13  }
0x16: {  	s24 =	sadd.s32 s0, s7;
	s7 =	sadd.s32 s0, s11;
	s11 =	rddreg [dreg:$0x0]  }
0x17: {  	s23 =	sadd.s32 $0xB0000, s2;
	s16 =	sadd.s32 s6, s14;
	[dreg:$0xb] =	wrdreg s15  }
0x18: {  	s17 =	sadd.s32 s6, s23;
	[dreg:$0xc] =	wrdreg s16  }
0x19: {  	[dreg:$0x11] =	wrdreg s17  }
0x1a: {  	s25 =	sadd.s32 s0, s25;
	[dreg:$0x14] =	wrdreg s24  }
0x1b: {  	s26 =	sadd.s32 s0, s26;
	[dreg:$0x15] =	wrdreg s25  }
0x1c: {  	[dreg:$0x16] =	wrdreg s26  }
0x1d: {  	s8 =	sadd.s32 s0, s13;
	[dreg:$0x18] =	wrdreg s7  }
0x1e: {  	s9 =	sadd.s32 s0, s14;
	[dreg:$0x19] =	wrdreg s8  }
0x1f: {  	s4 =	sadd.s32 s0, s19;
	[dreg:$0x1a] =	wrdreg s9  }
0x20: {  	s13 =	sadd.s32 s0, s21;
	[dreg:$0x1c] =	wrdreg s4  }
0x21: {  	s14 =	sadd.s32 s0, s23;
	s15 =	sadd.s32 $0x80000, s2;
	[dreg:$0x1d] =	wrdreg s13  }
0x22: {  	s16 =	sadd.s32 $0xC0000, s2;
	s2 =	sadd.s32 s2, s0;
	[dreg:$0x1e] =	wrdreg s14  }
0x23: {  	s18 =	sadd.s32 s6, s15;
	[dreg:$0x13] =	wrdreg s2  }
0x24: {  	s6 =	sadd.s32 s6, s16;
	[dreg:$0xe] =	wrdreg s18  }
0x25: {  	[dreg:$0x12] =	wrdreg s6;
	s6 =	sadd.s32 s0, s10  }
0x26: {  	s29 =	simm.s32 $0x400;
	s10 =	sadd.s32 s0, s15;
	[dreg:$0x17] =	wrdreg s6  }
0x27: {  	s30 =	simm.s32 $0x18700;
	s0 =	sadd.s32 s0, s16;
	[dreg:$0x1b] =	wrdreg s10  }
0x28: {  	s31 =	simm.s32 $0x19700;
	s15 =	smax.u32 s3, $0x1;
	[dreg:$0x1f] =	wrdreg s0  }
0x29: {  	s16 =	sadd.s32 $0x10, s11;
	_ =	strace $0x80000047;
	[smem:$0x7F2] =	sst s15  }
0x2a: {  	s28 =	simm.s32 $0x1C700;
	s17 =	sadd.s32 $0x20, s11;
	[smem:$0x7F3] =	sst s16  }
0x2b: {  	s5 =	simm.s32 $0x3;
	s18 =	sadd.s32 $0x30, s11;
	[smem:$0x7F4] =	sst s17  }
0x2c: {  	s19 =	sadd.s32 $0x40, s11;
	s20 =	sadd.s32 $0x50, s11;
	[smem:$0x7F5] =	sst s18  }
0x2d: {  	s21 =	sadd.s32 $0x60, s11;
	s22 =	sadd.s32 $0x70, s11;
	[smem:$0x7F6] =	sst s19  }
0x2e: {  	s23 =	sadd.s32 $0x1000, s11;
	s24 =	sadd.s32 $0x1010, s11;
	[smem:$0x7F7] =	sst s20  }
0x2f: {  	s25 =	sadd.s32 $0x1020, s11;
	s26 =	sadd.s32 $0x1030, s11;
	[smem:$0x7F8] =	sst s21  }
0x30: {  	s12 =	sadd.s32 $0x1050, s11;
	s13 =	sadd.s32 $0x1060, s11;
	[smem:$0x7F9] =	sst s22  }
0x31: {  	s14 =	sadd.s32 $0x1070, s11;
	s4 =	simm.s32 $0x1E700;
	[smem:$0x7FA] =	sst s23  }
0x32: {  	s2 =	simm.s32 $0x2;
	s3 =	simm.s32 $0x1D700;
	[smem:$0x7FB] =	sst s24  }
0x33: {  	s10 =	sadd.s32 $0x1040, s11;
	s0 =	simm.s32 $0x1B700;
	[smem:$0x7FC] =	sst s25  }
0x34: {  	s6 =	simm.s32 $0x0;
	[smem:$0x7FD] =	sst s26;
	s15 =	sadd.s32 $0x2000, s11  }
0x35: {  	s16 =	sadd.s32 $0x2010, s11;
	s17 =	sadd.s32 $0x2020, s11;
	s18 =	sadd.s32 $0x2030, s11  }
0x36: {  	s19 =	sadd.s32 $0x2040, s11;
	s20 =	sadd.s32 $0x2050, s11;
	s21 =	sadd.s32 $0x2060, s11  }
0x37: {  	s22 =	sadd.s32 $0x2070, s11;
	s24 =	sadd.s32 $0x3000, s11;
	s25 =	sadd.s32 $0x3010, s11  }
0x38: {  	s26 =	simm.s32 $0x80;
	s23 =	simm.s32 $0x1;
	s11 =	simm.s32 $0x1A700  }
.LBB2_1:
0x39: {  	s7 =	rddreg [dreg:$0x4]  }
0x3a: {  	s8 =	rddreg [dreg:$0x0]  }
0x3b: {  	[tilespmem:s1], [sflag:$0x1] =	stream.strided.gather [hbm4b:s7+s26], $0x18700, s29, s26, $0x38;
	[tilespmem:$0x1F700] =	vst v63  }
0x3c: {  	s9 =	sld [smem:$0x7F3]  }
0x3d: {  	[tilespmem:s30], [sflag:$0x2] =	stream.strided.gather [hbm4b:s8+s26], $0x1000, s29, s26, $0x38;
	[tilespmem:$0x1F700] =	vst v63  }
0x3e: {  	_ = 	snop  }
0x3f: {  	[tilespmem:s31], [sflag:$0x2] =	stream.strided.gather [hbm4b:s9+s26], $0x1000, s29, s26, $0x38;
	[tilespmem:$0x1F700] =	vst v63  }
0x40: {  	_ =	swait.ge [sflag:s23], $0x18700  }
0x41: {  	[sflag:s23] =	ssyncset.done $0x0  }
0x42: {  	[sflag:s23] =	ssyncadd.s32 $0xFFFE7900  }
0x43: {  	_ =	swait.ge [sflag:s2], $0x1000  }
0x44: {  	s8 =	sld [smem:$0x7F4]  }
0x45: {  	[sflag:s2] =	ssyncset.done $0x0  }
0x46: {  	s9 =	simm.s32 $0x18740;
	[sflag:s2] =	ssyncadd.s32 $0xFFFFF000  }
0x47: {  	[tilespmem:s11], [sflag:$0x2] =	stream.strided.gather [hbm4b:s8+s26], $0x1000, s29, s26, $0x38;
	[tilespmem:$0x1F700] =	vst v63  }
0x48: {  	v0 =	vld [tilespmem:s9+$0x30]  }
0x49: {  	v1 =	vld [tilespmem:s9+$0xFFFFFFD0]  }
0x4a: {  	v2 =	vld [tilespmem:s9+$0xFFFFFFE0]  }
0x4b: {  	v3 =	vld [tilespmem:s9+$0xFFFFFFF0]  }
0x4c: {  	v4 =	vld [tilespmem:s9+$0x0]  }
0x4d: {  	v6 =	vld [tilespmem:s9+$0x10]  }
0x4e: {  	v7 =	vld [tilespmem:s9+$0x20]  }
0x4f: {  	v8 =	vld [tilespmem:s9+$0xFFFFFFC0]  }
0x50: {  	v9 =	vld.idx.msk [tilespmem:v0+s1+$0x0], $0xffff  }
0x51: {  	v10 =	vld.idx.msk [tilespmem:v1+s1+$0x0], $0xffff  }
0x52: {  	v5 =	vld.idx.msk [tilespmem:v2+s1+$0x0], $0xffff  }
0x53: {  	v3 =	vld.idx.msk [tilespmem:v3+s1+$0x0], $0xffff  }
0x54: {  	v0 =	vld.idx.msk [tilespmem:v4+s1+$0x0], $0xffff  }
0x55: {  	s7 =	simm.s32 $0x1B740;
	v1 =	vld.idx.msk [tilespmem:v6+s1+$0x0], $0xffff  }
0x56: {  	v2 =	vld.idx.msk [tilespmem:v7+s1+$0x0], $0xffff;
	[tilespmem:s7+$0x30] =	vst v9  }
0x57: {  	s8 =	simm.s32 $0x0;
	s9 =	simm.s32 $0x187C0;
	v4 =	vld.idx.msk [tilespmem:v8+s1+$0x0], $0xffff;
	[tilespmem:s7+$0xFFFFFFD0] =	vst v10  }
.LBB2_2:
0x58: {  	v6 =	vld [tilespmem:s9+$0x30];
	s8 =	sadd.s32 $0x80, s8;
	[tilespmem:s7+$0xFFFFFFE0] =	vst v5  }
0x59: {  	v5 =	vld [tilespmem:s9+$0xFFFFFFD0];
	p0 =	slt.u32 s8, $0xF80;
	[tilespmem:s7+$0xFFFFFFF0] =	vst v3  }
0x5a: {  	v3 =	vld [tilespmem:s9+$0xFFFFFFE0];
	[tilespmem:s7+$0x0] =	vst v0  }
0x5b: {  	v0 =	vld [tilespmem:s9+$0xFFFFFFF0];
	[tilespmem:s7+$0x10] =	vst v1  }
0x5c: {  	v1 =	vld [tilespmem:s9+$0x0];
	[tilespmem:s7+$0x20] =	vst v2  }
0x5d: {  	v2 =	vld [tilespmem:s9+$0x10];
	[tilespmem:s7+$0xFFFFFFC0] =	vst v4  }
0x5e: {  	v4 =	vld [tilespmem:s9+$0x20]  }
0x5f: {  	v7 =	vld [tilespmem:s9+$0xFFFFFFC0]  }
0x60: {  	v6 =	vld.idx.msk [tilespmem:v6+s1+$0x0], $0xffff  }
0x61: {  	v8 =	vld.idx.msk [tilespmem:v5+s1+$0x0], $0xffff  }
0x62: {  	v5 =	vld.idx.msk [tilespmem:v3+s1+$0x0], $0xffff  }
.Ltmp0:
0x63: {  	v3 =	vld.idx.msk [tilespmem:v0+s1+$0x0], $0xffff;
	(pc) =	sbr.rel @p0 .LBB2_2-.Ltmp0, $4  }
0x64: {  	v0 =	vld.idx.msk [tilespmem:v1+s1+$0x0], $0xffff  }
0x65: {  	s7 =	sadd.s32 $0x80, s7;
	v1 =	vld.idx.msk [tilespmem:v2+s1+$0x0], $0xffff  }
0x66: {  	v2 =	vld.idx.msk [tilespmem:v4+s1+$0x0], $0xffff;
	[tilespmem:s7+$0x30] =	vst v6  }
0x67: {  	s9 =	sadd.s32 $0x80, s9;
	v4 =	vld.idx.msk [tilespmem:v7+s1+$0x0], $0xffff;
	[tilespmem:s7+$0xFFFFFFD0] =	vst v8  }
0x68: {  	[tilespmem:s7+$0xFFFFFFE0] =	vst v5  }
0x69: {  	[tilespmem:s7+$0xFFFFFFF0] =	vst v3  }
0x6a: {  	[tilespmem:s7+$0x0] =	vst v0  }
0x6b: {  	[tilespmem:s7+$0x10] =	vst v1  }
0x6c: {  	[tilespmem:s7+$0x20] =	vst v2  }
0x6d: {  	[tilespmem:s7+$0xFFFFFFC0] =	vst v4  }
0x6e: {  	_ =	swait.ge [sflag:s2], $0x1000  }
0x6f: {  	s8 =	sld [smem:$0x7F5]  }
0x70: {  	[sflag:s2] =	ssyncset.done $0x0  }
0x71: {  	s9 =	simm.s32 $0x19740;
	[sflag:s2] =	ssyncadd.s32 $0xFFFFF000  }
0x72: {  	[tilespmem:s30], [sflag:$0x2] =	stream.strided.gather [hbm4b:s8+s26], $0x1000, s29, s26, $0x38;
	[tilespmem:$0x1F700] =	vst v63  }
0x73: {  	v0 =	vld [tilespmem:s9+$0x30]  }
0x74: {  	v1 =	vld [tilespmem:s9+$0xFFFFFFD0]  }
0x75: {  	v2 =	vld [tilespmem:s9+$0xFFFFFFE0]  }
0x76: {  	v3 =	vld [tilespmem:s9+$0xFFFFFFF0]  }
0x77: {  	v4 =	vld [tilespmem:s9+$0x0]  }
0x78: {  	v6 =	vld [tilespmem:s9+$0x10]  }
0x79: {  	v7 =	vld [tilespmem:s9+$0x20]  }
0x7a: {  	v8 =	vld [tilespmem:s9+$0xFFFFFFC0]  }
0x7b: {  	v9 =	vld.idx.msk [tilespmem:v0+s1+$0x0], $0xffff  }
0x7c: {  	v10 =	vld.idx.msk [tilespmem:v1+s1+$0x0], $0xffff  }
0x7d: {  	v5 =	vld.idx.msk [tilespmem:v2+s1+$0x0], $0xffff  }
0x7e: {  	v3 =	vld.idx.msk [tilespmem:v3+s1+$0x0], $0xffff  }
0x7f: {  	v0 =	vld.idx.msk [tilespmem:v4+s1+$0x0], $0xffff  }
0x80: {  	s7 =	simm.s32 $0x1C770;
	v1 =	vld.idx.msk [tilespmem:v6+s1+$0x0], $0xffff  }
0x81: {  	v2 =	vld.idx.msk [tilespmem:v7+s1+$0x0], $0xffff;
	[tilespmem:s7+$0x0] =	vst v9  }
0x82: {  	s8 =	simm.s32 $0x0;
	s9 =	simm.s32 $0x197C0;
	v4 =	vld.idx.msk [tilespmem:v8+s1+$0x0], $0xffff;
	[tilespmem:s7+$0xFFFFFFA0] =	vst v10  }
.LBB2_4:
0x83: {  	v6 =	vld [tilespmem:s9+$0x30];
	s8 =	sadd.s32 $0x80, s8;
	[tilespmem:s7+$0xFFFFFFB0] =	vst v5  }
0x84: {  	v5 =	vld [tilespmem:s9+$0xFFFFFFD0];
	p0 =	slt.u32 s8, $0xF80;
	[tilespmem:s7+$0xFFFFFFC0] =	vst v3  }
0x85: {  	v3 =	vld [tilespmem:s9+$0xFFFFFFE0];
	[tilespmem:s7+$0xFFFFFFD0] =	vst v0  }
0x86: {  	v0 =	vld [tilespmem:s9+$0xFFFFFFF0];
	[tilespmem:s7+$0xFFFFFFE0] =	vst v1  }
0x87: {  	v1 =	vld [tilespmem:s9+$0x0];
	[tilespmem:s7+$0xFFFFFFF0] =	vst v2  }
0x88: {  	v2 =	vld [tilespmem:s9+$0x10];
	[tilespmem:s7+$0xFFFFFF90] =	vst v4  }
0x89: {  	v4 =	vld [tilespmem:s9+$0x20]  }
0x8a: {  	v7 =	vld [tilespmem:s9+$0xFFFFFFC0]  }
0x8b: {  	v6 =	vld.idx.msk [tilespmem:v6+s1+$0x0], $0xffff  }
0x8c: {  	v8 =	vld.idx.msk [tilespmem:v5+s1+$0x0], $0xffff  }
0x8d: {  	v5 =	vld.idx.msk [tilespmem:v3+s1+$0x0], $0xffff  }
.Ltmp1:
0x8e: {  	v3 =	vld.idx.msk [tilespmem:v0+s1+$0x0], $0xffff;
	(pc) =	sbr.rel @p0 .LBB2_4-.Ltmp1, $4  }
0x8f: {  	v0 =	vld.idx.msk [tilespmem:v1+s1+$0x0], $0xffff  }
0x90: {  	s7 =	sadd.s32 $0x80, s7;
	v1 =	vld.idx.msk [tilespmem:v2+s1+$0x0], $0xffff  }
0x91: {  	v2 =	vld.idx.msk [tilespmem:v4+s1+$0x0], $0xffff;
	[tilespmem:s7+$0x0] =	vst v6  }
0x92: {  	s9 =	sadd.s32 $0x80, s9;
	v4 =	vld.idx.msk [tilespmem:v7+s1+$0x0], $0xffff;
	[tilespmem:s7+$0xFFFFFFA0] =	vst v8  }
0x93: {  	[tilespmem:s7+$0xFFFFFFB0] =	vst v5  }
0x94: {  	[tilespmem:s7+$0xFFFFFFC0] =	vst v3  }
0x95: {  	[tilespmem:s7+$0xFFFFFFD0] =	vst v0  }
0x96: {  	[tilespmem:s7+$0xFFFFFFE0] =	vst v1  }
0x97: {  	[tilespmem:s7+$0xFFFFFFF0] =	vst v2  }
0x98: {  	[tilespmem:s7+$0xFFFFFF90] =	vst v4  }
0x99: {  	s7 =	rddreg [dreg:$0x5]  }
0x9a: {  	[hbm4b:s7+s26] =	stream.strided.scatter [tilespmem:s0], [sflag:$0x3], $0x1000, s29, s26, $0x38;
	[tilespmem:$0x1F700] =	vst v63  }
0x9b: {  	s7 =	sadd.s32 $0x8000, s7  }
0x9c: {  	[hbm4b:s7+s26] =	stream.strided.scatter [tilespmem:s28], [sflag:$0x3], $0x1000, s29, s26, $0x38;
	[tilespmem:$0x1F700] =	vst v63  }
0x9d: {  	_ =	swait.ge [sflag:s2], $0x1000  }
0x9e: {  	s8 =	sld [smem:$0x7F6]  }
0x9f: {  	[sflag:s2] =	ssyncset.done $0x0  }
0xa0: {  	s9 =	simm.s32 $0x1A740;
	[sflag:s2] =	ssyncadd.s32 $0xFFFFF000  }
0xa1: {  	[tilespmem:s31], [sflag:$0x2] =	stream.strided.gather [hbm4b:s8+s26], $0x1000, s29, s26, $0x38;
	[tilespmem:$0x1F700] =	vst v63  }
0xa2: {  	v0 =	vld [tilespmem:s9+$0x30]  }
0xa3: {  	v1 =	vld [tilespmem:s9+$0xFFFFFFD0]  }
0xa4: {  	v2 =	vld [tilespmem:s9+$0xFFFFFFE0]  }
0xa5: {  	v3 =	vld [tilespmem:s9+$0xFFFFFFF0]  }
0xa6: {  	v4 =	vld [tilespmem:s9+$0x0]  }
0xa7: {  	v6 =	vld [tilespmem:s9+$0x10]  }
0xa8: {  	v7 =	vld [tilespmem:s9+$0x20]  }
0xa9: {  	v8 =	vld [tilespmem:s9+$0xFFFFFFC0]  }
0xaa: {  	v9 =	vld.idx.msk [tilespmem:v0+s1+$0x0], $0xffff  }
0xab: {  	v10 =	vld.idx.msk [tilespmem:v1+s1+$0x0], $0xffff  }
0xac: {  	v5 =	vld.idx.msk [tilespmem:v2+s1+$0x0], $0xffff  }
0xad: {  	v3 =	vld.idx.msk [tilespmem:v3+s1+$0x0], $0xffff  }
0xae: {  	v0 =	vld.idx.msk [tilespmem:v4+s1+$0x0], $0xffff  }
0xaf: {  	s7 =	simm.s32 $0x1D740;
	v1 =	vld.idx.msk [tilespmem:v6+s1+$0x0], $0xffff  }
0xb0: {  	v2 =	vld.idx.msk [tilespmem:v7+s1+$0x0], $0xffff;
	[tilespmem:s7+$0x30] =	vst v9  }
0xb1: {  	s8 =	simm.s32 $0x0;
	s9 =	simm.s32 $0x1A7C0;
	v4 =	vld.idx.msk [tilespmem:v8+s1+$0x0], $0xffff;
	[tilespmem:s7+$0xFFFFFFD0] =	vst v10  }
.LBB2_6:
0xb2: {  	v6 =	vld [tilespmem:s9+$0x30];
	s8 =	sadd.s32 $0x80, s8;
	[tilespmem:s7+$0xFFFFFFE0] =	vst v5  }
0xb3: {  	v5 =	vld [tilespmem:s9+$0xFFFFFFD0];
	p0 =	slt.u32 s8, $0xF80;
	[tilespmem:s7+$0xFFFFFFF0] =	vst v3  }
0xb4: {  	v3 =	vld [tilespmem:s9+$0xFFFFFFE0];
	[tilespmem:s7+$0x0] =	vst v0  }
0xb5: {  	v0 =	vld [tilespmem:s9+$0xFFFFFFF0];
	[tilespmem:s7+$0x10] =	vst v1  }
0xb6: {  	v1 =	vld [tilespmem:s9+$0x0];
	[tilespmem:s7+$0x20] =	vst v2  }
0xb7: {  	v2 =	vld [tilespmem:s9+$0x10];
	[tilespmem:s7+$0xFFFFFFC0] =	vst v4  }
0xb8: {  	v4 =	vld [tilespmem:s9+$0x20]  }
0xb9: {  	v7 =	vld [tilespmem:s9+$0xFFFFFFC0]  }
0xba: {  	v6 =	vld.idx.msk [tilespmem:v6+s1+$0x0], $0xffff  }
0xbb: {  	v8 =	vld.idx.msk [tilespmem:v5+s1+$0x0], $0xffff  }
0xbc: {  	v5 =	vld.idx.msk [tilespmem:v3+s1+$0x0], $0xffff  }
.Ltmp2:
0xbd: {  	v3 =	vld.idx.msk [tilespmem:v0+s1+$0x0], $0xffff;
	(pc) =	sbr.rel @p0 .LBB2_6-.Ltmp2, $4  }
0xbe: {  	v0 =	vld.idx.msk [tilespmem:v1+s1+$0x0], $0xffff  }
0xbf: {  	s7 =	sadd.s32 $0x80, s7;
	v1 =	vld.idx.msk [tilespmem:v2+s1+$0x0], $0xffff  }
0xc0: {  	v2 =	vld.idx.msk [tilespmem:v4+s1+$0x0], $0xffff;
	[tilespmem:s7+$0x30] =	vst v6  }
0xc1: {  	s9 =	sadd.s32 $0x80, s9;
	v4 =	vld.idx.msk [tilespmem:v7+s1+$0x0], $0xffff;
	[tilespmem:s7+$0xFFFFFFD0] =	vst v8  }
0xc2: {  	[tilespmem:s7+$0xFFFFFFE0] =	vst v5  }
0xc3: {  	[tilespmem:s7+$0xFFFFFFF0] =	vst v3  }
0xc4: {  	[tilespmem:s7+$0x0] =	vst v0  }
0xc5: {  	[tilespmem:s7+$0x10] =	vst v1  }
0xc6: {  	[tilespmem:s7+$0x20] =	vst v2  }
0xc7: {  	[tilespmem:s7+$0xFFFFFFC0] =	vst v4  }
0xc8: {  	_ =	swait.ge [sflag:s2], $0x1000  }
0xc9: {  	s8 =	sld [smem:$0x7F7]  }
0xca: {  	[sflag:s2] =	ssyncset.done $0x0  }
0xcb: {  	s9 =	simm.s32 $0x18740;
	[sflag:s2] =	ssyncadd.s32 $0xFFFFF000  }
0xcc: {  	[tilespmem:s11], [sflag:$0x2] =	stream.strided.gather [hbm4b:s8+s26], $0x1000, s29, s26, $0x38;
	[tilespmem:$0x1F700] =	vst v63  }
0xcd: {  	v0 =	vld [tilespmem:s9+$0x30]  }
0xce: {  	v1 =	vld [tilespmem:s9+$0xFFFFFFD0]  }
0xcf: {  	v2 =	vld [tilespmem:s9+$0xFFFFFFE0]  }
0xd0: {  	v3 =	vld [tilespmem:s9+$0xFFFFFFF0]  }
0xd1: {  	v4 =	vld [tilespmem:s9+$0x0]  }
0xd2: {  	v6 =	vld [tilespmem:s9+$0x10]  }
0xd3: {  	v7 =	vld [tilespmem:s9+$0x20]  }
0xd4: {  	v8 =	vld [tilespmem:s9+$0xFFFFFFC0]  }
0xd5: {  	v9 =	vld.idx.msk [tilespmem:v0+s1+$0x0], $0xffff  }
0xd6: {  	v10 =	vld.idx.msk [tilespmem:v1+s1+$0x0], $0xffff  }
0xd7: {  	v5 =	vld.idx.msk [tilespmem:v2+s1+$0x0], $0xffff  }
0xd8: {  	v3 =	vld.idx.msk [tilespmem:v3+s1+$0x0], $0xffff  }
0xd9: {  	v0 =	vld.idx.msk [tilespmem:v4+s1+$0x0], $0xffff  }
0xda: {  	s7 =	simm.s32 $0x1E770;
	v1 =	vld.idx.msk [tilespmem:v6+s1+$0x0], $0xffff  }
0xdb: {  	v2 =	vld.idx.msk [tilespmem:v7+s1+$0x0], $0xffff;
	[tilespmem:s7+$0x0] =	vst v9  }
0xdc: {  	s8 =	simm.s32 $0x0;
	s9 =	simm.s32 $0x187C0;
	v4 =	vld.idx.msk [tilespmem:v8+s1+$0x0], $0xffff;
	[tilespmem:s7+$0xFFFFFFA0] =	vst v10  }
.LBB2_8:
0xdd: {  	v6 =	vld [tilespmem:s9+$0x30];
	s8 =	sadd.s32 $0x80, s8;
	[tilespmem:s7+$0xFFFFFFB0] =	vst v5  }
0xde: {  	v5 =	vld [tilespmem:s9+$0xFFFFFFD0];
	p0 =	slt.u32 s8, $0xF80;
	[tilespmem:s7+$0xFFFFFFC0] =	vst v3  }
0xdf: {  	v3 =	vld [tilespmem:s9+$0xFFFFFFE0];
	[tilespmem:s7+$0xFFFFFFD0] =	vst v0  }
0xe0: {  	v0 =	vld [tilespmem:s9+$0xFFFFFFF0];
	[tilespmem:s7+$0xFFFFFFE0] =	vst v1  }
0xe1: {  	v1 =	vld [tilespmem:s9+$0x0];
	[tilespmem:s7+$0xFFFFFFF0] =	vst v2  }
0xe2: {  	v2 =	vld [tilespmem:s9+$0x10];
	[tilespmem:s7+$0xFFFFFF90] =	vst v4  }
0xe3: {  	v4 =	vld [tilespmem:s9+$0x20]  }
0xe4: {  	v7 =	vld [tilespmem:s9+$0xFFFFFFC0]  }
0xe5: {  	v6 =	vld.idx.msk [tilespmem:v6+s1+$0x0], $0xffff  }
0xe6: {  	v8 =	vld.idx.msk [tilespmem:v5+s1+$0x0], $0xffff  }
0xe7: {  	v5 =	vld.idx.msk [tilespmem:v3+s1+$0x0], $0xffff  }
.Ltmp3:
0xe8: {  	v3 =	vld.idx.msk [tilespmem:v0+s1+$0x0], $0xffff;
	(pc) =	sbr.rel @p0 .LBB2_8-.Ltmp3, $4  }
0xe9: {  	v0 =	vld.idx.msk [tilespmem:v1+s1+$0x0], $0xffff  }
0xea: {  	s7 =	sadd.s32 $0x80, s7;
	v1 =	vld.idx.msk [tilespmem:v2+s1+$0x0], $0xffff  }
0xeb: {  	v2 =	vld.idx.msk [tilespmem:v4+s1+$0x0], $0xffff;
	[tilespmem:s7+$0x0] =	vst v6  }
0xec: {  	s9 =	sadd.s32 $0x80, s9;
	v4 =	vld.idx.msk [tilespmem:v7+s1+$0x0], $0xffff;
	[tilespmem:s7+$0xFFFFFFA0] =	vst v8  }
0xed: {  	[tilespmem:s7+$0xFFFFFFB0] =	vst v5  }
0xee: {  	[tilespmem:s7+$0xFFFFFFC0] =	vst v3  }
0xef: {  	[tilespmem:s7+$0xFFFFFFD0] =	vst v0  }
0xf0: {  	[tilespmem:s7+$0xFFFFFFE0] =	vst v1  }
0xf1: {  	[tilespmem:s7+$0xFFFFFFF0] =	vst v2  }
0xf2: {  	[tilespmem:s7+$0xFFFFFF90] =	vst v4  }
0xf3: {  	s7 =	rddreg [dreg:$0x6]  }
0xf4: {  	[hbm4b:s7+s26] =	stream.strided.scatter [tilespmem:s3], [sflag:$0x3], $0x1000, s29, s26, $0x38;
	[tilespmem:$0x1F700] =	vst v63  }
0xf5: {  	s7 =	sadd.s32 $0x8000, s7  }
0xf6: {  	[hbm4b:s7+s26] =	stream.strided.scatter [tilespmem:s4], [sflag:$0x3], $0x1000, s29, s26, $0x38;
	[tilespmem:$0x1F700] =	vst v63  }
0xf7: {  	_ =	swait.ge [sflag:s2], $0x1000  }
0xf8: {  	s8 =	sld [smem:$0x7F8]  }
0xf9: {  	[sflag:s2] =	ssyncset.done $0x0  }
0xfa: {  	[sflag:s2] =	ssyncadd.s32 $0xFFFFF000  }
0xfb: {  	[tilespmem:s30], [sflag:$0x2] =	stream.strided.gather [hbm4b:s8+s26], $0x1000, s29, s26, $0x38;
	[tilespmem:$0x1F700] =	vst v63  }
0xfc: {  	_ =	swait.ge [sflag:s5], $0x2000  }
0xfd: {  	[sflag:s5] =	ssyncset.done $0x0  }
0xfe: {  	s9 =	simm.s32 $0x19740;
	[sflag:s5] =	ssyncadd.s32 $0xFFFFE000  }
0xff: {  	v0 =	vld [tilespmem:s9+$0x30]  }
0x100: {  	v1 =	vld [tilespmem:s9+$0xFFFFFFD0]  }
0x101: {  	v2 =	vld [tilespmem:s9+$0xFFFFFFE0]  }
0x102: {  	v3 =	vld [tilespmem:s9+$0xFFFFFFF0]  }
0x103: {  	v4 =	vld [tilespmem:s9+$0x0]  }
0x104: {  	v6 =	vld [tilespmem:s9+$0x10]  }
0x105: {  	v7 =	vld [tilespmem:s9+$0x20]  }
0x106: {  	v8 =	vld [tilespmem:s9+$0xFFFFFFC0]  }
0x107: {  	v9 =	vld.idx.msk [tilespmem:v0+s1+$0x0], $0xffff  }
0x108: {  	v10 =	vld.idx.msk [tilespmem:v1+s1+$0x0], $0xffff  }
0x109: {  	v5 =	vld.idx.msk [tilespmem:v2+s1+$0x0], $0xffff  }
0x10a: {  	v3 =	vld.idx.msk [tilespmem:v3+s1+$0x0], $0xffff  }
0x10b: {  	v0 =	vld.idx.msk [tilespmem:v4+s1+$0x0], $0xffff  }
0x10c: {  	s7 =	simm.s32 $0x1B740;
	v1 =	vld.idx.msk [tilespmem:v6+s1+$0x0], $0xffff  }
0x10d: {  	v2 =	vld.idx.msk [tilespmem:v7+s1+$0x0], $0xffff;
	[tilespmem:s7+$0x30] =	vst v9  }
0x10e: {  	s8 =	simm.s32 $0x0;
	s9 =	simm.s32 $0x197C0;
	v4 =	vld.idx.msk [tilespmem:v8+s1+$0x0], $0xffff;
	[tilespmem:s7+$0xFFFFFFD0] =	vst v10  }
.LBB2_10:
0x10f: {  	v6 =	vld [tilespmem:s9+$0x30];
	s8 =	sadd.s32 $0x80, s8;
	[tilespmem:s7+$0xFFFFFFE0] =	vst v5  }
0x110: {  	v5 =	vld [tilespmem:s9+$0xFFFFFFD0];
	p0 =	slt.u32 s8, $0xF80;
	[tilespmem:s7+$0xFFFFFFF0] =	vst v3  }
0x111: {  	v3 =	vld [tilespmem:s9+$0xFFFFFFE0];
	[tilespmem:s7+$0x0] =	vst v0  }
0x112: {  	v0 =	vld [tilespmem:s9+$0xFFFFFFF0];
	[tilespmem:s7+$0x10] =	vst v1  }
0x113: {  	v1 =	vld [tilespmem:s9+$0x0];
	[tilespmem:s7+$0x20] =	vst v2  }
0x114: {  	v2 =	vld [tilespmem:s9+$0x10];
	[tilespmem:s7+$0xFFFFFFC0] =	vst v4  }
0x115: {  	v4 =	vld [tilespmem:s9+$0x20]  }
0x116: {  	v7 =	vld [tilespmem:s9+$0xFFFFFFC0]  }
0x117: {  	v6 =	vld.idx.msk [tilespmem:v6+s1+$0x0], $0xffff  }
0x118: {  	v8 =	vld.idx.msk [tilespmem:v5+s1+$0x0], $0xffff  }
0x119: {  	v5 =	vld.idx.msk [tilespmem:v3+s1+$0x0], $0xffff  }
.Ltmp4:
0x11a: {  	v3 =	vld.idx.msk [tilespmem:v0+s1+$0x0], $0xffff;
	(pc) =	sbr.rel @p0 .LBB2_10-.Ltmp4, $4  }
0x11b: {  	v0 =	vld.idx.msk [tilespmem:v1+s1+$0x0], $0xffff  }
0x11c: {  	s7 =	sadd.s32 $0x80, s7;
	v1 =	vld.idx.msk [tilespmem:v2+s1+$0x0], $0xffff  }
0x11d: {  	v2 =	vld.idx.msk [tilespmem:v4+s1+$0x0], $0xffff;
	[tilespmem:s7+$0x30] =	vst v6  }
0x11e: {  	s9 =	sadd.s32 $0x80, s9;
	v4 =	vld.idx.msk [tilespmem:v7+s1+$0x0], $0xffff;
	[tilespmem:s7+$0xFFFFFFD0] =	vst v8  }
0x11f: {  	[tilespmem:s7+$0xFFFFFFE0] =	vst v5  }
0x120: {  	[tilespmem:s7+$0xFFFFFFF0] =	vst v3  }
0x121: {  	[tilespmem:s7+$0x0] =	vst v0  }
0x122: {  	[tilespmem:s7+$0x10] =	vst v1  }
0x123: {  	[tilespmem:s7+$0x20] =	vst v2  }
0x124: {  	[tilespmem:s7+$0xFFFFFFC0] =	vst v4  }
0x125: {  	_ =	swait.ge [sflag:s2], $0x1000  }
0x126: {  	s8 =	sld [smem:$0x7F9]  }
0x127: {  	[sflag:s2] =	ssyncset.done $0x0  }
0x128: {  	s9 =	simm.s32 $0x1A740;
	[sflag:s2] =	ssyncadd.s32 $0xFFFFF000  }
0x129: {  	[tilespmem:s31], [sflag:$0x2] =	stream.strided.gather [hbm4b:s8+s26], $0x1000, s29, s26, $0x38;
	[tilespmem:$0x1F700] =	vst v63  }
0x12a: {  	v0 =	vld [tilespmem:s9+$0x30]  }
0x12b: {  	v1 =	vld [tilespmem:s9+$0xFFFFFFD0]  }
0x12c: {  	v2 =	vld [tilespmem:s9+$0xFFFFFFE0]  }
0x12d: {  	v3 =	vld [tilespmem:s9+$0xFFFFFFF0]  }
0x12e: {  	v4 =	vld [tilespmem:s9+$0x0]  }
0x12f: {  	v6 =	vld [tilespmem:s9+$0x10]  }
0x130: {  	v7 =	vld [tilespmem:s9+$0x20]  }
0x131: {  	v8 =	vld [tilespmem:s9+$0xFFFFFFC0]  }
0x132: {  	v9 =	vld.idx.msk [tilespmem:v0+s1+$0x0], $0xffff  }
0x133: {  	v10 =	vld.idx.msk [tilespmem:v1+s1+$0x0], $0xffff  }
0x134: {  	v5 =	vld.idx.msk [tilespmem:v2+s1+$0x0], $0xffff  }
0x135: {  	v3 =	vld.idx.msk [tilespmem:v3+s1+$0x0], $0xffff  }
0x136: {  	v0 =	vld.idx.msk [tilespmem:v4+s1+$0x0], $0xffff  }
0x137: {  	s7 =	simm.s32 $0x1C770;
	v1 =	vld.idx.msk [tilespmem:v6+s1+$0x0], $0xffff  }
0x138: {  	v2 =	vld.idx.msk [tilespmem:v7+s1+$0x0], $0xffff;
	[tilespmem:s7+$0x0] =	vst v9  }
0x139: {  	s8 =	simm.s32 $0x0;
	s9 =	simm.s32 $0x1A7C0;
	v4 =	vld.idx.msk [tilespmem:v8+s1+$0x0], $0xffff;
	[tilespmem:s7+$0xFFFFFFA0] =	vst v10  }
.LBB2_12:
0x13a: {  	v6 =	vld [tilespmem:s9+$0x30];
	s8 =	sadd.s32 $0x80, s8;
	[tilespmem:s7+$0xFFFFFFB0] =	vst v5  }
0x13b: {  	v5 =	vld [tilespmem:s9+$0xFFFFFFD0];
	p0 =	slt.u32 s8, $0xF80;
	[tilespmem:s7+$0xFFFFFFC0] =	vst v3  }
0x13c: {  	v3 =	vld [tilespmem:s9+$0xFFFFFFE0];
	[tilespmem:s7+$0xFFFFFFD0] =	vst v0  }
0x13d: {  	v0 =	vld [tilespmem:s9+$0xFFFFFFF0];
	[tilespmem:s7+$0xFFFFFFE0] =	vst v1  }
0x13e: {  	v1 =	vld [tilespmem:s9+$0x0];
	[tilespmem:s7+$0xFFFFFFF0] =	vst v2  }
0x13f: {  	v2 =	vld [tilespmem:s9+$0x10];
	[tilespmem:s7+$0xFFFFFF90] =	vst v4  }
0x140: {  	v4 =	vld [tilespmem:s9+$0x20]  }
0x141: {  	v7 =	vld [tilespmem:s9+$0xFFFFFFC0]  }
0x142: {  	v6 =	vld.idx.msk [tilespmem:v6+s1+$0x0], $0xffff  }
0x143: {  	v8 =	vld.idx.msk [tilespmem:v5+s1+$0x0], $0xffff  }
0x144: {  	v5 =	vld.idx.msk [tilespmem:v3+s1+$0x0], $0xffff  }
.Ltmp5:
0x145: {  	v3 =	vld.idx.msk [tilespmem:v0+s1+$0x0], $0xffff;
	(pc) =	sbr.rel @p0 .LBB2_12-.Ltmp5, $4  }
0x146: {  	v0 =	vld.idx.msk [tilespmem:v1+s1+$0x0], $0xffff  }
0x147: {  	s7 =	sadd.s32 $0x80, s7;
	v1 =	vld.idx.msk [tilespmem:v2+s1+$0x0], $0xffff  }
0x148: {  	v2 =	vld.idx.msk [tilespmem:v4+s1+$0x0], $0xffff;
	[tilespmem:s7+$0x0] =	vst v6  }
0x149: {  	s9 =	sadd.s32 $0x80, s9;
	v4 =	vld.idx.msk [tilespmem:v7+s1+$0x0], $0xffff;
	[tilespmem:s7+$0xFFFFFFA0] =	vst v8  }
0x14a: {  	[tilespmem:s7+$0xFFFFFFB0] =	vst v5  }
0x14b: {  	[tilespmem:s7+$0xFFFFFFC0] =	vst v3  }
0x14c: {  	[tilespmem:s7+$0xFFFFFFD0] =	vst v0  }
0x14d: {  	[tilespmem:s7+$0xFFFFFFE0] =	vst v1  }
0x14e: {  	[tilespmem:s7+$0xFFFFFFF0] =	vst v2  }
0x14f: {  	[tilespmem:s7+$0xFFFFFF90] =	vst v4  }
0x150: {  	s7 =	rddreg [dreg:$0x7]  }
0x151: {  	[hbm4b:s7+s26] =	stream.strided.scatter [tilespmem:s0], [sflag:$0x3], $0x1000, s29, s26, $0x38;
	[tilespmem:$0x1F700] =	vst v63  }
0x152: {  	s7 =	sadd.s32 $0x8000, s7  }
0x153: {  	[hbm4b:s7+s26] =	stream.strided.scatter [tilespmem:s28], [sflag:$0x3], $0x1000, s29, s26, $0x38;
	[tilespmem:$0x1F700] =	vst v63  }
0x154: {  	_ =	swait.ge [sflag:s2], $0x1000  }
0x155: {  	s8 =	sld [smem:$0x7FA]  }
0x156: {  	[sflag:s2] =	ssyncset.done $0x0  }
0x157: {  	[sflag:s2] =	ssyncadd.s32 $0xFFFFF000  }
0x158: {  	[tilespmem:s11], [sflag:$0x2] =	stream.strided.gather [hbm4b:s8+s26], $0x1000, s29, s26, $0x38;
	[tilespmem:$0x1F700] =	vst v63  }
0x159: {  	_ =	swait.ge [sflag:s5], $0x2000  }
0x15a: {  	[sflag:s5] =	ssyncset.done $0x0  }
0x15b: {  	s9 =	simm.s32 $0x18740;
	[sflag:s5] =	ssyncadd.s32 $0xFFFFE000  }
0x15c: {  	v0 =	vld [tilespmem:s9+$0x30]  }
0x15d: {  	v1 =	vld [tilespmem:s9+$0xFFFFFFD0]  }
0x15e: {  	v2 =	vld [tilespmem:s9+$0xFFFFFFE0]  }
0x15f: {  	v3 =	vld [tilespmem:s9+$0xFFFFFFF0]  }
0x160: {  	v4 =	vld [tilespmem:s9+$0x0]  }
0x161: {  	v6 =	vld [tilespmem:s9+$0x10]  }
0x162: {  	v7 =	vld [tilespmem:s9+$0x20]  }
0x163: {  	v8 =	vld [tilespmem:s9+$0xFFFFFFC0]  }
0x164: {  	v9 =	vld.idx.msk [tilespmem:v0+s1+$0x0], $0xffff  }
0x165: {  	v10 =	vld.idx.msk [tilespmem:v1+s1+$0x0], $0xffff  }
0x166: {  	v5 =	vld.idx.msk [tilespmem:v2+s1+$0x0], $0xffff  }
0x167: {  	v3 =	vld.idx.msk [tilespmem:v3+s1+$0x0], $0xffff  }
0x168: {  	v0 =	vld.idx.msk [tilespmem:v4+s1+$0x0], $0xffff  }
0x169: {  	s7 =	simm.s32 $0x1D740;
	v1 =	vld.idx.msk [tilespmem:v6+s1+$0x0], $0xffff  }
0x16a: {  	v2 =	vld.idx.msk [tilespmem:v7+s1+$0x0], $0xffff;
	[tilespmem:s7+$0x30] =	vst v9  }
0x16b: {  	s8 =	simm.s32 $0x0;
	s9 =	simm.s32 $0x187C0;
	v4 =	vld.idx.msk [tilespmem:v8+s1+$0x0], $0xffff;
	[tilespmem:s7+$0xFFFFFFD0] =	vst v10  }
.LBB2_14:
0x16c: {  	v6 =	vld [tilespmem:s9+$0x30];
	s8 =	sadd.s32 $0x80, s8;
	[tilespmem:s7+$0xFFFFFFE0] =	vst v5  }
0x16d: {  	v5 =	vld [tilespmem:s9+$0xFFFFFFD0];
	p0 =	slt.u32 s8, $0xF80;
	[tilespmem:s7+$0xFFFFFFF0] =	vst v3  }
0x16e: {  	v3 =	vld [tilespmem:s9+$0xFFFFFFE0];
	[tilespmem:s7+$0x0] =	vst v0  }
0x16f: {  	v0 =	vld [tilespmem:s9+$0xFFFFFFF0];
	[tilespmem:s7+$0x10] =	vst v1  }
0x170: {  	v1 =	vld [tilespmem:s9+$0x0];
	[tilespmem:s7+$0x20] =	vst v2  }
0x171: {  	v2 =	vld [tilespmem:s9+$0x10];
	[tilespmem:s7+$0xFFFFFFC0] =	vst v4  }
0x172: {  	v4 =	vld [tilespmem:s9+$0x20]  }
0x173: {  	v7 =	vld [tilespmem:s9+$0xFFFFFFC0]  }
0x174: {  	v6 =	vld.idx.msk [tilespmem:v6+s1+$0x0], $0xffff  }
0x175: {  	v8 =	vld.idx.msk [tilespmem:v5+s1+$0x0], $0xffff  }
0x176: {  	v5 =	vld.idx.msk [tilespmem:v3+s1+$0x0], $0xffff  }
.Ltmp6:
0x177: {  	v3 =	vld.idx.msk [tilespmem:v0+s1+$0x0], $0xffff;
	(pc) =	sbr.rel @p0 .LBB2_14-.Ltmp6, $4  }
0x178: {  	v0 =	vld.idx.msk [tilespmem:v1+s1+$0x0], $0xffff  }
0x179: {  	s7 =	sadd.s32 $0x80, s7;
	v1 =	vld.idx.msk [tilespmem:v2+s1+$0x0], $0xffff  }
0x17a: {  	v2 =	vld.idx.msk [tilespmem:v4+s1+$0x0], $0xffff;
	[tilespmem:s7+$0x30] =	vst v6  }
0x17b: {  	s9 =	sadd.s32 $0x80, s9;
	v4 =	vld.idx.msk [tilespmem:v7+s1+$0x0], $0xffff;
	[tilespmem:s7+$0xFFFFFFD0] =	vst v8  }
0x17c: {  	[tilespmem:s7+$0xFFFFFFE0] =	vst v5  }
0x17d: {  	[tilespmem:s7+$0xFFFFFFF0] =	vst v3  }
0x17e: {  	[tilespmem:s7+$0x0] =	vst v0  }
0x17f: {  	[tilespmem:s7+$0x10] =	vst v1  }
0x180: {  	[tilespmem:s7+$0x20] =	vst v2  }
0x181: {  	[tilespmem:s7+$0xFFFFFFC0] =	vst v4  }
0x182: {  	_ =	swait.ge [sflag:s2], $0x1000  }
0x183: {  	s8 =	sld [smem:$0x7FB]  }
0x184: {  	[sflag:s2] =	ssyncset.done $0x0  }
0x185: {  	s9 =	simm.s32 $0x19740;
	[sflag:s2] =	ssyncadd.s32 $0xFFFFF000  }
0x186: {  	[tilespmem:s30], [sflag:$0x2] =	stream.strided.gather [hbm4b:s8+s26], $0x1000, s29, s26, $0x38;
	[tilespmem:$0x1F700] =	vst v63  }
0x187: {  	v0 =	vld [tilespmem:s9+$0x30]  }
0x188: {  	v1 =	vld [tilespmem:s9+$0xFFFFFFD0]  }
0x189: {  	v2 =	vld [tilespmem:s9+$0xFFFFFFE0]  }
0x18a: {  	v3 =	vld [tilespmem:s9+$0xFFFFFFF0]  }
0x18b: {  	v4 =	vld [tilespmem:s9+$0x0]  }
0x18c: {  	v6 =	vld [tilespmem:s9+$0x10]  }
0x18d: {  	v7 =	vld [tilespmem:s9+$0x20]  }
0x18e: {  	v8 =	vld [tilespmem:s9+$0xFFFFFFC0]  }
0x18f: {  	v9 =	vld.idx.msk [tilespmem:v0+s1+$0x0], $0xffff  }
0x190: {  	v10 =	vld.idx.msk [tilespmem:v1+s1+$0x0], $0xffff  }
0x191: {  	v5 =	vld.idx.msk [tilespmem:v2+s1+$0x0], $0xffff  }
0x192: {  	v3 =	vld.idx.msk [tilespmem:v3+s1+$0x0], $0xffff  }
0x193: {  	v0 =	vld.idx.msk [tilespmem:v4+s1+$0x0], $0xffff  }
0x194: {  	s7 =	simm.s32 $0x1E770;
	v1 =	vld.idx.msk [tilespmem:v6+s1+$0x0], $0xffff  }
0x195: {  	v2 =	vld.idx.msk [tilespmem:v7+s1+$0x0], $0xffff;
	[tilespmem:s7+$0x0] =	vst v9  }
0x196: {  	s8 =	simm.s32 $0x0;
	s9 =	simm.s32 $0x197C0;
	v4 =	vld.idx.msk [tilespmem:v8+s1+$0x0], $0xffff;
	[tilespmem:s7+$0xFFFFFFA0] =	vst v10  }
.LBB2_16:
0x197: {  	v6 =	vld [tilespmem:s9+$0x30];
	s8 =	sadd.s32 $0x80, s8;
	[tilespmem:s7+$0xFFFFFFB0] =	vst v5  }
0x198: {  	v5 =	vld [tilespmem:s9+$0xFFFFFFD0];
	p0 =	slt.u32 s8, $0xF80;
	[tilespmem:s7+$0xFFFFFFC0] =	vst v3  }
0x199: {  	v3 =	vld [tilespmem:s9+$0xFFFFFFE0];
	[tilespmem:s7+$0xFFFFFFD0] =	vst v0  }
0x19a: {  	v0 =	vld [tilespmem:s9+$0xFFFFFFF0];
	[tilespmem:s7+$0xFFFFFFE0] =	vst v1  }
0x19b: {  	v1 =	vld [tilespmem:s9+$0x0];
	[tilespmem:s7+$0xFFFFFFF0] =	vst v2  }
0x19c: {  	v2 =	vld [tilespmem:s9+$0x10];
	[tilespmem:s7+$0xFFFFFF90] =	vst v4  }
0x19d: {  	v4 =	vld [tilespmem:s9+$0x20]  }
0x19e: {  	v7 =	vld [tilespmem:s9+$0xFFFFFFC0]  }
0x19f: {  	v6 =	vld.idx.msk [tilespmem:v6+s1+$0x0], $0xffff  }
0x1a0: {  	v8 =	vld.idx.msk [tilespmem:v5+s1+$0x0], $0xffff  }
0x1a1: {  	v5 =	vld.idx.msk [tilespmem:v3+s1+$0x0], $0xffff  }
.Ltmp7:
0x1a2: {  	v3 =	vld.idx.msk [tilespmem:v0+s1+$0x0], $0xffff;
	(pc) =	sbr.rel @p0 .LBB2_16-.Ltmp7, $4  }
0x1a3: {  	v0 =	vld.idx.msk [tilespmem:v1+s1+$0x0], $0xffff  }
0x1a4: {  	s7 =	sadd.s32 $0x80, s7;
	v1 =	vld.idx.msk [tilespmem:v2+s1+$0x0], $0xffff  }
0x1a5: {  	v2 =	vld.idx.msk [tilespmem:v4+s1+$0x0], $0xffff;
	[tilespmem:s7+$0x0] =	vst v6  }
0x1a6: {  	s9 =	sadd.s32 $0x80, s9;
	v4 =	vld.idx.msk [tilespmem:v7+s1+$0x0], $0xffff;
	[tilespmem:s7+$0xFFFFFFA0] =	vst v8  }
0x1a7: {  	[tilespmem:s7+$0xFFFFFFB0] =	vst v5  }
0x1a8: {  	[tilespmem:s7+$0xFFFFFFC0] =	vst v3  }
0x1a9: {  	[tilespmem:s7+$0xFFFFFFD0] =	vst v0  }
0x1aa: {  	[tilespmem:s7+$0xFFFFFFE0] =	vst v1  }
0x1ab: {  	[tilespmem:s7+$0xFFFFFFF0] =	vst v2  }
0x1ac: {  	[tilespmem:s7+$0xFFFFFF90] =	vst v4  }
0x1ad: {  	s7 =	rddreg [dreg:$0x8]  }
0x1ae: {  	[hbm4b:s7+s26] =	stream.strided.scatter [tilespmem:s3], [sflag:$0x3], $0x1000, s29, s26, $0x38;
	[tilespmem:$0x1F700] =	vst v63  }
0x1af: {  	s7 =	sadd.s32 $0x8000, s7  }
0x1b0: {  	[hbm4b:s7+s26] =	stream.strided.scatter [tilespmem:s4], [sflag:$0x3], $0x1000, s29, s26, $0x38;
	[tilespmem:$0x1F700] =	vst v63  }
0x1b1: {  	_ =	swait.ge [sflag:s2], $0x1000  }
0x1b2: {  	s8 =	sld [smem:$0x7FC]  }
0x1b3: {  	[sflag:s2] =	ssyncset.done $0x0  }
0x1b4: {  	[sflag:s2] =	ssyncadd.s32 $0xFFFFF000  }
0x1b5: {  	[tilespmem:s31], [sflag:$0x2] =	stream.strided.gather [hbm4b:s8+s26], $0x1000, s29, s26, $0x38;
	[tilespmem:$0x1F700] =	vst v63  }
0x1b6: {  	_ =	swait.ge [sflag:s5], $0x2000  }
0x1b7: {  	[sflag:s5] =	ssyncset.done $0x0  }
0x1b8: {  	s9 =	simm.s32 $0x1A740;
	[sflag:s5] =	ssyncadd.s32 $0xFFFFE000  }
0x1b9: {  	v0 =	vld [tilespmem:s9+$0x30]  }
0x1ba: {  	v1 =	vld [tilespmem:s9+$0xFFFFFFD0]  }
0x1bb: {  	v2 =	vld [tilespmem:s9+$0xFFFFFFE0]  }
0x1bc: {  	v3 =	vld [tilespmem:s9+$0xFFFFFFF0]  }
0x1bd: {  	v4 =	vld [tilespmem:s9+$0x0]  }
0x1be: {  	v6 =	vld [tilespmem:s9+$0x10]  }
0x1bf: {  	v7 =	vld [tilespmem:s9+$0x20]  }
0x1c0: {  	v8 =	vld [tilespmem:s9+$0xFFFFFFC0]  }
0x1c1: {  	v9 =	vld.idx.msk [tilespmem:v0+s1+$0x0], $0xffff  }
0x1c2: {  	v10 =	vld.idx.msk [tilespmem:v1+s1+$0x0], $0xffff  }
0x1c3: {  	v5 =	vld.idx.msk [tilespmem:v2+s1+$0x0], $0xffff  }
0x1c4: {  	v3 =	vld.idx.msk [tilespmem:v3+s1+$0x0], $0xffff  }
0x1c5: {  	v0 =	vld.idx.msk [tilespmem:v4+s1+$0x0], $0xffff  }
0x1c6: {  	s7 =	simm.s32 $0x1B740;
	v1 =	vld.idx.msk [tilespmem:v6+s1+$0x0], $0xffff  }
0x1c7: {  	v2 =	vld.idx.msk [tilespmem:v7+s1+$0x0], $0xffff;
	[tilespmem:s7+$0x30] =	vst v9  }
0x1c8: {  	s8 =	simm.s32 $0x0;
	s9 =	simm.s32 $0x1A7C0;
	v4 =	vld.idx.msk [tilespmem:v8+s1+$0x0], $0xffff;
	[tilespmem:s7+$0xFFFFFFD0] =	vst v10  }
.LBB2_18:
0x1c9: {  	v6 =	vld [tilespmem:s9+$0x30];
	s8 =	sadd.s32 $0x80, s8;
	[tilespmem:s7+$0xFFFFFFE0] =	vst v5  }
0x1ca: {  	v5 =	vld [tilespmem:s9+$0xFFFFFFD0];
	p0 =	slt.u32 s8, $0xF80;
	[tilespmem:s7+$0xFFFFFFF0] =	vst v3  }
0x1cb: {  	v3 =	vld [tilespmem:s9+$0xFFFFFFE0];
	[tilespmem:s7+$0x0] =	vst v0  }
0x1cc: {  	v0 =	vld [tilespmem:s9+$0xFFFFFFF0];
	[tilespmem:s7+$0x10] =	vst v1  }
0x1cd: {  	v1 =	vld [tilespmem:s9+$0x0];
	[tilespmem:s7+$0x20] =	vst v2  }
0x1ce: {  	v2 =	vld [tilespmem:s9+$0x10];
	[tilespmem:s7+$0xFFFFFFC0] =	vst v4  }
0x1cf: {  	v4 =	vld [tilespmem:s9+$0x20]  }
0x1d0: {  	v7 =	vld [tilespmem:s9+$0xFFFFFFC0]  }
0x1d1: {  	v6 =	vld.idx.msk [tilespmem:v6+s1+$0x0], $0xffff  }
0x1d2: {  	v8 =	vld.idx.msk [tilespmem:v5+s1+$0x0], $0xffff  }
0x1d3: {  	v5 =	vld.idx.msk [tilespmem:v3+s1+$0x0], $0xffff  }
.Ltmp8:
0x1d4: {  	v3 =	vld.idx.msk [tilespmem:v0+s1+$0x0], $0xffff;
	(pc) =	sbr.rel @p0 .LBB2_18-.Ltmp8, $4  }
0x1d5: {  	v0 =	vld.idx.msk [tilespmem:v1+s1+$0x0], $0xffff  }
0x1d6: {  	s7 =	sadd.s32 $0x80, s7;
	v1 =	vld.idx.msk [tilespmem:v2+s1+$0x0], $0xffff  }
0x1d7: {  	v2 =	vld.idx.msk [tilespmem:v4+s1+$0x0], $0xffff;
	[tilespmem:s7+$0x30] =	vst v6  }
0x1d8: {  	s9 =	sadd.s32 $0x80, s9;
	v4 =	vld.idx.msk [tilespmem:v7+s1+$0x0], $0xffff;
	[tilespmem:s7+$0xFFFFFFD0] =	vst v8  }
0x1d9: {  	[tilespmem:s7+$0xFFFFFFE0] =	vst v5  }
0x1da: {  	[tilespmem:s7+$0xFFFFFFF0] =	vst v3  }
0x1db: {  	[tilespmem:s7+$0x0] =	vst v0  }
0x1dc: {  	[tilespmem:s7+$0x10] =	vst v1  }
0x1dd: {  	[tilespmem:s7+$0x20] =	vst v2  }
0x1de: {  	[tilespmem:s7+$0xFFFFFFC0] =	vst v4  }
0x1df: {  	_ =	swait.ge [sflag:s2], $0x1000  }
0x1e0: {  	s8 =	sld [smem:$0x7FD]  }
0x1e1: {  	[sflag:s2] =	ssyncset.done $0x0  }
0x1e2: {  	s9 =	simm.s32 $0x18740;
	[sflag:s2] =	ssyncadd.s32 $0xFFFFF000  }
0x1e3: {  	[tilespmem:s11], [sflag:$0x2] =	stream.strided.gather [hbm4b:s8+s26], $0x1000, s29, s26, $0x38;
	[tilespmem:$0x1F700] =	vst v63  }
0x1e4: {  	v0 =	vld [tilespmem:s9+$0x30]  }
0x1e5: {  	v1 =	vld [tilespmem:s9+$0xFFFFFFD0]  }
0x1e6: {  	v2 =	vld [tilespmem:s9+$0xFFFFFFE0]  }
0x1e7: {  	v3 =	vld [tilespmem:s9+$0xFFFFFFF0]  }
0x1e8: {  	v4 =	vld [tilespmem:s9+$0x0]  }
0x1e9: {  	v6 =	vld [tilespmem:s9+$0x10]  }
0x1ea: {  	v7 =	vld [tilespmem:s9+$0x20]  }
0x1eb: {  	v8 =	vld [tilespmem:s9+$0xFFFFFFC0]  }
0x1ec: {  	v9 =	vld.idx.msk [tilespmem:v0+s1+$0x0], $0xffff  }
0x1ed: {  	v10 =	vld.idx.msk [tilespmem:v1+s1+$0x0], $0xffff  }
0x1ee: {  	v5 =	vld.idx.msk [tilespmem:v2+s1+$0x0], $0xffff  }
0x1ef: {  	v3 =	vld.idx.msk [tilespmem:v3+s1+$0x0], $0xffff  }
0x1f0: {  	v0 =	vld.idx.msk [tilespmem:v4+s1+$0x0], $0xffff  }
0x1f1: {  	s7 =	simm.s32 $0x1C770;
	v1 =	vld.idx.msk [tilespmem:v6+s1+$0x0], $0xffff  }
0x1f2: {  	v2 =	vld.idx.msk [tilespmem:v7+s1+$0x0], $0xffff;
	[tilespmem:s7+$0x0] =	vst v9  }
0x1f3: {  	s8 =	simm.s32 $0x0;
	s9 =	simm.s32 $0x187C0;
	v4 =	vld.idx.msk [tilespmem:v8+s1+$0x0], $0xffff;
	[tilespmem:s7+$0xFFFFFFA0] =	vst v10  }
.LBB2_20:
0x1f4: {  	v6 =	vld [tilespmem:s9+$0x30];
	s8 =	sadd.s32 $0x80, s8;
	[tilespmem:s7+$0xFFFFFFB0] =	vst v5  }
0x1f5: {  	v5 =	vld [tilespmem:s9+$0xFFFFFFD0];
	p0 =	slt.u32 s8, $0xF80;
	[tilespmem:s7+$0xFFFFFFC0] =	vst v3  }
0x1f6: {  	v3 =	vld [tilespmem:s9+$0xFFFFFFE0];
	[tilespmem:s7+$0xFFFFFFD0] =	vst v0  }
0x1f7: {  	v0 =	vld [tilespmem:s9+$0xFFFFFFF0];
	[tilespmem:s7+$0xFFFFFFE0] =	vst v1  }
0x1f8: {  	v1 =	vld [tilespmem:s9+$0x0];
	[tilespmem:s7+$0xFFFFFFF0] =	vst v2  }
0x1f9: {  	v2 =	vld [tilespmem:s9+$0x10];
	[tilespmem:s7+$0xFFFFFF90] =	vst v4  }
0x1fa: {  	v4 =	vld [tilespmem:s9+$0x20]  }
0x1fb: {  	v7 =	vld [tilespmem:s9+$0xFFFFFFC0]  }
0x1fc: {  	v6 =	vld.idx.msk [tilespmem:v6+s1+$0x0], $0xffff  }
0x1fd: {  	v8 =	vld.idx.msk [tilespmem:v5+s1+$0x0], $0xffff  }
0x1fe: {  	v5 =	vld.idx.msk [tilespmem:v3+s1+$0x0], $0xffff  }
.Ltmp9:
0x1ff: {  	v3 =	vld.idx.msk [tilespmem:v0+s1+$0x0], $0xffff;
	(pc) =	sbr.rel @p0 .LBB2_20-.Ltmp9, $4  }
0x200: {  	v0 =	vld.idx.msk [tilespmem:v1+s1+$0x0], $0xffff  }
0x201: {  	s7 =	sadd.s32 $0x80, s7;
	v1 =	vld.idx.msk [tilespmem:v2+s1+$0x0], $0xffff  }
0x202: {  	v2 =	vld.idx.msk [tilespmem:v4+s1+$0x0], $0xffff;
	[tilespmem:s7+$0x0] =	vst v6  }
0x203: {  	s9 =	sadd.s32 $0x80, s9;
	v4 =	vld.idx.msk [tilespmem:v7+s1+$0x0], $0xffff;
	[tilespmem:s7+$0xFFFFFFA0] =	vst v8  }
0x204: {  	[tilespmem:s7+$0xFFFFFFB0] =	vst v5  }
0x205: {  	[tilespmem:s7+$0xFFFFFFC0] =	vst v3  }
0x206: {  	[tilespmem:s7+$0xFFFFFFD0] =	vst v0  }
0x207: {  	[tilespmem:s7+$0xFFFFFFE0] =	vst v1  }
0x208: {  	[tilespmem:s7+$0xFFFFFFF0] =	vst v2  }
0x209: {  	[tilespmem:s7+$0xFFFFFF90] =	vst v4  }
0x20a: {  	s7 =	rddreg [dreg:$0x9]  }
0x20b: {  	[hbm4b:s7+s26] =	stream.strided.scatter [tilespmem:s0], [sflag:$0x3], $0x1000, s29, s26, $0x38;
	[tilespmem:$0x1F700] =	vst v63  }
0x20c: {  	s7 =	sadd.s32 $0x8000, s7  }
0x20d: {  	[hbm4b:s7+s26] =	stream.strided.scatter [tilespmem:s28], [sflag:$0x3], $0x1000, s29, s26, $0x38;
	[tilespmem:$0x1F700] =	vst v63  }
0x20e: {  	_ =	swait.ge [sflag:s2], $0x1000  }
0x20f: {  	[sflag:s2] =	ssyncset.done $0x0  }
0x210: {  	[sflag:s2] =	ssyncadd.s32 $0xFFFFF000  }
0x211: {  	[tilespmem:s30], [sflag:$0x2] =	stream.strided.gather [hbm4b:s10+s26], $0x1000, s29, s26, $0x38;
	[tilespmem:$0x1F700] =	vst v63  }
0x212: {  	_ =	swait.ge [sflag:s5], $0x2000  }
0x213: {  	[sflag:s5] =	ssyncset.done $0x0  }
0x214: {  	s9 =	simm.s32 $0x19740;
	[sflag:s5] =	ssyncadd.s32 $0xFFFFE000  }
0x215: {  	v0 =	vld [tilespmem:s9+$0x30]  }
0x216: {  	v1 =	vld [tilespmem:s9+$0xFFFFFFD0]  }
0x217: {  	v2 =	vld [tilespmem:s9+$0xFFFFFFE0]  }
0x218: {  	v3 =	vld [tilespmem:s9+$0xFFFFFFF0]  }
0x219: {  	v4 =	vld [tilespmem:s9+$0x0]  }
0x21a: {  	v6 =	vld [tilespmem:s9+$0x10]  }
0x21b: {  	v7 =	vld [tilespmem:s9+$0x20]  }
0x21c: {  	v8 =	vld [tilespmem:s9+$0xFFFFFFC0]  }
0x21d: {  	v9 =	vld.idx.msk [tilespmem:v0+s1+$0x0], $0xffff  }
0x21e: {  	v10 =	vld.idx.msk [tilespmem:v1+s1+$0x0], $0xffff  }
0x21f: {  	v5 =	vld.idx.msk [tilespmem:v2+s1+$0x0], $0xffff  }
0x220: {  	v3 =	vld.idx.msk [tilespmem:v3+s1+$0x0], $0xffff  }
0x221: {  	v0 =	vld.idx.msk [tilespmem:v4+s1+$0x0], $0xffff  }
0x222: {  	s7 =	simm.s32 $0x1D740;
	v1 =	vld.idx.msk [tilespmem:v6+s1+$0x0], $0xffff  }
0x223: {  	v2 =	vld.idx.msk [tilespmem:v7+s1+$0x0], $0xffff;
	[tilespmem:s7+$0x30] =	vst v9  }
0x224: {  	s8 =	simm.s32 $0x0;
	s9 =	simm.s32 $0x197C0;
	v4 =	vld.idx.msk [tilespmem:v8+s1+$0x0], $0xffff;
	[tilespmem:s7+$0xFFFFFFD0] =	vst v10  }
.LBB2_22:
0x225: {  	v6 =	vld [tilespmem:s9+$0x30];
	s8 =	sadd.s32 $0x80, s8;
	[tilespmem:s7+$0xFFFFFFE0] =	vst v5  }
0x226: {  	v5 =	vld [tilespmem:s9+$0xFFFFFFD0];
	p0 =	slt.u32 s8, $0xF80;
	[tilespmem:s7+$0xFFFFFFF0] =	vst v3  }
0x227: {  	v3 =	vld [tilespmem:s9+$0xFFFFFFE0];
	[tilespmem:s7+$0x0] =	vst v0  }
0x228: {  	v0 =	vld [tilespmem:s9+$0xFFFFFFF0];
	[tilespmem:s7+$0x10] =	vst v1  }
0x229: {  	v1 =	vld [tilespmem:s9+$0x0];
	[tilespmem:s7+$0x20] =	vst v2  }
0x22a: {  	v2 =	vld [tilespmem:s9+$0x10];
	[tilespmem:s7+$0xFFFFFFC0] =	vst v4  }
0x22b: {  	v4 =	vld [tilespmem:s9+$0x20]  }
0x22c: {  	v7 =	vld [tilespmem:s9+$0xFFFFFFC0]  }
0x22d: {  	v6 =	vld.idx.msk [tilespmem:v6+s1+$0x0], $0xffff  }
0x22e: {  	v8 =	vld.idx.msk [tilespmem:v5+s1+$0x0], $0xffff  }
0x22f: {  	v5 =	vld.idx.msk [tilespmem:v3+s1+$0x0], $0xffff  }
.Ltmp10:
0x230: {  	v3 =	vld.idx.msk [tilespmem:v0+s1+$0x0], $0xffff;
	(pc) =	sbr.rel @p0 .LBB2_22-.Ltmp10, $4  }
0x231: {  	v0 =	vld.idx.msk [tilespmem:v1+s1+$0x0], $0xffff  }
0x232: {  	s7 =	sadd.s32 $0x80, s7;
	v1 =	vld.idx.msk [tilespmem:v2+s1+$0x0], $0xffff  }
0x233: {  	v2 =	vld.idx.msk [tilespmem:v4+s1+$0x0], $0xffff;
	[tilespmem:s7+$0x30] =	vst v6  }
0x234: {  	s9 =	sadd.s32 $0x80, s9;
	v4 =	vld.idx.msk [tilespmem:v7+s1+$0x0], $0xffff;
	[tilespmem:s7+$0xFFFFFFD0] =	vst v8  }
0x235: {  	[tilespmem:s7+$0xFFFFFFE0] =	vst v5  }
0x236: {  	[tilespmem:s7+$0xFFFFFFF0] =	vst v3  }
0x237: {  	[tilespmem:s7+$0x0] =	vst v0  }
0x238: {  	[tilespmem:s7+$0x10] =	vst v1  }
0x239: {  	[tilespmem:s7+$0x20] =	vst v2  }
0x23a: {  	[tilespmem:s7+$0xFFFFFFC0] =	vst v4  }
0x23b: {  	_ =	swait.ge [sflag:s2], $0x1000  }
0x23c: {  	[sflag:s2] =	ssyncset.done $0x0  }
0x23d: {  	s9 =	simm.s32 $0x1A740;
	[sflag:s2] =	ssyncadd.s32 $0xFFFFF000  }
0x23e: {  	[tilespmem:s31], [sflag:$0x2] =	stream.strided.gather [hbm4b:s12+s26], $0x1000, s29, s26, $0x38;
	[tilespmem:$0x1F700] =	vst v63  }
0x23f: {  	v0 =	vld [tilespmem:s9+$0x30]  }
0x240: {  	v1 =	vld [tilespmem:s9+$0xFFFFFFD0]  }
0x241: {  	v2 =	vld [tilespmem:s9+$0xFFFFFFE0]  }
0x242: {  	v3 =	vld [tilespmem:s9+$0xFFFFFFF0]  }
0x243: {  	v4 =	vld [tilespmem:s9+$0x0]  }
0x244: {  	v6 =	vld [tilespmem:s9+$0x10]  }
0x245: {  	v7 =	vld [tilespmem:s9+$0x20]  }
0x246: {  	v8 =	vld [tilespmem:s9+$0xFFFFFFC0]  }
0x247: {  	v9 =	vld.idx.msk [tilespmem:v0+s1+$0x0], $0xffff  }
0x248: {  	v10 =	vld.idx.msk [tilespmem:v1+s1+$0x0], $0xffff  }
0x249: {  	v5 =	vld.idx.msk [tilespmem:v2+s1+$0x0], $0xffff  }
0x24a: {  	v3 =	vld.idx.msk [tilespmem:v3+s1+$0x0], $0xffff  }
0x24b: {  	v0 =	vld.idx.msk [tilespmem:v4+s1+$0x0], $0xffff  }
0x24c: {  	s7 =	simm.s32 $0x1E770;
	v1 =	vld.idx.msk [tilespmem:v6+s1+$0x0], $0xffff  }
0x24d: {  	v2 =	vld.idx.msk [tilespmem:v7+s1+$0x0], $0xffff;
	[tilespmem:s7+$0x0] =	vst v9  }
0x24e: {  	s8 =	simm.s32 $0x0;
	s9 =	simm.s32 $0x1A7C0;
	v4 =	vld.idx.msk [tilespmem:v8+s1+$0x0], $0xffff;
	[tilespmem:s7+$0xFFFFFFA0] =	vst v10  }
.LBB2_24:
0x24f: {  	v6 =	vld [tilespmem:s9+$0x30];
	s8 =	sadd.s32 $0x80, s8;
	[tilespmem:s7+$0xFFFFFFB0] =	vst v5  }
0x250: {  	v5 =	vld [tilespmem:s9+$0xFFFFFFD0];
	p0 =	slt.u32 s8, $0xF80;
	[tilespmem:s7+$0xFFFFFFC0] =	vst v3  }
0x251: {  	v3 =	vld [tilespmem:s9+$0xFFFFFFE0];
	[tilespmem:s7+$0xFFFFFFD0] =	vst v0  }
0x252: {  	v0 =	vld [tilespmem:s9+$0xFFFFFFF0];
	[tilespmem:s7+$0xFFFFFFE0] =	vst v1  }
0x253: {  	v1 =	vld [tilespmem:s9+$0x0];
	[tilespmem:s7+$0xFFFFFFF0] =	vst v2  }
0x254: {  	v2 =	vld [tilespmem:s9+$0x10];
	[tilespmem:s7+$0xFFFFFF90] =	vst v4  }
0x255: {  	v4 =	vld [tilespmem:s9+$0x20]  }
0x256: {  	v7 =	vld [tilespmem:s9+$0xFFFFFFC0]  }
0x257: {  	v6 =	vld.idx.msk [tilespmem:v6+s1+$0x0], $0xffff  }
0x258: {  	v8 =	vld.idx.msk [tilespmem:v5+s1+$0x0], $0xffff  }
0x259: {  	v5 =	vld.idx.msk [tilespmem:v3+s1+$0x0], $0xffff  }
.Ltmp11:
0x25a: {  	v3 =	vld.idx.msk [tilespmem:v0+s1+$0x0], $0xffff;
	(pc) =	sbr.rel @p0 .LBB2_24-.Ltmp11, $4  }
0x25b: {  	v0 =	vld.idx.msk [tilespmem:v1+s1+$0x0], $0xffff  }
0x25c: {  	s7 =	sadd.s32 $0x80, s7;
	v1 =	vld.idx.msk [tilespmem:v2+s1+$0x0], $0xffff  }
0x25d: {  	v2 =	vld.idx.msk [tilespmem:v4+s1+$0x0], $0xffff;
	[tilespmem:s7+$0x0] =	vst v6  }
0x25e: {  	s9 =	sadd.s32 $0x80, s9;
	v4 =	vld.idx.msk [tilespmem:v7+s1+$0x0], $0xffff;
	[tilespmem:s7+$0xFFFFFFA0] =	vst v8  }
0x25f: {  	[tilespmem:s7+$0xFFFFFFB0] =	vst v5  }
0x260: {  	[tilespmem:s7+$0xFFFFFFC0] =	vst v3  }
0x261: {  	[tilespmem:s7+$0xFFFFFFD0] =	vst v0  }
0x262: {  	[tilespmem:s7+$0xFFFFFFE0] =	vst v1  }
0x263: {  	[tilespmem:s7+$0xFFFFFFF0] =	vst v2  }
0x264: {  	[tilespmem:s7+$0xFFFFFF90] =	vst v4  }
0x265: {  	s7 =	rddreg [dreg:$0xa]  }
0x266: {  	[hbm4b:s7+s26] =	stream.strided.scatter [tilespmem:s3], [sflag:$0x3], $0x1000, s29, s26, $0x38;
	[tilespmem:$0x1F700] =	vst v63  }
0x267: {  	s7 =	sadd.s32 $0x8000, s7  }
0x268: {  	[hbm4b:s7+s26] =	stream.strided.scatter [tilespmem:s4], [sflag:$0x3], $0x1000, s29, s26, $0x38;
	[tilespmem:$0x1F700] =	vst v63  }
0x269: {  	_ =	swait.ge [sflag:s2], $0x1000  }
0x26a: {  	[sflag:s2] =	ssyncset.done $0x0  }
0x26b: {  	[sflag:s2] =	ssyncadd.s32 $0xFFFFF000  }
0x26c: {  	[tilespmem:s11], [sflag:$0x2] =	stream.strided.gather [hbm4b:s13+s26], $0x1000, s29, s26, $0x38;
	[tilespmem:$0x1F700] =	vst v63  }
0x26d: {  	_ =	swait.ge [sflag:s5], $0x2000  }
0x26e: {  	[sflag:s5] =	ssyncset.done $0x0  }
0x26f: {  	s9 =	simm.s32 $0x18740;
	[sflag:s5] =	ssyncadd.s32 $0xFFFFE000  }
0x270: {  	v0 =	vld [tilespmem:s9+$0x30]  }
0x271: {  	v1 =	vld [tilespmem:s9+$0xFFFFFFD0]  }
0x272: {  	v2 =	vld [tilespmem:s9+$0xFFFFFFE0]  }
0x273: {  	v3 =	vld [tilespmem:s9+$0xFFFFFFF0]  }
0x274: {  	v4 =	vld [tilespmem:s9+$0x0]  }
0x275: {  	v6 =	vld [tilespmem:s9+$0x10]  }
0x276: {  	v7 =	vld [tilespmem:s9+$0x20]  }
0x277: {  	v8 =	vld [tilespmem:s9+$0xFFFFFFC0]  }
0x278: {  	v9 =	vld.idx.msk [tilespmem:v0+s1+$0x0], $0xffff  }
0x279: {  	v10 =	vld.idx.msk [tilespmem:v1+s1+$0x0], $0xffff  }
0x27a: {  	v5 =	vld.idx.msk [tilespmem:v2+s1+$0x0], $0xffff  }
0x27b: {  	v3 =	vld.idx.msk [tilespmem:v3+s1+$0x0], $0xffff  }
0x27c: {  	v0 =	vld.idx.msk [tilespmem:v4+s1+$0x0], $0xffff  }
0x27d: {  	s7 =	simm.s32 $0x1B740;
	v1 =	vld.idx.msk [tilespmem:v6+s1+$0x0], $0xffff  }
0x27e: {  	v2 =	vld.idx.msk [tilespmem:v7+s1+$0x0], $0xffff;
	[tilespmem:s7+$0x30] =	vst v9  }
0x27f: {  	s8 =	simm.s32 $0x0;
	s9 =	simm.s32 $0x187C0;
	v4 =	vld.idx.msk [tilespmem:v8+s1+$0x0], $0xffff;
	[tilespmem:s7+$0xFFFFFFD0] =	vst v10  }
.LBB2_26:
0x280: {  	v6 =	vld [tilespmem:s9+$0x30];
	s8 =	sadd.s32 $0x80, s8;
	[tilespmem:s7+$0xFFFFFFE0] =	vst v5  }
0x281: {  	v5 =	vld [tilespmem:s9+$0xFFFFFFD0];
	p0 =	slt.u32 s8, $0xF80;
	[tilespmem:s7+$0xFFFFFFF0] =	vst v3  }
0x282: {  	v3 =	vld [tilespmem:s9+$0xFFFFFFE0];
	[tilespmem:s7+$0x0] =	vst v0  }
0x283: {  	v0 =	vld [tilespmem:s9+$0xFFFFFFF0];
	[tilespmem:s7+$0x10] =	vst v1  }
0x284: {  	v1 =	vld [tilespmem:s9+$0x0];
	[tilespmem:s7+$0x20] =	vst v2  }
0x285: {  	v2 =	vld [tilespmem:s9+$0x10];
	[tilespmem:s7+$0xFFFFFFC0] =	vst v4  }
0x286: {  	v4 =	vld [tilespmem:s9+$0x20]  }
0x287: {  	v7 =	vld [tilespmem:s9+$0xFFFFFFC0]  }
0x288: {  	v6 =	vld.idx.msk [tilespmem:v6+s1+$0x0], $0xffff  }
0x289: {  	v8 =	vld.idx.msk [tilespmem:v5+s1+$0x0], $0xffff  }
0x28a: {  	v5 =	vld.idx.msk [tilespmem:v3+s1+$0x0], $0xffff  }
.Ltmp12:
0x28b: {  	v3 =	vld.idx.msk [tilespmem:v0+s1+$0x0], $0xffff;
	(pc) =	sbr.rel @p0 .LBB2_26-.Ltmp12, $4  }
0x28c: {  	v0 =	vld.idx.msk [tilespmem:v1+s1+$0x0], $0xffff  }
0x28d: {  	s7 =	sadd.s32 $0x80, s7;
	v1 =	vld.idx.msk [tilespmem:v2+s1+$0x0], $0xffff  }
0x28e: {  	v2 =	vld.idx.msk [tilespmem:v4+s1+$0x0], $0xffff;
	[tilespmem:s7+$0x30] =	vst v6  }
0x28f: {  	s9 =	sadd.s32 $0x80, s9;
	v4 =	vld.idx.msk [tilespmem:v7+s1+$0x0], $0xffff;
	[tilespmem:s7+$0xFFFFFFD0] =	vst v8  }
0x290: {  	[tilespmem:s7+$0xFFFFFFE0] =	vst v5  }
0x291: {  	[tilespmem:s7+$0xFFFFFFF0] =	vst v3  }
0x292: {  	[tilespmem:s7+$0x0] =	vst v0  }
0x293: {  	[tilespmem:s7+$0x10] =	vst v1  }
0x294: {  	[tilespmem:s7+$0x20] =	vst v2  }
0x295: {  	[tilespmem:s7+$0xFFFFFFC0] =	vst v4  }
0x296: {  	_ =	swait.ge [sflag:s2], $0x1000  }
0x297: {  	[sflag:s2] =	ssyncset.done $0x0  }
0x298: {  	s9 =	simm.s32 $0x19740;
	[sflag:s2] =	ssyncadd.s32 $0xFFFFF000  }
0x299: {  	[tilespmem:s30], [sflag:$0x2] =	stream.strided.gather [hbm4b:s14+s26], $0x1000, s29, s26, $0x38;
	[tilespmem:$0x1F700] =	vst v63  }
0x29a: {  	v0 =	vld [tilespmem:s9+$0x30]  }
0x29b: {  	v1 =	vld [tilespmem:s9+$0xFFFFFFD0]  }
0x29c: {  	v2 =	vld [tilespmem:s9+$0xFFFFFFE0]  }
0x29d: {  	v3 =	vld [tilespmem:s9+$0xFFFFFFF0]  }
0x29e: {  	v4 =	vld [tilespmem:s9+$0x0]  }
0x29f: {  	v6 =	vld [tilespmem:s9+$0x10]  }
0x2a0: {  	v7 =	vld [tilespmem:s9+$0x20]  }
0x2a1: {  	v8 =	vld [tilespmem:s9+$0xFFFFFFC0]  }
0x2a2: {  	v9 =	vld.idx.msk [tilespmem:v0+s1+$0x0], $0xffff  }
0x2a3: {  	v10 =	vld.idx.msk [tilespmem:v1+s1+$0x0], $0xffff  }
0x2a4: {  	v5 =	vld.idx.msk [tilespmem:v2+s1+$0x0], $0xffff  }
0x2a5: {  	v3 =	vld.idx.msk [tilespmem:v3+s1+$0x0], $0xffff  }
0x2a6: {  	v0 =	vld.idx.msk [tilespmem:v4+s1+$0x0], $0xffff  }
0x2a7: {  	s7 =	simm.s32 $0x1C770;
	v1 =	vld.idx.msk [tilespmem:v6+s1+$0x0], $0xffff  }
0x2a8: {  	v2 =	vld.idx.msk [tilespmem:v7+s1+$0x0], $0xffff;
	[tilespmem:s7+$0x0] =	vst v9  }
0x2a9: {  	s8 =	simm.s32 $0x0;
	s9 =	simm.s32 $0x197C0;
	v4 =	vld.idx.msk [tilespmem:v8+s1+$0x0], $0xffff;
	[tilespmem:s7+$0xFFFFFFA0] =	vst v10  }
.LBB2_28:
0x2aa: {  	v6 =	vld [tilespmem:s9+$0x30];
	s8 =	sadd.s32 $0x80, s8;
	[tilespmem:s7+$0xFFFFFFB0] =	vst v5  }
0x2ab: {  	v5 =	vld [tilespmem:s9+$0xFFFFFFD0];
	p0 =	slt.u32 s8, $0xF80;
	[tilespmem:s7+$0xFFFFFFC0] =	vst v3  }
0x2ac: {  	v3 =	vld [tilespmem:s9+$0xFFFFFFE0];
	[tilespmem:s7+$0xFFFFFFD0] =	vst v0  }
0x2ad: {  	v0 =	vld [tilespmem:s9+$0xFFFFFFF0];
	[tilespmem:s7+$0xFFFFFFE0] =	vst v1  }
0x2ae: {  	v1 =	vld [tilespmem:s9+$0x0];
	[tilespmem:s7+$0xFFFFFFF0] =	vst v2  }
0x2af: {  	v2 =	vld [tilespmem:s9+$0x10];
	[tilespmem:s7+$0xFFFFFF90] =	vst v4  }
0x2b0: {  	v4 =	vld [tilespmem:s9+$0x20]  }
0x2b1: {  	v7 =	vld [tilespmem:s9+$0xFFFFFFC0]  }
0x2b2: {  	v6 =	vld.idx.msk [tilespmem:v6+s1+$0x0], $0xffff  }
0x2b3: {  	v8 =	vld.idx.msk [tilespmem:v5+s1+$0x0], $0xffff  }
0x2b4: {  	v5 =	vld.idx.msk [tilespmem:v3+s1+$0x0], $0xffff  }
.Ltmp13:
0x2b5: {  	v3 =	vld.idx.msk [tilespmem:v0+s1+$0x0], $0xffff;
	(pc) =	sbr.rel @p0 .LBB2_28-.Ltmp13, $4  }
0x2b6: {  	v0 =	vld.idx.msk [tilespmem:v1+s1+$0x0], $0xffff  }
0x2b7: {  	s7 =	sadd.s32 $0x80, s7;
	v1 =	vld.idx.msk [tilespmem:v2+s1+$0x0], $0xffff  }
0x2b8: {  	v2 =	vld.idx.msk [tilespmem:v4+s1+$0x0], $0xffff;
	[tilespmem:s7+$0x0] =	vst v6  }
0x2b9: {  	s9 =	sadd.s32 $0x80, s9;
	v4 =	vld.idx.msk [tilespmem:v7+s1+$0x0], $0xffff;
	[tilespmem:s7+$0xFFFFFFA0] =	vst v8  }
0x2ba: {  	[tilespmem:s7+$0xFFFFFFB0] =	vst v5  }
0x2bb: {  	[tilespmem:s7+$0xFFFFFFC0] =	vst v3  }
0x2bc: {  	[tilespmem:s7+$0xFFFFFFD0] =	vst v0  }
0x2bd: {  	[tilespmem:s7+$0xFFFFFFE0] =	vst v1  }
0x2be: {  	[tilespmem:s7+$0xFFFFFFF0] =	vst v2  }
0x2bf: {  	[tilespmem:s7+$0xFFFFFF90] =	vst v4  }
0x2c0: {  	s7 =	rddreg [dreg:$0xb]  }
0x2c1: {  	[hbm4b:s7+s26] =	stream.strided.scatter [tilespmem:s0], [sflag:$0x3], $0x1000, s29, s26, $0x38;
	[tilespmem:$0x1F700] =	vst v63  }
0x2c2: {  	s7 =	sadd.s32 $0x8000, s7  }
0x2c3: {  	[hbm4b:s7+s26] =	stream.strided.scatter [tilespmem:s28], [sflag:$0x3], $0x1000, s29, s26, $0x38;
	[tilespmem:$0x1F700] =	vst v63  }
0x2c4: {  	_ =	swait.ge [sflag:s2], $0x1000  }
0x2c5: {  	[sflag:s2] =	ssyncset.done $0x0  }
0x2c6: {  	[sflag:s2] =	ssyncadd.s32 $0xFFFFF000  }
0x2c7: {  	[tilespmem:s31], [sflag:$0x2] =	stream.strided.gather [hbm4b:s15+s26], $0x1000, s29, s26, $0x38;
	[tilespmem:$0x1F700] =	vst v63  }
0x2c8: {  	_ =	swait.ge [sflag:s5], $0x2000  }
0x2c9: {  	[sflag:s5] =	ssyncset.done $0x0  }
0x2ca: {  	s9 =	simm.s32 $0x1A740;
	[sflag:s5] =	ssyncadd.s32 $0xFFFFE000  }
0x2cb: {  	v0 =	vld [tilespmem:s9+$0x30]  }
0x2cc: {  	v1 =	vld [tilespmem:s9+$0xFFFFFFD0]  }
0x2cd: {  	v2 =	vld [tilespmem:s9+$0xFFFFFFE0]  }
0x2ce: {  	v3 =	vld [tilespmem:s9+$0xFFFFFFF0]  }
0x2cf: {  	v4 =	vld [tilespmem:s9+$0x0]  }
0x2d0: {  	v6 =	vld [tilespmem:s9+$0x10]  }
0x2d1: {  	v7 =	vld [tilespmem:s9+$0x20]  }
0x2d2: {  	v8 =	vld [tilespmem:s9+$0xFFFFFFC0]  }
0x2d3: {  	v9 =	vld.idx.msk [tilespmem:v0+s1+$0x0], $0xffff  }
0x2d4: {  	v10 =	vld.idx.msk [tilespmem:v1+s1+$0x0], $0xffff  }
0x2d5: {  	v5 =	vld.idx.msk [tilespmem:v2+s1+$0x0], $0xffff  }
0x2d6: {  	v3 =	vld.idx.msk [tilespmem:v3+s1+$0x0], $0xffff  }
0x2d7: {  	v0 =	vld.idx.msk [tilespmem:v4+s1+$0x0], $0xffff  }
0x2d8: {  	s7 =	simm.s32 $0x1D740;
	v1 =	vld.idx.msk [tilespmem:v6+s1+$0x0], $0xffff  }
0x2d9: {  	v2 =	vld.idx.msk [tilespmem:v7+s1+$0x0], $0xffff;
	[tilespmem:s7+$0x30] =	vst v9  }
0x2da: {  	s8 =	simm.s32 $0x0;
	s9 =	simm.s32 $0x1A7C0;
	v4 =	vld.idx.msk [tilespmem:v8+s1+$0x0], $0xffff;
	[tilespmem:s7+$0xFFFFFFD0] =	vst v10  }
.LBB2_30:
0x2db: {  	v6 =	vld [tilespmem:s9+$0x30];
	s8 =	sadd.s32 $0x80, s8;
	[tilespmem:s7+$0xFFFFFFE0] =	vst v5  }
0x2dc: {  	v5 =	vld [tilespmem:s9+$0xFFFFFFD0];
	p0 =	slt.u32 s8, $0xF80;
	[tilespmem:s7+$0xFFFFFFF0] =	vst v3  }
0x2dd: {  	v3 =	vld [tilespmem:s9+$0xFFFFFFE0];
	[tilespmem:s7+$0x0] =	vst v0  }
0x2de: {  	v0 =	vld [tilespmem:s9+$0xFFFFFFF0];
	[tilespmem:s7+$0x10] =	vst v1  }
0x2df: {  	v1 =	vld [tilespmem:s9+$0x0];
	[tilespmem:s7+$0x20] =	vst v2  }
0x2e0: {  	v2 =	vld [tilespmem:s9+$0x10];
	[tilespmem:s7+$0xFFFFFFC0] =	vst v4  }
0x2e1: {  	v4 =	vld [tilespmem:s9+$0x20]  }
0x2e2: {  	v7 =	vld [tilespmem:s9+$0xFFFFFFC0]  }
0x2e3: {  	v6 =	vld.idx.msk [tilespmem:v6+s1+$0x0], $0xffff  }
0x2e4: {  	v8 =	vld.idx.msk [tilespmem:v5+s1+$0x0], $0xffff  }
0x2e5: {  	v5 =	vld.idx.msk [tilespmem:v3+s1+$0x0], $0xffff  }
.Ltmp14:
0x2e6: {  	v3 =	vld.idx.msk [tilespmem:v0+s1+$0x0], $0xffff;
	(pc) =	sbr.rel @p0 .LBB2_30-.Ltmp14, $4  }
0x2e7: {  	v0 =	vld.idx.msk [tilespmem:v1+s1+$0x0], $0xffff  }
0x2e8: {  	s7 =	sadd.s32 $0x80, s7;
	v1 =	vld.idx.msk [tilespmem:v2+s1+$0x0], $0xffff  }
0x2e9: {  	v2 =	vld.idx.msk [tilespmem:v4+s1+$0x0], $0xffff;
	[tilespmem:s7+$0x30] =	vst v6  }
0x2ea: {  	s9 =	sadd.s32 $0x80, s9;
	v4 =	vld.idx.msk [tilespmem:v7+s1+$0x0], $0xffff;
	[tilespmem:s7+$0xFFFFFFD0] =	vst v8  }
0x2eb: {  	[tilespmem:s7+$0xFFFFFFE0] =	vst v5  }
0x2ec: {  	[tilespmem:s7+$0xFFFFFFF0] =	vst v3  }
0x2ed: {  	[tilespmem:s7+$0x0] =	vst v0  }
0x2ee: {  	[tilespmem:s7+$0x10] =	vst v1  }
0x2ef: {  	[tilespmem:s7+$0x20] =	vst v2  }
0x2f0: {  	[tilespmem:s7+$0xFFFFFFC0] =	vst v4  }
0x2f1: {  	_ =	swait.ge [sflag:s2], $0x1000  }
0x2f2: {  	[sflag:s2] =	ssyncset.done $0x0  }
0x2f3: {  	s9 =	simm.s32 $0x18740;
	[sflag:s2] =	ssyncadd.s32 $0xFFFFF000  }
0x2f4: {  	[tilespmem:s11], [sflag:$0x2] =	stream.strided.gather [hbm4b:s16+s26], $0x1000, s29, s26, $0x38;
	[tilespmem:$0x1F700] =	vst v63  }
0x2f5: {  	v0 =	vld [tilespmem:s9+$0x30]  }
0x2f6: {  	v1 =	vld [tilespmem:s9+$0xFFFFFFD0]  }
0x2f7: {  	v2 =	vld [tilespmem:s9+$0xFFFFFFE0]  }
0x2f8: {  	v3 =	vld [tilespmem:s9+$0xFFFFFFF0]  }
0x2f9: {  	v4 =	vld [tilespmem:s9+$0x0]  }
0x2fa: {  	v6 =	vld [tilespmem:s9+$0x10]  }
0x2fb: {  	v7 =	vld [tilespmem:s9+$0x20]  }
0x2fc: {  	v8 =	vld [tilespmem:s9+$0xFFFFFFC0]  }
0x2fd: {  	v9 =	vld.idx.msk [tilespmem:v0+s1+$0x0], $0xffff  }
0x2fe: {  	v10 =	vld.idx.msk [tilespmem:v1+s1+$0x0], $0xffff  }
0x2ff: {  	v5 =	vld.idx.msk [tilespmem:v2+s1+$0x0], $0xffff  }
0x300: {  	v3 =	vld.idx.msk [tilespmem:v3+s1+$0x0], $0xffff  }
0x301: {  	v0 =	vld.idx.msk [tilespmem:v4+s1+$0x0], $0xffff  }
0x302: {  	s7 =	simm.s32 $0x1E770;
	v1 =	vld.idx.msk [tilespmem:v6+s1+$0x0], $0xffff  }
0x303: {  	v2 =	vld.idx.msk [tilespmem:v7+s1+$0x0], $0xffff;
	[tilespmem:s7+$0x0] =	vst v9  }
0x304: {  	s8 =	simm.s32 $0x0;
	s9 =	simm.s32 $0x187C0;
	v4 =	vld.idx.msk [tilespmem:v8+s1+$0x0], $0xffff;
	[tilespmem:s7+$0xFFFFFFA0] =	vst v10  }
.LBB2_32:
0x305: {  	v6 =	vld [tilespmem:s9+$0x30];
	s8 =	sadd.s32 $0x80, s8;
	[tilespmem:s7+$0xFFFFFFB0] =	vst v5  }
0x306: {  	v5 =	vld [tilespmem:s9+$0xFFFFFFD0];
	p0 =	slt.u32 s8, $0xF80;
	[tilespmem:s7+$0xFFFFFFC0] =	vst v3  }
0x307: {  	v3 =	vld [tilespmem:s9+$0xFFFFFFE0];
	[tilespmem:s7+$0xFFFFFFD0] =	vst v0  }
0x308: {  	v0 =	vld [tilespmem:s9+$0xFFFFFFF0];
	[tilespmem:s7+$0xFFFFFFE0] =	vst v1  }
0x309: {  	v1 =	vld [tilespmem:s9+$0x0];
	[tilespmem:s7+$0xFFFFFFF0] =	vst v2  }
0x30a: {  	v2 =	vld [tilespmem:s9+$0x10];
	[tilespmem:s7+$0xFFFFFF90] =	vst v4  }
0x30b: {  	v4 =	vld [tilespmem:s9+$0x20]  }
0x30c: {  	v7 =	vld [tilespmem:s9+$0xFFFFFFC0]  }
0x30d: {  	v6 =	vld.idx.msk [tilespmem:v6+s1+$0x0], $0xffff  }
0x30e: {  	v8 =	vld.idx.msk [tilespmem:v5+s1+$0x0], $0xffff  }
0x30f: {  	v5 =	vld.idx.msk [tilespmem:v3+s1+$0x0], $0xffff  }
.Ltmp15:
0x310: {  	v3 =	vld.idx.msk [tilespmem:v0+s1+$0x0], $0xffff;
	(pc) =	sbr.rel @p0 .LBB2_32-.Ltmp15, $4  }
0x311: {  	v0 =	vld.idx.msk [tilespmem:v1+s1+$0x0], $0xffff  }
0x312: {  	s7 =	sadd.s32 $0x80, s7;
	v1 =	vld.idx.msk [tilespmem:v2+s1+$0x0], $0xffff  }
0x313: {  	v2 =	vld.idx.msk [tilespmem:v4+s1+$0x0], $0xffff;
	[tilespmem:s7+$0x0] =	vst v6  }
0x314: {  	s9 =	sadd.s32 $0x80, s9;
	v4 =	vld.idx.msk [tilespmem:v7+s1+$0x0], $0xffff;
	[tilespmem:s7+$0xFFFFFFA0] =	vst v8  }
0x315: {  	[tilespmem:s7+$0xFFFFFFB0] =	vst v5  }
0x316: {  	[tilespmem:s7+$0xFFFFFFC0] =	vst v3  }
0x317: {  	[tilespmem:s7+$0xFFFFFFD0] =	vst v0  }
0x318: {  	[tilespmem:s7+$0xFFFFFFE0] =	vst v1  }
0x319: {  	[tilespmem:s7+$0xFFFFFFF0] =	vst v2  }
0x31a: {  	[tilespmem:s7+$0xFFFFFF90] =	vst v4  }
0x31b: {  	s7 =	rddreg [dreg:$0xc]  }
0x31c: {  	[hbm4b:s7+s26] =	stream.strided.scatter [tilespmem:s3], [sflag:$0x3], $0x1000, s29, s26, $0x38;
	[tilespmem:$0x1F700] =	vst v63  }
0x31d: {  	s7 =	sadd.s32 $0x8000, s7  }
0x31e: {  	[hbm4b:s7+s26] =	stream.strided.scatter [tilespmem:s4], [sflag:$0x3], $0x1000, s29, s26, $0x38;
	[tilespmem:$0x1F700] =	vst v63  }
0x31f: {  	_ =	swait.ge [sflag:s2], $0x1000  }
0x320: {  	[sflag:s2] =	ssyncset.done $0x0  }
0x321: {  	[sflag:s2] =	ssyncadd.s32 $0xFFFFF000  }
0x322: {  	[tilespmem:s30], [sflag:$0x2] =	stream.strided.gather [hbm4b:s17+s26], $0x1000, s29, s26, $0x38;
	[tilespmem:$0x1F700] =	vst v63  }
0x323: {  	_ =	swait.ge [sflag:s5], $0x2000  }
0x324: {  	[sflag:s5] =	ssyncset.done $0x0  }
0x325: {  	s9 =	simm.s32 $0x19740;
	[sflag:s5] =	ssyncadd.s32 $0xFFFFE000  }
0x326: {  	v0 =	vld [tilespmem:s9+$0x30]  }
0x327: {  	v1 =	vld [tilespmem:s9+$0xFFFFFFD0]  }
0x328: {  	v2 =	vld [tilespmem:s9+$0xFFFFFFE0]  }
0x329: {  	v3 =	vld [tilespmem:s9+$0xFFFFFFF0]  }
0x32a: {  	v4 =	vld [tilespmem:s9+$0x0]  }
0x32b: {  	v6 =	vld [tilespmem:s9+$0x10]  }
0x32c: {  	v7 =	vld [tilespmem:s9+$0x20]  }
0x32d: {  	v8 =	vld [tilespmem:s9+$0xFFFFFFC0]  }
0x32e: {  	v9 =	vld.idx.msk [tilespmem:v0+s1+$0x0], $0xffff  }
0x32f: {  	v10 =	vld.idx.msk [tilespmem:v1+s1+$0x0], $0xffff  }
0x330: {  	v5 =	vld.idx.msk [tilespmem:v2+s1+$0x0], $0xffff  }
0x331: {  	v3 =	vld.idx.msk [tilespmem:v3+s1+$0x0], $0xffff  }
0x332: {  	v0 =	vld.idx.msk [tilespmem:v4+s1+$0x0], $0xffff  }
0x333: {  	s7 =	simm.s32 $0x1B740;
	v1 =	vld.idx.msk [tilespmem:v6+s1+$0x0], $0xffff  }
0x334: {  	v2 =	vld.idx.msk [tilespmem:v7+s1+$0x0], $0xffff;
	[tilespmem:s7+$0x30] =	vst v9  }
0x335: {  	s8 =	simm.s32 $0x0;
	s9 =	simm.s32 $0x197C0;
	v4 =	vld.idx.msk [tilespmem:v8+s1+$0x0], $0xffff;
	[tilespmem:s7+$0xFFFFFFD0] =	vst v10  }
.LBB2_34:
0x336: {  	v6 =	vld [tilespmem:s9+$0x30];
	s8 =	sadd.s32 $0x80, s8;
	[tilespmem:s7+$0xFFFFFFE0] =	vst v5  }
0x337: {  	v5 =	vld [tilespmem:s9+$0xFFFFFFD0];
	p0 =	slt.u32 s8, $0xF80;
	[tilespmem:s7+$0xFFFFFFF0] =	vst v3  }
0x338: {  	v3 =	vld [tilespmem:s9+$0xFFFFFFE0];
	[tilespmem:s7+$0x0] =	vst v0  }
0x339: {  	v0 =	vld [tilespmem:s9+$0xFFFFFFF0];
	[tilespmem:s7+$0x10] =	vst v1  }
0x33a: {  	v1 =	vld [tilespmem:s9+$0x0];
	[tilespmem:s7+$0x20] =	vst v2  }
0x33b: {  	v2 =	vld [tilespmem:s9+$0x10];
	[tilespmem:s7+$0xFFFFFFC0] =	vst v4  }
0x33c: {  	v4 =	vld [tilespmem:s9+$0x20]  }
0x33d: {  	v7 =	vld [tilespmem:s9+$0xFFFFFFC0]  }
0x33e: {  	v6 =	vld.idx.msk [tilespmem:v6+s1+$0x0], $0xffff  }
0x33f: {  	v8 =	vld.idx.msk [tilespmem:v5+s1+$0x0], $0xffff  }
0x340: {  	v5 =	vld.idx.msk [tilespmem:v3+s1+$0x0], $0xffff  }
.Ltmp16:
0x341: {  	v3 =	vld.idx.msk [tilespmem:v0+s1+$0x0], $0xffff;
	(pc) =	sbr.rel @p0 .LBB2_34-.Ltmp16, $4  }
0x342: {  	v0 =	vld.idx.msk [tilespmem:v1+s1+$0x0], $0xffff  }
0x343: {  	s7 =	sadd.s32 $0x80, s7;
	v1 =	vld.idx.msk [tilespmem:v2+s1+$0x0], $0xffff  }
0x344: {  	v2 =	vld.idx.msk [tilespmem:v4+s1+$0x0], $0xffff;
	[tilespmem:s7+$0x30] =	vst v6  }
0x345: {  	s9 =	sadd.s32 $0x80, s9;
	v4 =	vld.idx.msk [tilespmem:v7+s1+$0x0], $0xffff;
	[tilespmem:s7+$0xFFFFFFD0] =	vst v8  }
0x346: {  	[tilespmem:s7+$0xFFFFFFE0] =	vst v5  }
0x347: {  	[tilespmem:s7+$0xFFFFFFF0] =	vst v3  }
0x348: {  	[tilespmem:s7+$0x0] =	vst v0  }
0x349: {  	[tilespmem:s7+$0x10] =	vst v1  }
0x34a: {  	[tilespmem:s7+$0x20] =	vst v2  }
0x34b: {  	[tilespmem:s7+$0xFFFFFFC0] =	vst v4  }
0x34c: {  	_ =	swait.ge [sflag:s2], $0x1000  }
0x34d: {  	[sflag:s2] =	ssyncset.done $0x0  }
0x34e: {  	s9 =	simm.s32 $0x1A740;
	[sflag:s2] =	ssyncadd.s32 $0xFFFFF000  }
0x34f: {  	[tilespmem:s31], [sflag:$0x2] =	stream.strided.gather [hbm4b:s18+s26], $0x1000, s29, s26, $0x38;
	[tilespmem:$0x1F700] =	vst v63  }
0x350: {  	v0 =	vld [tilespmem:s9+$0x30]  }
0x351: {  	v1 =	vld [tilespmem:s9+$0xFFFFFFD0]  }
0x352: {  	v2 =	vld [tilespmem:s9+$0xFFFFFFE0]  }
0x353: {  	v3 =	vld [tilespmem:s9+$0xFFFFFFF0]  }
0x354: {  	v4 =	vld [tilespmem:s9+$0x0]  }
0x355: {  	v6 =	vld [tilespmem:s9+$0x10]  }
0x356: {  	v7 =	vld [tilespmem:s9+$0x20]  }
0x357: {  	v8 =	vld [tilespmem:s9+$0xFFFFFFC0]  }
0x358: {  	v9 =	vld.idx.msk [tilespmem:v0+s1+$0x0], $0xffff  }
0x359: {  	v10 =	vld.idx.msk [tilespmem:v1+s1+$0x0], $0xffff  }
0x35a: {  	v5 =	vld.idx.msk [tilespmem:v2+s1+$0x0], $0xffff  }
0x35b: {  	v3 =	vld.idx.msk [tilespmem:v3+s1+$0x0], $0xffff  }
0x35c: {  	v0 =	vld.idx.msk [tilespmem:v4+s1+$0x0], $0xffff  }
0x35d: {  	s7 =	simm.s32 $0x1C770;
	v1 =	vld.idx.msk [tilespmem:v6+s1+$0x0], $0xffff  }
0x35e: {  	v2 =	vld.idx.msk [tilespmem:v7+s1+$0x0], $0xffff;
	[tilespmem:s7+$0x0] =	vst v9  }
0x35f: {  	s8 =	simm.s32 $0x0;
	s9 =	simm.s32 $0x1A7C0;
	v4 =	vld.idx.msk [tilespmem:v8+s1+$0x0], $0xffff;
	[tilespmem:s7+$0xFFFFFFA0] =	vst v10  }
.LBB2_36:
0x360: {  	v6 =	vld [tilespmem:s9+$0x30];
	s8 =	sadd.s32 $0x80, s8;
	[tilespmem:s7+$0xFFFFFFB0] =	vst v5  }
0x361: {  	v5 =	vld [tilespmem:s9+$0xFFFFFFD0];
	p0 =	slt.u32 s8, $0xF80;
	[tilespmem:s7+$0xFFFFFFC0] =	vst v3  }
0x362: {  	v3 =	vld [tilespmem:s9+$0xFFFFFFE0];
	[tilespmem:s7+$0xFFFFFFD0] =	vst v0  }
0x363: {  	v0 =	vld [tilespmem:s9+$0xFFFFFFF0];
	[tilespmem:s7+$0xFFFFFFE0] =	vst v1  }
0x364: {  	v1 =	vld [tilespmem:s9+$0x0];
	[tilespmem:s7+$0xFFFFFFF0] =	vst v2  }
0x365: {  	v2 =	vld [tilespmem:s9+$0x10];
	[tilespmem:s7+$0xFFFFFF90] =	vst v4  }
0x366: {  	v4 =	vld [tilespmem:s9+$0x20]  }
0x367: {  	v7 =	vld [tilespmem:s9+$0xFFFFFFC0]  }
0x368: {  	v6 =	vld.idx.msk [tilespmem:v6+s1+$0x0], $0xffff  }
0x369: {  	v8 =	vld.idx.msk [tilespmem:v5+s1+$0x0], $0xffff  }
0x36a: {  	v5 =	vld.idx.msk [tilespmem:v3+s1+$0x0], $0xffff  }
.Ltmp17:
0x36b: {  	v3 =	vld.idx.msk [tilespmem:v0+s1+$0x0], $0xffff;
	(pc) =	sbr.rel @p0 .LBB2_36-.Ltmp17, $4  }
0x36c: {  	v0 =	vld.idx.msk [tilespmem:v1+s1+$0x0], $0xffff  }
0x36d: {  	s7 =	sadd.s32 $0x80, s7;
	v1 =	vld.idx.msk [tilespmem:v2+s1+$0x0], $0xffff  }
0x36e: {  	v2 =	vld.idx.msk [tilespmem:v4+s1+$0x0], $0xffff;
	[tilespmem:s7+$0x0] =	vst v6  }
0x36f: {  	s9 =	sadd.s32 $0x80, s9;
	v4 =	vld.idx.msk [tilespmem:v7+s1+$0x0], $0xffff;
	[tilespmem:s7+$0xFFFFFFA0] =	vst v8  }
0x370: {  	[tilespmem:s7+$0xFFFFFFB0] =	vst v5  }
0x371: {  	[tilespmem:s7+$0xFFFFFFC0] =	vst v3  }
0x372: {  	[tilespmem:s7+$0xFFFFFFD0] =	vst v0  }
0x373: {  	[tilespmem:s7+$0xFFFFFFE0] =	vst v1  }
0x374: {  	[tilespmem:s7+$0xFFFFFFF0] =	vst v2  }
0x375: {  	[tilespmem:s7+$0xFFFFFF90] =	vst v4  }
0x376: {  	s7 =	rddreg [dreg:$0xe]  }
0x377: {  	[hbm4b:s7+s26] =	stream.strided.scatter [tilespmem:s0], [sflag:$0x3], $0x1000, s29, s26, $0x38;
	[tilespmem:$0x1F700] =	vst v63  }
0x378: {  	s7 =	sadd.s32 $0x8000, s7  }
0x379: {  	[hbm4b:s7+s26] =	stream.strided.scatter [tilespmem:s28], [sflag:$0x3], $0x1000, s29, s26, $0x38;
	[tilespmem:$0x1F700] =	vst v63  }
0x37a: {  	_ =	swait.ge [sflag:s2], $0x1000  }
0x37b: {  	[sflag:s2] =	ssyncset.done $0x0  }
0x37c: {  	[sflag:s2] =	ssyncadd.s32 $0xFFFFF000  }
0x37d: {  	[tilespmem:s11], [sflag:$0x2] =	stream.strided.gather [hbm4b:s19+s26], $0x1000, s29, s26, $0x38;
	[tilespmem:$0x1F700] =	vst v63  }
0x37e: {  	_ =	swait.ge [sflag:s5], $0x2000  }
0x37f: {  	[sflag:s5] =	ssyncset.done $0x0  }
0x380: {  	s9 =	simm.s32 $0x18740;
	[sflag:s5] =	ssyncadd.s32 $0xFFFFE000  }
0x381: {  	v0 =	vld [tilespmem:s9+$0x30]  }
0x382: {  	v1 =	vld [tilespmem:s9+$0xFFFFFFD0]  }
0x383: {  	v2 =	vld [tilespmem:s9+$0xFFFFFFE0]  }
0x384: {  	v3 =	vld [tilespmem:s9+$0xFFFFFFF0]  }
0x385: {  	v4 =	vld [tilespmem:s9+$0x0]  }
0x386: {  	v6 =	vld [tilespmem:s9+$0x10]  }
0x387: {  	v7 =	vld [tilespmem:s9+$0x20]  }
0x388: {  	v8 =	vld [tilespmem:s9+$0xFFFFFFC0]  }
0x389: {  	v9 =	vld.idx.msk [tilespmem:v0+s1+$0x0], $0xffff  }
0x38a: {  	v10 =	vld.idx.msk [tilespmem:v1+s1+$0x0], $0xffff  }
0x38b: {  	v5 =	vld.idx.msk [tilespmem:v2+s1+$0x0], $0xffff  }
0x38c: {  	v3 =	vld.idx.msk [tilespmem:v3+s1+$0x0], $0xffff  }
0x38d: {  	v0 =	vld.idx.msk [tilespmem:v4+s1+$0x0], $0xffff  }
0x38e: {  	s7 =	simm.s32 $0x1D740;
	v1 =	vld.idx.msk [tilespmem:v6+s1+$0x0], $0xffff  }
0x38f: {  	v2 =	vld.idx.msk [tilespmem:v7+s1+$0x0], $0xffff;
	[tilespmem:s7+$0x30] =	vst v9  }
0x390: {  	s8 =	simm.s32 $0x0;
	s9 =	simm.s32 $0x187C0;
	v4 =	vld.idx.msk [tilespmem:v8+s1+$0x0], $0xffff;
	[tilespmem:s7+$0xFFFFFFD0] =	vst v10  }
.LBB2_38:
0x391: {  	v6 =	vld [tilespmem:s9+$0x30];
	s8 =	sadd.s32 $0x80, s8;
	[tilespmem:s7+$0xFFFFFFE0] =	vst v5  }
0x392: {  	v5 =	vld [tilespmem:s9+$0xFFFFFFD0];
	p0 =	slt.u32 s8, $0xF80;
	[tilespmem:s7+$0xFFFFFFF0] =	vst v3  }
0x393: {  	v3 =	vld [tilespmem:s9+$0xFFFFFFE0];
	[tilespmem:s7+$0x0] =	vst v0  }
0x394: {  	v0 =	vld [tilespmem:s9+$0xFFFFFFF0];
	[tilespmem:s7+$0x10] =	vst v1  }
0x395: {  	v1 =	vld [tilespmem:s9+$0x0];
	[tilespmem:s7+$0x20] =	vst v2  }
0x396: {  	v2 =	vld [tilespmem:s9+$0x10];
	[tilespmem:s7+$0xFFFFFFC0] =	vst v4  }
0x397: {  	v4 =	vld [tilespmem:s9+$0x20]  }
0x398: {  	v7 =	vld [tilespmem:s9+$0xFFFFFFC0]  }
0x399: {  	v6 =	vld.idx.msk [tilespmem:v6+s1+$0x0], $0xffff  }
0x39a: {  	v8 =	vld.idx.msk [tilespmem:v5+s1+$0x0], $0xffff  }
0x39b: {  	v5 =	vld.idx.msk [tilespmem:v3+s1+$0x0], $0xffff  }
.Ltmp18:
0x39c: {  	v3 =	vld.idx.msk [tilespmem:v0+s1+$0x0], $0xffff;
	(pc) =	sbr.rel @p0 .LBB2_38-.Ltmp18, $4  }
0x39d: {  	v0 =	vld.idx.msk [tilespmem:v1+s1+$0x0], $0xffff  }
0x39e: {  	s7 =	sadd.s32 $0x80, s7;
	v1 =	vld.idx.msk [tilespmem:v2+s1+$0x0], $0xffff  }
0x39f: {  	v2 =	vld.idx.msk [tilespmem:v4+s1+$0x0], $0xffff;
	[tilespmem:s7+$0x30] =	vst v6  }
0x3a0: {  	s9 =	sadd.s32 $0x80, s9;
	v4 =	vld.idx.msk [tilespmem:v7+s1+$0x0], $0xffff;
	[tilespmem:s7+$0xFFFFFFD0] =	vst v8  }
0x3a1: {  	[tilespmem:s7+$0xFFFFFFE0] =	vst v5  }
0x3a2: {  	[tilespmem:s7+$0xFFFFFFF0] =	vst v3  }
0x3a3: {  	[tilespmem:s7+$0x0] =	vst v0  }
0x3a4: {  	[tilespmem:s7+$0x10] =	vst v1  }
0x3a5: {  	[tilespmem:s7+$0x20] =	vst v2  }
0x3a6: {  	[tilespmem:s7+$0xFFFFFFC0] =	vst v4  }
0x3a7: {  	_ =	swait.ge [sflag:s2], $0x1000  }
0x3a8: {  	[sflag:s2] =	ssyncset.done $0x0  }
0x3a9: {  	s9 =	simm.s32 $0x19740;
	[sflag:s2] =	ssyncadd.s32 $0xFFFFF000  }
0x3aa: {  	[tilespmem:s30], [sflag:$0x2] =	stream.strided.gather [hbm4b:s20+s26], $0x1000, s29, s26, $0x38;
	[tilespmem:$0x1F700] =	vst v63  }
0x3ab: {  	v0 =	vld [tilespmem:s9+$0x30]  }
0x3ac: {  	v1 =	vld [tilespmem:s9+$0xFFFFFFD0]  }
0x3ad: {  	v2 =	vld [tilespmem:s9+$0xFFFFFFE0]  }
0x3ae: {  	v3 =	vld [tilespmem:s9+$0xFFFFFFF0]  }
0x3af: {  	v4 =	vld [tilespmem:s9+$0x0]  }
0x3b0: {  	v6 =	vld [tilespmem:s9+$0x10]  }
0x3b1: {  	v7 =	vld [tilespmem:s9+$0x20]  }
0x3b2: {  	v8 =	vld [tilespmem:s9+$0xFFFFFFC0]  }
0x3b3: {  	v9 =	vld.idx.msk [tilespmem:v0+s1+$0x0], $0xffff  }
0x3b4: {  	v10 =	vld.idx.msk [tilespmem:v1+s1+$0x0], $0xffff  }
0x3b5: {  	v5 =	vld.idx.msk [tilespmem:v2+s1+$0x0], $0xffff  }
0x3b6: {  	v3 =	vld.idx.msk [tilespmem:v3+s1+$0x0], $0xffff  }
0x3b7: {  	v0 =	vld.idx.msk [tilespmem:v4+s1+$0x0], $0xffff  }
0x3b8: {  	s7 =	simm.s32 $0x1E770;
	v1 =	vld.idx.msk [tilespmem:v6+s1+$0x0], $0xffff  }
0x3b9: {  	v2 =	vld.idx.msk [tilespmem:v7+s1+$0x0], $0xffff;
	[tilespmem:s7+$0x0] =	vst v9  }
0x3ba: {  	s8 =	simm.s32 $0x0;
	s9 =	simm.s32 $0x197C0;
	v4 =	vld.idx.msk [tilespmem:v8+s1+$0x0], $0xffff;
	[tilespmem:s7+$0xFFFFFFA0] =	vst v10  }
.LBB2_40:
0x3bb: {  	v6 =	vld [tilespmem:s9+$0x30];
	s8 =	sadd.s32 $0x80, s8;
	[tilespmem:s7+$0xFFFFFFB0] =	vst v5  }
0x3bc: {  	v5 =	vld [tilespmem:s9+$0xFFFFFFD0];
	p0 =	slt.u32 s8, $0xF80;
	[tilespmem:s7+$0xFFFFFFC0] =	vst v3  }
0x3bd: {  	v3 =	vld [tilespmem:s9+$0xFFFFFFE0];
	[tilespmem:s7+$0xFFFFFFD0] =	vst v0  }
0x3be: {  	v0 =	vld [tilespmem:s9+$0xFFFFFFF0];
	[tilespmem:s7+$0xFFFFFFE0] =	vst v1  }
0x3bf: {  	v1 =	vld [tilespmem:s9+$0x0];
	[tilespmem:s7+$0xFFFFFFF0] =	vst v2  }
0x3c0: {  	v2 =	vld [tilespmem:s9+$0x10];
	[tilespmem:s7+$0xFFFFFF90] =	vst v4  }
0x3c1: {  	v4 =	vld [tilespmem:s9+$0x20]  }
0x3c2: {  	v7 =	vld [tilespmem:s9+$0xFFFFFFC0]  }
0x3c3: {  	v6 =	vld.idx.msk [tilespmem:v6+s1+$0x0], $0xffff  }
0x3c4: {  	v8 =	vld.idx.msk [tilespmem:v5+s1+$0x0], $0xffff  }
0x3c5: {  	v5 =	vld.idx.msk [tilespmem:v3+s1+$0x0], $0xffff  }
.Ltmp19:
0x3c6: {  	v3 =	vld.idx.msk [tilespmem:v0+s1+$0x0], $0xffff;
	(pc) =	sbr.rel @p0 .LBB2_40-.Ltmp19, $4  }
0x3c7: {  	v0 =	vld.idx.msk [tilespmem:v1+s1+$0x0], $0xffff  }
0x3c8: {  	s7 =	sadd.s32 $0x80, s7;
	v1 =	vld.idx.msk [tilespmem:v2+s1+$0x0], $0xffff  }
0x3c9: {  	v2 =	vld.idx.msk [tilespmem:v4+s1+$0x0], $0xffff;
	[tilespmem:s7+$0x0] =	vst v6  }
0x3ca: {  	s9 =	sadd.s32 $0x80, s9;
	v4 =	vld.idx.msk [tilespmem:v7+s1+$0x0], $0xffff;
	[tilespmem:s7+$0xFFFFFFA0] =	vst v8  }
0x3cb: {  	[tilespmem:s7+$0xFFFFFFB0] =	vst v5  }
0x3cc: {  	[tilespmem:s7+$0xFFFFFFC0] =	vst v3  }
0x3cd: {  	[tilespmem:s7+$0xFFFFFFD0] =	vst v0  }
0x3ce: {  	[tilespmem:s7+$0xFFFFFFE0] =	vst v1  }
0x3cf: {  	[tilespmem:s7+$0xFFFFFFF0] =	vst v2  }
0x3d0: {  	[tilespmem:s7+$0xFFFFFF90] =	vst v4  }
0x3d1: {  	s7 =	rddreg [dreg:$0xf]  }
0x3d2: {  	[hbm4b:s7+s26] =	stream.strided.scatter [tilespmem:s3], [sflag:$0x3], $0x1000, s29, s26, $0x38;
	[tilespmem:$0x1F700] =	vst v63  }
0x3d3: {  	s7 =	sadd.s32 $0x8000, s7  }
0x3d4: {  	[hbm4b:s7+s26] =	stream.strided.scatter [tilespmem:s4], [sflag:$0x3], $0x1000, s29, s26, $0x38;
	[tilespmem:$0x1F700] =	vst v63  }
0x3d5: {  	_ =	swait.ge [sflag:s2], $0x1000  }
0x3d6: {  	[sflag:s2] =	ssyncset.done $0x0  }
0x3d7: {  	[sflag:s2] =	ssyncadd.s32 $0xFFFFF000  }
0x3d8: {  	[tilespmem:s31], [sflag:$0x2] =	stream.strided.gather [hbm4b:s21+s26], $0x1000, s29, s26, $0x38;
	[tilespmem:$0x1F700] =	vst v63  }
0x3d9: {  	_ =	swait.ge [sflag:s5], $0x2000  }
0x3da: {  	[sflag:s5] =	ssyncset.done $0x0  }
0x3db: {  	s9 =	simm.s32 $0x1A740;
	[sflag:s5] =	ssyncadd.s32 $0xFFFFE000  }
0x3dc: {  	v0 =	vld [tilespmem:s9+$0x30]  }
0x3dd: {  	v1 =	vld [tilespmem:s9+$0xFFFFFFD0]  }
0x3de: {  	v2 =	vld [tilespmem:s9+$0xFFFFFFE0]  }
0x3df: {  	v3 =	vld [tilespmem:s9+$0xFFFFFFF0]  }
0x3e0: {  	v4 =	vld [tilespmem:s9+$0x0]  }
0x3e1: {  	v6 =	vld [tilespmem:s9+$0x10]  }
0x3e2: {  	v7 =	vld [tilespmem:s9+$0x20]  }
0x3e3: {  	v8 =	vld [tilespmem:s9+$0xFFFFFFC0]  }
0x3e4: {  	v9 =	vld.idx.msk [tilespmem:v0+s1+$0x0], $0xffff  }
0x3e5: {  	v10 =	vld.idx.msk [tilespmem:v1+s1+$0x0], $0xffff  }
0x3e6: {  	v5 =	vld.idx.msk [tilespmem:v2+s1+$0x0], $0xffff  }
0x3e7: {  	v3 =	vld.idx.msk [tilespmem:v3+s1+$0x0], $0xffff  }
0x3e8: {  	v0 =	vld.idx.msk [tilespmem:v4+s1+$0x0], $0xffff  }
0x3e9: {  	s7 =	simm.s32 $0x1B740;
	v1 =	vld.idx.msk [tilespmem:v6+s1+$0x0], $0xffff  }
0x3ea: {  	v2 =	vld.idx.msk [tilespmem:v7+s1+$0x0], $0xffff;
	[tilespmem:s7+$0x30] =	vst v9  }
0x3eb: {  	s8 =	simm.s32 $0x0;
	s9 =	simm.s32 $0x1A7C0;
	v4 =	vld.idx.msk [tilespmem:v8+s1+$0x0], $0xffff;
	[tilespmem:s7+$0xFFFFFFD0] =	vst v10  }
.LBB2_42:
0x3ec: {  	v6 =	vld [tilespmem:s9+$0x30];
	s8 =	sadd.s32 $0x80, s8;
	[tilespmem:s7+$0xFFFFFFE0] =	vst v5  }
0x3ed: {  	v5 =	vld [tilespmem:s9+$0xFFFFFFD0];
	p0 =	slt.u32 s8, $0xF80;
	[tilespmem:s7+$0xFFFFFFF0] =	vst v3  }
0x3ee: {  	v3 =	vld [tilespmem:s9+$0xFFFFFFE0];
	[tilespmem:s7+$0x0] =	vst v0  }
0x3ef: {  	v0 =	vld [tilespmem:s9+$0xFFFFFFF0];
	[tilespmem:s7+$0x10] =	vst v1  }
0x3f0: {  	v1 =	vld [tilespmem:s9+$0x0];
	[tilespmem:s7+$0x20] =	vst v2  }
0x3f1: {  	v2 =	vld [tilespmem:s9+$0x10];
	[tilespmem:s7+$0xFFFFFFC0] =	vst v4  }
0x3f2: {  	v4 =	vld [tilespmem:s9+$0x20]  }
0x3f3: {  	v7 =	vld [tilespmem:s9+$0xFFFFFFC0]  }
0x3f4: {  	v6 =	vld.idx.msk [tilespmem:v6+s1+$0x0], $0xffff  }
0x3f5: {  	v8 =	vld.idx.msk [tilespmem:v5+s1+$0x0], $0xffff  }
0x3f6: {  	v5 =	vld.idx.msk [tilespmem:v3+s1+$0x0], $0xffff  }
.Ltmp20:
0x3f7: {  	v3 =	vld.idx.msk [tilespmem:v0+s1+$0x0], $0xffff;
	(pc) =	sbr.rel @p0 .LBB2_42-.Ltmp20, $4  }
0x3f8: {  	v0 =	vld.idx.msk [tilespmem:v1+s1+$0x0], $0xffff  }
0x3f9: {  	s7 =	sadd.s32 $0x80, s7;
	v1 =	vld.idx.msk [tilespmem:v2+s1+$0x0], $0xffff  }
0x3fa: {  	v2 =	vld.idx.msk [tilespmem:v4+s1+$0x0], $0xffff;
	[tilespmem:s7+$0x30] =	vst v6  }
0x3fb: {  	s9 =	sadd.s32 $0x80, s9;
	v4 =	vld.idx.msk [tilespmem:v7+s1+$0x0], $0xffff;
	[tilespmem:s7+$0xFFFFFFD0] =	vst v8  }
0x3fc: {  	[tilespmem:s7+$0xFFFFFFE0] =	vst v5  }
0x3fd: {  	[tilespmem:s7+$0xFFFFFFF0] =	vst v3  }
0x3fe: {  	[tilespmem:s7+$0x0] =	vst v0  }
0x3ff: {  	[tilespmem:s7+$0x10] =	vst v1  }
0x400: {  	[tilespmem:s7+$0x20] =	vst v2  }
0x401: {  	[tilespmem:s7+$0xFFFFFFC0] =	vst v4  }
0x402: {  	_ =	swait.ge [sflag:s2], $0x1000  }
0x403: {  	[sflag:s2] =	ssyncset.done $0x0  }
0x404: {  	s9 =	simm.s32 $0x18740;
	[sflag:s2] =	ssyncadd.s32 $0xFFFFF000  }
0x405: {  	[tilespmem:s11], [sflag:$0x2] =	stream.strided.gather [hbm4b:s22+s26], $0x1000, s29, s26, $0x38;
	[tilespmem:$0x1F700] =	vst v63  }
0x406: {  	v0 =	vld [tilespmem:s9+$0x30]  }
0x407: {  	v1 =	vld [tilespmem:s9+$0xFFFFFFD0]  }
0x408: {  	v2 =	vld [tilespmem:s9+$0xFFFFFFE0]  }
0x409: {  	v3 =	vld [tilespmem:s9+$0xFFFFFFF0]  }
0x40a: {  	v4 =	vld [tilespmem:s9+$0x0]  }
0x40b: {  	v6 =	vld [tilespmem:s9+$0x10]  }
0x40c: {  	v7 =	vld [tilespmem:s9+$0x20]  }
0x40d: {  	v8 =	vld [tilespmem:s9+$0xFFFFFFC0]  }
0x40e: {  	v9 =	vld.idx.msk [tilespmem:v0+s1+$0x0], $0xffff  }
0x40f: {  	v10 =	vld.idx.msk [tilespmem:v1+s1+$0x0], $0xffff  }
0x410: {  	v5 =	vld.idx.msk [tilespmem:v2+s1+$0x0], $0xffff  }
0x411: {  	v3 =	vld.idx.msk [tilespmem:v3+s1+$0x0], $0xffff  }
0x412: {  	v0 =	vld.idx.msk [tilespmem:v4+s1+$0x0], $0xffff  }
0x413: {  	s7 =	simm.s32 $0x1C770;
	v1 =	vld.idx.msk [tilespmem:v6+s1+$0x0], $0xffff  }
0x414: {  	v2 =	vld.idx.msk [tilespmem:v7+s1+$0x0], $0xffff;
	[tilespmem:s7+$0x0] =	vst v9  }
0x415: {  	s8 =	simm.s32 $0x0;
	s9 =	simm.s32 $0x187C0;
	v4 =	vld.idx.msk [tilespmem:v8+s1+$0x0], $0xffff;
	[tilespmem:s7+$0xFFFFFFA0] =	vst v10  }
.LBB2_44:
0x416: {  	v6 =	vld [tilespmem:s9+$0x30];
	s8 =	sadd.s32 $0x80, s8;
	[tilespmem:s7+$0xFFFFFFB0] =	vst v5  }
0x417: {  	v5 =	vld [tilespmem:s9+$0xFFFFFFD0];
	p0 =	slt.u32 s8, $0xF80;
	[tilespmem:s7+$0xFFFFFFC0] =	vst v3  }
0x418: {  	v3 =	vld [tilespmem:s9+$0xFFFFFFE0];
	[tilespmem:s7+$0xFFFFFFD0] =	vst v0  }
0x419: {  	v0 =	vld [tilespmem:s9+$0xFFFFFFF0];
	[tilespmem:s7+$0xFFFFFFE0] =	vst v1  }
0x41a: {  	v1 =	vld [tilespmem:s9+$0x0];
	[tilespmem:s7+$0xFFFFFFF0] =	vst v2  }
0x41b: {  	v2 =	vld [tilespmem:s9+$0x10];
	[tilespmem:s7+$0xFFFFFF90] =	vst v4  }
0x41c: {  	v4 =	vld [tilespmem:s9+$0x20]  }
0x41d: {  	v7 =	vld [tilespmem:s9+$0xFFFFFFC0]  }
0x41e: {  	v6 =	vld.idx.msk [tilespmem:v6+s1+$0x0], $0xffff  }
0x41f: {  	v8 =	vld.idx.msk [tilespmem:v5+s1+$0x0], $0xffff  }
0x420: {  	v5 =	vld.idx.msk [tilespmem:v3+s1+$0x0], $0xffff  }
.Ltmp21:
0x421: {  	v3 =	vld.idx.msk [tilespmem:v0+s1+$0x0], $0xffff;
	(pc) =	sbr.rel @p0 .LBB2_44-.Ltmp21, $4  }
0x422: {  	v0 =	vld.idx.msk [tilespmem:v1+s1+$0x0], $0xffff  }
0x423: {  	s7 =	sadd.s32 $0x80, s7;
	v1 =	vld.idx.msk [tilespmem:v2+s1+$0x0], $0xffff  }
0x424: {  	v2 =	vld.idx.msk [tilespmem:v4+s1+$0x0], $0xffff;
	[tilespmem:s7+$0x0] =	vst v6  }
0x425: {  	s9 =	sadd.s32 $0x80, s9;
	v4 =	vld.idx.msk [tilespmem:v7+s1+$0x0], $0xffff;
	[tilespmem:s7+$0xFFFFFFA0] =	vst v8  }
0x426: {  	[tilespmem:s7+$0xFFFFFFB0] =	vst v5  }
0x427: {  	[tilespmem:s7+$0xFFFFFFC0] =	vst v3  }
0x428: {  	[tilespmem:s7+$0xFFFFFFD0] =	vst v0  }
0x429: {  	[tilespmem:s7+$0xFFFFFFE0] =	vst v1  }
0x42a: {  	[tilespmem:s7+$0xFFFFFFF0] =	vst v2  }
0x42b: {  	[tilespmem:s7+$0xFFFFFF90] =	vst v4  }
0x42c: {  	s7 =	rddreg [dreg:$0x10]  }
0x42d: {  	[hbm4b:s7+s26] =	stream.strided.scatter [tilespmem:s0], [sflag:$0x3], $0x1000, s29, s26, $0x38;
	[tilespmem:$0x1F700] =	vst v63  }
0x42e: {  	s7 =	sadd.s32 $0x8000, s7  }
0x42f: {  	[hbm4b:s7+s26] =	stream.strided.scatter [tilespmem:s28], [sflag:$0x3], $0x1000, s29, s26, $0x38;
	[tilespmem:$0x1F700] =	vst v63  }
0x430: {  	_ =	swait.ge [sflag:s2], $0x1000  }
0x431: {  	[sflag:s2] =	ssyncset.done $0x0  }
0x432: {  	[sflag:s2] =	ssyncadd.s32 $0xFFFFF000  }
0x433: {  	[tilespmem:s30], [sflag:$0x2] =	stream.strided.gather [hbm4b:s24+s26], $0x1000, s29, s26, $0x38;
	[tilespmem:$0x1F700] =	vst v63  }
0x434: {  	_ =	swait.ge [sflag:s5], $0x2000  }
0x435: {  	[sflag:s5] =	ssyncset.done $0x0  }
0x436: {  	s9 =	simm.s32 $0x19740;
	[sflag:s5] =	ssyncadd.s32 $0xFFFFE000  }
0x437: {  	v0 =	vld [tilespmem:s9+$0x30]  }
0x438: {  	v1 =	vld [tilespmem:s9+$0xFFFFFFD0]  }
0x439: {  	v2 =	vld [tilespmem:s9+$0xFFFFFFE0]  }
0x43a: {  	v3 =	vld [tilespmem:s9+$0xFFFFFFF0]  }
0x43b: {  	v4 =	vld [tilespmem:s9+$0x0]  }
0x43c: {  	v6 =	vld [tilespmem:s9+$0x10]  }
0x43d: {  	v7 =	vld [tilespmem:s9+$0x20]  }
0x43e: {  	v8 =	vld [tilespmem:s9+$0xFFFFFFC0]  }
0x43f: {  	v9 =	vld.idx.msk [tilespmem:v0+s1+$0x0], $0xffff  }
0x440: {  	v10 =	vld.idx.msk [tilespmem:v1+s1+$0x0], $0xffff  }
0x441: {  	v5 =	vld.idx.msk [tilespmem:v2+s1+$0x0], $0xffff  }
0x442: {  	v3 =	vld.idx.msk [tilespmem:v3+s1+$0x0], $0xffff  }
0x443: {  	v0 =	vld.idx.msk [tilespmem:v4+s1+$0x0], $0xffff  }
0x444: {  	s7 =	simm.s32 $0x1D740;
	v1 =	vld.idx.msk [tilespmem:v6+s1+$0x0], $0xffff  }
0x445: {  	v2 =	vld.idx.msk [tilespmem:v7+s1+$0x0], $0xffff;
	[tilespmem:s7+$0x30] =	vst v9  }
0x446: {  	s8 =	simm.s32 $0x0;
	s9 =	simm.s32 $0x197C0;
	v4 =	vld.idx.msk [tilespmem:v8+s1+$0x0], $0xffff;
	[tilespmem:s7+$0xFFFFFFD0] =	vst v10  }
.LBB2_46:
0x447: {  	v6 =	vld [tilespmem:s9+$0x30];
	s8 =	sadd.s32 $0x80, s8;
	[tilespmem:s7+$0xFFFFFFE0] =	vst v5  }
0x448: {  	v5 =	vld [tilespmem:s9+$0xFFFFFFD0];
	p0 =	slt.u32 s8, $0xF80;
	[tilespmem:s7+$0xFFFFFFF0] =	vst v3  }
0x449: {  	v3 =	vld [tilespmem:s9+$0xFFFFFFE0];
	[tilespmem:s7+$0x0] =	vst v0  }
0x44a: {  	v0 =	vld [tilespmem:s9+$0xFFFFFFF0];
	[tilespmem:s7+$0x10] =	vst v1  }
0x44b: {  	v1 =	vld [tilespmem:s9+$0x0];
	[tilespmem:s7+$0x20] =	vst v2  }
0x44c: {  	v2 =	vld [tilespmem:s9+$0x10];
	[tilespmem:s7+$0xFFFFFFC0] =	vst v4  }
0x44d: {  	v4 =	vld [tilespmem:s9+$0x20]  }
0x44e: {  	v7 =	vld [tilespmem:s9+$0xFFFFFFC0]  }
0x44f: {  	v6 =	vld.idx.msk [tilespmem:v6+s1+$0x0], $0xffff  }
0x450: {  	v8 =	vld.idx.msk [tilespmem:v5+s1+$0x0], $0xffff  }
0x451: {  	v5 =	vld.idx.msk [tilespmem:v3+s1+$0x0], $0xffff  }
.Ltmp22:
0x452: {  	v3 =	vld.idx.msk [tilespmem:v0+s1+$0x0], $0xffff;
	(pc) =	sbr.rel @p0 .LBB2_46-.Ltmp22, $4  }
0x453: {  	v0 =	vld.idx.msk [tilespmem:v1+s1+$0x0], $0xffff  }
0x454: {  	s7 =	sadd.s32 $0x80, s7;
	v1 =	vld.idx.msk [tilespmem:v2+s1+$0x0], $0xffff  }
0x455: {  	v2 =	vld.idx.msk [tilespmem:v4+s1+$0x0], $0xffff;
	[tilespmem:s7+$0x30] =	vst v6  }
0x456: {  	s9 =	sadd.s32 $0x80, s9;
	v4 =	vld.idx.msk [tilespmem:v7+s1+$0x0], $0xffff;
	[tilespmem:s7+$0xFFFFFFD0] =	vst v8  }
0x457: {  	[tilespmem:s7+$0xFFFFFFE0] =	vst v5  }
0x458: {  	[tilespmem:s7+$0xFFFFFFF0] =	vst v3  }
0x459: {  	[tilespmem:s7+$0x0] =	vst v0  }
0x45a: {  	[tilespmem:s7+$0x10] =	vst v1  }
0x45b: {  	[tilespmem:s7+$0x20] =	vst v2  }
0x45c: {  	[tilespmem:s7+$0xFFFFFFC0] =	vst v4  }
0x45d: {  	_ =	swait.ge [sflag:s2], $0x1000  }
0x45e: {  	[sflag:s2] =	ssyncset.done $0x0  }
0x45f: {  	s9 =	simm.s32 $0x1A740;
	[sflag:s2] =	ssyncadd.s32 $0xFFFFF000  }
0x460: {  	[tilespmem:s31], [sflag:$0x2] =	stream.strided.gather [hbm4b:s25+s26], $0x1000, s29, s26, $0x38;
	[tilespmem:$0x1F700] =	vst v63  }
0x461: {  	v0 =	vld [tilespmem:s9+$0x30]  }
0x462: {  	v1 =	vld [tilespmem:s9+$0xFFFFFFD0]  }
0x463: {  	v2 =	vld [tilespmem:s9+$0xFFFFFFE0]  }
0x464: {  	v3 =	vld [tilespmem:s9+$0xFFFFFFF0]  }
0x465: {  	v4 =	vld [tilespmem:s9+$0x0]  }
0x466: {  	v6 =	vld [tilespmem:s9+$0x10]  }
0x467: {  	v7 =	vld [tilespmem:s9+$0x20]  }
0x468: {  	v8 =	vld [tilespmem:s9+$0xFFFFFFC0]  }
0x469: {  	v9 =	vld.idx.msk [tilespmem:v0+s1+$0x0], $0xffff  }
0x46a: {  	v10 =	vld.idx.msk [tilespmem:v1+s1+$0x0], $0xffff  }
0x46b: {  	v5 =	vld.idx.msk [tilespmem:v2+s1+$0x0], $0xffff  }
0x46c: {  	v3 =	vld.idx.msk [tilespmem:v3+s1+$0x0], $0xffff  }
0x46d: {  	v0 =	vld.idx.msk [tilespmem:v4+s1+$0x0], $0xffff  }
0x46e: {  	s7 =	simm.s32 $0x1E770;
	v1 =	vld.idx.msk [tilespmem:v6+s1+$0x0], $0xffff  }
0x46f: {  	v2 =	vld.idx.msk [tilespmem:v7+s1+$0x0], $0xffff;
	[tilespmem:s7+$0x0] =	vst v9  }
0x470: {  	s8 =	simm.s32 $0x0;
	s9 =	simm.s32 $0x1A7C0;
	v4 =	vld.idx.msk [tilespmem:v8+s1+$0x0], $0xffff;
	[tilespmem:s7+$0xFFFFFFA0] =	vst v10  }
.LBB2_48:
0x471: {  	v6 =	vld [tilespmem:s9+$0x30];
	s8 =	sadd.s32 $0x80, s8;
	[tilespmem:s7+$0xFFFFFFB0] =	vst v5  }
0x472: {  	v5 =	vld [tilespmem:s9+$0xFFFFFFD0];
	p0 =	slt.u32 s8, $0xF80;
	[tilespmem:s7+$0xFFFFFFC0] =	vst v3  }
0x473: {  	v3 =	vld [tilespmem:s9+$0xFFFFFFE0];
	[tilespmem:s7+$0xFFFFFFD0] =	vst v0  }
0x474: {  	v0 =	vld [tilespmem:s9+$0xFFFFFFF0];
	[tilespmem:s7+$0xFFFFFFE0] =	vst v1  }
0x475: {  	v1 =	vld [tilespmem:s9+$0x0];
	[tilespmem:s7+$0xFFFFFFF0] =	vst v2  }
0x476: {  	v2 =	vld [tilespmem:s9+$0x10];
	[tilespmem:s7+$0xFFFFFF90] =	vst v4  }
0x477: {  	v4 =	vld [tilespmem:s9+$0x20]  }
0x478: {  	v7 =	vld [tilespmem:s9+$0xFFFFFFC0]  }
0x479: {  	v6 =	vld.idx.msk [tilespmem:v6+s1+$0x0], $0xffff  }
0x47a: {  	v8 =	vld.idx.msk [tilespmem:v5+s1+$0x0], $0xffff  }
0x47b: {  	v5 =	vld.idx.msk [tilespmem:v3+s1+$0x0], $0xffff  }
.Ltmp23:
0x47c: {  	v3 =	vld.idx.msk [tilespmem:v0+s1+$0x0], $0xffff;
	(pc) =	sbr.rel @p0 .LBB2_48-.Ltmp23, $4  }
0x47d: {  	v0 =	vld.idx.msk [tilespmem:v1+s1+$0x0], $0xffff  }
0x47e: {  	s7 =	sadd.s32 $0x80, s7;
	v1 =	vld.idx.msk [tilespmem:v2+s1+$0x0], $0xffff  }
0x47f: {  	v2 =	vld.idx.msk [tilespmem:v4+s1+$0x0], $0xffff;
	[tilespmem:s7+$0x0] =	vst v6  }
0x480: {  	s9 =	sadd.s32 $0x80, s9;
	v4 =	vld.idx.msk [tilespmem:v7+s1+$0x0], $0xffff;
	[tilespmem:s7+$0xFFFFFFA0] =	vst v8  }
0x481: {  	[tilespmem:s7+$0xFFFFFFB0] =	vst v5  }
0x482: {  	[tilespmem:s7+$0xFFFFFFC0] =	vst v3  }
0x483: {  	[tilespmem:s7+$0xFFFFFFD0] =	vst v0  }
0x484: {  	[tilespmem:s7+$0xFFFFFFE0] =	vst v1  }
0x485: {  	[tilespmem:s7+$0xFFFFFFF0] =	vst v2  }
0x486: {  	[tilespmem:s7+$0xFFFFFF90] =	vst v4  }
0x487: {  	s7 =	rddreg [dreg:$0x11]  }
0x488: {  	[hbm4b:s7+s26] =	stream.strided.scatter [tilespmem:s3], [sflag:$0x3], $0x1000, s29, s26, $0x38;
	[tilespmem:$0x1F700] =	vst v63  }
0x489: {  	s7 =	sadd.s32 $0x8000, s7  }
0x48a: {  	[hbm4b:s7+s26] =	stream.strided.scatter [tilespmem:s4], [sflag:$0x3], $0x1000, s29, s26, $0x38;
	[tilespmem:$0x1F700] =	vst v63  }
0x48b: {  	_ =	swait.ge [sflag:s2], $0x1000  }
0x48c: {  	[sflag:s2] =	ssyncset.done $0x0  }
0x48d: {  	[sflag:s2] =	ssyncadd.s32 $0xFFFFF000  }
0x48e: {  	_ =	swait.ge [sflag:s5], $0x2000  }
0x48f: {  	[sflag:s5] =	ssyncset.done $0x0  }
0x490: {  	s9 =	simm.s32 $0x18740;
	[sflag:s5] =	ssyncadd.s32 $0xFFFFE000  }
0x491: {  	v0 =	vld [tilespmem:s9+$0x30]  }
0x492: {  	v1 =	vld [tilespmem:s9+$0xFFFFFFD0]  }
0x493: {  	v2 =	vld [tilespmem:s9+$0xFFFFFFE0]  }
0x494: {  	v3 =	vld [tilespmem:s9+$0xFFFFFFF0]  }
0x495: {  	v4 =	vld [tilespmem:s9+$0x0]  }
0x496: {  	v6 =	vld [tilespmem:s9+$0x10]  }
0x497: {  	v7 =	vld [tilespmem:s9+$0x20]  }
0x498: {  	v8 =	vld [tilespmem:s9+$0xFFFFFFC0]  }
0x499: {  	v9 =	vld.idx.msk [tilespmem:v0+s1+$0x0], $0xffff  }
0x49a: {  	v10 =	vld.idx.msk [tilespmem:v1+s1+$0x0], $0xffff  }
0x49b: {  	v5 =	vld.idx.msk [tilespmem:v2+s1+$0x0], $0xffff  }
0x49c: {  	v3 =	vld.idx.msk [tilespmem:v3+s1+$0x0], $0xffff  }
0x49d: {  	v0 =	vld.idx.msk [tilespmem:v4+s1+$0x0], $0xffff  }
0x49e: {  	s7 =	simm.s32 $0x1B740;
	v1 =	vld.idx.msk [tilespmem:v6+s1+$0x0], $0xffff  }
0x49f: {  	v2 =	vld.idx.msk [tilespmem:v7+s1+$0x0], $0xffff;
	[tilespmem:s7+$0x30] =	vst v9  }
0x4a0: {  	s8 =	simm.s32 $0x0;
	s9 =	simm.s32 $0x187C0;
	v4 =	vld.idx.msk [tilespmem:v8+s1+$0x0], $0xffff;
	[tilespmem:s7+$0xFFFFFFD0] =	vst v10  }
.LBB2_50:
0x4a1: {  	v6 =	vld [tilespmem:s9+$0x30];
	s8 =	sadd.s32 $0x80, s8;
	[tilespmem:s7+$0xFFFFFFE0] =	vst v5  }
0x4a2: {  	v5 =	vld [tilespmem:s9+$0xFFFFFFD0];
	p0 =	slt.u32 s8, $0xF80;
	[tilespmem:s7+$0xFFFFFFF0] =	vst v3  }
0x4a3: {  	v3 =	vld [tilespmem:s9+$0xFFFFFFE0];
	[tilespmem:s7+$0x0] =	vst v0  }
0x4a4: {  	v0 =	vld [tilespmem:s9+$0xFFFFFFF0];
	[tilespmem:s7+$0x10] =	vst v1  }
0x4a5: {  	v1 =	vld [tilespmem:s9+$0x0];
	[tilespmem:s7+$0x20] =	vst v2  }
0x4a6: {  	v2 =	vld [tilespmem:s9+$0x10];
	[tilespmem:s7+$0xFFFFFFC0] =	vst v4  }
0x4a7: {  	v4 =	vld [tilespmem:s9+$0x20]  }
0x4a8: {  	v7 =	vld [tilespmem:s9+$0xFFFFFFC0]  }
0x4a9: {  	v6 =	vld.idx.msk [tilespmem:v6+s1+$0x0], $0xffff  }
0x4aa: {  	v8 =	vld.idx.msk [tilespmem:v5+s1+$0x0], $0xffff  }
0x4ab: {  	v5 =	vld.idx.msk [tilespmem:v3+s1+$0x0], $0xffff  }
.Ltmp24:
0x4ac: {  	v3 =	vld.idx.msk [tilespmem:v0+s1+$0x0], $0xffff;
	(pc) =	sbr.rel @p0 .LBB2_50-.Ltmp24, $4  }
0x4ad: {  	v0 =	vld.idx.msk [tilespmem:v1+s1+$0x0], $0xffff  }
0x4ae: {  	s7 =	sadd.s32 $0x80, s7;
	v1 =	vld.idx.msk [tilespmem:v2+s1+$0x0], $0xffff  }
0x4af: {  	v2 =	vld.idx.msk [tilespmem:v4+s1+$0x0], $0xffff;
	[tilespmem:s7+$0x30] =	vst v6  }
0x4b0: {  	s9 =	sadd.s32 $0x80, s9;
	v4 =	vld.idx.msk [tilespmem:v7+s1+$0x0], $0xffff;
	[tilespmem:s7+$0xFFFFFFD0] =	vst v8  }
0x4b1: {  	[tilespmem:s7+$0xFFFFFFE0] =	vst v5  }
0x4b2: {  	[tilespmem:s7+$0xFFFFFFF0] =	vst v3  }
0x4b3: {  	[tilespmem:s7+$0x0] =	vst v0  }
0x4b4: {  	[tilespmem:s7+$0x10] =	vst v1  }
0x4b5: {  	[tilespmem:s7+$0x20] =	vst v2  }
0x4b6: {  	[tilespmem:s7+$0xFFFFFFC0] =	vst v4  }
0x4b7: {  	_ =	swait.ge [sflag:s2], $0x1000  }
0x4b8: {  	[sflag:s2] =	ssyncset.done $0x0  }
0x4b9: {  	s9 =	simm.s32 $0x19740;
	[sflag:s2] =	ssyncadd.s32 $0xFFFFF000  }
0x4ba: {  	v0 =	vld [tilespmem:s9+$0x30]  }
0x4bb: {  	v1 =	vld [tilespmem:s9+$0xFFFFFFD0]  }
0x4bc: {  	v2 =	vld [tilespmem:s9+$0xFFFFFFE0]  }
0x4bd: {  	v3 =	vld [tilespmem:s9+$0xFFFFFFF0]  }
0x4be: {  	v4 =	vld [tilespmem:s9+$0x0]  }
0x4bf: {  	v6 =	vld [tilespmem:s9+$0x10]  }
0x4c0: {  	v7 =	vld [tilespmem:s9+$0x20]  }
0x4c1: {  	v8 =	vld [tilespmem:s9+$0xFFFFFFC0]  }
0x4c2: {  	v9 =	vld.idx.msk [tilespmem:v0+s1+$0x0], $0xffff  }
0x4c3: {  	v10 =	vld.idx.msk [tilespmem:v1+s1+$0x0], $0xffff  }
0x4c4: {  	v5 =	vld.idx.msk [tilespmem:v2+s1+$0x0], $0xffff  }
0x4c5: {  	v3 =	vld.idx.msk [tilespmem:v3+s1+$0x0], $0xffff  }
0x4c6: {  	v0 =	vld.idx.msk [tilespmem:v4+s1+$0x0], $0xffff  }
0x4c7: {  	s7 =	simm.s32 $0x1C770;
	v1 =	vld.idx.msk [tilespmem:v6+s1+$0x0], $0xffff  }
0x4c8: {  	v2 =	vld.idx.msk [tilespmem:v7+s1+$0x0], $0xffff;
	[tilespmem:s7+$0x0] =	vst v9  }
0x4c9: {  	s8 =	simm.s32 $0x0;
	s9 =	simm.s32 $0x197C0;
	v4 =	vld.idx.msk [tilespmem:v8+s1+$0x0], $0xffff;
	[tilespmem:s7+$0xFFFFFFA0] =	vst v10  }
.LBB2_52:
0x4ca: {  	v6 =	vld [tilespmem:s9+$0x30];
	s8 =	sadd.s32 $0x80, s8;
	[tilespmem:s7+$0xFFFFFFB0] =	vst v5  }
0x4cb: {  	v5 =	vld [tilespmem:s9+$0xFFFFFFD0];
	p0 =	slt.u32 s8, $0xF80;
	[tilespmem:s7+$0xFFFFFFC0] =	vst v3  }
0x4cc: {  	v3 =	vld [tilespmem:s9+$0xFFFFFFE0];
	[tilespmem:s7+$0xFFFFFFD0] =	vst v0  }
0x4cd: {  	v0 =	vld [tilespmem:s9+$0xFFFFFFF0];
	[tilespmem:s7+$0xFFFFFFE0] =	vst v1  }
0x4ce: {  	v1 =	vld [tilespmem:s9+$0x0];
	[tilespmem:s7+$0xFFFFFFF0] =	vst v2  }
0x4cf: {  	v2 =	vld [tilespmem:s9+$0x10];
	[tilespmem:s7+$0xFFFFFF90] =	vst v4  }
0x4d0: {  	v4 =	vld [tilespmem:s9+$0x20]  }
0x4d1: {  	v7 =	vld [tilespmem:s9+$0xFFFFFFC0]  }
0x4d2: {  	v6 =	vld.idx.msk [tilespmem:v6+s1+$0x0], $0xffff  }
0x4d3: {  	v8 =	vld.idx.msk [tilespmem:v5+s1+$0x0], $0xffff  }
0x4d4: {  	v5 =	vld.idx.msk [tilespmem:v3+s1+$0x0], $0xffff  }
.Ltmp25:
0x4d5: {  	v3 =	vld.idx.msk [tilespmem:v0+s1+$0x0], $0xffff;
	(pc) =	sbr.rel @p0 .LBB2_52-.Ltmp25, $4  }
0x4d6: {  	v0 =	vld.idx.msk [tilespmem:v1+s1+$0x0], $0xffff  }
0x4d7: {  	s7 =	sadd.s32 $0x80, s7;
	v1 =	vld.idx.msk [tilespmem:v2+s1+$0x0], $0xffff  }
0x4d8: {  	v2 =	vld.idx.msk [tilespmem:v4+s1+$0x0], $0xffff;
	[tilespmem:s7+$0x0] =	vst v6  }
0x4d9: {  	s9 =	sadd.s32 $0x80, s9;
	v4 =	vld.idx.msk [tilespmem:v7+s1+$0x0], $0xffff;
	[tilespmem:s7+$0xFFFFFFA0] =	vst v8  }
0x4da: {  	[tilespmem:s7+$0xFFFFFFB0] =	vst v5  }
0x4db: {  	[tilespmem:s7+$0xFFFFFFC0] =	vst v3  }
0x4dc: {  	[tilespmem:s7+$0xFFFFFFD0] =	vst v0  }
0x4dd: {  	[tilespmem:s7+$0xFFFFFFE0] =	vst v1  }
0x4de: {  	[tilespmem:s7+$0xFFFFFFF0] =	vst v2  }
0x4df: {  	[tilespmem:s7+$0xFFFFFF90] =	vst v4  }
0x4e0: {  	s7 =	rddreg [dreg:$0xd]  }
0x4e1: {  	[tilespmem:s1], [sflag:$0x1] =	stream.strided.gather [hbm4b:s7+s26], $0x18700, s29, s26, $0x38;
	[tilespmem:$0x1F700] =	vst v63  }
0x4e2: {  	s9 =	rddreg [dreg:$0x12]  }
0x4e3: {  	[hbm4b:s9+s26] =	stream.strided.scatter [tilespmem:s0], [sflag:$0x3], $0x1000, s29, s26, $0x38;
	[tilespmem:$0x1F700] =	vst v63  }
0x4e4: {  	s7 =	sadd.s32 $0x8000, s9  }
0x4e5: {  	[hbm4b:s7+s26] =	stream.strided.scatter [tilespmem:s28], [sflag:$0x3], $0x1000, s29, s26, $0x38;
	[tilespmem:$0x1F700] =	vst v63  }
0x4e6: {  	_ =	swait.ge [sflag:s5], $0x2000  }
0x4e7: {  	[sflag:s5] =	ssyncset.done $0x0  }
0x4e8: {  	[sflag:s5] =	ssyncadd.s32 $0xFFFFE000  }
0x4e9: {  	_ =	swait.ge [sflag:s5], $0x2000  }
0x4ea: {  	[sflag:s5] =	ssyncset.done $0x0  }
0x4eb: {  	[sflag:s5] =	ssyncadd.s32 $0xFFFFE000  }
0x4ec: {  	_ =	swait.ge [sflag:s23], $0x18700  }
0x4ed: {  	[sflag:s23] =	ssyncset.done $0x0  }
0x4ee: {  	s9 =	sld [smem:$0x7F3];
	[sflag:s23] =	ssyncadd.s32 $0xFFFE7900  }
0x4ef: {  	s8 =	rddreg [dreg:$0x0]  }
0x4f0: {  	[tilespmem:s30], [sflag:$0x2] =	stream.strided.gather [hbm4b:s8+s26], $0x1000, s29, s26, $0x38;
	[tilespmem:$0x1F700] =	vst v63  }
0x4f1: {  	_ = 	snop  }
0x4f2: {  	[tilespmem:s31], [sflag:$0x2] =	stream.strided.gather [hbm4b:s9+s26], $0x1000, s29, s26, $0x38;
	[tilespmem:$0x1F700] =	vst v63  }
0x4f3: {  	_ =	swait.ge [sflag:s2], $0x1000  }
0x4f4: {  	s8 =	sld [smem:$0x7F4]  }
0x4f5: {  	[sflag:s2] =	ssyncset.done $0x0  }
0x4f6: {  	s9 =	simm.s32 $0x18740;
	[sflag:s2] =	ssyncadd.s32 $0xFFFFF000  }
0x4f7: {  	[tilespmem:s11], [sflag:$0x2] =	stream.strided.gather [hbm4b:s8+s26], $0x1000, s29, s26, $0x38;
	[tilespmem:$0x1F700] =	vst v63  }
0x4f8: {  	v0 =	vld [tilespmem:s9+$0x30]  }
0x4f9: {  	v1 =	vld [tilespmem:s9+$0xFFFFFFD0]  }
0x4fa: {  	v2 =	vld [tilespmem:s9+$0xFFFFFFE0]  }
0x4fb: {  	v3 =	vld [tilespmem:s9+$0xFFFFFFF0]  }
0x4fc: {  	v4 =	vld [tilespmem:s9+$0x0]  }
0x4fd: {  	v6 =	vld [tilespmem:s9+$0x10]  }
0x4fe: {  	v7 =	vld [tilespmem:s9+$0x20]  }
0x4ff: {  	v8 =	vld [tilespmem:s9+$0xFFFFFFC0]  }
0x500: {  	v9 =	vld.idx.msk [tilespmem:v0+s1+$0x0], $0xffff  }
0x501: {  	v10 =	vld.idx.msk [tilespmem:v1+s1+$0x0], $0xffff  }
0x502: {  	v5 =	vld.idx.msk [tilespmem:v2+s1+$0x0], $0xffff  }
0x503: {  	v3 =	vld.idx.msk [tilespmem:v3+s1+$0x0], $0xffff  }
0x504: {  	v0 =	vld.idx.msk [tilespmem:v4+s1+$0x0], $0xffff  }
0x505: {  	s7 =	simm.s32 $0x1B740;
	v1 =	vld.idx.msk [tilespmem:v6+s1+$0x0], $0xffff  }
0x506: {  	v2 =	vld.idx.msk [tilespmem:v7+s1+$0x0], $0xffff;
	[tilespmem:s7+$0x30] =	vst v9  }
0x507: {  	s8 =	simm.s32 $0x0;
	s9 =	simm.s32 $0x187C0;
	v4 =	vld.idx.msk [tilespmem:v8+s1+$0x0], $0xffff;
	[tilespmem:s7+$0xFFFFFFD0] =	vst v10  }
.LBB2_54:
0x508: {  	v6 =	vld [tilespmem:s9+$0x30];
	s8 =	sadd.s32 $0x80, s8;
	[tilespmem:s7+$0xFFFFFFE0] =	vst v5  }
0x509: {  	v5 =	vld [tilespmem:s9+$0xFFFFFFD0];
	p0 =	slt.u32 s8, $0xF80;
	[tilespmem:s7+$0xFFFFFFF0] =	vst v3  }
0x50a: {  	v3 =	vld [tilespmem:s9+$0xFFFFFFE0];
	[tilespmem:s7+$0x0] =	vst v0  }
0x50b: {  	v0 =	vld [tilespmem:s9+$0xFFFFFFF0];
	[tilespmem:s7+$0x10] =	vst v1  }
0x50c: {  	v1 =	vld [tilespmem:s9+$0x0];
	[tilespmem:s7+$0x20] =	vst v2  }
0x50d: {  	v2 =	vld [tilespmem:s9+$0x10];
	[tilespmem:s7+$0xFFFFFFC0] =	vst v4  }
0x50e: {  	v4 =	vld [tilespmem:s9+$0x20]  }
0x50f: {  	v7 =	vld [tilespmem:s9+$0xFFFFFFC0]  }
0x510: {  	v6 =	vld.idx.msk [tilespmem:v6+s1+$0x0], $0xffff  }
0x511: {  	v8 =	vld.idx.msk [tilespmem:v5+s1+$0x0], $0xffff  }
0x512: {  	v5 =	vld.idx.msk [tilespmem:v3+s1+$0x0], $0xffff  }
.Ltmp26:
0x513: {  	v3 =	vld.idx.msk [tilespmem:v0+s1+$0x0], $0xffff;
	(pc) =	sbr.rel @p0 .LBB2_54-.Ltmp26, $4  }
0x514: {  	v0 =	vld.idx.msk [tilespmem:v1+s1+$0x0], $0xffff  }
0x515: {  	s7 =	sadd.s32 $0x80, s7;
	v1 =	vld.idx.msk [tilespmem:v2+s1+$0x0], $0xffff  }
0x516: {  	v2 =	vld.idx.msk [tilespmem:v4+s1+$0x0], $0xffff;
	[tilespmem:s7+$0x30] =	vst v6  }
0x517: {  	s9 =	sadd.s32 $0x80, s9;
	v4 =	vld.idx.msk [tilespmem:v7+s1+$0x0], $0xffff;
	[tilespmem:s7+$0xFFFFFFD0] =	vst v8  }
0x518: {  	[tilespmem:s7+$0xFFFFFFE0] =	vst v5  }
0x519: {  	[tilespmem:s7+$0xFFFFFFF0] =	vst v3  }
0x51a: {  	[tilespmem:s7+$0x0] =	vst v0  }
0x51b: {  	[tilespmem:s7+$0x10] =	vst v1  }
0x51c: {  	[tilespmem:s7+$0x20] =	vst v2  }
0x51d: {  	[tilespmem:s7+$0xFFFFFFC0] =	vst v4  }
0x51e: {  	_ =	swait.ge [sflag:s2], $0x1000  }
0x51f: {  	s8 =	sld [smem:$0x7F5]  }
0x520: {  	[sflag:s2] =	ssyncset.done $0x0  }
0x521: {  	s9 =	simm.s32 $0x19740;
	[sflag:s2] =	ssyncadd.s32 $0xFFFFF000  }
0x522: {  	[tilespmem:s30], [sflag:$0x2] =	stream.strided.gather [hbm4b:s8+s26], $0x1000, s29, s26, $0x38;
	[tilespmem:$0x1F700] =	vst v63  }
0x523: {  	v0 =	vld [tilespmem:s9+$0x30]  }
0x524: {  	v1 =	vld [tilespmem:s9+$0xFFFFFFD0]  }
0x525: {  	v2 =	vld [tilespmem:s9+$0xFFFFFFE0]  }
0x526: {  	v3 =	vld [tilespmem:s9+$0xFFFFFFF0]  }
0x527: {  	v4 =	vld [tilespmem:s9+$0x0]  }
0x528: {  	v6 =	vld [tilespmem:s9+$0x10]  }
0x529: {  	v7 =	vld [tilespmem:s9+$0x20]  }
0x52a: {  	v8 =	vld [tilespmem:s9+$0xFFFFFFC0]  }
0x52b: {  	v9 =	vld.idx.msk [tilespmem:v0+s1+$0x0], $0xffff  }
0x52c: {  	v10 =	vld.idx.msk [tilespmem:v1+s1+$0x0], $0xffff  }
0x52d: {  	v5 =	vld.idx.msk [tilespmem:v2+s1+$0x0], $0xffff  }
0x52e: {  	v3 =	vld.idx.msk [tilespmem:v3+s1+$0x0], $0xffff  }
0x52f: {  	v0 =	vld.idx.msk [tilespmem:v4+s1+$0x0], $0xffff  }
0x530: {  	s7 =	simm.s32 $0x1C770;
	v1 =	vld.idx.msk [tilespmem:v6+s1+$0x0], $0xffff  }
0x531: {  	v2 =	vld.idx.msk [tilespmem:v7+s1+$0x0], $0xffff;
	[tilespmem:s7+$0x0] =	vst v9  }
0x532: {  	s8 =	simm.s32 $0x0;
	s9 =	simm.s32 $0x197C0;
	v4 =	vld.idx.msk [tilespmem:v8+s1+$0x0], $0xffff;
	[tilespmem:s7+$0xFFFFFFA0] =	vst v10  }
.LBB2_56:
0x533: {  	v6 =	vld [tilespmem:s9+$0x30];
	s8 =	sadd.s32 $0x80, s8;
	[tilespmem:s7+$0xFFFFFFB0] =	vst v5  }
0x534: {  	v5 =	vld [tilespmem:s9+$0xFFFFFFD0];
	p0 =	slt.u32 s8, $0xF80;
	[tilespmem:s7+$0xFFFFFFC0] =	vst v3  }
0x535: {  	v3 =	vld [tilespmem:s9+$0xFFFFFFE0];
	[tilespmem:s7+$0xFFFFFFD0] =	vst v0  }
0x536: {  	v0 =	vld [tilespmem:s9+$0xFFFFFFF0];
	[tilespmem:s7+$0xFFFFFFE0] =	vst v1  }
0x537: {  	v1 =	vld [tilespmem:s9+$0x0];
	[tilespmem:s7+$0xFFFFFFF0] =	vst v2  }
0x538: {  	v2 =	vld [tilespmem:s9+$0x10];
	[tilespmem:s7+$0xFFFFFF90] =	vst v4  }
0x539: {  	v4 =	vld [tilespmem:s9+$0x20]  }
0x53a: {  	v7 =	vld [tilespmem:s9+$0xFFFFFFC0]  }
0x53b: {  	v6 =	vld.idx.msk [tilespmem:v6+s1+$0x0], $0xffff  }
0x53c: {  	v8 =	vld.idx.msk [tilespmem:v5+s1+$0x0], $0xffff  }
0x53d: {  	v5 =	vld.idx.msk [tilespmem:v3+s1+$0x0], $0xffff  }
.Ltmp27:
0x53e: {  	v3 =	vld.idx.msk [tilespmem:v0+s1+$0x0], $0xffff;
	(pc) =	sbr.rel @p0 .LBB2_56-.Ltmp27, $4  }
0x53f: {  	v0 =	vld.idx.msk [tilespmem:v1+s1+$0x0], $0xffff  }
0x540: {  	s7 =	sadd.s32 $0x80, s7;
	v1 =	vld.idx.msk [tilespmem:v2+s1+$0x0], $0xffff  }
0x541: {  	v2 =	vld.idx.msk [tilespmem:v4+s1+$0x0], $0xffff;
	[tilespmem:s7+$0x0] =	vst v6  }
0x542: {  	s9 =	sadd.s32 $0x80, s9;
	v4 =	vld.idx.msk [tilespmem:v7+s1+$0x0], $0xffff;
	[tilespmem:s7+$0xFFFFFFA0] =	vst v8  }
0x543: {  	[tilespmem:s7+$0xFFFFFFB0] =	vst v5  }
0x544: {  	[tilespmem:s7+$0xFFFFFFC0] =	vst v3  }
0x545: {  	[tilespmem:s7+$0xFFFFFFD0] =	vst v0  }
0x546: {  	[tilespmem:s7+$0xFFFFFFE0] =	vst v1  }
0x547: {  	[tilespmem:s7+$0xFFFFFFF0] =	vst v2  }
0x548: {  	[tilespmem:s7+$0xFFFFFF90] =	vst v4  }
0x549: {  	s7 =	rddreg [dreg:$0x13]  }
0x54a: {  	[hbm4b:s7+s26] =	stream.strided.scatter [tilespmem:s0], [sflag:$0x3], $0x1000, s29, s26, $0x38;
	[tilespmem:$0x1F700] =	vst v63  }
0x54b: {  	s7 =	sadd.s32 $0x8000, s7  }
0x54c: {  	[hbm4b:s7+s26] =	stream.strided.scatter [tilespmem:s28], [sflag:$0x3], $0x1000, s29, s26, $0x38;
	[tilespmem:$0x1F700] =	vst v63  }
0x54d: {  	_ =	swait.ge [sflag:s2], $0x1000  }
0x54e: {  	s8 =	sld [smem:$0x7F6]  }
0x54f: {  	[sflag:s2] =	ssyncset.done $0x0  }
0x550: {  	s9 =	simm.s32 $0x1A740;
	[sflag:s2] =	ssyncadd.s32 $0xFFFFF000  }
0x551: {  	[tilespmem:s31], [sflag:$0x2] =	stream.strided.gather [hbm4b:s8+s26], $0x1000, s29, s26, $0x38;
	[tilespmem:$0x1F700] =	vst v63  }
0x552: {  	v0 =	vld [tilespmem:s9+$0x30]  }
0x553: {  	v1 =	vld [tilespmem:s9+$0xFFFFFFD0]  }
0x554: {  	v2 =	vld [tilespmem:s9+$0xFFFFFFE0]  }
0x555: {  	v3 =	vld [tilespmem:s9+$0xFFFFFFF0]  }
0x556: {  	v4 =	vld [tilespmem:s9+$0x0]  }
0x557: {  	v6 =	vld [tilespmem:s9+$0x10]  }
0x558: {  	v7 =	vld [tilespmem:s9+$0x20]  }
0x559: {  	v8 =	vld [tilespmem:s9+$0xFFFFFFC0]  }
0x55a: {  	v9 =	vld.idx.msk [tilespmem:v0+s1+$0x0], $0xffff  }
0x55b: {  	v10 =	vld.idx.msk [tilespmem:v1+s1+$0x0], $0xffff  }
0x55c: {  	v5 =	vld.idx.msk [tilespmem:v2+s1+$0x0], $0xffff  }
0x55d: {  	v3 =	vld.idx.msk [tilespmem:v3+s1+$0x0], $0xffff  }
0x55e: {  	v0 =	vld.idx.msk [tilespmem:v4+s1+$0x0], $0xffff  }
0x55f: {  	s7 =	simm.s32 $0x1D740;
	v1 =	vld.idx.msk [tilespmem:v6+s1+$0x0], $0xffff  }
0x560: {  	v2 =	vld.idx.msk [tilespmem:v7+s1+$0x0], $0xffff;
	[tilespmem:s7+$0x30] =	vst v9  }
0x561: {  	s8 =	simm.s32 $0x0;
	s9 =	simm.s32 $0x1A7C0;
	v4 =	vld.idx.msk [tilespmem:v8+s1+$0x0], $0xffff;
	[tilespmem:s7+$0xFFFFFFD0] =	vst v10  }
.LBB2_58:
0x562: {  	v6 =	vld [tilespmem:s9+$0x30];
	s8 =	sadd.s32 $0x80, s8;
	[tilespmem:s7+$0xFFFFFFE0] =	vst v5  }
0x563: {  	v5 =	vld [tilespmem:s9+$0xFFFFFFD0];
	p0 =	slt.u32 s8, $0xF80;
	[tilespmem:s7+$0xFFFFFFF0] =	vst v3  }
0x564: {  	v3 =	vld [tilespmem:s9+$0xFFFFFFE0];
	[tilespmem:s7+$0x0] =	vst v0  }
0x565: {  	v0 =	vld [tilespmem:s9+$0xFFFFFFF0];
	[tilespmem:s7+$0x10] =	vst v1  }
0x566: {  	v1 =	vld [tilespmem:s9+$0x0];
	[tilespmem:s7+$0x20] =	vst v2  }
0x567: {  	v2 =	vld [tilespmem:s9+$0x10];
	[tilespmem:s7+$0xFFFFFFC0] =	vst v4  }
0x568: {  	v4 =	vld [tilespmem:s9+$0x20]  }
0x569: {  	v7 =	vld [tilespmem:s9+$0xFFFFFFC0]  }
0x56a: {  	v6 =	vld.idx.msk [tilespmem:v6+s1+$0x0], $0xffff  }
0x56b: {  	v8 =	vld.idx.msk [tilespmem:v5+s1+$0x0], $0xffff  }
0x56c: {  	v5 =	vld.idx.msk [tilespmem:v3+s1+$0x0], $0xffff  }
.Ltmp28:
0x56d: {  	v3 =	vld.idx.msk [tilespmem:v0+s1+$0x0], $0xffff;
	(pc) =	sbr.rel @p0 .LBB2_58-.Ltmp28, $4  }
0x56e: {  	v0 =	vld.idx.msk [tilespmem:v1+s1+$0x0], $0xffff  }
0x56f: {  	s7 =	sadd.s32 $0x80, s7;
	v1 =	vld.idx.msk [tilespmem:v2+s1+$0x0], $0xffff  }
0x570: {  	v2 =	vld.idx.msk [tilespmem:v4+s1+$0x0], $0xffff;
	[tilespmem:s7+$0x30] =	vst v6  }
0x571: {  	s9 =	sadd.s32 $0x80, s9;
	v4 =	vld.idx.msk [tilespmem:v7+s1+$0x0], $0xffff;
	[tilespmem:s7+$0xFFFFFFD0] =	vst v8  }
0x572: {  	[tilespmem:s7+$0xFFFFFFE0] =	vst v5  }
0x573: {  	[tilespmem:s7+$0xFFFFFFF0] =	vst v3  }
0x574: {  	[tilespmem:s7+$0x0] =	vst v0  }
0x575: {  	[tilespmem:s7+$0x10] =	vst v1  }
0x576: {  	[tilespmem:s7+$0x20] =	vst v2  }
0x577: {  	[tilespmem:s7+$0xFFFFFFC0] =	vst v4  }
0x578: {  	_ =	swait.ge [sflag:s2], $0x1000  }
0x579: {  	s8 =	sld [smem:$0x7F7]  }
0x57a: {  	[sflag:s2] =	ssyncset.done $0x0  }
0x57b: {  	s9 =	simm.s32 $0x18740;
	[sflag:s2] =	ssyncadd.s32 $0xFFFFF000  }
0x57c: {  	[tilespmem:s11], [sflag:$0x2] =	stream.strided.gather [hbm4b:s8+s26], $0x1000, s29, s26, $0x38;
	[tilespmem:$0x1F700] =	vst v63  }
0x57d: {  	v0 =	vld [tilespmem:s9+$0x30]  }
0x57e: {  	v1 =	vld [tilespmem:s9+$0xFFFFFFD0]  }
0x57f: {  	v2 =	vld [tilespmem:s9+$0xFFFFFFE0]  }
0x580: {  	v3 =	vld [tilespmem:s9+$0xFFFFFFF0]  }
0x581: {  	v4 =	vld [tilespmem:s9+$0x0]  }
0x582: {  	v6 =	vld [tilespmem:s9+$0x10]  }
0x583: {  	v7 =	vld [tilespmem:s9+$0x20]  }
0x584: {  	v8 =	vld [tilespmem:s9+$0xFFFFFFC0]  }
0x585: {  	v9 =	vld.idx.msk [tilespmem:v0+s1+$0x0], $0xffff  }
0x586: {  	v10 =	vld.idx.msk [tilespmem:v1+s1+$0x0], $0xffff  }
0x587: {  	v5 =	vld.idx.msk [tilespmem:v2+s1+$0x0], $0xffff  }
0x588: {  	v3 =	vld.idx.msk [tilespmem:v3+s1+$0x0], $0xffff  }
0x589: {  	v0 =	vld.idx.msk [tilespmem:v4+s1+$0x0], $0xffff  }
0x58a: {  	s7 =	simm.s32 $0x1E770;
	v1 =	vld.idx.msk [tilespmem:v6+s1+$0x0], $0xffff  }
0x58b: {  	v2 =	vld.idx.msk [tilespmem:v7+s1+$0x0], $0xffff;
	[tilespmem:s7+$0x0] =	vst v9  }
0x58c: {  	s8 =	simm.s32 $0x0;
	s9 =	simm.s32 $0x187C0;
	v4 =	vld.idx.msk [tilespmem:v8+s1+$0x0], $0xffff;
	[tilespmem:s7+$0xFFFFFFA0] =	vst v10  }
.LBB2_60:
0x58d: {  	v6 =	vld [tilespmem:s9+$0x30];
	s8 =	sadd.s32 $0x80, s8;
	[tilespmem:s7+$0xFFFFFFB0] =	vst v5  }
0x58e: {  	v5 =	vld [tilespmem:s9+$0xFFFFFFD0];
	p0 =	slt.u32 s8, $0xF80;
	[tilespmem:s7+$0xFFFFFFC0] =	vst v3  }
0x58f: {  	v3 =	vld [tilespmem:s9+$0xFFFFFFE0];
	[tilespmem:s7+$0xFFFFFFD0] =	vst v0  }
0x590: {  	v0 =	vld [tilespmem:s9+$0xFFFFFFF0];
	[tilespmem:s7+$0xFFFFFFE0] =	vst v1  }
0x591: {  	v1 =	vld [tilespmem:s9+$0x0];
	[tilespmem:s7+$0xFFFFFFF0] =	vst v2  }
0x592: {  	v2 =	vld [tilespmem:s9+$0x10];
	[tilespmem:s7+$0xFFFFFF90] =	vst v4  }
0x593: {  	v4 =	vld [tilespmem:s9+$0x20]  }
0x594: {  	v7 =	vld [tilespmem:s9+$0xFFFFFFC0]  }
0x595: {  	v6 =	vld.idx.msk [tilespmem:v6+s1+$0x0], $0xffff  }
0x596: {  	v8 =	vld.idx.msk [tilespmem:v5+s1+$0x0], $0xffff  }
0x597: {  	v5 =	vld.idx.msk [tilespmem:v3+s1+$0x0], $0xffff  }
.Ltmp29:
0x598: {  	v3 =	vld.idx.msk [tilespmem:v0+s1+$0x0], $0xffff;
	(pc) =	sbr.rel @p0 .LBB2_60-.Ltmp29, $4  }
0x599: {  	v0 =	vld.idx.msk [tilespmem:v1+s1+$0x0], $0xffff  }
0x59a: {  	s7 =	sadd.s32 $0x80, s7;
	v1 =	vld.idx.msk [tilespmem:v2+s1+$0x0], $0xffff  }
0x59b: {  	v2 =	vld.idx.msk [tilespmem:v4+s1+$0x0], $0xffff;
	[tilespmem:s7+$0x0] =	vst v6  }
0x59c: {  	s9 =	sadd.s32 $0x80, s9;
	v4 =	vld.idx.msk [tilespmem:v7+s1+$0x0], $0xffff;
	[tilespmem:s7+$0xFFFFFFA0] =	vst v8  }
0x59d: {  	[tilespmem:s7+$0xFFFFFFB0] =	vst v5  }
0x59e: {  	[tilespmem:s7+$0xFFFFFFC0] =	vst v3  }
0x59f: {  	[tilespmem:s7+$0xFFFFFFD0] =	vst v0  }
0x5a0: {  	[tilespmem:s7+$0xFFFFFFE0] =	vst v1  }
0x5a1: {  	[tilespmem:s7+$0xFFFFFFF0] =	vst v2  }
0x5a2: {  	[tilespmem:s7+$0xFFFFFF90] =	vst v4  }
0x5a3: {  	s7 =	rddreg [dreg:$0x14]  }
0x5a4: {  	[hbm4b:s7+s26] =	stream.strided.scatter [tilespmem:s3], [sflag:$0x3], $0x1000, s29, s26, $0x38;
	[tilespmem:$0x1F700] =	vst v63  }
0x5a5: {  	s7 =	sadd.s32 $0x8000, s7  }
0x5a6: {  	[hbm4b:s7+s26] =	stream.strided.scatter [tilespmem:s4], [sflag:$0x3], $0x1000, s29, s26, $0x38;
	[tilespmem:$0x1F700] =	vst v63  }
0x5a7: {  	_ =	swait.ge [sflag:s2], $0x1000  }
0x5a8: {  	s8 =	sld [smem:$0x7F8]  }
0x5a9: {  	[sflag:s2] =	ssyncset.done $0x0  }
0x5aa: {  	[sflag:s2] =	ssyncadd.s32 $0xFFFFF000  }
0x5ab: {  	[tilespmem:s30], [sflag:$0x2] =	stream.strided.gather [hbm4b:s8+s26], $0x1000, s29, s26, $0x38;
	[tilespmem:$0x1F700] =	vst v63  }
0x5ac: {  	_ =	swait.ge [sflag:s5], $0x2000  }
0x5ad: {  	[sflag:s5] =	ssyncset.done $0x0  }
0x5ae: {  	s9 =	simm.s32 $0x19740;
	[sflag:s5] =	ssyncadd.s32 $0xFFFFE000  }
0x5af: {  	v0 =	vld [tilespmem:s9+$0x30]  }
0x5b0: {  	v1 =	vld [tilespmem:s9+$0xFFFFFFD0]  }
0x5b1: {  	v2 =	vld [tilespmem:s9+$0xFFFFFFE0]  }
0x5b2: {  	v3 =	vld [tilespmem:s9+$0xFFFFFFF0]  }
0x5b3: {  	v4 =	vld [tilespmem:s9+$0x0]  }
0x5b4: {  	v6 =	vld [tilespmem:s9+$0x10]  }
0x5b5: {  	v7 =	vld [tilespmem:s9+$0x20]  }
0x5b6: {  	v8 =	vld [tilespmem:s9+$0xFFFFFFC0]  }
0x5b7: {  	v9 =	vld.idx.msk [tilespmem:v0+s1+$0x0], $0xffff  }
0x5b8: {  	v10 =	vld.idx.msk [tilespmem:v1+s1+$0x0], $0xffff  }
0x5b9: {  	v5 =	vld.idx.msk [tilespmem:v2+s1+$0x0], $0xffff  }
0x5ba: {  	v3 =	vld.idx.msk [tilespmem:v3+s1+$0x0], $0xffff  }
0x5bb: {  	v0 =	vld.idx.msk [tilespmem:v4+s1+$0x0], $0xffff  }
0x5bc: {  	s7 =	simm.s32 $0x1B740;
	v1 =	vld.idx.msk [tilespmem:v6+s1+$0x0], $0xffff  }
0x5bd: {  	v2 =	vld.idx.msk [tilespmem:v7+s1+$0x0], $0xffff;
	[tilespmem:s7+$0x30] =	vst v9  }
0x5be: {  	s8 =	simm.s32 $0x0;
	s9 =	simm.s32 $0x197C0;
	v4 =	vld.idx.msk [tilespmem:v8+s1+$0x0], $0xffff;
	[tilespmem:s7+$0xFFFFFFD0] =	vst v10  }
.LBB2_62:
0x5bf: {  	v6 =	vld [tilespmem:s9+$0x30];
	s8 =	sadd.s32 $0x80, s8;
	[tilespmem:s7+$0xFFFFFFE0] =	vst v5  }
0x5c0: {  	v5 =	vld [tilespmem:s9+$0xFFFFFFD0];
	p0 =	slt.u32 s8, $0xF80;
	[tilespmem:s7+$0xFFFFFFF0] =	vst v3  }
0x5c1: {  	v3 =	vld [tilespmem:s9+$0xFFFFFFE0];
	[tilespmem:s7+$0x0] =	vst v0  }
0x5c2: {  	v0 =	vld [tilespmem:s9+$0xFFFFFFF0];
	[tilespmem:s7+$0x10] =	vst v1  }
0x5c3: {  	v1 =	vld [tilespmem:s9+$0x0];
	[tilespmem:s7+$0x20] =	vst v2  }
0x5c4: {  	v2 =	vld [tilespmem:s9+$0x10];
	[tilespmem:s7+$0xFFFFFFC0] =	vst v4  }
0x5c5: {  	v4 =	vld [tilespmem:s9+$0x20]  }
0x5c6: {  	v7 =	vld [tilespmem:s9+$0xFFFFFFC0]  }
0x5c7: {  	v6 =	vld.idx.msk [tilespmem:v6+s1+$0x0], $0xffff  }
0x5c8: {  	v8 =	vld.idx.msk [tilespmem:v5+s1+$0x0], $0xffff  }
0x5c9: {  	v5 =	vld.idx.msk [tilespmem:v3+s1+$0x0], $0xffff  }
.Ltmp30:
0x5ca: {  	v3 =	vld.idx.msk [tilespmem:v0+s1+$0x0], $0xffff;
	(pc) =	sbr.rel @p0 .LBB2_62-.Ltmp30, $4  }
0x5cb: {  	v0 =	vld.idx.msk [tilespmem:v1+s1+$0x0], $0xffff  }
0x5cc: {  	s7 =	sadd.s32 $0x80, s7;
	v1 =	vld.idx.msk [tilespmem:v2+s1+$0x0], $0xffff  }
0x5cd: {  	v2 =	vld.idx.msk [tilespmem:v4+s1+$0x0], $0xffff;
	[tilespmem:s7+$0x30] =	vst v6  }
0x5ce: {  	s9 =	sadd.s32 $0x80, s9;
	v4 =	vld.idx.msk [tilespmem:v7+s1+$0x0], $0xffff;
	[tilespmem:s7+$0xFFFFFFD0] =	vst v8  }
0x5cf: {  	[tilespmem:s7+$0xFFFFFFE0] =	vst v5  }
0x5d0: {  	[tilespmem:s7+$0xFFFFFFF0] =	vst v3  }
0x5d1: {  	[tilespmem:s7+$0x0] =	vst v0  }
0x5d2: {  	[tilespmem:s7+$0x10] =	vst v1  }
0x5d3: {  	[tilespmem:s7+$0x20] =	vst v2  }
0x5d4: {  	[tilespmem:s7+$0xFFFFFFC0] =	vst v4  }
0x5d5: {  	_ =	swait.ge [sflag:s2], $0x1000  }
0x5d6: {  	s8 =	sld [smem:$0x7F9]  }
0x5d7: {  	[sflag:s2] =	ssyncset.done $0x0  }
0x5d8: {  	s9 =	simm.s32 $0x1A740;
	[sflag:s2] =	ssyncadd.s32 $0xFFFFF000  }
0x5d9: {  	[tilespmem:s31], [sflag:$0x2] =	stream.strided.gather [hbm4b:s8+s26], $0x1000, s29, s26, $0x38;
	[tilespmem:$0x1F700] =	vst v63  }
0x5da: {  	v0 =	vld [tilespmem:s9+$0x30]  }
0x5db: {  	v1 =	vld [tilespmem:s9+$0xFFFFFFD0]  }
0x5dc: {  	v2 =	vld [tilespmem:s9+$0xFFFFFFE0]  }
0x5dd: {  	v3 =	vld [tilespmem:s9+$0xFFFFFFF0]  }
0x5de: {  	v4 =	vld [tilespmem:s9+$0x0]  }
0x5df: {  	v6 =	vld [tilespmem:s9+$0x10]  }
0x5e0: {  	v7 =	vld [tilespmem:s9+$0x20]  }
0x5e1: {  	v8 =	vld [tilespmem:s9+$0xFFFFFFC0]  }
0x5e2: {  	v9 =	vld.idx.msk [tilespmem:v0+s1+$0x0], $0xffff  }
0x5e3: {  	v10 =	vld.idx.msk [tilespmem:v1+s1+$0x0], $0xffff  }
0x5e4: {  	v5 =	vld.idx.msk [tilespmem:v2+s1+$0x0], $0xffff  }
0x5e5: {  	v3 =	vld.idx.msk [tilespmem:v3+s1+$0x0], $0xffff  }
0x5e6: {  	v0 =	vld.idx.msk [tilespmem:v4+s1+$0x0], $0xffff  }
0x5e7: {  	s7 =	simm.s32 $0x1C770;
	v1 =	vld.idx.msk [tilespmem:v6+s1+$0x0], $0xffff  }
0x5e8: {  	v2 =	vld.idx.msk [tilespmem:v7+s1+$0x0], $0xffff;
	[tilespmem:s7+$0x0] =	vst v9  }
0x5e9: {  	s8 =	simm.s32 $0x0;
	s9 =	simm.s32 $0x1A7C0;
	v4 =	vld.idx.msk [tilespmem:v8+s1+$0x0], $0xffff;
	[tilespmem:s7+$0xFFFFFFA0] =	vst v10  }
.LBB2_64:
0x5ea: {  	v6 =	vld [tilespmem:s9+$0x30];
	s8 =	sadd.s32 $0x80, s8;
	[tilespmem:s7+$0xFFFFFFB0] =	vst v5  }
0x5eb: {  	v5 =	vld [tilespmem:s9+$0xFFFFFFD0];
	p0 =	slt.u32 s8, $0xF80;
	[tilespmem:s7+$0xFFFFFFC0] =	vst v3  }
0x5ec: {  	v3 =	vld [tilespmem:s9+$0xFFFFFFE0];
	[tilespmem:s7+$0xFFFFFFD0] =	vst v0  }
0x5ed: {  	v0 =	vld [tilespmem:s9+$0xFFFFFFF0];
	[tilespmem:s7+$0xFFFFFFE0] =	vst v1  }
0x5ee: {  	v1 =	vld [tilespmem:s9+$0x0];
	[tilespmem:s7+$0xFFFFFFF0] =	vst v2  }
0x5ef: {  	v2 =	vld [tilespmem:s9+$0x10];
	[tilespmem:s7+$0xFFFFFF90] =	vst v4  }
0x5f0: {  	v4 =	vld [tilespmem:s9+$0x20]  }
0x5f1: {  	v7 =	vld [tilespmem:s9+$0xFFFFFFC0]  }
0x5f2: {  	v6 =	vld.idx.msk [tilespmem:v6+s1+$0x0], $0xffff  }
0x5f3: {  	v8 =	vld.idx.msk [tilespmem:v5+s1+$0x0], $0xffff  }
0x5f4: {  	v5 =	vld.idx.msk [tilespmem:v3+s1+$0x0], $0xffff  }
.Ltmp31:
0x5f5: {  	v3 =	vld.idx.msk [tilespmem:v0+s1+$0x0], $0xffff;
	(pc) =	sbr.rel @p0 .LBB2_64-.Ltmp31, $4  }
0x5f6: {  	v0 =	vld.idx.msk [tilespmem:v1+s1+$0x0], $0xffff  }
0x5f7: {  	s7 =	sadd.s32 $0x80, s7;
	v1 =	vld.idx.msk [tilespmem:v2+s1+$0x0], $0xffff  }
0x5f8: {  	v2 =	vld.idx.msk [tilespmem:v4+s1+$0x0], $0xffff;
	[tilespmem:s7+$0x0] =	vst v6  }
0x5f9: {  	s9 =	sadd.s32 $0x80, s9;
	v4 =	vld.idx.msk [tilespmem:v7+s1+$0x0], $0xffff;
	[tilespmem:s7+$0xFFFFFFA0] =	vst v8  }
0x5fa: {  	[tilespmem:s7+$0xFFFFFFB0] =	vst v5  }
0x5fb: {  	[tilespmem:s7+$0xFFFFFFC0] =	vst v3  }
0x5fc: {  	[tilespmem:s7+$0xFFFFFFD0] =	vst v0  }
0x5fd: {  	[tilespmem:s7+$0xFFFFFFE0] =	vst v1  }
0x5fe: {  	[tilespmem:s7+$0xFFFFFFF0] =	vst v2  }
0x5ff: {  	[tilespmem:s7+$0xFFFFFF90] =	vst v4  }
0x600: {  	s7 =	rddreg [dreg:$0x15]  }
0x601: {  	[hbm4b:s7+s26] =	stream.strided.scatter [tilespmem:s0], [sflag:$0x3], $0x1000, s29, s26, $0x38;
	[tilespmem:$0x1F700] =	vst v63  }
0x602: {  	s7 =	sadd.s32 $0x8000, s7  }
0x603: {  	[hbm4b:s7+s26] =	stream.strided.scatter [tilespmem:s28], [sflag:$0x3], $0x1000, s29, s26, $0x38;
	[tilespmem:$0x1F700] =	vst v63  }
0x604: {  	_ =	swait.ge [sflag:s2], $0x1000  }
0x605: {  	s8 =	sld [smem:$0x7FA]  }
0x606: {  	[sflag:s2] =	ssyncset.done $0x0  }
0x607: {  	[sflag:s2] =	ssyncadd.s32 $0xFFFFF000  }
0x608: {  	[tilespmem:s11], [sflag:$0x2] =	stream.strided.gather [hbm4b:s8+s26], $0x1000, s29, s26, $0x38;
	[tilespmem:$0x1F700] =	vst v63  }
0x609: {  	_ =	swait.ge [sflag:s5], $0x2000  }
0x60a: {  	[sflag:s5] =	ssyncset.done $0x0  }
0x60b: {  	s9 =	simm.s32 $0x18740;
	[sflag:s5] =	ssyncadd.s32 $0xFFFFE000  }
0x60c: {  	v0 =	vld [tilespmem:s9+$0x30]  }
0x60d: {  	v1 =	vld [tilespmem:s9+$0xFFFFFFD0]  }
0x60e: {  	v2 =	vld [tilespmem:s9+$0xFFFFFFE0]  }
0x60f: {  	v3 =	vld [tilespmem:s9+$0xFFFFFFF0]  }
0x610: {  	v4 =	vld [tilespmem:s9+$0x0]  }
0x611: {  	v6 =	vld [tilespmem:s9+$0x10]  }
0x612: {  	v7 =	vld [tilespmem:s9+$0x20]  }
0x613: {  	v8 =	vld [tilespmem:s9+$0xFFFFFFC0]  }
0x614: {  	v9 =	vld.idx.msk [tilespmem:v0+s1+$0x0], $0xffff  }
0x615: {  	v10 =	vld.idx.msk [tilespmem:v1+s1+$0x0], $0xffff  }
0x616: {  	v5 =	vld.idx.msk [tilespmem:v2+s1+$0x0], $0xffff  }
0x617: {  	v3 =	vld.idx.msk [tilespmem:v3+s1+$0x0], $0xffff  }
0x618: {  	v0 =	vld.idx.msk [tilespmem:v4+s1+$0x0], $0xffff  }
0x619: {  	s7 =	simm.s32 $0x1D740;
	v1 =	vld.idx.msk [tilespmem:v6+s1+$0x0], $0xffff  }
0x61a: {  	v2 =	vld.idx.msk [tilespmem:v7+s1+$0x0], $0xffff;
	[tilespmem:s7+$0x30] =	vst v9  }
0x61b: {  	s8 =	simm.s32 $0x0;
	s9 =	simm.s32 $0x187C0;
	v4 =	vld.idx.msk [tilespmem:v8+s1+$0x0], $0xffff;
	[tilespmem:s7+$0xFFFFFFD0] =	vst v10  }
.LBB2_66:
0x61c: {  	v6 =	vld [tilespmem:s9+$0x30];
	s8 =	sadd.s32 $0x80, s8;
	[tilespmem:s7+$0xFFFFFFE0] =	vst v5  }
0x61d: {  	v5 =	vld [tilespmem:s9+$0xFFFFFFD0];
	p0 =	slt.u32 s8, $0xF80;
	[tilespmem:s7+$0xFFFFFFF0] =	vst v3  }
0x61e: {  	v3 =	vld [tilespmem:s9+$0xFFFFFFE0];
	[tilespmem:s7+$0x0] =	vst v0  }
0x61f: {  	v0 =	vld [tilespmem:s9+$0xFFFFFFF0];
	[tilespmem:s7+$0x10] =	vst v1  }
0x620: {  	v1 =	vld [tilespmem:s9+$0x0];
	[tilespmem:s7+$0x20] =	vst v2  }
0x621: {  	v2 =	vld [tilespmem:s9+$0x10];
	[tilespmem:s7+$0xFFFFFFC0] =	vst v4  }
0x622: {  	v4 =	vld [tilespmem:s9+$0x20]  }
0x623: {  	v7 =	vld [tilespmem:s9+$0xFFFFFFC0]  }
0x624: {  	v6 =	vld.idx.msk [tilespmem:v6+s1+$0x0], $0xffff  }
0x625: {  	v8 =	vld.idx.msk [tilespmem:v5+s1+$0x0], $0xffff  }
0x626: {  	v5 =	vld.idx.msk [tilespmem:v3+s1+$0x0], $0xffff  }
.Ltmp32:
0x627: {  	v3 =	vld.idx.msk [tilespmem:v0+s1+$0x0], $0xffff;
	(pc) =	sbr.rel @p0 .LBB2_66-.Ltmp32, $4  }
0x628: {  	v0 =	vld.idx.msk [tilespmem:v1+s1+$0x0], $0xffff  }
0x629: {  	s7 =	sadd.s32 $0x80, s7;
	v1 =	vld.idx.msk [tilespmem:v2+s1+$0x0], $0xffff  }
0x62a: {  	v2 =	vld.idx.msk [tilespmem:v4+s1+$0x0], $0xffff;
	[tilespmem:s7+$0x30] =	vst v6  }
0x62b: {  	s9 =	sadd.s32 $0x80, s9;
	v4 =	vld.idx.msk [tilespmem:v7+s1+$0x0], $0xffff;
	[tilespmem:s7+$0xFFFFFFD0] =	vst v8  }
0x62c: {  	[tilespmem:s7+$0xFFFFFFE0] =	vst v5  }
0x62d: {  	[tilespmem:s7+$0xFFFFFFF0] =	vst v3  }
0x62e: {  	[tilespmem:s7+$0x0] =	vst v0  }
0x62f: {  	[tilespmem:s7+$0x10] =	vst v1  }
0x630: {  	[tilespmem:s7+$0x20] =	vst v2  }
0x631: {  	[tilespmem:s7+$0xFFFFFFC0] =	vst v4  }
0x632: {  	_ =	swait.ge [sflag:s2], $0x1000  }
0x633: {  	s8 =	sld [smem:$0x7FB]  }
0x634: {  	[sflag:s2] =	ssyncset.done $0x0  }
0x635: {  	s9 =	simm.s32 $0x19740;
	[sflag:s2] =	ssyncadd.s32 $0xFFFFF000  }
0x636: {  	[tilespmem:s30], [sflag:$0x2] =	stream.strided.gather [hbm4b:s8+s26], $0x1000, s29, s26, $0x38;
	[tilespmem:$0x1F700] =	vst v63  }
0x637: {  	v0 =	vld [tilespmem:s9+$0x30]  }
0x638: {  	v1 =	vld [tilespmem:s9+$0xFFFFFFD0]  }
0x639: {  	v2 =	vld [tilespmem:s9+$0xFFFFFFE0]  }
0x63a: {  	v3 =	vld [tilespmem:s9+$0xFFFFFFF0]  }
0x63b: {  	v4 =	vld [tilespmem:s9+$0x0]  }
0x63c: {  	v6 =	vld [tilespmem:s9+$0x10]  }
0x63d: {  	v7 =	vld [tilespmem:s9+$0x20]  }
0x63e: {  	v8 =	vld [tilespmem:s9+$0xFFFFFFC0]  }
0x63f: {  	v9 =	vld.idx.msk [tilespmem:v0+s1+$0x0], $0xffff  }
0x640: {  	v10 =	vld.idx.msk [tilespmem:v1+s1+$0x0], $0xffff  }
0x641: {  	v5 =	vld.idx.msk [tilespmem:v2+s1+$0x0], $0xffff  }
0x642: {  	v3 =	vld.idx.msk [tilespmem:v3+s1+$0x0], $0xffff  }
0x643: {  	v0 =	vld.idx.msk [tilespmem:v4+s1+$0x0], $0xffff  }
0x644: {  	s7 =	simm.s32 $0x1E770;
	v1 =	vld.idx.msk [tilespmem:v6+s1+$0x0], $0xffff  }
0x645: {  	v2 =	vld.idx.msk [tilespmem:v7+s1+$0x0], $0xffff;
	[tilespmem:s7+$0x0] =	vst v9  }
0x646: {  	s8 =	simm.s32 $0x0;
	s9 =	simm.s32 $0x197C0;
	v4 =	vld.idx.msk [tilespmem:v8+s1+$0x0], $0xffff;
	[tilespmem:s7+$0xFFFFFFA0] =	vst v10  }
.LBB2_68:
0x647: {  	v6 =	vld [tilespmem:s9+$0x30];
	s8 =	sadd.s32 $0x80, s8;
	[tilespmem:s7+$0xFFFFFFB0] =	vst v5  }
0x648: {  	v5 =	vld [tilespmem:s9+$0xFFFFFFD0];
	p0 =	slt.u32 s8, $0xF80;
	[tilespmem:s7+$0xFFFFFFC0] =	vst v3  }
0x649: {  	v3 =	vld [tilespmem:s9+$0xFFFFFFE0];
	[tilespmem:s7+$0xFFFFFFD0] =	vst v0  }
0x64a: {  	v0 =	vld [tilespmem:s9+$0xFFFFFFF0];
	[tilespmem:s7+$0xFFFFFFE0] =	vst v1  }
0x64b: {  	v1 =	vld [tilespmem:s9+$0x0];
	[tilespmem:s7+$0xFFFFFFF0] =	vst v2  }
0x64c: {  	v2 =	vld [tilespmem:s9+$0x10];
	[tilespmem:s7+$0xFFFFFF90] =	vst v4  }
0x64d: {  	v4 =	vld [tilespmem:s9+$0x20]  }
0x64e: {  	v7 =	vld [tilespmem:s9+$0xFFFFFFC0]  }
0x64f: {  	v6 =	vld.idx.msk [tilespmem:v6+s1+$0x0], $0xffff  }
0x650: {  	v8 =	vld.idx.msk [tilespmem:v5+s1+$0x0], $0xffff  }
0x651: {  	v5 =	vld.idx.msk [tilespmem:v3+s1+$0x0], $0xffff  }
.Ltmp33:
0x652: {  	v3 =	vld.idx.msk [tilespmem:v0+s1+$0x0], $0xffff;
	(pc) =	sbr.rel @p0 .LBB2_68-.Ltmp33, $4  }
0x653: {  	v0 =	vld.idx.msk [tilespmem:v1+s1+$0x0], $0xffff  }
0x654: {  	s7 =	sadd.s32 $0x80, s7;
	v1 =	vld.idx.msk [tilespmem:v2+s1+$0x0], $0xffff  }
0x655: {  	v2 =	vld.idx.msk [tilespmem:v4+s1+$0x0], $0xffff;
	[tilespmem:s7+$0x0] =	vst v6  }
0x656: {  	s9 =	sadd.s32 $0x80, s9;
	v4 =	vld.idx.msk [tilespmem:v7+s1+$0x0], $0xffff;
	[tilespmem:s7+$0xFFFFFFA0] =	vst v8  }
0x657: {  	[tilespmem:s7+$0xFFFFFFB0] =	vst v5  }
0x658: {  	[tilespmem:s7+$0xFFFFFFC0] =	vst v3  }
0x659: {  	[tilespmem:s7+$0xFFFFFFD0] =	vst v0  }
0x65a: {  	[tilespmem:s7+$0xFFFFFFE0] =	vst v1  }
0x65b: {  	[tilespmem:s7+$0xFFFFFFF0] =	vst v2  }
0x65c: {  	[tilespmem:s7+$0xFFFFFF90] =	vst v4  }
0x65d: {  	s7 =	rddreg [dreg:$0x16]  }
0x65e: {  	[hbm4b:s7+s26] =	stream.strided.scatter [tilespmem:s3], [sflag:$0x3], $0x1000, s29, s26, $0x38;
	[tilespmem:$0x1F700] =	vst v63  }
0x65f: {  	s7 =	sadd.s32 $0x8000, s7  }
0x660: {  	[hbm4b:s7+s26] =	stream.strided.scatter [tilespmem:s4], [sflag:$0x3], $0x1000, s29, s26, $0x38;
	[tilespmem:$0x1F700] =	vst v63  }
0x661: {  	_ =	swait.ge [sflag:s2], $0x1000  }
0x662: {  	s8 =	sld [smem:$0x7FC]  }
0x663: {  	[sflag:s2] =	ssyncset.done $0x0  }
0x664: {  	[sflag:s2] =	ssyncadd.s32 $0xFFFFF000  }
0x665: {  	[tilespmem:s31], [sflag:$0x2] =	stream.strided.gather [hbm4b:s8+s26], $0x1000, s29, s26, $0x38;
	[tilespmem:$0x1F700] =	vst v63  }
0x666: {  	_ =	swait.ge [sflag:s5], $0x2000  }
0x667: {  	[sflag:s5] =	ssyncset.done $0x0  }
0x668: {  	s9 =	simm.s32 $0x1A740;
	[sflag:s5] =	ssyncadd.s32 $0xFFFFE000  }
0x669: {  	v0 =	vld [tilespmem:s9+$0x30]  }
0x66a: {  	v1 =	vld [tilespmem:s9+$0xFFFFFFD0]  }
0x66b: {  	v2 =	vld [tilespmem:s9+$0xFFFFFFE0]  }
0x66c: {  	v3 =	vld [tilespmem:s9+$0xFFFFFFF0]  }
0x66d: {  	v4 =	vld [tilespmem:s9+$0x0]  }
0x66e: {  	v6 =	vld [tilespmem:s9+$0x10]  }
0x66f: {  	v7 =	vld [tilespmem:s9+$0x20]  }
0x670: {  	v8 =	vld [tilespmem:s9+$0xFFFFFFC0]  }
0x671: {  	v9 =	vld.idx.msk [tilespmem:v0+s1+$0x0], $0xffff  }
0x672: {  	v10 =	vld.idx.msk [tilespmem:v1+s1+$0x0], $0xffff  }
0x673: {  	v5 =	vld.idx.msk [tilespmem:v2+s1+$0x0], $0xffff  }
0x674: {  	v3 =	vld.idx.msk [tilespmem:v3+s1+$0x0], $0xffff  }
0x675: {  	v0 =	vld.idx.msk [tilespmem:v4+s1+$0x0], $0xffff  }
0x676: {  	s7 =	simm.s32 $0x1B740;
	v1 =	vld.idx.msk [tilespmem:v6+s1+$0x0], $0xffff  }
0x677: {  	v2 =	vld.idx.msk [tilespmem:v7+s1+$0x0], $0xffff;
	[tilespmem:s7+$0x30] =	vst v9  }
0x678: {  	s8 =	simm.s32 $0x0;
	s9 =	simm.s32 $0x1A7C0;
	v4 =	vld.idx.msk [tilespmem:v8+s1+$0x0], $0xffff;
	[tilespmem:s7+$0xFFFFFFD0] =	vst v10  }
.LBB2_70:
0x679: {  	v6 =	vld [tilespmem:s9+$0x30];
	s8 =	sadd.s32 $0x80, s8;
	[tilespmem:s7+$0xFFFFFFE0] =	vst v5  }
0x67a: {  	v5 =	vld [tilespmem:s9+$0xFFFFFFD0];
	p0 =	slt.u32 s8, $0xF80;
	[tilespmem:s7+$0xFFFFFFF0] =	vst v3  }
0x67b: {  	v3 =	vld [tilespmem:s9+$0xFFFFFFE0];
	[tilespmem:s7+$0x0] =	vst v0  }
0x67c: {  	v0 =	vld [tilespmem:s9+$0xFFFFFFF0];
	[tilespmem:s7+$0x10] =	vst v1  }
0x67d: {  	v1 =	vld [tilespmem:s9+$0x0];
	[tilespmem:s7+$0x20] =	vst v2  }
0x67e: {  	v2 =	vld [tilespmem:s9+$0x10];
	[tilespmem:s7+$0xFFFFFFC0] =	vst v4  }
0x67f: {  	v4 =	vld [tilespmem:s9+$0x20]  }
0x680: {  	v7 =	vld [tilespmem:s9+$0xFFFFFFC0]  }
0x681: {  	v6 =	vld.idx.msk [tilespmem:v6+s1+$0x0], $0xffff  }
0x682: {  	v8 =	vld.idx.msk [tilespmem:v5+s1+$0x0], $0xffff  }
0x683: {  	v5 =	vld.idx.msk [tilespmem:v3+s1+$0x0], $0xffff  }
.Ltmp34:
0x684: {  	v3 =	vld.idx.msk [tilespmem:v0+s1+$0x0], $0xffff;
	(pc) =	sbr.rel @p0 .LBB2_70-.Ltmp34, $4  }
0x685: {  	v0 =	vld.idx.msk [tilespmem:v1+s1+$0x0], $0xffff  }
0x686: {  	s7 =	sadd.s32 $0x80, s7;
	v1 =	vld.idx.msk [tilespmem:v2+s1+$0x0], $0xffff  }
0x687: {  	v2 =	vld.idx.msk [tilespmem:v4+s1+$0x0], $0xffff;
	[tilespmem:s7+$0x30] =	vst v6  }
0x688: {  	s9 =	sadd.s32 $0x80, s9;
	v4 =	vld.idx.msk [tilespmem:v7+s1+$0x0], $0xffff;
	[tilespmem:s7+$0xFFFFFFD0] =	vst v8  }
0x689: {  	[tilespmem:s7+$0xFFFFFFE0] =	vst v5  }
0x68a: {  	[tilespmem:s7+$0xFFFFFFF0] =	vst v3  }
0x68b: {  	[tilespmem:s7+$0x0] =	vst v0  }
0x68c: {  	[tilespmem:s7+$0x10] =	vst v1  }
0x68d: {  	[tilespmem:s7+$0x20] =	vst v2  }
0x68e: {  	[tilespmem:s7+$0xFFFFFFC0] =	vst v4  }
0x68f: {  	_ =	swait.ge [sflag:s2], $0x1000  }
0x690: {  	s8 =	sld [smem:$0x7FD]  }
0x691: {  	[sflag:s2] =	ssyncset.done $0x0  }
0x692: {  	s9 =	simm.s32 $0x18740;
	[sflag:s2] =	ssyncadd.s32 $0xFFFFF000  }
0x693: {  	[tilespmem:s11], [sflag:$0x2] =	stream.strided.gather [hbm4b:s8+s26], $0x1000, s29, s26, $0x38;
	[tilespmem:$0x1F700] =	vst v63  }
0x694: {  	v0 =	vld [tilespmem:s9+$0x30]  }
0x695: {  	v1 =	vld [tilespmem:s9+$0xFFFFFFD0]  }
0x696: {  	v2 =	vld [tilespmem:s9+$0xFFFFFFE0]  }
0x697: {  	v3 =	vld [tilespmem:s9+$0xFFFFFFF0]  }
0x698: {  	v4 =	vld [tilespmem:s9+$0x0]  }
0x699: {  	v6 =	vld [tilespmem:s9+$0x10]  }
0x69a: {  	v7 =	vld [tilespmem:s9+$0x20]  }
0x69b: {  	v8 =	vld [tilespmem:s9+$0xFFFFFFC0]  }
0x69c: {  	v9 =	vld.idx.msk [tilespmem:v0+s1+$0x0], $0xffff  }
0x69d: {  	v10 =	vld.idx.msk [tilespmem:v1+s1+$0x0], $0xffff  }
0x69e: {  	v5 =	vld.idx.msk [tilespmem:v2+s1+$0x0], $0xffff  }
0x69f: {  	v3 =	vld.idx.msk [tilespmem:v3+s1+$0x0], $0xffff  }
0x6a0: {  	v0 =	vld.idx.msk [tilespmem:v4+s1+$0x0], $0xffff  }
0x6a1: {  	s7 =	simm.s32 $0x1C770;
	v1 =	vld.idx.msk [tilespmem:v6+s1+$0x0], $0xffff  }
0x6a2: {  	v2 =	vld.idx.msk [tilespmem:v7+s1+$0x0], $0xffff;
	[tilespmem:s7+$0x0] =	vst v9  }
0x6a3: {  	s8 =	simm.s32 $0x0;
	s9 =	simm.s32 $0x187C0;
	v4 =	vld.idx.msk [tilespmem:v8+s1+$0x0], $0xffff;
	[tilespmem:s7+$0xFFFFFFA0] =	vst v10  }
.LBB2_72:
0x6a4: {  	v6 =	vld [tilespmem:s9+$0x30];
	s8 =	sadd.s32 $0x80, s8;
	[tilespmem:s7+$0xFFFFFFB0] =	vst v5  }
0x6a5: {  	v5 =	vld [tilespmem:s9+$0xFFFFFFD0];
	p0 =	slt.u32 s8, $0xF80;
	[tilespmem:s7+$0xFFFFFFC0] =	vst v3  }
0x6a6: {  	v3 =	vld [tilespmem:s9+$0xFFFFFFE0];
	[tilespmem:s7+$0xFFFFFFD0] =	vst v0  }
0x6a7: {  	v0 =	vld [tilespmem:s9+$0xFFFFFFF0];
	[tilespmem:s7+$0xFFFFFFE0] =	vst v1  }
0x6a8: {  	v1 =	vld [tilespmem:s9+$0x0];
	[tilespmem:s7+$0xFFFFFFF0] =	vst v2  }
0x6a9: {  	v2 =	vld [tilespmem:s9+$0x10];
	[tilespmem:s7+$0xFFFFFF90] =	vst v4  }
0x6aa: {  	v4 =	vld [tilespmem:s9+$0x20]  }
0x6ab: {  	v7 =	vld [tilespmem:s9+$0xFFFFFFC0]  }
0x6ac: {  	v6 =	vld.idx.msk [tilespmem:v6+s1+$0x0], $0xffff  }
0x6ad: {  	v8 =	vld.idx.msk [tilespmem:v5+s1+$0x0], $0xffff  }
0x6ae: {  	v5 =	vld.idx.msk [tilespmem:v3+s1+$0x0], $0xffff  }
.Ltmp35:
0x6af: {  	v3 =	vld.idx.msk [tilespmem:v0+s1+$0x0], $0xffff;
	(pc) =	sbr.rel @p0 .LBB2_72-.Ltmp35, $4  }
0x6b0: {  	v0 =	vld.idx.msk [tilespmem:v1+s1+$0x0], $0xffff  }
0x6b1: {  	s7 =	sadd.s32 $0x80, s7;
	v1 =	vld.idx.msk [tilespmem:v2+s1+$0x0], $0xffff  }
0x6b2: {  	v2 =	vld.idx.msk [tilespmem:v4+s1+$0x0], $0xffff;
	[tilespmem:s7+$0x0] =	vst v6  }
0x6b3: {  	s9 =	sadd.s32 $0x80, s9;
	v4 =	vld.idx.msk [tilespmem:v7+s1+$0x0], $0xffff;
	[tilespmem:s7+$0xFFFFFFA0] =	vst v8  }
0x6b4: {  	[tilespmem:s7+$0xFFFFFFB0] =	vst v5  }
0x6b5: {  	[tilespmem:s7+$0xFFFFFFC0] =	vst v3  }
0x6b6: {  	[tilespmem:s7+$0xFFFFFFD0] =	vst v0  }
0x6b7: {  	[tilespmem:s7+$0xFFFFFFE0] =	vst v1  }
0x6b8: {  	[tilespmem:s7+$0xFFFFFFF0] =	vst v2  }
0x6b9: {  	[tilespmem:s7+$0xFFFFFF90] =	vst v4  }
0x6ba: {  	s7 =	rddreg [dreg:$0x17]  }
0x6bb: {  	[hbm4b:s7+s26] =	stream.strided.scatter [tilespmem:s0], [sflag:$0x3], $0x1000, s29, s26, $0x38;
	[tilespmem:$0x1F700] =	vst v63  }
0x6bc: {  	s7 =	sadd.s32 $0x8000, s7  }
0x6bd: {  	[hbm4b:s7+s26] =	stream.strided.scatter [tilespmem:s28], [sflag:$0x3], $0x1000, s29, s26, $0x38;
	[tilespmem:$0x1F700] =	vst v63  }
0x6be: {  	_ =	swait.ge [sflag:s2], $0x1000  }
0x6bf: {  	[sflag:s2] =	ssyncset.done $0x0  }
0x6c0: {  	[sflag:s2] =	ssyncadd.s32 $0xFFFFF000  }
0x6c1: {  	[tilespmem:s30], [sflag:$0x2] =	stream.strided.gather [hbm4b:s10+s26], $0x1000, s29, s26, $0x38;
	[tilespmem:$0x1F700] =	vst v63  }
0x6c2: {  	_ =	swait.ge [sflag:s5], $0x2000  }
0x6c3: {  	[sflag:s5] =	ssyncset.done $0x0  }
0x6c4: {  	s9 =	simm.s32 $0x19740;
	[sflag:s5] =	ssyncadd.s32 $0xFFFFE000  }
0x6c5: {  	v0 =	vld [tilespmem:s9+$0x30]  }
0x6c6: {  	v1 =	vld [tilespmem:s9+$0xFFFFFFD0]  }
0x6c7: {  	v2 =	vld [tilespmem:s9+$0xFFFFFFE0]  }
0x6c8: {  	v3 =	vld [tilespmem:s9+$0xFFFFFFF0]  }
0x6c9: {  	v4 =	vld [tilespmem:s9+$0x0]  }
0x6ca: {  	v6 =	vld [tilespmem:s9+$0x10]  }
0x6cb: {  	v7 =	vld [tilespmem:s9+$0x20]  }
0x6cc: {  	v8 =	vld [tilespmem:s9+$0xFFFFFFC0]  }
0x6cd: {  	v9 =	vld.idx.msk [tilespmem:v0+s1+$0x0], $0xffff  }
0x6ce: {  	v10 =	vld.idx.msk [tilespmem:v1+s1+$0x0], $0xffff  }
0x6cf: {  	v5 =	vld.idx.msk [tilespmem:v2+s1+$0x0], $0xffff  }
0x6d0: {  	v3 =	vld.idx.msk [tilespmem:v3+s1+$0x0], $0xffff  }
0x6d1: {  	v0 =	vld.idx.msk [tilespmem:v4+s1+$0x0], $0xffff  }
0x6d2: {  	s7 =	simm.s32 $0x1D740;
	v1 =	vld.idx.msk [tilespmem:v6+s1+$0x0], $0xffff  }
0x6d3: {  	v2 =	vld.idx.msk [tilespmem:v7+s1+$0x0], $0xffff;
	[tilespmem:s7+$0x30] =	vst v9  }
0x6d4: {  	s8 =	simm.s32 $0x0;
	s9 =	simm.s32 $0x197C0;
	v4 =	vld.idx.msk [tilespmem:v8+s1+$0x0], $0xffff;
	[tilespmem:s7+$0xFFFFFFD0] =	vst v10  }
.LBB2_74:
0x6d5: {  	v6 =	vld [tilespmem:s9+$0x30];
	s8 =	sadd.s32 $0x80, s8;
	[tilespmem:s7+$0xFFFFFFE0] =	vst v5  }
0x6d6: {  	v5 =	vld [tilespmem:s9+$0xFFFFFFD0];
	p0 =	slt.u32 s8, $0xF80;
	[tilespmem:s7+$0xFFFFFFF0] =	vst v3  }
0x6d7: {  	v3 =	vld [tilespmem:s9+$0xFFFFFFE0];
	[tilespmem:s7+$0x0] =	vst v0  }
0x6d8: {  	v0 =	vld [tilespmem:s9+$0xFFFFFFF0];
	[tilespmem:s7+$0x10] =	vst v1  }
0x6d9: {  	v1 =	vld [tilespmem:s9+$0x0];
	[tilespmem:s7+$0x20] =	vst v2  }
0x6da: {  	v2 =	vld [tilespmem:s9+$0x10];
	[tilespmem:s7+$0xFFFFFFC0] =	vst v4  }
0x6db: {  	v4 =	vld [tilespmem:s9+$0x20]  }
0x6dc: {  	v7 =	vld [tilespmem:s9+$0xFFFFFFC0]  }
0x6dd: {  	v6 =	vld.idx.msk [tilespmem:v6+s1+$0x0], $0xffff  }
0x6de: {  	v8 =	vld.idx.msk [tilespmem:v5+s1+$0x0], $0xffff  }
0x6df: {  	v5 =	vld.idx.msk [tilespmem:v3+s1+$0x0], $0xffff  }
.Ltmp36:
0x6e0: {  	v3 =	vld.idx.msk [tilespmem:v0+s1+$0x0], $0xffff;
	(pc) =	sbr.rel @p0 .LBB2_74-.Ltmp36, $4  }
0x6e1: {  	v0 =	vld.idx.msk [tilespmem:v1+s1+$0x0], $0xffff  }
0x6e2: {  	s7 =	sadd.s32 $0x80, s7;
	v1 =	vld.idx.msk [tilespmem:v2+s1+$0x0], $0xffff  }
0x6e3: {  	v2 =	vld.idx.msk [tilespmem:v4+s1+$0x0], $0xffff;
	[tilespmem:s7+$0x30] =	vst v6  }
0x6e4: {  	s9 =	sadd.s32 $0x80, s9;
	v4 =	vld.idx.msk [tilespmem:v7+s1+$0x0], $0xffff;
	[tilespmem:s7+$0xFFFFFFD0] =	vst v8  }
0x6e5: {  	[tilespmem:s7+$0xFFFFFFE0] =	vst v5  }
0x6e6: {  	[tilespmem:s7+$0xFFFFFFF0] =	vst v3  }
0x6e7: {  	[tilespmem:s7+$0x0] =	vst v0  }
0x6e8: {  	[tilespmem:s7+$0x10] =	vst v1  }
0x6e9: {  	[tilespmem:s7+$0x20] =	vst v2  }
0x6ea: {  	[tilespmem:s7+$0xFFFFFFC0] =	vst v4  }
0x6eb: {  	_ =	swait.ge [sflag:s2], $0x1000  }
0x6ec: {  	[sflag:s2] =	ssyncset.done $0x0  }
0x6ed: {  	s9 =	simm.s32 $0x1A740;
	[sflag:s2] =	ssyncadd.s32 $0xFFFFF000  }
0x6ee: {  	[tilespmem:s31], [sflag:$0x2] =	stream.strided.gather [hbm4b:s12+s26], $0x1000, s29, s26, $0x38;
	[tilespmem:$0x1F700] =	vst v63  }
0x6ef: {  	v0 =	vld [tilespmem:s9+$0x30]  }
0x6f0: {  	v1 =	vld [tilespmem:s9+$0xFFFFFFD0]  }
0x6f1: {  	v2 =	vld [tilespmem:s9+$0xFFFFFFE0]  }
0x6f2: {  	v3 =	vld [tilespmem:s9+$0xFFFFFFF0]  }
0x6f3: {  	v4 =	vld [tilespmem:s9+$0x0]  }
0x6f4: {  	v6 =	vld [tilespmem:s9+$0x10]  }
0x6f5: {  	v7 =	vld [tilespmem:s9+$0x20]  }
0x6f6: {  	v8 =	vld [tilespmem:s9+$0xFFFFFFC0]  }
0x6f7: {  	v9 =	vld.idx.msk [tilespmem:v0+s1+$0x0], $0xffff  }
0x6f8: {  	v10 =	vld.idx.msk [tilespmem:v1+s1+$0x0], $0xffff  }
0x6f9: {  	v5 =	vld.idx.msk [tilespmem:v2+s1+$0x0], $0xffff  }
0x6fa: {  	v3 =	vld.idx.msk [tilespmem:v3+s1+$0x0], $0xffff  }
0x6fb: {  	v0 =	vld.idx.msk [tilespmem:v4+s1+$0x0], $0xffff  }
0x6fc: {  	s7 =	simm.s32 $0x1E770;
	v1 =	vld.idx.msk [tilespmem:v6+s1+$0x0], $0xffff  }
0x6fd: {  	v2 =	vld.idx.msk [tilespmem:v7+s1+$0x0], $0xffff;
	[tilespmem:s7+$0x0] =	vst v9  }
0x6fe: {  	s8 =	simm.s32 $0x0;
	s9 =	simm.s32 $0x1A7C0;
	v4 =	vld.idx.msk [tilespmem:v8+s1+$0x0], $0xffff;
	[tilespmem:s7+$0xFFFFFFA0] =	vst v10  }
.LBB2_76:
0x6ff: {  	v6 =	vld [tilespmem:s9+$0x30];
	s8 =	sadd.s32 $0x80, s8;
	[tilespmem:s7+$0xFFFFFFB0] =	vst v5  }
0x700: {  	v5 =	vld [tilespmem:s9+$0xFFFFFFD0];
	p0 =	slt.u32 s8, $0xF80;
	[tilespmem:s7+$0xFFFFFFC0] =	vst v3  }
0x701: {  	v3 =	vld [tilespmem:s9+$0xFFFFFFE0];
	[tilespmem:s7+$0xFFFFFFD0] =	vst v0  }
0x702: {  	v0 =	vld [tilespmem:s9+$0xFFFFFFF0];
	[tilespmem:s7+$0xFFFFFFE0] =	vst v1  }
0x703: {  	v1 =	vld [tilespmem:s9+$0x0];
	[tilespmem:s7+$0xFFFFFFF0] =	vst v2  }
0x704: {  	v2 =	vld [tilespmem:s9+$0x10];
	[tilespmem:s7+$0xFFFFFF90] =	vst v4  }
0x705: {  	v4 =	vld [tilespmem:s9+$0x20]  }
0x706: {  	v7 =	vld [tilespmem:s9+$0xFFFFFFC0]  }
0x707: {  	v6 =	vld.idx.msk [tilespmem:v6+s1+$0x0], $0xffff  }
0x708: {  	v8 =	vld.idx.msk [tilespmem:v5+s1+$0x0], $0xffff  }
0x709: {  	v5 =	vld.idx.msk [tilespmem:v3+s1+$0x0], $0xffff  }
.Ltmp37:
0x70a: {  	v3 =	vld.idx.msk [tilespmem:v0+s1+$0x0], $0xffff;
	(pc) =	sbr.rel @p0 .LBB2_76-.Ltmp37, $4  }
0x70b: {  	v0 =	vld.idx.msk [tilespmem:v1+s1+$0x0], $0xffff  }
0x70c: {  	s7 =	sadd.s32 $0x80, s7;
	v1 =	vld.idx.msk [tilespmem:v2+s1+$0x0], $0xffff  }
0x70d: {  	v2 =	vld.idx.msk [tilespmem:v4+s1+$0x0], $0xffff;
	[tilespmem:s7+$0x0] =	vst v6  }
0x70e: {  	s9 =	sadd.s32 $0x80, s9;
	v4 =	vld.idx.msk [tilespmem:v7+s1+$0x0], $0xffff;
	[tilespmem:s7+$0xFFFFFFA0] =	vst v8  }
0x70f: {  	[tilespmem:s7+$0xFFFFFFB0] =	vst v5  }
0x710: {  	[tilespmem:s7+$0xFFFFFFC0] =	vst v3  }
0x711: {  	[tilespmem:s7+$0xFFFFFFD0] =	vst v0  }
0x712: {  	[tilespmem:s7+$0xFFFFFFE0] =	vst v1  }
0x713: {  	[tilespmem:s7+$0xFFFFFFF0] =	vst v2  }
0x714: {  	[tilespmem:s7+$0xFFFFFF90] =	vst v4  }
0x715: {  	s7 =	rddreg [dreg:$0x18]  }
0x716: {  	[hbm4b:s7+s26] =	stream.strided.scatter [tilespmem:s3], [sflag:$0x3], $0x1000, s29, s26, $0x38;
	[tilespmem:$0x1F700] =	vst v63  }
0x717: {  	s7 =	sadd.s32 $0x8000, s7  }
0x718: {  	[hbm4b:s7+s26] =	stream.strided.scatter [tilespmem:s4], [sflag:$0x3], $0x1000, s29, s26, $0x38;
	[tilespmem:$0x1F700] =	vst v63  }
0x719: {  	_ =	swait.ge [sflag:s2], $0x1000  }
0x71a: {  	[sflag:s2] =	ssyncset.done $0x0  }
0x71b: {  	[sflag:s2] =	ssyncadd.s32 $0xFFFFF000  }
0x71c: {  	[tilespmem:s11], [sflag:$0x2] =	stream.strided.gather [hbm4b:s13+s26], $0x1000, s29, s26, $0x38;
	[tilespmem:$0x1F700] =	vst v63  }
0x71d: {  	_ =	swait.ge [sflag:s5], $0x2000  }
0x71e: {  	[sflag:s5] =	ssyncset.done $0x0  }
0x71f: {  	s9 =	simm.s32 $0x18740;
	[sflag:s5] =	ssyncadd.s32 $0xFFFFE000  }
0x720: {  	v0 =	vld [tilespmem:s9+$0x30]  }
0x721: {  	v1 =	vld [tilespmem:s9+$0xFFFFFFD0]  }
0x722: {  	v2 =	vld [tilespmem:s9+$0xFFFFFFE0]  }
0x723: {  	v3 =	vld [tilespmem:s9+$0xFFFFFFF0]  }
0x724: {  	v4 =	vld [tilespmem:s9+$0x0]  }
0x725: {  	v6 =	vld [tilespmem:s9+$0x10]  }
0x726: {  	v7 =	vld [tilespmem:s9+$0x20]  }
0x727: {  	v8 =	vld [tilespmem:s9+$0xFFFFFFC0]  }
0x728: {  	v9 =	vld.idx.msk [tilespmem:v0+s1+$0x0], $0xffff  }
0x729: {  	v10 =	vld.idx.msk [tilespmem:v1+s1+$0x0], $0xffff  }
0x72a: {  	v5 =	vld.idx.msk [tilespmem:v2+s1+$0x0], $0xffff  }
0x72b: {  	v3 =	vld.idx.msk [tilespmem:v3+s1+$0x0], $0xffff  }
0x72c: {  	v0 =	vld.idx.msk [tilespmem:v4+s1+$0x0], $0xffff  }
0x72d: {  	s7 =	simm.s32 $0x1B740;
	v1 =	vld.idx.msk [tilespmem:v6+s1+$0x0], $0xffff  }
0x72e: {  	v2 =	vld.idx.msk [tilespmem:v7+s1+$0x0], $0xffff;
	[tilespmem:s7+$0x30] =	vst v9  }
0x72f: {  	s8 =	simm.s32 $0x0;
	s9 =	simm.s32 $0x187C0;
	v4 =	vld.idx.msk [tilespmem:v8+s1+$0x0], $0xffff;
	[tilespmem:s7+$0xFFFFFFD0] =	vst v10  }
.LBB2_78:
0x730: {  	v6 =	vld [tilespmem:s9+$0x30];
	s8 =	sadd.s32 $0x80, s8;
	[tilespmem:s7+$0xFFFFFFE0] =	vst v5  }
0x731: {  	v5 =	vld [tilespmem:s9+$0xFFFFFFD0];
	p0 =	slt.u32 s8, $0xF80;
	[tilespmem:s7+$0xFFFFFFF0] =	vst v3  }
0x732: {  	v3 =	vld [tilespmem:s9+$0xFFFFFFE0];
	[tilespmem:s7+$0x0] =	vst v0  }
0x733: {  	v0 =	vld [tilespmem:s9+$0xFFFFFFF0];
	[tilespmem:s7+$0x10] =	vst v1  }
0x734: {  	v1 =	vld [tilespmem:s9+$0x0];
	[tilespmem:s7+$0x20] =	vst v2  }
0x735: {  	v2 =	vld [tilespmem:s9+$0x10];
	[tilespmem:s7+$0xFFFFFFC0] =	vst v4  }
0x736: {  	v4 =	vld [tilespmem:s9+$0x20]  }
0x737: {  	v7 =	vld [tilespmem:s9+$0xFFFFFFC0]  }
0x738: {  	v6 =	vld.idx.msk [tilespmem:v6+s1+$0x0], $0xffff  }
0x739: {  	v8 =	vld.idx.msk [tilespmem:v5+s1+$0x0], $0xffff  }
0x73a: {  	v5 =	vld.idx.msk [tilespmem:v3+s1+$0x0], $0xffff  }
.Ltmp38:
0x73b: {  	v3 =	vld.idx.msk [tilespmem:v0+s1+$0x0], $0xffff;
	(pc) =	sbr.rel @p0 .LBB2_78-.Ltmp38, $4  }
0x73c: {  	v0 =	vld.idx.msk [tilespmem:v1+s1+$0x0], $0xffff  }
0x73d: {  	s7 =	sadd.s32 $0x80, s7;
	v1 =	vld.idx.msk [tilespmem:v2+s1+$0x0], $0xffff  }
0x73e: {  	v2 =	vld.idx.msk [tilespmem:v4+s1+$0x0], $0xffff;
	[tilespmem:s7+$0x30] =	vst v6  }
0x73f: {  	s9 =	sadd.s32 $0x80, s9;
	v4 =	vld.idx.msk [tilespmem:v7+s1+$0x0], $0xffff;
	[tilespmem:s7+$0xFFFFFFD0] =	vst v8  }
0x740: {  	[tilespmem:s7+$0xFFFFFFE0] =	vst v5  }
0x741: {  	[tilespmem:s7+$0xFFFFFFF0] =	vst v3  }
0x742: {  	[tilespmem:s7+$0x0] =	vst v0  }
0x743: {  	[tilespmem:s7+$0x10] =	vst v1  }
0x744: {  	[tilespmem:s7+$0x20] =	vst v2  }
0x745: {  	[tilespmem:s7+$0xFFFFFFC0] =	vst v4  }
0x746: {  	_ =	swait.ge [sflag:s2], $0x1000  }
0x747: {  	[sflag:s2] =	ssyncset.done $0x0  }
0x748: {  	s9 =	simm.s32 $0x19740;
	[sflag:s2] =	ssyncadd.s32 $0xFFFFF000  }
0x749: {  	[tilespmem:s30], [sflag:$0x2] =	stream.strided.gather [hbm4b:s14+s26], $0x1000, s29, s26, $0x38;
	[tilespmem:$0x1F700] =	vst v63  }
0x74a: {  	v0 =	vld [tilespmem:s9+$0x30]  }
0x74b: {  	v1 =	vld [tilespmem:s9+$0xFFFFFFD0]  }
0x74c: {  	v2 =	vld [tilespmem:s9+$0xFFFFFFE0]  }
0x74d: {  	v3 =	vld [tilespmem:s9+$0xFFFFFFF0]  }
0x74e: {  	v4 =	vld [tilespmem:s9+$0x0]  }
0x74f: {  	v6 =	vld [tilespmem:s9+$0x10]  }
0x750: {  	v7 =	vld [tilespmem:s9+$0x20]  }
0x751: {  	v8 =	vld [tilespmem:s9+$0xFFFFFFC0]  }
0x752: {  	v9 =	vld.idx.msk [tilespmem:v0+s1+$0x0], $0xffff  }
0x753: {  	v10 =	vld.idx.msk [tilespmem:v1+s1+$0x0], $0xffff  }
0x754: {  	v5 =	vld.idx.msk [tilespmem:v2+s1+$0x0], $0xffff  }
0x755: {  	v3 =	vld.idx.msk [tilespmem:v3+s1+$0x0], $0xffff  }
0x756: {  	v0 =	vld.idx.msk [tilespmem:v4+s1+$0x0], $0xffff  }
0x757: {  	s7 =	simm.s32 $0x1C770;
	v1 =	vld.idx.msk [tilespmem:v6+s1+$0x0], $0xffff  }
0x758: {  	v2 =	vld.idx.msk [tilespmem:v7+s1+$0x0], $0xffff;
	[tilespmem:s7+$0x0] =	vst v9  }
0x759: {  	s8 =	simm.s32 $0x0;
	s9 =	simm.s32 $0x197C0;
	v4 =	vld.idx.msk [tilespmem:v8+s1+$0x0], $0xffff;
	[tilespmem:s7+$0xFFFFFFA0] =	vst v10  }
.LBB2_80:
0x75a: {  	v6 =	vld [tilespmem:s9+$0x30];
	s8 =	sadd.s32 $0x80, s8;
	[tilespmem:s7+$0xFFFFFFB0] =	vst v5  }
0x75b: {  	v5 =	vld [tilespmem:s9+$0xFFFFFFD0];
	p0 =	slt.u32 s8, $0xF80;
	[tilespmem:s7+$0xFFFFFFC0] =	vst v3  }
0x75c: {  	v3 =	vld [tilespmem:s9+$0xFFFFFFE0];
	[tilespmem:s7+$0xFFFFFFD0] =	vst v0  }
0x75d: {  	v0 =	vld [tilespmem:s9+$0xFFFFFFF0];
	[tilespmem:s7+$0xFFFFFFE0] =	vst v1  }
0x75e: {  	v1 =	vld [tilespmem:s9+$0x0];
	[tilespmem:s7+$0xFFFFFFF0] =	vst v2  }
0x75f: {  	v2 =	vld [tilespmem:s9+$0x10];
	[tilespmem:s7+$0xFFFFFF90] =	vst v4  }
0x760: {  	v4 =	vld [tilespmem:s9+$0x20]  }
0x761: {  	v7 =	vld [tilespmem:s9+$0xFFFFFFC0]  }
0x762: {  	v6 =	vld.idx.msk [tilespmem:v6+s1+$0x0], $0xffff  }
0x763: {  	v8 =	vld.idx.msk [tilespmem:v5+s1+$0x0], $0xffff  }
0x764: {  	v5 =	vld.idx.msk [tilespmem:v3+s1+$0x0], $0xffff  }
.Ltmp39:
0x765: {  	v3 =	vld.idx.msk [tilespmem:v0+s1+$0x0], $0xffff;
	(pc) =	sbr.rel @p0 .LBB2_80-.Ltmp39, $4  }
0x766: {  	v0 =	vld.idx.msk [tilespmem:v1+s1+$0x0], $0xffff  }
0x767: {  	s7 =	sadd.s32 $0x80, s7;
	v1 =	vld.idx.msk [tilespmem:v2+s1+$0x0], $0xffff  }
0x768: {  	v2 =	vld.idx.msk [tilespmem:v4+s1+$0x0], $0xffff;
	[tilespmem:s7+$0x0] =	vst v6  }
0x769: {  	s9 =	sadd.s32 $0x80, s9;
	v4 =	vld.idx.msk [tilespmem:v7+s1+$0x0], $0xffff;
	[tilespmem:s7+$0xFFFFFFA0] =	vst v8  }
0x76a: {  	[tilespmem:s7+$0xFFFFFFB0] =	vst v5  }
0x76b: {  	[tilespmem:s7+$0xFFFFFFC0] =	vst v3  }
0x76c: {  	[tilespmem:s7+$0xFFFFFFD0] =	vst v0  }
0x76d: {  	[tilespmem:s7+$0xFFFFFFE0] =	vst v1  }
0x76e: {  	[tilespmem:s7+$0xFFFFFFF0] =	vst v2  }
0x76f: {  	[tilespmem:s7+$0xFFFFFF90] =	vst v4  }
0x770: {  	s7 =	rddreg [dreg:$0x19]  }
0x771: {  	[hbm4b:s7+s26] =	stream.strided.scatter [tilespmem:s0], [sflag:$0x3], $0x1000, s29, s26, $0x38;
	[tilespmem:$0x1F700] =	vst v63  }
0x772: {  	s7 =	sadd.s32 $0x8000, s7  }
0x773: {  	[hbm4b:s7+s26] =	stream.strided.scatter [tilespmem:s28], [sflag:$0x3], $0x1000, s29, s26, $0x38;
	[tilespmem:$0x1F700] =	vst v63  }
0x774: {  	_ =	swait.ge [sflag:s2], $0x1000  }
0x775: {  	[sflag:s2] =	ssyncset.done $0x0  }
0x776: {  	[sflag:s2] =	ssyncadd.s32 $0xFFFFF000  }
0x777: {  	[tilespmem:s31], [sflag:$0x2] =	stream.strided.gather [hbm4b:s15+s26], $0x1000, s29, s26, $0x38;
	[tilespmem:$0x1F700] =	vst v63  }
0x778: {  	_ =	swait.ge [sflag:s5], $0x2000  }
0x779: {  	[sflag:s5] =	ssyncset.done $0x0  }
0x77a: {  	s9 =	simm.s32 $0x1A740;
	[sflag:s5] =	ssyncadd.s32 $0xFFFFE000  }
0x77b: {  	v0 =	vld [tilespmem:s9+$0x30]  }
0x77c: {  	v1 =	vld [tilespmem:s9+$0xFFFFFFD0]  }
0x77d: {  	v2 =	vld [tilespmem:s9+$0xFFFFFFE0]  }
0x77e: {  	v3 =	vld [tilespmem:s9+$0xFFFFFFF0]  }
0x77f: {  	v4 =	vld [tilespmem:s9+$0x0]  }
0x780: {  	v6 =	vld [tilespmem:s9+$0x10]  }
0x781: {  	v7 =	vld [tilespmem:s9+$0x20]  }
0x782: {  	v8 =	vld [tilespmem:s9+$0xFFFFFFC0]  }
0x783: {  	v9 =	vld.idx.msk [tilespmem:v0+s1+$0x0], $0xffff  }
0x784: {  	v10 =	vld.idx.msk [tilespmem:v1+s1+$0x0], $0xffff  }
0x785: {  	v5 =	vld.idx.msk [tilespmem:v2+s1+$0x0], $0xffff  }
0x786: {  	v3 =	vld.idx.msk [tilespmem:v3+s1+$0x0], $0xffff  }
0x787: {  	v0 =	vld.idx.msk [tilespmem:v4+s1+$0x0], $0xffff  }
0x788: {  	s7 =	simm.s32 $0x1D740;
	v1 =	vld.idx.msk [tilespmem:v6+s1+$0x0], $0xffff  }
0x789: {  	v2 =	vld.idx.msk [tilespmem:v7+s1+$0x0], $0xffff;
	[tilespmem:s7+$0x30] =	vst v9  }
0x78a: {  	s8 =	simm.s32 $0x0;
	s9 =	simm.s32 $0x1A7C0;
	v4 =	vld.idx.msk [tilespmem:v8+s1+$0x0], $0xffff;
	[tilespmem:s7+$0xFFFFFFD0] =	vst v10  }
.LBB2_82:
0x78b: {  	v6 =	vld [tilespmem:s9+$0x30];
	s8 =	sadd.s32 $0x80, s8;
	[tilespmem:s7+$0xFFFFFFE0] =	vst v5  }
0x78c: {  	v5 =	vld [tilespmem:s9+$0xFFFFFFD0];
	p0 =	slt.u32 s8, $0xF80;
	[tilespmem:s7+$0xFFFFFFF0] =	vst v3  }
0x78d: {  	v3 =	vld [tilespmem:s9+$0xFFFFFFE0];
	[tilespmem:s7+$0x0] =	vst v0  }
0x78e: {  	v0 =	vld [tilespmem:s9+$0xFFFFFFF0];
	[tilespmem:s7+$0x10] =	vst v1  }
0x78f: {  	v1 =	vld [tilespmem:s9+$0x0];
	[tilespmem:s7+$0x20] =	vst v2  }
0x790: {  	v2 =	vld [tilespmem:s9+$0x10];
	[tilespmem:s7+$0xFFFFFFC0] =	vst v4  }
0x791: {  	v4 =	vld [tilespmem:s9+$0x20]  }
0x792: {  	v7 =	vld [tilespmem:s9+$0xFFFFFFC0]  }
0x793: {  	v6 =	vld.idx.msk [tilespmem:v6+s1+$0x0], $0xffff  }
0x794: {  	v8 =	vld.idx.msk [tilespmem:v5+s1+$0x0], $0xffff  }
0x795: {  	v5 =	vld.idx.msk [tilespmem:v3+s1+$0x0], $0xffff  }
.Ltmp40:
0x796: {  	v3 =	vld.idx.msk [tilespmem:v0+s1+$0x0], $0xffff;
	(pc) =	sbr.rel @p0 .LBB2_82-.Ltmp40, $4  }
0x797: {  	v0 =	vld.idx.msk [tilespmem:v1+s1+$0x0], $0xffff  }
0x798: {  	s7 =	sadd.s32 $0x80, s7;
	v1 =	vld.idx.msk [tilespmem:v2+s1+$0x0], $0xffff  }
0x799: {  	v2 =	vld.idx.msk [tilespmem:v4+s1+$0x0], $0xffff;
	[tilespmem:s7+$0x30] =	vst v6  }
0x79a: {  	s9 =	sadd.s32 $0x80, s9;
	v4 =	vld.idx.msk [tilespmem:v7+s1+$0x0], $0xffff;
	[tilespmem:s7+$0xFFFFFFD0] =	vst v8  }
0x79b: {  	[tilespmem:s7+$0xFFFFFFE0] =	vst v5  }
0x79c: {  	[tilespmem:s7+$0xFFFFFFF0] =	vst v3  }
0x79d: {  	[tilespmem:s7+$0x0] =	vst v0  }
0x79e: {  	[tilespmem:s7+$0x10] =	vst v1  }
0x79f: {  	[tilespmem:s7+$0x20] =	vst v2  }
0x7a0: {  	[tilespmem:s7+$0xFFFFFFC0] =	vst v4  }
0x7a1: {  	_ =	swait.ge [sflag:s2], $0x1000  }
0x7a2: {  	[sflag:s2] =	ssyncset.done $0x0  }
0x7a3: {  	s9 =	simm.s32 $0x18740;
	[sflag:s2] =	ssyncadd.s32 $0xFFFFF000  }
0x7a4: {  	[tilespmem:s11], [sflag:$0x2] =	stream.strided.gather [hbm4b:s16+s26], $0x1000, s29, s26, $0x38;
	[tilespmem:$0x1F700] =	vst v63  }
0x7a5: {  	v0 =	vld [tilespmem:s9+$0x30]  }
0x7a6: {  	v1 =	vld [tilespmem:s9+$0xFFFFFFD0]  }
0x7a7: {  	v2 =	vld [tilespmem:s9+$0xFFFFFFE0]  }
0x7a8: {  	v3 =	vld [tilespmem:s9+$0xFFFFFFF0]  }
0x7a9: {  	v4 =	vld [tilespmem:s9+$0x0]  }
0x7aa: {  	v6 =	vld [tilespmem:s9+$0x10]  }
0x7ab: {  	v7 =	vld [tilespmem:s9+$0x20]  }
0x7ac: {  	v8 =	vld [tilespmem:s9+$0xFFFFFFC0]  }
0x7ad: {  	v9 =	vld.idx.msk [tilespmem:v0+s1+$0x0], $0xffff  }
0x7ae: {  	v10 =	vld.idx.msk [tilespmem:v1+s1+$0x0], $0xffff  }
0x7af: {  	v5 =	vld.idx.msk [tilespmem:v2+s1+$0x0], $0xffff  }
0x7b0: {  	v3 =	vld.idx.msk [tilespmem:v3+s1+$0x0], $0xffff  }
0x7b1: {  	v0 =	vld.idx.msk [tilespmem:v4+s1+$0x0], $0xffff  }
0x7b2: {  	s7 =	simm.s32 $0x1E770;
	v1 =	vld.idx.msk [tilespmem:v6+s1+$0x0], $0xffff  }
0x7b3: {  	v2 =	vld.idx.msk [tilespmem:v7+s1+$0x0], $0xffff;
	[tilespmem:s7+$0x0] =	vst v9  }
0x7b4: {  	s8 =	simm.s32 $0x0;
	s9 =	simm.s32 $0x187C0;
	v4 =	vld.idx.msk [tilespmem:v8+s1+$0x0], $0xffff;
	[tilespmem:s7+$0xFFFFFFA0] =	vst v10  }
.LBB2_84:
0x7b5: {  	v6 =	vld [tilespmem:s9+$0x30];
	s8 =	sadd.s32 $0x80, s8;
	[tilespmem:s7+$0xFFFFFFB0] =	vst v5  }
0x7b6: {  	v5 =	vld [tilespmem:s9+$0xFFFFFFD0];
	p0 =	slt.u32 s8, $0xF80;
	[tilespmem:s7+$0xFFFFFFC0] =	vst v3  }
0x7b7: {  	v3 =	vld [tilespmem:s9+$0xFFFFFFE0];
	[tilespmem:s7+$0xFFFFFFD0] =	vst v0  }
0x7b8: {  	v0 =	vld [tilespmem:s9+$0xFFFFFFF0];
	[tilespmem:s7+$0xFFFFFFE0] =	vst v1  }
0x7b9: {  	v1 =	vld [tilespmem:s9+$0x0];
	[tilespmem:s7+$0xFFFFFFF0] =	vst v2  }
0x7ba: {  	v2 =	vld [tilespmem:s9+$0x10];
	[tilespmem:s7+$0xFFFFFF90] =	vst v4  }
0x7bb: {  	v4 =	vld [tilespmem:s9+$0x20]  }
0x7bc: {  	v7 =	vld [tilespmem:s9+$0xFFFFFFC0]  }
0x7bd: {  	v6 =	vld.idx.msk [tilespmem:v6+s1+$0x0], $0xffff  }
0x7be: {  	v8 =	vld.idx.msk [tilespmem:v5+s1+$0x0], $0xffff  }
0x7bf: {  	v5 =	vld.idx.msk [tilespmem:v3+s1+$0x0], $0xffff  }
.Ltmp41:
0x7c0: {  	v3 =	vld.idx.msk [tilespmem:v0+s1+$0x0], $0xffff;
	(pc) =	sbr.rel @p0 .LBB2_84-.Ltmp41, $4  }
0x7c1: {  	v0 =	vld.idx.msk [tilespmem:v1+s1+$0x0], $0xffff  }
0x7c2: {  	s7 =	sadd.s32 $0x80, s7;
	v1 =	vld.idx.msk [tilespmem:v2+s1+$0x0], $0xffff  }
0x7c3: {  	v2 =	vld.idx.msk [tilespmem:v4+s1+$0x0], $0xffff;
	[tilespmem:s7+$0x0] =	vst v6  }
0x7c4: {  	s9 =	sadd.s32 $0x80, s9;
	v4 =	vld.idx.msk [tilespmem:v7+s1+$0x0], $0xffff;
	[tilespmem:s7+$0xFFFFFFA0] =	vst v8  }
0x7c5: {  	[tilespmem:s7+$0xFFFFFFB0] =	vst v5  }
0x7c6: {  	[tilespmem:s7+$0xFFFFFFC0] =	vst v3  }
0x7c7: {  	[tilespmem:s7+$0xFFFFFFD0] =	vst v0  }
0x7c8: {  	[tilespmem:s7+$0xFFFFFFE0] =	vst v1  }
0x7c9: {  	[tilespmem:s7+$0xFFFFFFF0] =	vst v2  }
0x7ca: {  	[tilespmem:s7+$0xFFFFFF90] =	vst v4  }
0x7cb: {  	s7 =	rddreg [dreg:$0x1a]  }
0x7cc: {  	[hbm4b:s7+s26] =	stream.strided.scatter [tilespmem:s3], [sflag:$0x3], $0x1000, s29, s26, $0x38;
	[tilespmem:$0x1F700] =	vst v63  }
0x7cd: {  	s7 =	sadd.s32 $0x8000, s7  }
0x7ce: {  	[hbm4b:s7+s26] =	stream.strided.scatter [tilespmem:s4], [sflag:$0x3], $0x1000, s29, s26, $0x38;
	[tilespmem:$0x1F700] =	vst v63  }
0x7cf: {  	_ =	swait.ge [sflag:s2], $0x1000  }
0x7d0: {  	[sflag:s2] =	ssyncset.done $0x0  }
0x7d1: {  	[sflag:s2] =	ssyncadd.s32 $0xFFFFF000  }
0x7d2: {  	[tilespmem:s30], [sflag:$0x2] =	stream.strided.gather [hbm4b:s17+s26], $0x1000, s29, s26, $0x38;
	[tilespmem:$0x1F700] =	vst v63  }
0x7d3: {  	_ =	swait.ge [sflag:s5], $0x2000  }
0x7d4: {  	[sflag:s5] =	ssyncset.done $0x0  }
0x7d5: {  	s9 =	simm.s32 $0x19740;
	[sflag:s5] =	ssyncadd.s32 $0xFFFFE000  }
0x7d6: {  	v0 =	vld [tilespmem:s9+$0x30]  }
0x7d7: {  	v1 =	vld [tilespmem:s9+$0xFFFFFFD0]  }
0x7d8: {  	v2 =	vld [tilespmem:s9+$0xFFFFFFE0]  }
0x7d9: {  	v3 =	vld [tilespmem:s9+$0xFFFFFFF0]  }
0x7da: {  	v4 =	vld [tilespmem:s9+$0x0]  }
0x7db: {  	v6 =	vld [tilespmem:s9+$0x10]  }
0x7dc: {  	v7 =	vld [tilespmem:s9+$0x20]  }
0x7dd: {  	v8 =	vld [tilespmem:s9+$0xFFFFFFC0]  }
0x7de: {  	v9 =	vld.idx.msk [tilespmem:v0+s1+$0x0], $0xffff  }
0x7df: {  	v10 =	vld.idx.msk [tilespmem:v1+s1+$0x0], $0xffff  }
0x7e0: {  	v5 =	vld.idx.msk [tilespmem:v2+s1+$0x0], $0xffff  }
0x7e1: {  	v3 =	vld.idx.msk [tilespmem:v3+s1+$0x0], $0xffff  }
0x7e2: {  	v0 =	vld.idx.msk [tilespmem:v4+s1+$0x0], $0xffff  }
0x7e3: {  	s7 =	simm.s32 $0x1B740;
	v1 =	vld.idx.msk [tilespmem:v6+s1+$0x0], $0xffff  }
0x7e4: {  	v2 =	vld.idx.msk [tilespmem:v7+s1+$0x0], $0xffff;
	[tilespmem:s7+$0x30] =	vst v9  }
0x7e5: {  	s8 =	simm.s32 $0x0;
	s9 =	simm.s32 $0x197C0;
	v4 =	vld.idx.msk [tilespmem:v8+s1+$0x0], $0xffff;
	[tilespmem:s7+$0xFFFFFFD0] =	vst v10  }
.LBB2_86:
0x7e6: {  	v6 =	vld [tilespmem:s9+$0x30];
	s8 =	sadd.s32 $0x80, s8;
	[tilespmem:s7+$0xFFFFFFE0] =	vst v5  }
0x7e7: {  	v5 =	vld [tilespmem:s9+$0xFFFFFFD0];
	p0 =	slt.u32 s8, $0xF80;
	[tilespmem:s7+$0xFFFFFFF0] =	vst v3  }
0x7e8: {  	v3 =	vld [tilespmem:s9+$0xFFFFFFE0];
	[tilespmem:s7+$0x0] =	vst v0  }
0x7e9: {  	v0 =	vld [tilespmem:s9+$0xFFFFFFF0];
	[tilespmem:s7+$0x10] =	vst v1  }
0x7ea: {  	v1 =	vld [tilespmem:s9+$0x0];
	[tilespmem:s7+$0x20] =	vst v2  }
0x7eb: {  	v2 =	vld [tilespmem:s9+$0x10];
	[tilespmem:s7+$0xFFFFFFC0] =	vst v4  }
0x7ec: {  	v4 =	vld [tilespmem:s9+$0x20]  }
0x7ed: {  	v7 =	vld [tilespmem:s9+$0xFFFFFFC0]  }
0x7ee: {  	v6 =	vld.idx.msk [tilespmem:v6+s1+$0x0], $0xffff  }
0x7ef: {  	v8 =	vld.idx.msk [tilespmem:v5+s1+$0x0], $0xffff  }
0x7f0: {  	v5 =	vld.idx.msk [tilespmem:v3+s1+$0x0], $0xffff  }
.Ltmp42:
0x7f1: {  	v3 =	vld.idx.msk [tilespmem:v0+s1+$0x0], $0xffff;
	(pc) =	sbr.rel @p0 .LBB2_86-.Ltmp42, $4  }
0x7f2: {  	v0 =	vld.idx.msk [tilespmem:v1+s1+$0x0], $0xffff  }
0x7f3: {  	s7 =	sadd.s32 $0x80, s7;
	v1 =	vld.idx.msk [tilespmem:v2+s1+$0x0], $0xffff  }
0x7f4: {  	v2 =	vld.idx.msk [tilespmem:v4+s1+$0x0], $0xffff;
	[tilespmem:s7+$0x30] =	vst v6  }
0x7f5: {  	s9 =	sadd.s32 $0x80, s9;
	v4 =	vld.idx.msk [tilespmem:v7+s1+$0x0], $0xffff;
	[tilespmem:s7+$0xFFFFFFD0] =	vst v8  }
0x7f6: {  	[tilespmem:s7+$0xFFFFFFE0] =	vst v5  }
0x7f7: {  	[tilespmem:s7+$0xFFFFFFF0] =	vst v3  }
0x7f8: {  	[tilespmem:s7+$0x0] =	vst v0  }
0x7f9: {  	[tilespmem:s7+$0x10] =	vst v1  }
0x7fa: {  	[tilespmem:s7+$0x20] =	vst v2  }
0x7fb: {  	[tilespmem:s7+$0xFFFFFFC0] =	vst v4  }
0x7fc: {  	_ =	swait.ge [sflag:s2], $0x1000  }
0x7fd: {  	[sflag:s2] =	ssyncset.done $0x0  }
0x7fe: {  	s9 =	simm.s32 $0x1A740;
	[sflag:s2] =	ssyncadd.s32 $0xFFFFF000  }
0x7ff: {  	[tilespmem:s31], [sflag:$0x2] =	stream.strided.gather [hbm4b:s18+s26], $0x1000, s29, s26, $0x38;
	[tilespmem:$0x1F700] =	vst v63  }
0x800: {  	v0 =	vld [tilespmem:s9+$0x30]  }
0x801: {  	v1 =	vld [tilespmem:s9+$0xFFFFFFD0]  }
0x802: {  	v2 =	vld [tilespmem:s9+$0xFFFFFFE0]  }
0x803: {  	v3 =	vld [tilespmem:s9+$0xFFFFFFF0]  }
0x804: {  	v4 =	vld [tilespmem:s9+$0x0]  }
0x805: {  	v6 =	vld [tilespmem:s9+$0x10]  }
0x806: {  	v7 =	vld [tilespmem:s9+$0x20]  }
0x807: {  	v8 =	vld [tilespmem:s9+$0xFFFFFFC0]  }
0x808: {  	v9 =	vld.idx.msk [tilespmem:v0+s1+$0x0], $0xffff  }
0x809: {  	v10 =	vld.idx.msk [tilespmem:v1+s1+$0x0], $0xffff  }
0x80a: {  	v5 =	vld.idx.msk [tilespmem:v2+s1+$0x0], $0xffff  }
0x80b: {  	v3 =	vld.idx.msk [tilespmem:v3+s1+$0x0], $0xffff  }
0x80c: {  	v0 =	vld.idx.msk [tilespmem:v4+s1+$0x0], $0xffff  }
0x80d: {  	s7 =	simm.s32 $0x1C770;
	v1 =	vld.idx.msk [tilespmem:v6+s1+$0x0], $0xffff  }
0x80e: {  	v2 =	vld.idx.msk [tilespmem:v7+s1+$0x0], $0xffff;
	[tilespmem:s7+$0x0] =	vst v9  }
0x80f: {  	s8 =	simm.s32 $0x0;
	s9 =	simm.s32 $0x1A7C0;
	v4 =	vld.idx.msk [tilespmem:v8+s1+$0x0], $0xffff;
	[tilespmem:s7+$0xFFFFFFA0] =	vst v10  }
.LBB2_88:
0x810: {  	v6 =	vld [tilespmem:s9+$0x30];
	s8 =	sadd.s32 $0x80, s8;
	[tilespmem:s7+$0xFFFFFFB0] =	vst v5  }
0x811: {  	v5 =	vld [tilespmem:s9+$0xFFFFFFD0];
	p0 =	slt.u32 s8, $0xF80;
	[tilespmem:s7+$0xFFFFFFC0] =	vst v3  }
0x812: {  	v3 =	vld [tilespmem:s9+$0xFFFFFFE0];
	[tilespmem:s7+$0xFFFFFFD0] =	vst v0  }
0x813: {  	v0 =	vld [tilespmem:s9+$0xFFFFFFF0];
	[tilespmem:s7+$0xFFFFFFE0] =	vst v1  }
0x814: {  	v1 =	vld [tilespmem:s9+$0x0];
	[tilespmem:s7+$0xFFFFFFF0] =	vst v2  }
0x815: {  	v2 =	vld [tilespmem:s9+$0x10];
	[tilespmem:s7+$0xFFFFFF90] =	vst v4  }
0x816: {  	v4 =	vld [tilespmem:s9+$0x20]  }
0x817: {  	v7 =	vld [tilespmem:s9+$0xFFFFFFC0]  }
0x818: {  	v6 =	vld.idx.msk [tilespmem:v6+s1+$0x0], $0xffff  }
0x819: {  	v8 =	vld.idx.msk [tilespmem:v5+s1+$0x0], $0xffff  }
0x81a: {  	v5 =	vld.idx.msk [tilespmem:v3+s1+$0x0], $0xffff  }
.Ltmp43:
0x81b: {  	v3 =	vld.idx.msk [tilespmem:v0+s1+$0x0], $0xffff;
	(pc) =	sbr.rel @p0 .LBB2_88-.Ltmp43, $4  }
0x81c: {  	v0 =	vld.idx.msk [tilespmem:v1+s1+$0x0], $0xffff  }
0x81d: {  	s7 =	sadd.s32 $0x80, s7;
	v1 =	vld.idx.msk [tilespmem:v2+s1+$0x0], $0xffff  }
0x81e: {  	v2 =	vld.idx.msk [tilespmem:v4+s1+$0x0], $0xffff;
	[tilespmem:s7+$0x0] =	vst v6  }
0x81f: {  	s9 =	sadd.s32 $0x80, s9;
	v4 =	vld.idx.msk [tilespmem:v7+s1+$0x0], $0xffff;
	[tilespmem:s7+$0xFFFFFFA0] =	vst v8  }
0x820: {  	[tilespmem:s7+$0xFFFFFFB0] =	vst v5  }
0x821: {  	[tilespmem:s7+$0xFFFFFFC0] =	vst v3  }
0x822: {  	[tilespmem:s7+$0xFFFFFFD0] =	vst v0  }
0x823: {  	[tilespmem:s7+$0xFFFFFFE0] =	vst v1  }
0x824: {  	[tilespmem:s7+$0xFFFFFFF0] =	vst v2  }
0x825: {  	[tilespmem:s7+$0xFFFFFF90] =	vst v4  }
0x826: {  	s7 =	rddreg [dreg:$0x1b]  }
0x827: {  	[hbm4b:s7+s26] =	stream.strided.scatter [tilespmem:s0], [sflag:$0x3], $0x1000, s29, s26, $0x38;
	[tilespmem:$0x1F700] =	vst v63  }
0x828: {  	s7 =	sadd.s32 $0x8000, s7  }
0x829: {  	[hbm4b:s7+s26] =	stream.strided.scatter [tilespmem:s28], [sflag:$0x3], $0x1000, s29, s26, $0x38;
	[tilespmem:$0x1F700] =	vst v63  }
0x82a: {  	_ =	swait.ge [sflag:s2], $0x1000  }
0x82b: {  	[sflag:s2] =	ssyncset.done $0x0  }
0x82c: {  	[sflag:s2] =	ssyncadd.s32 $0xFFFFF000  }
0x82d: {  	[tilespmem:s11], [sflag:$0x2] =	stream.strided.gather [hbm4b:s19+s26], $0x1000, s29, s26, $0x38;
	[tilespmem:$0x1F700] =	vst v63  }
0x82e: {  	_ =	swait.ge [sflag:s5], $0x2000  }
0x82f: {  	[sflag:s5] =	ssyncset.done $0x0  }
0x830: {  	s9 =	simm.s32 $0x18740;
	[sflag:s5] =	ssyncadd.s32 $0xFFFFE000  }
0x831: {  	v0 =	vld [tilespmem:s9+$0x30]  }
0x832: {  	v1 =	vld [tilespmem:s9+$0xFFFFFFD0]  }
0x833: {  	v2 =	vld [tilespmem:s9+$0xFFFFFFE0]  }
0x834: {  	v3 =	vld [tilespmem:s9+$0xFFFFFFF0]  }
0x835: {  	v4 =	vld [tilespmem:s9+$0x0]  }
0x836: {  	v6 =	vld [tilespmem:s9+$0x10]  }
0x837: {  	v7 =	vld [tilespmem:s9+$0x20]  }
0x838: {  	v8 =	vld [tilespmem:s9+$0xFFFFFFC0]  }
0x839: {  	v9 =	vld.idx.msk [tilespmem:v0+s1+$0x0], $0xffff  }
0x83a: {  	v10 =	vld.idx.msk [tilespmem:v1+s1+$0x0], $0xffff  }
0x83b: {  	v5 =	vld.idx.msk [tilespmem:v2+s1+$0x0], $0xffff  }
0x83c: {  	v3 =	vld.idx.msk [tilespmem:v3+s1+$0x0], $0xffff  }
0x83d: {  	v0 =	vld.idx.msk [tilespmem:v4+s1+$0x0], $0xffff  }
0x83e: {  	s7 =	simm.s32 $0x1D740;
	v1 =	vld.idx.msk [tilespmem:v6+s1+$0x0], $0xffff  }
0x83f: {  	v2 =	vld.idx.msk [tilespmem:v7+s1+$0x0], $0xffff;
	[tilespmem:s7+$0x30] =	vst v9  }
0x840: {  	s8 =	simm.s32 $0x0;
	s9 =	simm.s32 $0x187C0;
	v4 =	vld.idx.msk [tilespmem:v8+s1+$0x0], $0xffff;
	[tilespmem:s7+$0xFFFFFFD0] =	vst v10  }
.LBB2_90:
0x841: {  	v6 =	vld [tilespmem:s9+$0x30];
	s8 =	sadd.s32 $0x80, s8;
	[tilespmem:s7+$0xFFFFFFE0] =	vst v5  }
0x842: {  	v5 =	vld [tilespmem:s9+$0xFFFFFFD0];
	p0 =	slt.u32 s8, $0xF80;
	[tilespmem:s7+$0xFFFFFFF0] =	vst v3  }
0x843: {  	v3 =	vld [tilespmem:s9+$0xFFFFFFE0];
	[tilespmem:s7+$0x0] =	vst v0  }
0x844: {  	v0 =	vld [tilespmem:s9+$0xFFFFFFF0];
	[tilespmem:s7+$0x10] =	vst v1  }
0x845: {  	v1 =	vld [tilespmem:s9+$0x0];
	[tilespmem:s7+$0x20] =	vst v2  }
0x846: {  	v2 =	vld [tilespmem:s9+$0x10];
	[tilespmem:s7+$0xFFFFFFC0] =	vst v4  }
0x847: {  	v4 =	vld [tilespmem:s9+$0x20]  }
0x848: {  	v7 =	vld [tilespmem:s9+$0xFFFFFFC0]  }
0x849: {  	v6 =	vld.idx.msk [tilespmem:v6+s1+$0x0], $0xffff  }
0x84a: {  	v8 =	vld.idx.msk [tilespmem:v5+s1+$0x0], $0xffff  }
0x84b: {  	v5 =	vld.idx.msk [tilespmem:v3+s1+$0x0], $0xffff  }
.Ltmp44:
0x84c: {  	v3 =	vld.idx.msk [tilespmem:v0+s1+$0x0], $0xffff;
	(pc) =	sbr.rel @p0 .LBB2_90-.Ltmp44, $4  }
0x84d: {  	v0 =	vld.idx.msk [tilespmem:v1+s1+$0x0], $0xffff  }
0x84e: {  	s7 =	sadd.s32 $0x80, s7;
	v1 =	vld.idx.msk [tilespmem:v2+s1+$0x0], $0xffff  }
0x84f: {  	v2 =	vld.idx.msk [tilespmem:v4+s1+$0x0], $0xffff;
	[tilespmem:s7+$0x30] =	vst v6  }
0x850: {  	s9 =	sadd.s32 $0x80, s9;
	v4 =	vld.idx.msk [tilespmem:v7+s1+$0x0], $0xffff;
	[tilespmem:s7+$0xFFFFFFD0] =	vst v8  }
0x851: {  	[tilespmem:s7+$0xFFFFFFE0] =	vst v5  }
0x852: {  	[tilespmem:s7+$0xFFFFFFF0] =	vst v3  }
0x853: {  	[tilespmem:s7+$0x0] =	vst v0  }
0x854: {  	[tilespmem:s7+$0x10] =	vst v1  }
0x855: {  	[tilespmem:s7+$0x20] =	vst v2  }
0x856: {  	[tilespmem:s7+$0xFFFFFFC0] =	vst v4  }
0x857: {  	_ =	swait.ge [sflag:s2], $0x1000  }
0x858: {  	[sflag:s2] =	ssyncset.done $0x0  }
0x859: {  	s9 =	simm.s32 $0x19740;
	[sflag:s2] =	ssyncadd.s32 $0xFFFFF000  }
0x85a: {  	[tilespmem:s30], [sflag:$0x2] =	stream.strided.gather [hbm4b:s20+s26], $0x1000, s29, s26, $0x38;
	[tilespmem:$0x1F700] =	vst v63  }
0x85b: {  	v0 =	vld [tilespmem:s9+$0x30]  }
0x85c: {  	v1 =	vld [tilespmem:s9+$0xFFFFFFD0]  }
0x85d: {  	v2 =	vld [tilespmem:s9+$0xFFFFFFE0]  }
0x85e: {  	v3 =	vld [tilespmem:s9+$0xFFFFFFF0]  }
0x85f: {  	v4 =	vld [tilespmem:s9+$0x0]  }
0x860: {  	v6 =	vld [tilespmem:s9+$0x10]  }
0x861: {  	v7 =	vld [tilespmem:s9+$0x20]  }
0x862: {  	v8 =	vld [tilespmem:s9+$0xFFFFFFC0]  }
0x863: {  	v9 =	vld.idx.msk [tilespmem:v0+s1+$0x0], $0xffff  }
0x864: {  	v10 =	vld.idx.msk [tilespmem:v1+s1+$0x0], $0xffff  }
0x865: {  	v5 =	vld.idx.msk [tilespmem:v2+s1+$0x0], $0xffff  }
0x866: {  	v3 =	vld.idx.msk [tilespmem:v3+s1+$0x0], $0xffff  }
0x867: {  	v0 =	vld.idx.msk [tilespmem:v4+s1+$0x0], $0xffff  }
0x868: {  	s7 =	simm.s32 $0x1E770;
	v1 =	vld.idx.msk [tilespmem:v6+s1+$0x0], $0xffff  }
0x869: {  	v2 =	vld.idx.msk [tilespmem:v7+s1+$0x0], $0xffff;
	[tilespmem:s7+$0x0] =	vst v9  }
0x86a: {  	s8 =	simm.s32 $0x0;
	s9 =	simm.s32 $0x197C0;
	v4 =	vld.idx.msk [tilespmem:v8+s1+$0x0], $0xffff;
	[tilespmem:s7+$0xFFFFFFA0] =	vst v10  }
.LBB2_92:
0x86b: {  	v6 =	vld [tilespmem:s9+$0x30];
	s8 =	sadd.s32 $0x80, s8;
	[tilespmem:s7+$0xFFFFFFB0] =	vst v5  }
0x86c: {  	v5 =	vld [tilespmem:s9+$0xFFFFFFD0];
	p0 =	slt.u32 s8, $0xF80;
	[tilespmem:s7+$0xFFFFFFC0] =	vst v3  }
0x86d: {  	v3 =	vld [tilespmem:s9+$0xFFFFFFE0];
	[tilespmem:s7+$0xFFFFFFD0] =	vst v0  }
0x86e: {  	v0 =	vld [tilespmem:s9+$0xFFFFFFF0];
	[tilespmem:s7+$0xFFFFFFE0] =	vst v1  }
0x86f: {  	v1 =	vld [tilespmem:s9+$0x0];
	[tilespmem:s7+$0xFFFFFFF0] =	vst v2  }
0x870: {  	v2 =	vld [tilespmem:s9+$0x10];
	[tilespmem:s7+$0xFFFFFF90] =	vst v4  }
0x871: {  	v4 =	vld [tilespmem:s9+$0x20]  }
0x872: {  	v7 =	vld [tilespmem:s9+$0xFFFFFFC0]  }
0x873: {  	v6 =	vld.idx.msk [tilespmem:v6+s1+$0x0], $0xffff  }
0x874: {  	v8 =	vld.idx.msk [tilespmem:v5+s1+$0x0], $0xffff  }
0x875: {  	v5 =	vld.idx.msk [tilespmem:v3+s1+$0x0], $0xffff  }
.Ltmp45:
0x876: {  	v3 =	vld.idx.msk [tilespmem:v0+s1+$0x0], $0xffff;
	(pc) =	sbr.rel @p0 .LBB2_92-.Ltmp45, $4  }
0x877: {  	v0 =	vld.idx.msk [tilespmem:v1+s1+$0x0], $0xffff  }
0x878: {  	s7 =	sadd.s32 $0x80, s7;
	v1 =	vld.idx.msk [tilespmem:v2+s1+$0x0], $0xffff  }
0x879: {  	v2 =	vld.idx.msk [tilespmem:v4+s1+$0x0], $0xffff;
	[tilespmem:s7+$0x0] =	vst v6  }
0x87a: {  	s9 =	sadd.s32 $0x80, s9;
	v4 =	vld.idx.msk [tilespmem:v7+s1+$0x0], $0xffff;
	[tilespmem:s7+$0xFFFFFFA0] =	vst v8  }
0x87b: {  	[tilespmem:s7+$0xFFFFFFB0] =	vst v5  }
0x87c: {  	[tilespmem:s7+$0xFFFFFFC0] =	vst v3  }
0x87d: {  	[tilespmem:s7+$0xFFFFFFD0] =	vst v0  }
0x87e: {  	[tilespmem:s7+$0xFFFFFFE0] =	vst v1  }
0x87f: {  	[tilespmem:s7+$0xFFFFFFF0] =	vst v2  }
0x880: {  	[tilespmem:s7+$0xFFFFFF90] =	vst v4  }
0x881: {  	s7 =	rddreg [dreg:$0x1c]  }
0x882: {  	[hbm4b:s7+s26] =	stream.strided.scatter [tilespmem:s3], [sflag:$0x3], $0x1000, s29, s26, $0x38;
	[tilespmem:$0x1F700] =	vst v63  }
0x883: {  	s7 =	sadd.s32 $0x8000, s7  }
0x884: {  	[hbm4b:s7+s26] =	stream.strided.scatter [tilespmem:s4], [sflag:$0x3], $0x1000, s29, s26, $0x38;
	[tilespmem:$0x1F700] =	vst v63  }
0x885: {  	_ =	swait.ge [sflag:s2], $0x1000  }
0x886: {  	[sflag:s2] =	ssyncset.done $0x0  }
0x887: {  	[sflag:s2] =	ssyncadd.s32 $0xFFFFF000  }
0x888: {  	[tilespmem:s31], [sflag:$0x2] =	stream.strided.gather [hbm4b:s21+s26], $0x1000, s29, s26, $0x38;
	[tilespmem:$0x1F700] =	vst v63  }
0x889: {  	_ =	swait.ge [sflag:s5], $0x2000  }
0x88a: {  	[sflag:s5] =	ssyncset.done $0x0  }
0x88b: {  	s9 =	simm.s32 $0x1A740;
	[sflag:s5] =	ssyncadd.s32 $0xFFFFE000  }
0x88c: {  	v0 =	vld [tilespmem:s9+$0x30]  }
0x88d: {  	v1 =	vld [tilespmem:s9+$0xFFFFFFD0]  }
0x88e: {  	v2 =	vld [tilespmem:s9+$0xFFFFFFE0]  }
0x88f: {  	v3 =	vld [tilespmem:s9+$0xFFFFFFF0]  }
0x890: {  	v4 =	vld [tilespmem:s9+$0x0]  }
0x891: {  	v6 =	vld [tilespmem:s9+$0x10]  }
0x892: {  	v7 =	vld [tilespmem:s9+$0x20]  }
0x893: {  	v8 =	vld [tilespmem:s9+$0xFFFFFFC0]  }
0x894: {  	v9 =	vld.idx.msk [tilespmem:v0+s1+$0x0], $0xffff  }
0x895: {  	v10 =	vld.idx.msk [tilespmem:v1+s1+$0x0], $0xffff  }
0x896: {  	v5 =	vld.idx.msk [tilespmem:v2+s1+$0x0], $0xffff  }
0x897: {  	v3 =	vld.idx.msk [tilespmem:v3+s1+$0x0], $0xffff  }
0x898: {  	v0 =	vld.idx.msk [tilespmem:v4+s1+$0x0], $0xffff  }
0x899: {  	s7 =	simm.s32 $0x1B740;
	v1 =	vld.idx.msk [tilespmem:v6+s1+$0x0], $0xffff  }
0x89a: {  	v2 =	vld.idx.msk [tilespmem:v7+s1+$0x0], $0xffff;
	[tilespmem:s7+$0x30] =	vst v9  }
0x89b: {  	s8 =	simm.s32 $0x0;
	s9 =	simm.s32 $0x1A7C0;
	v4 =	vld.idx.msk [tilespmem:v8+s1+$0x0], $0xffff;
	[tilespmem:s7+$0xFFFFFFD0] =	vst v10  }
.LBB2_94:
0x89c: {  	v6 =	vld [tilespmem:s9+$0x30];
	s8 =	sadd.s32 $0x80, s8;
	[tilespmem:s7+$0xFFFFFFE0] =	vst v5  }
0x89d: {  	v5 =	vld [tilespmem:s9+$0xFFFFFFD0];
	p0 =	slt.u32 s8, $0xF80;
	[tilespmem:s7+$0xFFFFFFF0] =	vst v3  }
0x89e: {  	v3 =	vld [tilespmem:s9+$0xFFFFFFE0];
	[tilespmem:s7+$0x0] =	vst v0  }
0x89f: {  	v0 =	vld [tilespmem:s9+$0xFFFFFFF0];
	[tilespmem:s7+$0x10] =	vst v1  }
0x8a0: {  	v1 =	vld [tilespmem:s9+$0x0];
	[tilespmem:s7+$0x20] =	vst v2  }
0x8a1: {  	v2 =	vld [tilespmem:s9+$0x10];
	[tilespmem:s7+$0xFFFFFFC0] =	vst v4  }
0x8a2: {  	v4 =	vld [tilespmem:s9+$0x20]  }
0x8a3: {  	v7 =	vld [tilespmem:s9+$0xFFFFFFC0]  }
0x8a4: {  	v6 =	vld.idx.msk [tilespmem:v6+s1+$0x0], $0xffff  }
0x8a5: {  	v8 =	vld.idx.msk [tilespmem:v5+s1+$0x0], $0xffff  }
0x8a6: {  	v5 =	vld.idx.msk [tilespmem:v3+s1+$0x0], $0xffff  }
.Ltmp46:
0x8a7: {  	v3 =	vld.idx.msk [tilespmem:v0+s1+$0x0], $0xffff;
	(pc) =	sbr.rel @p0 .LBB2_94-.Ltmp46, $4  }
0x8a8: {  	v0 =	vld.idx.msk [tilespmem:v1+s1+$0x0], $0xffff  }
0x8a9: {  	s7 =	sadd.s32 $0x80, s7;
	v1 =	vld.idx.msk [tilespmem:v2+s1+$0x0], $0xffff  }
0x8aa: {  	v2 =	vld.idx.msk [tilespmem:v4+s1+$0x0], $0xffff;
	[tilespmem:s7+$0x30] =	vst v6  }
0x8ab: {  	s9 =	sadd.s32 $0x80, s9;
	v4 =	vld.idx.msk [tilespmem:v7+s1+$0x0], $0xffff;
	[tilespmem:s7+$0xFFFFFFD0] =	vst v8  }
0x8ac: {  	[tilespmem:s7+$0xFFFFFFE0] =	vst v5  }
0x8ad: {  	[tilespmem:s7+$0xFFFFFFF0] =	vst v3  }
0x8ae: {  	[tilespmem:s7+$0x0] =	vst v0  }
0x8af: {  	[tilespmem:s7+$0x10] =	vst v1  }
0x8b0: {  	[tilespmem:s7+$0x20] =	vst v2  }
0x8b1: {  	[tilespmem:s7+$0xFFFFFFC0] =	vst v4  }
0x8b2: {  	_ =	swait.ge [sflag:s2], $0x1000  }
0x8b3: {  	[sflag:s2] =	ssyncset.done $0x0  }
0x8b4: {  	s9 =	simm.s32 $0x18740;
	[sflag:s2] =	ssyncadd.s32 $0xFFFFF000  }
0x8b5: {  	[tilespmem:s11], [sflag:$0x2] =	stream.strided.gather [hbm4b:s22+s26], $0x1000, s29, s26, $0x38;
	[tilespmem:$0x1F700] =	vst v63  }
0x8b6: {  	v0 =	vld [tilespmem:s9+$0x30]  }
0x8b7: {  	v1 =	vld [tilespmem:s9+$0xFFFFFFD0]  }
0x8b8: {  	v2 =	vld [tilespmem:s9+$0xFFFFFFE0]  }
0x8b9: {  	v3 =	vld [tilespmem:s9+$0xFFFFFFF0]  }
0x8ba: {  	v4 =	vld [tilespmem:s9+$0x0]  }
0x8bb: {  	v6 =	vld [tilespmem:s9+$0x10]  }
0x8bc: {  	v7 =	vld [tilespmem:s9+$0x20]  }
0x8bd: {  	v8 =	vld [tilespmem:s9+$0xFFFFFFC0]  }
0x8be: {  	v9 =	vld.idx.msk [tilespmem:v0+s1+$0x0], $0xffff  }
0x8bf: {  	v10 =	vld.idx.msk [tilespmem:v1+s1+$0x0], $0xffff  }
0x8c0: {  	v5 =	vld.idx.msk [tilespmem:v2+s1+$0x0], $0xffff  }
0x8c1: {  	v3 =	vld.idx.msk [tilespmem:v3+s1+$0x0], $0xffff  }
0x8c2: {  	v0 =	vld.idx.msk [tilespmem:v4+s1+$0x0], $0xffff  }
0x8c3: {  	s7 =	simm.s32 $0x1C770;
	v1 =	vld.idx.msk [tilespmem:v6+s1+$0x0], $0xffff  }
0x8c4: {  	v2 =	vld.idx.msk [tilespmem:v7+s1+$0x0], $0xffff;
	[tilespmem:s7+$0x0] =	vst v9  }
0x8c5: {  	s8 =	simm.s32 $0x0;
	s9 =	simm.s32 $0x187C0;
	v4 =	vld.idx.msk [tilespmem:v8+s1+$0x0], $0xffff;
	[tilespmem:s7+$0xFFFFFFA0] =	vst v10  }
.LBB2_96:
0x8c6: {  	v6 =	vld [tilespmem:s9+$0x30];
	s8 =	sadd.s32 $0x80, s8;
	[tilespmem:s7+$0xFFFFFFB0] =	vst v5  }
0x8c7: {  	v5 =	vld [tilespmem:s9+$0xFFFFFFD0];
	p0 =	slt.u32 s8, $0xF80;
	[tilespmem:s7+$0xFFFFFFC0] =	vst v3  }
0x8c8: {  	v3 =	vld [tilespmem:s9+$0xFFFFFFE0];
	[tilespmem:s7+$0xFFFFFFD0] =	vst v0  }
0x8c9: {  	v0 =	vld [tilespmem:s9+$0xFFFFFFF0];
	[tilespmem:s7+$0xFFFFFFE0] =	vst v1  }
0x8ca: {  	v1 =	vld [tilespmem:s9+$0x0];
	[tilespmem:s7+$0xFFFFFFF0] =	vst v2  }
0x8cb: {  	v2 =	vld [tilespmem:s9+$0x10];
	[tilespmem:s7+$0xFFFFFF90] =	vst v4  }
0x8cc: {  	v4 =	vld [tilespmem:s9+$0x20]  }
0x8cd: {  	v7 =	vld [tilespmem:s9+$0xFFFFFFC0]  }
0x8ce: {  	v6 =	vld.idx.msk [tilespmem:v6+s1+$0x0], $0xffff  }
0x8cf: {  	v8 =	vld.idx.msk [tilespmem:v5+s1+$0x0], $0xffff  }
0x8d0: {  	v5 =	vld.idx.msk [tilespmem:v3+s1+$0x0], $0xffff  }
.Ltmp47:
0x8d1: {  	v3 =	vld.idx.msk [tilespmem:v0+s1+$0x0], $0xffff;
	(pc) =	sbr.rel @p0 .LBB2_96-.Ltmp47, $4  }
0x8d2: {  	v0 =	vld.idx.msk [tilespmem:v1+s1+$0x0], $0xffff  }
0x8d3: {  	s7 =	sadd.s32 $0x80, s7;
	v1 =	vld.idx.msk [tilespmem:v2+s1+$0x0], $0xffff  }
0x8d4: {  	v2 =	vld.idx.msk [tilespmem:v4+s1+$0x0], $0xffff;
	[tilespmem:s7+$0x0] =	vst v6  }
0x8d5: {  	s9 =	sadd.s32 $0x80, s9;
	v4 =	vld.idx.msk [tilespmem:v7+s1+$0x0], $0xffff;
	[tilespmem:s7+$0xFFFFFFA0] =	vst v8  }
0x8d6: {  	[tilespmem:s7+$0xFFFFFFB0] =	vst v5  }
0x8d7: {  	[tilespmem:s7+$0xFFFFFFC0] =	vst v3  }
0x8d8: {  	[tilespmem:s7+$0xFFFFFFD0] =	vst v0  }
0x8d9: {  	[tilespmem:s7+$0xFFFFFFE0] =	vst v1  }
0x8da: {  	[tilespmem:s7+$0xFFFFFFF0] =	vst v2  }
0x8db: {  	[tilespmem:s7+$0xFFFFFF90] =	vst v4  }
0x8dc: {  	s7 =	rddreg [dreg:$0x1d]  }
0x8dd: {  	[hbm4b:s7+s26] =	stream.strided.scatter [tilespmem:s0], [sflag:$0x3], $0x1000, s29, s26, $0x38;
	[tilespmem:$0x1F700] =	vst v63  }
0x8de: {  	s7 =	sadd.s32 $0x8000, s7  }
0x8df: {  	[hbm4b:s7+s26] =	stream.strided.scatter [tilespmem:s28], [sflag:$0x3], $0x1000, s29, s26, $0x38;
	[tilespmem:$0x1F700] =	vst v63  }
0x8e0: {  	_ =	swait.ge [sflag:s2], $0x1000  }
0x8e1: {  	[sflag:s2] =	ssyncset.done $0x0  }
0x8e2: {  	[sflag:s2] =	ssyncadd.s32 $0xFFFFF000  }
0x8e3: {  	[tilespmem:s30], [sflag:$0x2] =	stream.strided.gather [hbm4b:s24+s26], $0x1000, s29, s26, $0x38;
	[tilespmem:$0x1F700] =	vst v63  }
0x8e4: {  	_ =	swait.ge [sflag:s5], $0x2000  }
0x8e5: {  	[sflag:s5] =	ssyncset.done $0x0  }
0x8e6: {  	s9 =	simm.s32 $0x19740;
	[sflag:s5] =	ssyncadd.s32 $0xFFFFE000  }
0x8e7: {  	v0 =	vld [tilespmem:s9+$0x30]  }
0x8e8: {  	v1 =	vld [tilespmem:s9+$0xFFFFFFD0]  }
0x8e9: {  	v2 =	vld [tilespmem:s9+$0xFFFFFFE0]  }
0x8ea: {  	v3 =	vld [tilespmem:s9+$0xFFFFFFF0]  }
0x8eb: {  	v4 =	vld [tilespmem:s9+$0x0]  }
0x8ec: {  	v6 =	vld [tilespmem:s9+$0x10]  }
0x8ed: {  	v7 =	vld [tilespmem:s9+$0x20]  }
0x8ee: {  	v8 =	vld [tilespmem:s9+$0xFFFFFFC0]  }
0x8ef: {  	v9 =	vld.idx.msk [tilespmem:v0+s1+$0x0], $0xffff  }
0x8f0: {  	v10 =	vld.idx.msk [tilespmem:v1+s1+$0x0], $0xffff  }
0x8f1: {  	v5 =	vld.idx.msk [tilespmem:v2+s1+$0x0], $0xffff  }
0x8f2: {  	v3 =	vld.idx.msk [tilespmem:v3+s1+$0x0], $0xffff  }
0x8f3: {  	v0 =	vld.idx.msk [tilespmem:v4+s1+$0x0], $0xffff  }
0x8f4: {  	s7 =	simm.s32 $0x1D740;
	v1 =	vld.idx.msk [tilespmem:v6+s1+$0x0], $0xffff  }
0x8f5: {  	v2 =	vld.idx.msk [tilespmem:v7+s1+$0x0], $0xffff;
	[tilespmem:s7+$0x30] =	vst v9  }
0x8f6: {  	s8 =	simm.s32 $0x0;
	s9 =	simm.s32 $0x197C0;
	v4 =	vld.idx.msk [tilespmem:v8+s1+$0x0], $0xffff;
	[tilespmem:s7+$0xFFFFFFD0] =	vst v10  }
.LBB2_98:
0x8f7: {  	v6 =	vld [tilespmem:s9+$0x30];
	s8 =	sadd.s32 $0x80, s8;
	[tilespmem:s7+$0xFFFFFFE0] =	vst v5  }
0x8f8: {  	v5 =	vld [tilespmem:s9+$0xFFFFFFD0];
	p0 =	slt.u32 s8, $0xF80;
	[tilespmem:s7+$0xFFFFFFF0] =	vst v3  }
0x8f9: {  	v3 =	vld [tilespmem:s9+$0xFFFFFFE0];
	[tilespmem:s7+$0x0] =	vst v0  }
0x8fa: {  	v0 =	vld [tilespmem:s9+$0xFFFFFFF0];
	[tilespmem:s7+$0x10] =	vst v1  }
0x8fb: {  	v1 =	vld [tilespmem:s9+$0x0];
	[tilespmem:s7+$0x20] =	vst v2  }
0x8fc: {  	v2 =	vld [tilespmem:s9+$0x10];
	[tilespmem:s7+$0xFFFFFFC0] =	vst v4  }
0x8fd: {  	v4 =	vld [tilespmem:s9+$0x20]  }
0x8fe: {  	v7 =	vld [tilespmem:s9+$0xFFFFFFC0]  }
0x8ff: {  	v6 =	vld.idx.msk [tilespmem:v6+s1+$0x0], $0xffff  }
0x900: {  	v8 =	vld.idx.msk [tilespmem:v5+s1+$0x0], $0xffff  }
0x901: {  	v5 =	vld.idx.msk [tilespmem:v3+s1+$0x0], $0xffff  }
.Ltmp48:
0x902: {  	v3 =	vld.idx.msk [tilespmem:v0+s1+$0x0], $0xffff;
	(pc) =	sbr.rel @p0 .LBB2_98-.Ltmp48, $4  }
0x903: {  	v0 =	vld.idx.msk [tilespmem:v1+s1+$0x0], $0xffff  }
0x904: {  	s7 =	sadd.s32 $0x80, s7;
	v1 =	vld.idx.msk [tilespmem:v2+s1+$0x0], $0xffff  }
0x905: {  	v2 =	vld.idx.msk [tilespmem:v4+s1+$0x0], $0xffff;
	[tilespmem:s7+$0x30] =	vst v6  }
0x906: {  	s9 =	sadd.s32 $0x80, s9;
	v4 =	vld.idx.msk [tilespmem:v7+s1+$0x0], $0xffff;
	[tilespmem:s7+$0xFFFFFFD0] =	vst v8  }
0x907: {  	[tilespmem:s7+$0xFFFFFFE0] =	vst v5  }
0x908: {  	[tilespmem:s7+$0xFFFFFFF0] =	vst v3  }
0x909: {  	[tilespmem:s7+$0x0] =	vst v0  }
0x90a: {  	[tilespmem:s7+$0x10] =	vst v1  }
0x90b: {  	[tilespmem:s7+$0x20] =	vst v2  }
0x90c: {  	[tilespmem:s7+$0xFFFFFFC0] =	vst v4  }
0x90d: {  	_ =	swait.ge [sflag:s2], $0x1000  }
0x90e: {  	[sflag:s2] =	ssyncset.done $0x0  }
0x90f: {  	s9 =	simm.s32 $0x1A740;
	[sflag:s2] =	ssyncadd.s32 $0xFFFFF000  }
0x910: {  	[tilespmem:s31], [sflag:$0x2] =	stream.strided.gather [hbm4b:s25+s26], $0x1000, s29, s26, $0x38;
	[tilespmem:$0x1F700] =	vst v63  }
0x911: {  	v0 =	vld [tilespmem:s9+$0x30]  }
0x912: {  	v1 =	vld [tilespmem:s9+$0xFFFFFFD0]  }
0x913: {  	v2 =	vld [tilespmem:s9+$0xFFFFFFE0]  }
0x914: {  	v3 =	vld [tilespmem:s9+$0xFFFFFFF0]  }
0x915: {  	v4 =	vld [tilespmem:s9+$0x0]  }
0x916: {  	v6 =	vld [tilespmem:s9+$0x10]  }
0x917: {  	v7 =	vld [tilespmem:s9+$0x20]  }
0x918: {  	v8 =	vld [tilespmem:s9+$0xFFFFFFC0]  }
0x919: {  	v9 =	vld.idx.msk [tilespmem:v0+s1+$0x0], $0xffff  }
0x91a: {  	v10 =	vld.idx.msk [tilespmem:v1+s1+$0x0], $0xffff  }
0x91b: {  	v5 =	vld.idx.msk [tilespmem:v2+s1+$0x0], $0xffff  }
0x91c: {  	v3 =	vld.idx.msk [tilespmem:v3+s1+$0x0], $0xffff  }
0x91d: {  	v0 =	vld.idx.msk [tilespmem:v4+s1+$0x0], $0xffff  }
0x91e: {  	s7 =	simm.s32 $0x1E770;
	v1 =	vld.idx.msk [tilespmem:v6+s1+$0x0], $0xffff  }
0x91f: {  	v2 =	vld.idx.msk [tilespmem:v7+s1+$0x0], $0xffff;
	[tilespmem:s7+$0x0] =	vst v9  }
0x920: {  	s8 =	simm.s32 $0x0;
	s9 =	simm.s32 $0x1A7C0;
	v4 =	vld.idx.msk [tilespmem:v8+s1+$0x0], $0xffff;
	[tilespmem:s7+$0xFFFFFFA0] =	vst v10  }
.LBB2_100:
0x921: {  	v6 =	vld [tilespmem:s9+$0x30];
	s8 =	sadd.s32 $0x80, s8;
	[tilespmem:s7+$0xFFFFFFB0] =	vst v5  }
0x922: {  	v5 =	vld [tilespmem:s9+$0xFFFFFFD0];
	p0 =	slt.u32 s8, $0xF80;
	[tilespmem:s7+$0xFFFFFFC0] =	vst v3  }
0x923: {  	v3 =	vld [tilespmem:s9+$0xFFFFFFE0];
	[tilespmem:s7+$0xFFFFFFD0] =	vst v0  }
0x924: {  	v0 =	vld [tilespmem:s9+$0xFFFFFFF0];
	[tilespmem:s7+$0xFFFFFFE0] =	vst v1  }
0x925: {  	v1 =	vld [tilespmem:s9+$0x0];
	[tilespmem:s7+$0xFFFFFFF0] =	vst v2  }
0x926: {  	v2 =	vld [tilespmem:s9+$0x10];
	[tilespmem:s7+$0xFFFFFF90] =	vst v4  }
0x927: {  	v4 =	vld [tilespmem:s9+$0x20]  }
0x928: {  	v7 =	vld [tilespmem:s9+$0xFFFFFFC0]  }
0x929: {  	v6 =	vld.idx.msk [tilespmem:v6+s1+$0x0], $0xffff  }
0x92a: {  	v8 =	vld.idx.msk [tilespmem:v5+s1+$0x0], $0xffff  }
0x92b: {  	v5 =	vld.idx.msk [tilespmem:v3+s1+$0x0], $0xffff  }
.Ltmp49:
0x92c: {  	v3 =	vld.idx.msk [tilespmem:v0+s1+$0x0], $0xffff;
	(pc) =	sbr.rel @p0 .LBB2_100-.Ltmp49, $4  }
0x92d: {  	v0 =	vld.idx.msk [tilespmem:v1+s1+$0x0], $0xffff  }
0x92e: {  	s7 =	sadd.s32 $0x80, s7;
	v1 =	vld.idx.msk [tilespmem:v2+s1+$0x0], $0xffff  }
0x92f: {  	v2 =	vld.idx.msk [tilespmem:v4+s1+$0x0], $0xffff;
	[tilespmem:s7+$0x0] =	vst v6  }
0x930: {  	s9 =	sadd.s32 $0x80, s9;
	v4 =	vld.idx.msk [tilespmem:v7+s1+$0x0], $0xffff;
	[tilespmem:s7+$0xFFFFFFA0] =	vst v8  }
0x931: {  	[tilespmem:s7+$0xFFFFFFB0] =	vst v5  }
0x932: {  	[tilespmem:s7+$0xFFFFFFC0] =	vst v3  }
0x933: {  	[tilespmem:s7+$0xFFFFFFD0] =	vst v0  }
0x934: {  	[tilespmem:s7+$0xFFFFFFE0] =	vst v1  }
0x935: {  	[tilespmem:s7+$0xFFFFFFF0] =	vst v2  }
0x936: {  	[tilespmem:s7+$0xFFFFFF90] =	vst v4  }
0x937: {  	s7 =	rddreg [dreg:$0x1e]  }
0x938: {  	[hbm4b:s7+s26] =	stream.strided.scatter [tilespmem:s3], [sflag:$0x3], $0x1000, s29, s26, $0x38;
	[tilespmem:$0x1F700] =	vst v63  }
0x939: {  	s7 =	sadd.s32 $0x8000, s7  }
0x93a: {  	[hbm4b:s7+s26] =	stream.strided.scatter [tilespmem:s4], [sflag:$0x3], $0x1000, s29, s26, $0x38;
	[tilespmem:$0x1F700] =	vst v63  }
0x93b: {  	_ =	swait.ge [sflag:s2], $0x1000  }
0x93c: {  	[sflag:s2] =	ssyncset.done $0x0  }
0x93d: {  	[sflag:s2] =	ssyncadd.s32 $0xFFFFF000  }
0x93e: {  	_ =	swait.ge [sflag:s5], $0x2000  }
0x93f: {  	[sflag:s5] =	ssyncset.done $0x0  }
0x940: {  	s9 =	simm.s32 $0x18740;
	[sflag:s5] =	ssyncadd.s32 $0xFFFFE000  }
0x941: {  	v0 =	vld [tilespmem:s9+$0x30]  }
0x942: {  	v1 =	vld [tilespmem:s9+$0xFFFFFFD0]  }
0x943: {  	v2 =	vld [tilespmem:s9+$0xFFFFFFE0]  }
0x944: {  	v3 =	vld [tilespmem:s9+$0xFFFFFFF0]  }
0x945: {  	v4 =	vld [tilespmem:s9+$0x0]  }
0x946: {  	v6 =	vld [tilespmem:s9+$0x10]  }
0x947: {  	v7 =	vld [tilespmem:s9+$0x20]  }
0x948: {  	v8 =	vld [tilespmem:s9+$0xFFFFFFC0]  }
0x949: {  	v9 =	vld.idx.msk [tilespmem:v0+s1+$0x0], $0xffff  }
0x94a: {  	v10 =	vld.idx.msk [tilespmem:v1+s1+$0x0], $0xffff  }
0x94b: {  	v5 =	vld.idx.msk [tilespmem:v2+s1+$0x0], $0xffff  }
0x94c: {  	v3 =	vld.idx.msk [tilespmem:v3+s1+$0x0], $0xffff  }
0x94d: {  	v0 =	vld.idx.msk [tilespmem:v4+s1+$0x0], $0xffff  }
0x94e: {  	s7 =	simm.s32 $0x1B740;
	v1 =	vld.idx.msk [tilespmem:v6+s1+$0x0], $0xffff  }
0x94f: {  	v2 =	vld.idx.msk [tilespmem:v7+s1+$0x0], $0xffff;
	[tilespmem:s7+$0x30] =	vst v9  }
0x950: {  	s8 =	simm.s32 $0x0;
	s9 =	simm.s32 $0x187C0;
	v4 =	vld.idx.msk [tilespmem:v8+s1+$0x0], $0xffff;
	[tilespmem:s7+$0xFFFFFFD0] =	vst v10  }
.LBB2_102:
0x951: {  	v6 =	vld [tilespmem:s9+$0x30];
	s8 =	sadd.s32 $0x80, s8;
	[tilespmem:s7+$0xFFFFFFE0] =	vst v5  }
0x952: {  	v5 =	vld [tilespmem:s9+$0xFFFFFFD0];
	p0 =	slt.u32 s8, $0xF80;
	[tilespmem:s7+$0xFFFFFFF0] =	vst v3  }
0x953: {  	v3 =	vld [tilespmem:s9+$0xFFFFFFE0];
	[tilespmem:s7+$0x0] =	vst v0  }
0x954: {  	v0 =	vld [tilespmem:s9+$0xFFFFFFF0];
	[tilespmem:s7+$0x10] =	vst v1  }
0x955: {  	v1 =	vld [tilespmem:s9+$0x0];
	[tilespmem:s7+$0x20] =	vst v2  }
0x956: {  	v2 =	vld [tilespmem:s9+$0x10];
	[tilespmem:s7+$0xFFFFFFC0] =	vst v4  }
0x957: {  	v4 =	vld [tilespmem:s9+$0x20]  }
0x958: {  	v7 =	vld [tilespmem:s9+$0xFFFFFFC0]  }
0x959: {  	v6 =	vld.idx.msk [tilespmem:v6+s1+$0x0], $0xffff  }
0x95a: {  	v8 =	vld.idx.msk [tilespmem:v5+s1+$0x0], $0xffff  }
0x95b: {  	v5 =	vld.idx.msk [tilespmem:v3+s1+$0x0], $0xffff  }
.Ltmp50:
0x95c: {  	v3 =	vld.idx.msk [tilespmem:v0+s1+$0x0], $0xffff;
	(pc) =	sbr.rel @p0 .LBB2_102-.Ltmp50, $4  }
0x95d: {  	v0 =	vld.idx.msk [tilespmem:v1+s1+$0x0], $0xffff  }
0x95e: {  	s7 =	sadd.s32 $0x80, s7;
	v1 =	vld.idx.msk [tilespmem:v2+s1+$0x0], $0xffff  }
0x95f: {  	v2 =	vld.idx.msk [tilespmem:v4+s1+$0x0], $0xffff;
	[tilespmem:s7+$0x30] =	vst v6  }
0x960: {  	s9 =	sadd.s32 $0x80, s9;
	v4 =	vld.idx.msk [tilespmem:v7+s1+$0x0], $0xffff;
	[tilespmem:s7+$0xFFFFFFD0] =	vst v8  }
0x961: {  	[tilespmem:s7+$0xFFFFFFE0] =	vst v5  }
0x962: {  	[tilespmem:s7+$0xFFFFFFF0] =	vst v3  }
0x963: {  	[tilespmem:s7+$0x0] =	vst v0  }
0x964: {  	[tilespmem:s7+$0x10] =	vst v1  }
0x965: {  	[tilespmem:s7+$0x20] =	vst v2  }
0x966: {  	[tilespmem:s7+$0xFFFFFFC0] =	vst v4  }
0x967: {  	_ =	swait.ge [sflag:s2], $0x1000  }
0x968: {  	[sflag:s2] =	ssyncset.done $0x0  }
0x969: {  	s9 =	simm.s32 $0x19740;
	[sflag:s2] =	ssyncadd.s32 $0xFFFFF000  }
0x96a: {  	v0 =	vld [tilespmem:s9+$0x30]  }
0x96b: {  	v1 =	vld [tilespmem:s9+$0xFFFFFFD0]  }
0x96c: {  	v2 =	vld [tilespmem:s9+$0xFFFFFFE0]  }
0x96d: {  	v3 =	vld [tilespmem:s9+$0xFFFFFFF0]  }
0x96e: {  	v4 =	vld [tilespmem:s9+$0x0]  }
0x96f: {  	v6 =	vld [tilespmem:s9+$0x10]  }
0x970: {  	v7 =	vld [tilespmem:s9+$0x20]  }
0x971: {  	v8 =	vld [tilespmem:s9+$0xFFFFFFC0]  }
0x972: {  	v9 =	vld.idx.msk [tilespmem:v0+s1+$0x0], $0xffff  }
0x973: {  	v10 =	vld.idx.msk [tilespmem:v1+s1+$0x0], $0xffff  }
0x974: {  	v5 =	vld.idx.msk [tilespmem:v2+s1+$0x0], $0xffff  }
0x975: {  	v3 =	vld.idx.msk [tilespmem:v3+s1+$0x0], $0xffff  }
0x976: {  	v0 =	vld.idx.msk [tilespmem:v4+s1+$0x0], $0xffff  }
0x977: {  	s7 =	simm.s32 $0x1C770;
	v1 =	vld.idx.msk [tilespmem:v6+s1+$0x0], $0xffff  }
0x978: {  	v2 =	vld.idx.msk [tilespmem:v7+s1+$0x0], $0xffff;
	[tilespmem:s7+$0x0] =	vst v9  }
0x979: {  	s8 =	simm.s32 $0x0;
	s9 =	simm.s32 $0x197C0;
	v4 =	vld.idx.msk [tilespmem:v8+s1+$0x0], $0xffff;
	[tilespmem:s7+$0xFFFFFFA0] =	vst v10  }
.LBB2_104:
0x97a: {  	v6 =	vld [tilespmem:s9+$0x30];
	s8 =	sadd.s32 $0x80, s8;
	[tilespmem:s7+$0xFFFFFFB0] =	vst v5  }
0x97b: {  	v5 =	vld [tilespmem:s9+$0xFFFFFFD0];
	p0 =	slt.u32 s8, $0xF80;
	[tilespmem:s7+$0xFFFFFFC0] =	vst v3  }
0x97c: {  	v3 =	vld [tilespmem:s9+$0xFFFFFFE0];
	[tilespmem:s7+$0xFFFFFFD0] =	vst v0  }
0x97d: {  	v0 =	vld [tilespmem:s9+$0xFFFFFFF0];
	[tilespmem:s7+$0xFFFFFFE0] =	vst v1  }
0x97e: {  	v1 =	vld [tilespmem:s9+$0x0];
	[tilespmem:s7+$0xFFFFFFF0] =	vst v2  }
0x97f: {  	v2 =	vld [tilespmem:s9+$0x10];
	[tilespmem:s7+$0xFFFFFF90] =	vst v4  }
0x980: {  	v4 =	vld [tilespmem:s9+$0x20]  }
0x981: {  	v7 =	vld [tilespmem:s9+$0xFFFFFFC0]  }
0x982: {  	v6 =	vld.idx.msk [tilespmem:v6+s1+$0x0], $0xffff  }
0x983: {  	v8 =	vld.idx.msk [tilespmem:v5+s1+$0x0], $0xffff  }
0x984: {  	v5 =	vld.idx.msk [tilespmem:v3+s1+$0x0], $0xffff  }
.Ltmp51:
0x985: {  	v3 =	vld.idx.msk [tilespmem:v0+s1+$0x0], $0xffff;
	(pc) =	sbr.rel @p0 .LBB2_104-.Ltmp51, $4  }
0x986: {  	v0 =	vld.idx.msk [tilespmem:v1+s1+$0x0], $0xffff  }
0x987: {  	s7 =	sadd.s32 $0x80, s7;
	v1 =	vld.idx.msk [tilespmem:v2+s1+$0x0], $0xffff  }
0x988: {  	v2 =	vld.idx.msk [tilespmem:v4+s1+$0x0], $0xffff;
	[tilespmem:s7+$0x0] =	vst v6  }
0x989: {  	s9 =	sadd.s32 $0x80, s9;
	v4 =	vld.idx.msk [tilespmem:v7+s1+$0x0], $0xffff;
	[tilespmem:s7+$0xFFFFFFA0] =	vst v8  }
0x98a: {  	[tilespmem:s7+$0xFFFFFFB0] =	vst v5  }
0x98b: {  	[tilespmem:s7+$0xFFFFFFC0] =	vst v3  }
0x98c: {  	[tilespmem:s7+$0xFFFFFFD0] =	vst v0  }
0x98d: {  	[tilespmem:s7+$0xFFFFFFE0] =	vst v1  }
0x98e: {  	[tilespmem:s7+$0xFFFFFFF0] =	vst v2  }
0x98f: {  	[tilespmem:s7+$0xFFFFFF90] =	vst v4  }
0x990: {  	s7 =	rddreg [dreg:$0x1f]  }
0x991: {  	[hbm4b:s7+s26] =	stream.strided.scatter [tilespmem:s0], [sflag:$0x3], $0x1000, s29, s26, $0x38;
	[tilespmem:$0x1F700] =	vst v63  }
0x992: {  	s7 =	sadd.s32 $0x8000, s7  }
0x993: {  	[hbm4b:s7+s26] =	stream.strided.scatter [tilespmem:s28], [sflag:$0x3], $0x1000, s29, s26, $0x38;
	[tilespmem:$0x1F700] =	vst v63  }
0x994: {  	_ =	swait.ge [sflag:s5], $0x2000  }
0x995: {  	[sflag:s5] =	ssyncset.done $0x0  }
0x996: {  	[sflag:s5] =	ssyncadd.s32 $0xFFFFE000  }
0x997: {  	_ =	swait.ge [sflag:s5], $0x2000  }
0x998: {  	s9 =	sld [smem:$0x7F2];
	_ =	sdelay $0x1  }
0x999: {  	s6 =	sadd.s32 $0x1, s6  }
0x99a: {  	p0 =	sne.s32 s6, s9  }
.Ltmp52:
0x99b: {  	_ = 	snop;
	(pc) =	sbr.rel @p0 .LBB2_1-.Ltmp52, $3  }
0x99c: {  	_ =	sdelay $0x1  }
0x99d: {  	[sflag:s5] =	ssyncset.done $0x0  }
0x99e: {  	[sflag:s5] =	ssyncadd.s32 $0xFFFFE000  }
0x99f: {  	_ =	sfence.sel $0x180000  }
0x9a0: {  	[bflag:$0x0] =	sbarrier.arrive $0xFFFF  }
0x9a1: {  	_ =	strace $0x90000047  }
0x9a2: {  	s0 =	stileid.u32;
	[bflag:$0x2] =	sbarrier.arrive $0xFFFF  }
0x9a3: {  	p0 =	sne.s32 s0, $0x0;
	s0 =	rddreg [dreg:$0x3]  }
0x9a4: {  	s0 =	sadd.s32 @!p0 $0x100000, s0  }
0x9a5: {  	[sflag:s0] =	ssyncadd.tile.s32 @!p0 $0x1;
	_ =	shalt  }
.Lfunc_end2:
_tile_overlayer_lowered:
.L_overlay_start_2:
0x9a6: {  	(tag) =	ssettag $0x2  }
0x9a7: {  	s0 =	rddreg [dreg:$0x0];
	s2 =	stileid.u32  }
0x9a8: {  	s1 =	rddreg [dreg:$0x1];
	p0 =	sne.s32 s2, $0x0  }
0x9a9: {  	s3 =	rddreg [dreg:$0x2];
	[bflag:$0x3] =	sbarrier.arrive $0xFFFF;
	s2 =	simm.s32 @!p0 $0x1C04  }
0x9aa: {  	[timem:s3], [sflag:s2] =	dma.local @!p0 [hbm:s0], s1  }
0x9ab: {  	s0 =	simm.s32 @!p0 $0x4  }
0x9ac: {  	_ =	swait.ge @!p0 [sflag:s0], s1  }
0x9ad: {  	s1 =	ssub.s32 @!p0 $0x0, s1;
	[sflag:s0] =	ssyncset.done @!p0 $0x0  }
0x9ae: {  	[sflag:s0] =	ssyncadd.s32 @!p0 s1  }
0x9af: {  	[bflag:$0x3] =	sbarrier.arrive $0xFFFF  }
0x9b0: {  	_ =	shalt  }

</sc_bundles>
